<compile_context>
chip_gen: v7x
topology: tpu7x:2x2x1
jax: 0.10.2.dev20260603
libtpu: 0.0.44.dev20260713+nightly
codegen_flags: <defaults>
</compile_context>

<pallas_src>
import functools

import jax
import jax.numpy as jnp
from jax import lax
from jax.experimental import pallas as pl
from jax.experimental.pallas import tpu as pltpu
from jax.experimental.pallas import tpu_sc as plsc

B = 4096
L = 50
LP = 64
D = 64
AVG_RATING = 3.0
NC = 2
NS = 16
NW = NC * NS
CHUNK = B // NW
LG = 56


def _sc_body(user_r, item_r, sime_r, simi_r, rat_r, ub_t, ib_t, q_t, x_t, y_t,
             tbl_r, out_r, ubo_r, ibo_r,
             user_v, item_v, ub_v, ib_v, q_v, sime_v, simi_v, rat_v, tbl_v,
             xrows_v, yrows_v, bsim_v, w_v, wy_v, out_v, sem):
    wid = lax.axis_index("s") * NC + lax.axis_index("c")
    base = wid * CHUNK

    pltpu.sync_copy(user_r.at[pl.ds(base, CHUNK)], user_v)
    pltpu.sync_copy(item_r.at[pl.ds(base, CHUNK)], item_v)
    pltpu.sync_copy(sime_r.at[pl.ds(base, CHUNK)], sime_v)
    pltpu.sync_copy(simi_r.at[pl.ds(base, CHUNK)], simi_v)
    pltpu.sync_copy(rat_r.at[pl.ds(base, CHUNK)], rat_v)
    pltpu.sync_copy(tbl_r, tbl_v)

    pltpu.async_copy(ub_t.at[user_v], ub_v, sem).wait()
    pltpu.async_copy(ib_t.at[item_v], ib_v, sem).wait()
    pltpu.async_copy(q_t.at[item_v], q_v, sem).wait()
    pltpu.sync_copy(ub_v, ubo_r.at[pl.ds(base, CHUNK)])
    pltpu.sync_copy(ib_v, ibo_r.at[pl.ds(base, CHUNK)])

    def b_body(b, carry):
        cx_copy = pltpu.make_async_copy(x_t.at[sime_v.at[b, pl.ds(0, LG)]],
                                        xrows_v, sem)
        cy_copy = pltpu.make_async_copy(y_t.at[simi_v.at[b, pl.ds(0, LG)]],
                                        yrows_v, sem)
        cb_copy = pltpu.make_async_copy(ib_t.at[sime_v.at[b]], bsim_v, sem)
        cx_copy.start()
        cy_copy.start()
        cb_copy.start()
        cx_copy.wait()
        cy_copy.wait()
        cb_copy.wait()

        def bcast(ref, i):
            return plsc.load_gather(ref, [jnp.full((16,), i, jnp.int32)])

        ub_b = bcast(ub_v, b)
        mx = jnp.zeros((16,), jnp.float32)
        my = jnp.zeros((16,), jnp.float32)
        for c in range(LP // 16):
            sl = pl.ds(c * 16, 16)
            idx = sime_v[b, sl]
            m = idx > 0
            w = jnp.where(m, rat_v[b, sl] - (AVG_RATING + ub_b + bsim_v[sl]),
                          0.0)
            w_v[sl] = w
            mx = mx + jnp.where(m, 1.0, 0.0)
            idy = simi_v[b, sl]
            wy = jnp.where(idy > 0, 1.0, 0.0)
            wy_v[sl] = wy
            my = my + wy
        cx = bcast(tbl_v, jnp.sum(mx).astype(jnp.int32))
        cy = bcast(tbl_v, jnp.sum(my).astype(jnp.int32))

        accs = [jnp.zeros((16,), jnp.float32) for _ in range(8)]
        for n in range(L):
            w = bcast(w_v, n)
            wy = bcast(wy_v, n)
            for c in range(4):
                sl = pl.ds(c * 16, 16)
                accs[c] = accs[c] + w * xrows_v[n, sl]
                accs[4 + c] = accs[4 + c] + wy * yrows_v[n, sl]

        qacc = jnp.zeros((16,), jnp.float32)
        for c in range(4):
            sl = pl.ds(c * 16, 16)
            uf = cx * accs[c] + cy * accs[4 + c]
            qacc = qacc + uf * q_v[b, sl]
        res = AVG_RATING + ub_b + bcast(ib_v, b) + jnp.sum(qacc)
        lane0 = jnp.arange(16, dtype=jnp.int32) == 0
        plsc.store_scatter(out_v, [jnp.full((16,), b, jnp.int32)], res,
                           mask=lane0)
        return carry

    lax.fori_loop(0, CHUNK, b_body, 0)
    pltpu.sync_copy(out_v, out_r.at[pl.ds(base, CHUNK)])


def kernel(user, item, similar_explicit, similar_implicit,
           similar_explicit_ratings, user_bias, item_bias, item_q, item_x,
           item_y):
    pad = ((0, 0), (0, LP - L))
    sime_p = jnp.pad(similar_explicit.astype(jnp.int32), pad)
    simi_p = jnp.pad(similar_implicit.astype(jnp.int32), pad)
    rat_p = jnp.pad(similar_explicit_ratings, pad)
    tbl = 1.0 / (jnp.sqrt(jnp.arange(LP, dtype=jnp.float32)) + 1e-13)

    mesh = plsc.VectorSubcoreMesh(core_axis_name="c", subcore_axis_name="s")
    f32 = jnp.float32
    run = pl.kernel(
        _sc_body,
        mesh=mesh,
        compiler_params=pltpu.CompilerParams(needs_layout_passes=False,
                                              use_tc_tiling_on_sc=False),
        out_type=[jax.ShapeDtypeStruct((B,), f32) for _ in range(3)],
        scratch_types=[
            pltpu.VMEM((CHUNK,), jnp.int32),
            pltpu.VMEM((CHUNK,), jnp.int32),
            pltpu.VMEM((CHUNK,), f32),
            pltpu.VMEM((CHUNK,), f32),
            pltpu.VMEM((CHUNK, D), f32),
            pltpu.VMEM((CHUNK, LP), jnp.int32),
            pltpu.VMEM((CHUNK, LP), jnp.int32),
            pltpu.VMEM((CHUNK, LP), f32),
            pltpu.VMEM((LP,), f32),
            pltpu.VMEM((LG, D), f32),
            pltpu.VMEM((LG, D), f32),
            pltpu.VMEM((LP,), f32),
            pltpu.VMEM((LP,), f32),
            pltpu.VMEM((LP,), f32),
            pltpu.VMEM((CHUNK,), f32),
            pltpu.SemaphoreType.DMA,
        ],
    )
    out, ub, ib = run(user.astype(jnp.int32), item.astype(jnp.int32),
                      sime_p, simi_p, rat_p, user_bias, item_bias,
                      item_q, item_x, item_y, tbl)
    return (out, ub, ib)

# --- scband reference (transcript-rebuilt; emitter-appended) ---
"""Pipeline reference for scband-asymmetric-svd-49821620634217 (READ-ONLY COPY).

The authoritative reference and input builder live on the scoring server;
editing this copy changes nothing except your own understanding.
"""

import jax, jax.numpy as jnp
import numpy as np

B = 4096
L = 50
NUM_USERS = 100000
NUM_ITEMS = 100000
D = 64
AVG_RATING = 3.0
BIAS_INIT = (5.0 - 1.0) / 2.0


def setup_inputs(seed: int = 0) -> dict:
    key = jax.random.key(seed)
    ks = jax.random.split(key, 8)
    user = jax.random.randint(ks[0], (B,), 0, NUM_USERS)
    item = jax.random.randint(ks[1], (B,), 0, NUM_ITEMS)
    similar_explicit = jax.random.randint(ks[2], (B, L), 0, NUM_ITEMS)
    similar_implicit = jax.random.randint(ks[3], (B, L), 0, NUM_ITEMS)
    similar_explicit_ratings = jax.random.uniform(ks[4], (B, L), minval=1.0, maxval=5.0, dtype=jnp.float32)
    user_bias = jnp.full((NUM_USERS,), BIAS_INIT, dtype=jnp.float32)
    item_bias = jnp.full((NUM_ITEMS,), BIAS_INIT, dtype=jnp.float32)
    item_q = jax.random.normal(ks[5], (NUM_ITEMS, D), dtype=jnp.float32) * 0.01
    item_x = jax.random.normal(ks[6], (NUM_ITEMS, D), dtype=jnp.float32) * 0.01
    item_y = jax.random.normal(ks[7], (NUM_ITEMS, D), dtype=jnp.float32) * 0.01
    return {
        'user': user,
        'item': item,
        'similar_explicit': similar_explicit,
        'similar_implicit': similar_implicit,
        'similar_explicit_ratings': similar_explicit_ratings,
        'user_bias': user_bias,
        'item_bias': item_bias,
        'item_q': item_q,
        'item_x': item_x,
        'item_y': item_y,
    }


def reference(user, item, similar_explicit, similar_implicit, similar_explicit_ratings,
              user_bias, item_bias, item_q, item_x, item_y):
    ub = user_bias[user]
    ib = item_bias[item]
    bias = AVG_RATING + ub + ib
    mask_item_x = (similar_explicit > 0).astype(jnp.float32)
    mask_item_y = (similar_implicit > 0).astype(jnp.float32)
    similar_explicit_bias = AVG_RATING + jnp.expand_dims(ub, axis=-1) + item_bias[similar_explicit]
    item_features = jnp.take(item_q, item, axis=0)
    ix = jnp.take(item_x, similar_explicit, axis=0)
    iy = jnp.take(item_y, similar_implicit, axis=0)
    similar_explicit_features = jnp.einsum(
        'bn,bnh,bn,b->bh',
        similar_explicit_ratings - similar_explicit_bias,
        ix,
        mask_item_x,
        1.0 / (jnp.sqrt(mask_item_x.sum(axis=-1)) + 1e-13),
    )
    similar_implicit_features = jnp.einsum(
        'bnh,bn,b->bh',
        iy,
        mask_item_y,
        1.0 / (jnp.sqrt(mask_item_y.sum(axis=-1)) + 1e-13),
    )
    user_features = similar_explicit_features + similar_implicit_features
    output = bias + jnp.einsum('bh,bh->b', user_features, item_features)
    return (output, ub, ib)

if __name__ == "__main__":
    import jax
    _d = setup_inputs()
    print(jax.jit(kernel)(*tuple(_d.values())))

</pallas_src>

<mosaic_0001>
#map = affine_map<(d0, d1) -> (0)>
#map1 = affine_map<(d0, d1) -> (0, 0)>
module attributes {stable_mosaic.version = 14 : i64} {
  func.func @_sc_body(%arg0: i32, %arg1: i32, %arg2: memref<4096xi32, #tpu.memory_space<hbm>>, %arg3: memref<4096xi32, #tpu.memory_space<hbm>>, %arg4: memref<4096x64xi32, #tpu.memory_space<hbm>>, %arg5: memref<4096x64xi32, #tpu.memory_space<hbm>>, %arg6: memref<4096x64xf32, #tpu.memory_space<hbm>>, %arg7: memref<100000xf32, #tpu.memory_space<hbm>>, %arg8: memref<100000xf32, #tpu.memory_space<hbm>>, %arg9: memref<100000x64xf32, #tpu.memory_space<hbm>>, %arg10: memref<100000x64xf32, #tpu.memory_space<hbm>>, %arg11: memref<100000x64xf32, #tpu.memory_space<hbm>>, %arg12: memref<64xf32, #tpu.memory_space<hbm>>, %arg13: memref<4096xf32, #tpu.memory_space<hbm>>, %arg14: memref<4096xf32, #tpu.memory_space<hbm>>, %arg15: memref<4096xf32, #tpu.memory_space<hbm>>, %arg16: memref<128xi32, #tpu.memory_space<vmem>>, %arg17: memref<128xi32, #tpu.memory_space<vmem>>, %arg18: memref<128xf32, #tpu.memory_space<vmem>>, %arg19: memref<128xf32, #tpu.memory_space<vmem>>, %arg20: memref<128x64xf32, #tpu.memory_space<vmem>>, %arg21: memref<128x64xi32, #tpu.memory_space<vmem>>, %arg22: memref<128x64xi32, #tpu.memory_space<vmem>>, %arg23: memref<128x64xf32, #tpu.memory_space<vmem>>, %arg24: memref<64xf32, #tpu.memory_space<vmem>>, %arg25: memref<56x64xf32, #tpu.memory_space<vmem>>, %arg26: memref<56x64xf32, #tpu.memory_space<vmem>>, %arg27: memref<64xf32, #tpu.memory_space<vmem>>, %arg28: memref<64xf32, #tpu.memory_space<vmem>>, %arg29: memref<64xf32, #tpu.memory_space<vmem>>, %arg30: memref<128xf32, #tpu.memory_space<vmem>>, %arg31: memref<!tpu.dma_semaphore, #tpu.memory_space<semaphore_mem>>) attributes {dimension_semantics = [#tpu.dimension_semantics<core_parallel>, #tpu.dimension_semantics<subcore_parallel>], iteration_bounds = array<i64: 2, 16>, scalar_prefetch = 0 : i64, scratch_operands = 16 : i64, tpu.core_type = #tpu.core_type<sc_vector_subcore>, window_params = [{transform_indices = #map}, {transform_indices = #map}, {transform_indices = #map1}, {transform_indices = #map1}, {transform_indices = #map1}, {transform_indices = #map}, {transform_indices = #map}, {transform_indices = #map1}, {transform_indices = #map1}, {transform_indices = #map1}, {transform_indices = #map}, {transform_indices = #map}, {transform_indices = #map}, {transform_indices = #map}]} {
    %mul3A = arith.constant 2 : i32
    %mul3A_0 = arith.muli %arg1, %mul3A : i32
    %add3A = arith.addi %mul3A_0, %arg0 : i32
    %mul3A_1 = arith.constant 128 : i32
    %mul3A_2 = arith.muli %add3A, %mul3A_1 : i32
    "tpu.region"() ({
      %run_scoped3A = tpu.sem_alloc : memref<!tpu.dma_semaphore, #tpu.memory_space<semaphore_mem>>
      %dma_start3A_20 = tpu.memref_slice %arg2[%mul3A_2] : memref<4096xi32, #tpu.memory_space<hbm>> -> memref<128xi32, #tpu.memory_space<hbm>>
      %dma_start3A_21 = tpu.memref_slice %arg2[%mul3A_2] : memref<4096xi32, #tpu.memory_space<hbm>> -> memref<128xi32, #tpu.memory_space<hbm>>
      tpu.enqueue_dma source(%dma_start3A_21 : memref<128xi32, #tpu.memory_space<hbm>>) target(%arg16 : memref<128xi32, #tpu.memory_space<vmem>>) target_semaphore(%run_scoped3A : memref<!tpu.dma_semaphore, #tpu.memory_space<semaphore_mem>>)
      %dma_wait3A_22 = tpu.memref_slice %arg2[%mul3A_2] : memref<4096xi32, #tpu.memory_space<hbm>> -> memref<128xi32, #tpu.memory_space<hbm>>
      %dma_wait3A_23 = tpu.memref_slice %arg2[%mul3A_2] : memref<4096xi32, #tpu.memory_space<hbm>> -> memref<128xi32, #tpu.memory_space<hbm>>
      tpu.wait_dma2 semaphore(%run_scoped3A : memref<!tpu.dma_semaphore, #tpu.memory_space<semaphore_mem>>) src(%dma_wait3A_23 : memref<128xi32, #tpu.memory_space<hbm>>) dst(%arg16 : memref<128xi32, #tpu.memory_space<vmem>>)
      tpu.yield
    }) : () -> ()
    "tpu.region"() ({
      %run_scoped3A = tpu.sem_alloc : memref<!tpu.dma_semaphore, #tpu.memory_space<semaphore_mem>>
      %dma_start3A_20 = tpu.memref_slice %arg3[%mul3A_2] : memref<4096xi32, #tpu.memory_space<hbm>> -> memref<128xi32, #tpu.memory_space<hbm>>
      %dma_start3A_21 = tpu.memref_slice %arg3[%mul3A_2] : memref<4096xi32, #tpu.memory_space<hbm>> -> memref<128xi32, #tpu.memory_space<hbm>>
      tpu.enqueue_dma source(%dma_start3A_21 : memref<128xi32, #tpu.memory_space<hbm>>) target(%arg17 : memref<128xi32, #tpu.memory_space<vmem>>) target_semaphore(%run_scoped3A : memref<!tpu.dma_semaphore, #tpu.memory_space<semaphore_mem>>)
      %dma_wait3A_22 = tpu.memref_slice %arg3[%mul3A_2] : memref<4096xi32, #tpu.memory_space<hbm>> -> memref<128xi32, #tpu.memory_space<hbm>>
      %dma_wait3A_23 = tpu.memref_slice %arg3[%mul3A_2] : memref<4096xi32, #tpu.memory_space<hbm>> -> memref<128xi32, #tpu.memory_space<hbm>>
      tpu.wait_dma2 semaphore(%run_scoped3A : memref<!tpu.dma_semaphore, #tpu.memory_space<semaphore_mem>>) src(%dma_wait3A_23 : memref<128xi32, #tpu.memory_space<hbm>>) dst(%arg17 : memref<128xi32, #tpu.memory_space<vmem>>)
      tpu.yield
    }) : () -> ()
    "tpu.region"() ({
      %run_scoped3A = tpu.sem_alloc : memref<!tpu.dma_semaphore, #tpu.memory_space<semaphore_mem>>
      %dma_start3A_20 = arith.constant 0 : i32
      %dma_start3A_21 = tpu.memref_slice %arg4[%mul3A_2, %dma_start3A_20] : memref<4096x64xi32, #tpu.memory_space<hbm>> -> memref<128x64xi32, #tpu.memory_space<hbm>>
      %dma_start3A_22 = arith.constant 0 : i32
      %dma_start3A_23 = tpu.memref_slice %arg4[%mul3A_2, %dma_start3A_22] : memref<4096x64xi32, #tpu.memory_space<hbm>> -> memref<128x64xi32, #tpu.memory_space<hbm>>
      tpu.enqueue_dma source(%dma_start3A_23 : memref<128x64xi32, #tpu.memory_space<hbm>>) target(%arg21 : memref<128x64xi32, #tpu.memory_space<vmem>>) target_semaphore(%run_scoped3A : memref<!tpu.dma_semaphore, #tpu.memory_space<semaphore_mem>>)
      %dma_wait3A_24 = arith.constant 0 : i32
      %dma_wait3A_25 = tpu.memref_slice %arg4[%mul3A_2, %dma_wait3A_24] : memref<4096x64xi32, #tpu.memory_space<hbm>> -> memref<128x64xi32, #tpu.memory_space<hbm>>
      %dma_wait3A_26 = arith.constant 0 : i32
      %dma_wait3A_27 = tpu.memref_slice %arg4[%mul3A_2, %dma_wait3A_26] : memref<4096x64xi32, #tpu.memory_space<hbm>> -> memref<128x64xi32, #tpu.memory_space<hbm>>
      tpu.wait_dma2 semaphore(%run_scoped3A : memref<!tpu.dma_semaphore, #tpu.memory_space<semaphore_mem>>) src(%dma_wait3A_27 : memref<128x64xi32, #tpu.memory_space<hbm>>) dst(%arg21 : memref<128x64xi32, #tpu.memory_space<vmem>>)
      tpu.yield
    }) : () -> ()
    "tpu.region"() ({
      %run_scoped3A = tpu.sem_alloc : memref<!tpu.dma_semaphore, #tpu.memory_space<semaphore_mem>>
      %dma_start3A_20 = arith.constant 0 : i32
      %dma_start3A_21 = tpu.memref_slice %arg5[%mul3A_2, %dma_start3A_20] : memref<4096x64xi32, #tpu.memory_space<hbm>> -> memref<128x64xi32, #tpu.memory_space<hbm>>
      %dma_start3A_22 = arith.constant 0 : i32
      %dma_start3A_23 = tpu.memref_slice %arg5[%mul3A_2, %dma_start3A_22] : memref<4096x64xi32, #tpu.memory_space<hbm>> -> memref<128x64xi32, #tpu.memory_space<hbm>>
      tpu.enqueue_dma source(%dma_start3A_23 : memref<128x64xi32, #tpu.memory_space<hbm>>) target(%arg22 : memref<128x64xi32, #tpu.memory_space<vmem>>) target_semaphore(%run_scoped3A : memref<!tpu.dma_semaphore, #tpu.memory_space<semaphore_mem>>)
      %dma_wait3A_24 = arith.constant 0 : i32
      %dma_wait3A_25 = tpu.memref_slice %arg5[%mul3A_2, %dma_wait3A_24] : memref<4096x64xi32, #tpu.memory_space<hbm>> -> memref<128x64xi32, #tpu.memory_space<hbm>>
      %dma_wait3A_26 = arith.constant 0 : i32
      %dma_wait3A_27 = tpu.memref_slice %arg5[%mul3A_2, %dma_wait3A_26] : memref<4096x64xi32, #tpu.memory_space<hbm>> -> memref<128x64xi32, #tpu.memory_space<hbm>>
      tpu.wait_dma2 semaphore(%run_scoped3A : memref<!tpu.dma_semaphore, #tpu.memory_space<semaphore_mem>>) src(%dma_wait3A_27 : memref<128x64xi32, #tpu.memory_space<hbm>>) dst(%arg22 : memref<128x64xi32, #tpu.memory_space<vmem>>)
      tpu.yield
    }) : () -> ()
    "tpu.region"() ({
      %run_scoped3A = tpu.sem_alloc : memref<!tpu.dma_semaphore, #tpu.memory_space<semaphore_mem>>
      %dma_start3A_20 = arith.constant 0 : i32
      %dma_start3A_21 = tpu.memref_slice %arg6[%mul3A_2, %dma_start3A_20] : memref<4096x64xf32, #tpu.memory_space<hbm>> -> memref<128x64xf32, #tpu.memory_space<hbm>>
      %dma_start3A_22 = arith.constant 0 : i32
      %dma_start3A_23 = tpu.memref_slice %arg6[%mul3A_2, %dma_start3A_22] : memref<4096x64xf32, #tpu.memory_space<hbm>> -> memref<128x64xf32, #tpu.memory_space<hbm>>
      tpu.enqueue_dma source(%dma_start3A_23 : memref<128x64xf32, #tpu.memory_space<hbm>>) target(%arg23 : memref<128x64xf32, #tpu.memory_space<vmem>>) target_semaphore(%run_scoped3A : memref<!tpu.dma_semaphore, #tpu.memory_space<semaphore_mem>>)
      %dma_wait3A_24 = arith.constant 0 : i32
      %dma_wait3A_25 = tpu.memref_slice %arg6[%mul3A_2, %dma_wait3A_24] : memref<4096x64xf32, #tpu.memory_space<hbm>> -> memref<128x64xf32, #tpu.memory_space<hbm>>
      %dma_wait3A_26 = arith.constant 0 : i32
      %dma_wait3A_27 = tpu.memref_slice %arg6[%mul3A_2, %dma_wait3A_26] : memref<4096x64xf32, #tpu.memory_space<hbm>> -> memref<128x64xf32, #tpu.memory_space<hbm>>
      tpu.wait_dma2 semaphore(%run_scoped3A : memref<!tpu.dma_semaphore, #tpu.memory_space<semaphore_mem>>) src(%dma_wait3A_27 : memref<128x64xf32, #tpu.memory_space<hbm>>) dst(%arg23 : memref<128x64xf32, #tpu.memory_space<vmem>>)
      tpu.yield
    }) : () -> ()
    "tpu.region"() ({
      %run_scoped3A = tpu.sem_alloc : memref<!tpu.dma_semaphore, #tpu.memory_space<semaphore_mem>>
      tpu.enqueue_dma source(%arg12 : memref<64xf32, #tpu.memory_space<hbm>>) target(%arg24 : memref<64xf32, #tpu.memory_space<vmem>>) target_semaphore(%run_scoped3A : memref<!tpu.dma_semaphore, #tpu.memory_space<semaphore_mem>>)
      tpu.wait_dma2 semaphore(%run_scoped3A : memref<!tpu.dma_semaphore, #tpu.memory_space<semaphore_mem>>) src(%arg12 : memref<64xf32, #tpu.memory_space<hbm>>) dst(%arg24 : memref<64xf32, #tpu.memory_space<vmem>>)
      tpu.yield
    }) : () -> ()
    %dma_start3A = arith.constant 0 : i32
    %dma_start3A_3 = tpu.memref_slice %arg7[%dma_start3A] : memref<100000xf32, #tpu.memory_space<hbm>> -> memref<100000xf32, #tpu.memory_space<hbm>>
    tpu.enqueue_indirect_dma source(%dma_start3A_3 : memref<100000xf32, #tpu.memory_space<hbm>>) target(%arg18 : memref<128xf32, #tpu.memory_space<vmem>>) offsets(%arg16 : memref<128xi32, #tpu.memory_space<vmem>>) semaphore(%arg31 : memref<!tpu.dma_semaphore, #tpu.memory_space<semaphore_mem>>)
    %dma_wait3A = arith.constant 0 : i32
    %dma_wait3A_4 = tpu.memref_slice %arg7[%dma_wait3A] : memref<100000xf32, #tpu.memory_space<hbm>> -> memref<100000xf32, #tpu.memory_space<hbm>>
    tpu.wait_indirect_dma semaphore(%arg31 : memref<!tpu.dma_semaphore, #tpu.memory_space<semaphore_mem>>) src(%dma_wait3A_4 : memref<100000xf32, #tpu.memory_space<hbm>>) dst(%arg18 : memref<128xf32, #tpu.memory_space<vmem>>)
    %dma_start3A_5 = arith.constant 0 : i32
    %dma_start3A_6 = tpu.memref_slice %arg8[%dma_start3A_5] : memref<100000xf32, #tpu.memory_space<hbm>> -> memref<100000xf32, #tpu.memory_space<hbm>>
    tpu.enqueue_indirect_dma source(%dma_start3A_6 : memref<100000xf32, #tpu.memory_space<hbm>>) target(%arg19 : memref<128xf32, #tpu.memory_space<vmem>>) offsets(%arg17 : memref<128xi32, #tpu.memory_space<vmem>>) semaphore(%arg31 : memref<!tpu.dma_semaphore, #tpu.memory_space<semaphore_mem>>)
    %dma_wait3A_7 = arith.constant 0 : i32
    %dma_wait3A_8 = tpu.memref_slice %arg8[%dma_wait3A_7] : memref<100000xf32, #tpu.memory_space<hbm>> -> memref<100000xf32, #tpu.memory_space<hbm>>
    tpu.wait_indirect_dma semaphore(%arg31 : memref<!tpu.dma_semaphore, #tpu.memory_space<semaphore_mem>>) src(%dma_wait3A_8 : memref<100000xf32, #tpu.memory_space<hbm>>) dst(%arg19 : memref<128xf32, #tpu.memory_space<vmem>>)
    %dma_start3A_9 = arith.constant 0 : i32
    %dma_start3A_10 = arith.constant 0 : i32
    %dma_start3A_11 = tpu.memref_slice %arg9[%dma_start3A_9, %dma_start3A_10] : memref<100000x64xf32, #tpu.memory_space<hbm>> -> memref<100000x64xf32, #tpu.memory_space<hbm>>
    tpu.enqueue_indirect_dma source(%dma_start3A_11 : memref<100000x64xf32, #tpu.memory_space<hbm>>) target(%arg20 : memref<128x64xf32, #tpu.memory_space<vmem>>) offsets(%arg17 : memref<128xi32, #tpu.memory_space<vmem>>) semaphore(%arg31 : memref<!tpu.dma_semaphore, #tpu.memory_space<semaphore_mem>>)
    %dma_wait3A_12 = arith.constant 0 : i32
    %dma_wait3A_13 = arith.constant 0 : i32
    %dma_wait3A_14 = tpu.memref_slice %arg9[%dma_wait3A_12, %dma_wait3A_13] : memref<100000x64xf32, #tpu.memory_space<hbm>> -> memref<100000x64xf32, #tpu.memory_space<hbm>>
    tpu.wait_indirect_dma semaphore(%arg31 : memref<!tpu.dma_semaphore, #tpu.memory_space<semaphore_mem>>) src(%dma_wait3A_14 : memref<100000x64xf32, #tpu.memory_space<hbm>>) dst(%arg20 : memref<128x64xf32, #tpu.memory_space<vmem>>)
    "tpu.region"() ({
      %run_scoped3A = tpu.sem_alloc : memref<!tpu.dma_semaphore, #tpu.memory_space<semaphore_mem>>
      %dma_start3A_20 = tpu.memref_slice %arg14[%mul3A_2] : memref<4096xf32, #tpu.memory_space<hbm>> -> memref<128xf32, #tpu.memory_space<hbm>>
      %dma_start3A_21 = tpu.memref_slice %arg14[%mul3A_2] : memref<4096xf32, #tpu.memory_space<hbm>> -> memref<128xf32, #tpu.memory_space<hbm>>
      tpu.enqueue_dma source(%arg18 : memref<128xf32, #tpu.memory_space<vmem>>) target(%dma_start3A_21 : memref<128xf32, #tpu.memory_space<hbm>>) target_semaphore(%run_scoped3A : memref<!tpu.dma_semaphore, #tpu.memory_space<semaphore_mem>>)
      %dma_wait3A_22 = tpu.memref_slice %arg14[%mul3A_2] : memref<4096xf32, #tpu.memory_space<hbm>> -> memref<128xf32, #tpu.memory_space<hbm>>
      %dma_wait3A_23 = tpu.memref_slice %arg14[%mul3A_2] : memref<4096xf32, #tpu.memory_space<hbm>> -> memref<128xf32, #tpu.memory_space<hbm>>
      tpu.wait_dma2 semaphore(%run_scoped3A : memref<!tpu.dma_semaphore, #tpu.memory_space<semaphore_mem>>) src(%arg18 : memref<128xf32, #tpu.memory_space<vmem>>) dst(%dma_wait3A_23 : memref<128xf32, #tpu.memory_space<hbm>>)
      tpu.yield
    }) : () -> ()
    "tpu.region"() ({
      %run_scoped3A = tpu.sem_alloc : memref<!tpu.dma_semaphore, #tpu.memory_space<semaphore_mem>>
      %dma_start3A_20 = tpu.memref_slice %arg15[%mul3A_2] : memref<4096xf32, #tpu.memory_space<hbm>> -> memref<128xf32, #tpu.memory_space<hbm>>
      %dma_start3A_21 = tpu.memref_slice %arg15[%mul3A_2] : memref<4096xf32, #tpu.memory_space<hbm>> -> memref<128xf32, #tpu.memory_space<hbm>>
      tpu.enqueue_dma source(%arg19 : memref<128xf32, #tpu.memory_space<vmem>>) target(%dma_start3A_21 : memref<128xf32, #tpu.memory_space<hbm>>) target_semaphore(%run_scoped3A : memref<!tpu.dma_semaphore, #tpu.memory_space<semaphore_mem>>)
      %dma_wait3A_22 = tpu.memref_slice %arg15[%mul3A_2] : memref<4096xf32, #tpu.memory_space<hbm>> -> memref<128xf32, #tpu.memory_space<hbm>>
      %dma_wait3A_23 = tpu.memref_slice %arg15[%mul3A_2] : memref<4096xf32, #tpu.memory_space<hbm>> -> memref<128xf32, #tpu.memory_space<hbm>>
      tpu.wait_dma2 semaphore(%run_scoped3A : memref<!tpu.dma_semaphore, #tpu.memory_space<semaphore_mem>>) src(%arg19 : memref<128xf32, #tpu.memory_space<vmem>>) dst(%dma_wait3A_23 : memref<128xf32, #tpu.memory_space<hbm>>)
      tpu.yield
    }) : () -> ()
    %scan3A = arith.constant 0 : i32
    %scan3A_15 = arith.constant 0 : i32
    %scan3A_16 = arith.constant 128 : i32
    %scan3A_17 = arith.addi %scan3A_15, %scan3A_16 : i32
    %scan3A_18 = arith.constant 1 : i32
    scf.for %scan3A_20 = %scan3A_15 to %scan3A_17 step %scan3A_18  : i32 {
      %dma_start3A_21 = arith.constant 0 : i32
      %dma_start3A_22 = tpu.memref_slice %arg21[%scan3A_20, %dma_start3A_21] : memref<128x64xi32, #tpu.memory_space<vmem>> -> memref<1x56xi32, #tpu.memory_space<vmem>>
      %dma_start3A_23 = tpu.memref_squeeze %dma_start3A_22 : memref<1x56xi32, #tpu.memory_space<vmem>> -> memref<56xi32, #tpu.memory_space<vmem>>
      %dma_start3A_24 = arith.constant 0 : i32
      %dma_start3A_25 = arith.constant 0 : i32
      %dma_start3A_26 = tpu.memref_slice %arg10[%dma_start3A_24, %dma_start3A_25] : memref<100000x64xf32, #tpu.memory_space<hbm>> -> memref<100000x64xf32, #tpu.memory_space<hbm>>
      tpu.enqueue_indirect_dma source(%dma_start3A_26 : memref<100000x64xf32, #tpu.memory_space<hbm>>) target(%arg25 : memref<56x64xf32, #tpu.memory_space<vmem>>) offsets(%dma_start3A_23 : memref<56xi32, #tpu.memory_space<vmem>>) semaphore(%arg31 : memref<!tpu.dma_semaphore, #tpu.memory_space<semaphore_mem>>)
      %dma_start3A_27 = arith.constant 0 : i32
      %dma_start3A_28 = tpu.memref_slice %arg22[%scan3A_20, %dma_start3A_27] : memref<128x64xi32, #tpu.memory_space<vmem>> -> memref<1x56xi32, #tpu.memory_space<vmem>>
      %dma_start3A_29 = tpu.memref_squeeze %dma_start3A_28 : memref<1x56xi32, #tpu.memory_space<vmem>> -> memref<56xi32, #tpu.memory_space<vmem>>
      %dma_start3A_30 = arith.constant 0 : i32
      %dma_start3A_31 = arith.constant 0 : i32
      %dma_start3A_32 = tpu.memref_slice %arg11[%dma_start3A_30, %dma_start3A_31] : memref<100000x64xf32, #tpu.memory_space<hbm>> -> memref<100000x64xf32, #tpu.memory_space<hbm>>
      tpu.enqueue_indirect_dma source(%dma_start3A_32 : memref<100000x64xf32, #tpu.memory_space<hbm>>) target(%arg26 : memref<56x64xf32, #tpu.memory_space<vmem>>) offsets(%dma_start3A_29 : memref<56xi32, #tpu.memory_space<vmem>>) semaphore(%arg31 : memref<!tpu.dma_semaphore, #tpu.memory_space<semaphore_mem>>)
      %dma_start3A_33 = arith.constant 0 : i32
      %dma_start3A_34 = tpu.memref_slice %arg21[%scan3A_20, %dma_start3A_33] : memref<128x64xi32, #tpu.memory_space<vmem>> -> memref<1x64xi32, #tpu.memory_space<vmem>>
      %dma_start3A_35 = tpu.memref_squeeze %dma_start3A_34 : memref<1x64xi32, #tpu.memory_space<vmem>> -> memref<64xi32, #tpu.memory_space<vmem>>
      %dma_start3A_36 = arith.constant 0 : i32
      %dma_start3A_37 = tpu.memref_slice %arg8[%dma_start3A_36] : memref<100000xf32, #tpu.memory_space<hbm>> -> memref<100000xf32, #tpu.memory_space<hbm>>
      tpu.enqueue_indirect_dma source(%dma_start3A_37 : memref<100000xf32, #tpu.memory_space<hbm>>) target(%arg27 : memref<64xf32, #tpu.memory_space<vmem>>) offsets(%dma_start3A_35 : memref<64xi32, #tpu.memory_space<vmem>>) semaphore(%arg31 : memref<!tpu.dma_semaphore, #tpu.memory_space<semaphore_mem>>)
      %dma_wait3A_38 = arith.constant 0 : i32
      %dma_wait3A_39 = tpu.memref_slice %arg21[%scan3A_20, %dma_wait3A_38] : memref<128x64xi32, #tpu.memory_space<vmem>> -> memref<1x56xi32, #tpu.memory_space<vmem>>
      %dma_wait3A_40 = tpu.memref_squeeze %dma_wait3A_39 : memref<1x56xi32, #tpu.memory_space<vmem>> -> memref<56xi32, #tpu.memory_space<vmem>>
      %dma_wait3A_41 = arith.constant 0 : i32
      %dma_wait3A_42 = arith.constant 0 : i32
      %dma_wait3A_43 = tpu.memref_slice %arg10[%dma_wait3A_41, %dma_wait3A_42] : memref<100000x64xf32, #tpu.memory_space<hbm>> -> memref<100000x64xf32, #tpu.memory_space<hbm>>
      tpu.wait_indirect_dma semaphore(%arg31 : memref<!tpu.dma_semaphore, #tpu.memory_space<semaphore_mem>>) src(%dma_wait3A_43 : memref<100000x64xf32, #tpu.memory_space<hbm>>) dst(%arg25 : memref<56x64xf32, #tpu.memory_space<vmem>>)
      %dma_wait3A_44 = arith.constant 0 : i32
      %dma_wait3A_45 = tpu.memref_slice %arg22[%scan3A_20, %dma_wait3A_44] : memref<128x64xi32, #tpu.memory_space<vmem>> -> memref<1x56xi32, #tpu.memory_space<vmem>>
      %dma_wait3A_46 = tpu.memref_squeeze %dma_wait3A_45 : memref<1x56xi32, #tpu.memory_space<vmem>> -> memref<56xi32, #tpu.memory_space<vmem>>
      %dma_wait3A_47 = arith.constant 0 : i32
      %dma_wait3A_48 = arith.constant 0 : i32
      %dma_wait3A_49 = tpu.memref_slice %arg11[%dma_wait3A_47, %dma_wait3A_48] : memref<100000x64xf32, #tpu.memory_space<hbm>> -> memref<100000x64xf32, #tpu.memory_space<hbm>>
      tpu.wait_indirect_dma semaphore(%arg31 : memref<!tpu.dma_semaphore, #tpu.memory_space<semaphore_mem>>) src(%dma_wait3A_49 : memref<100000x64xf32, #tpu.memory_space<hbm>>) dst(%arg26 : memref<56x64xf32, #tpu.memory_space<vmem>>)
      %dma_wait3A_50 = arith.constant 0 : i32
      %dma_wait3A_51 = tpu.memref_slice %arg21[%scan3A_20, %dma_wait3A_50] : memref<128x64xi32, #tpu.memory_space<vmem>> -> memref<1x64xi32, #tpu.memory_space<vmem>>
      %dma_wait3A_52 = tpu.memref_squeeze %dma_wait3A_51 : memref<1x64xi32, #tpu.memory_space<vmem>> -> memref<64xi32, #tpu.memory_space<vmem>>
      %dma_wait3A_53 = arith.constant 0 : i32
      %dma_wait3A_54 = tpu.memref_slice %arg8[%dma_wait3A_53] : memref<100000xf32, #tpu.memory_space<hbm>> -> memref<100000xf32, #tpu.memory_space<hbm>>
      tpu.wait_indirect_dma semaphore(%arg31 : memref<!tpu.dma_semaphore, #tpu.memory_space<semaphore_mem>>) src(%dma_wait3A_54 : memref<100000xf32, #tpu.memory_space<hbm>>) dst(%arg27 : memref<64xf32, #tpu.memory_space<vmem>>)
      %broadcast_in_dim3A = vector.broadcast %scan3A_20 : i32 to vector<16xi32>
      %gather3A = tpu.vector_load_idx %arg18[%broadcast_in_dim3A] : memref<128xf32, #tpu.memory_space<vmem>>[vector<16xi32>], vector<16xf32>,
      %broadcast_in_dim3A_55 = arith.constant 0.000000e+00 : f32
      %broadcast_in_dim3A_56 = vector.broadcast %broadcast_in_dim3A_55 : f32 to vector<16xf32>
      %broadcast_in_dim3A_57 = arith.constant 0.000000e+00 : f32
      %broadcast_in_dim3A_58 = vector.broadcast %broadcast_in_dim3A_57 : f32 to vector<16xf32>
      %get3A = arith.index_cast %scan3A_20 : i32 to index
      %get3A_59 = arith.constant 0 : index
      %get3A_60 = tpu.vector_load %arg21[%get3A, %get3A_59] {strides = array<i32>} : memref<128x64xi32, #tpu.memory_space<vmem>>, vector<16xi32>,
      %gt3A = arith.constant 0 : i32
      %gt3A_61 = vector.broadcast %gt3A : i32 to vector<16xi32>
      %gt3A_62 = arith.cmpi sgt, %get3A_60, %gt3A_61 : vector<16xi32>
      %get3A_63 = arith.index_cast %scan3A_20 : i32 to index
      %get3A_64 = arith.constant 0 : index
      %get3A_65 = tpu.vector_load %arg23[%get3A_63, %get3A_64] {strides = array<i32>} : memref<128x64xf32, #tpu.memory_space<vmem>>, vector<16xf32>,
      %add3A_66 = arith.constant 3.000000e+00 : f32
      %add3A_67 = vector.broadcast %add3A_66 : f32 to vector<16xf32>
      %add3A_68 = arith.addf %add3A_67, %gather3A : vector<16xf32>
      %get3A_69 = arith.constant 0 : index
      %get3A_70 = tpu.vector_load %arg27[%get3A_69] {strides = array<i32>} : memref<64xf32, #tpu.memory_space<vmem>>, vector<16xf32>,
      %add3A_71 = arith.addf %add3A_68, %get3A_70 : vector<16xf32>
      %sub3A = arith.subf %get3A_65, %add3A_71 : vector<16xf32>
      %jit3A = arith.constant 0.000000e+00 : f32
      %broadcast_in_dim3A_72 = vector.broadcast %jit3A : f32 to vector<16xf32>
      %select_n3A = arith.select %gt3A_62, %sub3A, %broadcast_in_dim3A_72 : vector<16xi1>, vector<16xf32>
      %swap3A = arith.constant 0 : index
      %swap3A_73 = tpu.vector_load %arg28[%swap3A] {strides = array<i32>} : memref<64xf32, #tpu.memory_space<vmem>>, vector<16xf32>,
      tpu.vector_store %arg28[%swap3A], %select_n3A {strides = array<i32>} : memref<64xf32, #tpu.memory_space<vmem>>, vector<16xf32>,
      %jit3A_74 = arith.constant 1.000000e+00 : f32
      %jit3A_75 = arith.constant 0.000000e+00 : f32
      %broadcast_in_dim3A_76 = vector.broadcast %jit3A_74 : f32 to vector<16xf32>
      %broadcast_in_dim3A_77 = vector.broadcast %jit3A_75 : f32 to vector<16xf32>
      %select_n3A_78 = arith.select %gt3A_62, %broadcast_in_dim3A_76, %broadcast_in_dim3A_77 : vector<16xi1>, vector<16xf32>
      %add3A_79 = arith.addf %broadcast_in_dim3A_56, %select_n3A_78 : vector<16xf32>
      %get3A_80 = arith.index_cast %scan3A_20 : i32 to index
      %get3A_81 = arith.constant 0 : index
      %get3A_82 = tpu.vector_load %arg22[%get3A_80, %get3A_81] {strides = array<i32>} : memref<128x64xi32, #tpu.memory_space<vmem>>, vector<16xi32>,
      %gt3A_83 = arith.constant 0 : i32
      %gt3A_84 = vector.broadcast %gt3A_83 : i32 to vector<16xi32>
      %gt3A_85 = arith.cmpi sgt, %get3A_82, %gt3A_84 : vector<16xi32>
      %jit3A_86 = arith.constant 1.000000e+00 : f32
      %jit3A_87 = arith.constant 0.000000e+00 : f32
      %broadcast_in_dim3A_88 = vector.broadcast %jit3A_86 : f32 to vector<16xf32>
      %broadcast_in_dim3A_89 = vector.broadcast %jit3A_87 : f32 to vector<16xf32>
      %select_n3A_90 = arith.select %gt3A_85, %broadcast_in_dim3A_88, %broadcast_in_dim3A_89 : vector<16xi1>, vector<16xf32>
      %swap3A_91 = arith.constant 0 : index
      %swap3A_92 = tpu.vector_load %arg29[%swap3A_91] {strides = array<i32>} : memref<64xf32, #tpu.memory_space<vmem>>, vector<16xf32>,
      tpu.vector_store %arg29[%swap3A_91], %select_n3A_90 {strides = array<i32>} : memref<64xf32, #tpu.memory_space<vmem>>, vector<16xf32>,
      %add3A_93 = arith.addf %broadcast_in_dim3A_58, %select_n3A_90 : vector<16xf32>
      %get3A_94 = arith.index_cast %scan3A_20 : i32 to index
      %get3A_95 = arith.constant 16 : index
      %get3A_96 = tpu.vector_load %arg21[%get3A_94, %get3A_95] {strides = array<i32>} : memref<128x64xi32, #tpu.memory_space<vmem>>, vector<16xi32>,
      %gt3A_97 = arith.constant 0 : i32
      %gt3A_98 = vector.broadcast %gt3A_97 : i32 to vector<16xi32>
      %gt3A_99 = arith.cmpi sgt, %get3A_96, %gt3A_98 : vector<16xi32>
      %get3A_100 = arith.index_cast %scan3A_20 : i32 to index
      %get3A_101 = arith.constant 16 : index
      %get3A_102 = tpu.vector_load %arg23[%get3A_100, %get3A_101] {strides = array<i32>} : memref<128x64xf32, #tpu.memory_space<vmem>>, vector<16xf32>,
      %add3A_103 = arith.constant 3.000000e+00 : f32
      %add3A_104 = vector.broadcast %add3A_103 : f32 to vector<16xf32>
      %add3A_105 = arith.addf %add3A_104, %gather3A : vector<16xf32>
      %get3A_106 = arith.constant 16 : index
      %get3A_107 = tpu.vector_load %arg27[%get3A_106] {strides = array<i32>} : memref<64xf32, #tpu.memory_space<vmem>>, vector<16xf32>,
      %add3A_108 = arith.addf %add3A_105, %get3A_107 : vector<16xf32>
      %sub3A_109 = arith.subf %get3A_102, %add3A_108 : vector<16xf32>
      %jit3A_110 = arith.constant 0.000000e+00 : f32
      %broadcast_in_dim3A_111 = vector.broadcast %jit3A_110 : f32 to vector<16xf32>
      %select_n3A_112 = arith.select %gt3A_99, %sub3A_109, %broadcast_in_dim3A_111 : vector<16xi1>, vector<16xf32>
      %swap3A_113 = arith.constant 16 : index
      %swap3A_114 = tpu.vector_load %arg28[%swap3A_113] {strides = array<i32>} : memref<64xf32, #tpu.memory_space<vmem>>, vector<16xf32>,
      tpu.vector_store %arg28[%swap3A_113], %select_n3A_112 {strides = array<i32>} : memref<64xf32, #tpu.memory_space<vmem>>, vector<16xf32>,
      %jit3A_115 = arith.constant 1.000000e+00 : f32
      %jit3A_116 = arith.constant 0.000000e+00 : f32
      %broadcast_in_dim3A_117 = vector.broadcast %jit3A_115 : f32 to vector<16xf32>
      %broadcast_in_dim3A_118 = vector.broadcast %jit3A_116 : f32 to vector<16xf32>
      %select_n3A_119 = arith.select %gt3A_99, %broadcast_in_dim3A_117, %broadcast_in_dim3A_118 : vector<16xi1>, vector<16xf32>
      %add3A_120 = arith.addf %add3A_79, %select_n3A_119 : vector<16xf32>
      %get3A_121 = arith.index_cast %scan3A_20 : i32 to index
      %get3A_122 = arith.constant 16 : index
      %get3A_123 = tpu.vector_load %arg22[%get3A_121, %get3A_122] {strides = array<i32>} : memref<128x64xi32, #tpu.memory_space<vmem>>, vector<16xi32>,
      %gt3A_124 = arith.constant 0 : i32
      %gt3A_125 = vector.broadcast %gt3A_124 : i32 to vector<16xi32>
      %gt3A_126 = arith.cmpi sgt, %get3A_123, %gt3A_125 : vector<16xi32>
      %jit3A_127 = arith.constant 1.000000e+00 : f32
      %jit3A_128 = arith.constant 0.000000e+00 : f32
      %broadcast_in_dim3A_129 = vector.broadcast %jit3A_127 : f32 to vector<16xf32>
      %broadcast_in_dim3A_130 = vector.broadcast %jit3A_128 : f32 to vector<16xf32>
      %select_n3A_131 = arith.select %gt3A_126, %broadcast_in_dim3A_129, %broadcast_in_dim3A_130 : vector<16xi1>, vector<16xf32>
      %swap3A_132 = arith.constant 16 : index
      %swap3A_133 = tpu.vector_load %arg29[%swap3A_132] {strides = array<i32>} : memref<64xf32, #tpu.memory_space<vmem>>, vector<16xf32>,
      tpu.vector_store %arg29[%swap3A_132], %select_n3A_131 {strides = array<i32>} : memref<64xf32, #tpu.memory_space<vmem>>, vector<16xf32>,
      %add3A_134 = arith.addf %add3A_93, %select_n3A_131 : vector<16xf32>
      %get3A_135 = arith.index_cast %scan3A_20 : i32 to index
      %get3A_136 = arith.constant 32 : index
      %get3A_137 = tpu.vector_load %arg21[%get3A_135, %get3A_136] {strides = array<i32>} : memref<128x64xi32, #tpu.memory_space<vmem>>, vector<16xi32>,
      %gt3A_138 = arith.constant 0 : i32
      %gt3A_139 = vector.broadcast %gt3A_138 : i32 to vector<16xi32>
      %gt3A_140 = arith.cmpi sgt, %get3A_137, %gt3A_139 : vector<16xi32>
      %get3A_141 = arith.index_cast %scan3A_20 : i32 to index
      %get3A_142 = arith.constant 32 : index
      %get3A_143 = tpu.vector_load %arg23[%get3A_141, %get3A_142] {strides = array<i32>} : memref<128x64xf32, #tpu.memory_space<vmem>>, vector<16xf32>,
      %add3A_144 = arith.constant 3.000000e+00 : f32
      %add3A_145 = vector.broadcast %add3A_144 : f32 to vector<16xf32>
      %add3A_146 = arith.addf %add3A_145, %gather3A : vector<16xf32>
      %get3A_147 = arith.constant 32 : index
      %get3A_148 = tpu.vector_load %arg27[%get3A_147] {strides = array<i32>} : memref<64xf32, #tpu.memory_space<vmem>>, vector<16xf32>,
      %add3A_149 = arith.addf %add3A_146, %get3A_148 : vector<16xf32>
      %sub3A_150 = arith.subf %get3A_143, %add3A_149 : vector<16xf32>
      %jit3A_151 = arith.constant 0.000000e+00 : f32
      %broadcast_in_dim3A_152 = vector.broadcast %jit3A_151 : f32 to vector<16xf32>
      %select_n3A_153 = arith.select %gt3A_140, %sub3A_150, %broadcast_in_dim3A_152 : vector<16xi1>, vector<16xf32>
      %swap3A_154 = arith.constant 32 : index
      %swap3A_155 = tpu.vector_load %arg28[%swap3A_154] {strides = array<i32>} : memref<64xf32, #tpu.memory_space<vmem>>, vector<16xf32>,
      tpu.vector_store %arg28[%swap3A_154], %select_n3A_153 {strides = array<i32>} : memref<64xf32, #tpu.memory_space<vmem>>, vector<16xf32>,
      %jit3A_156 = arith.constant 1.000000e+00 : f32
      %jit3A_157 = arith.constant 0.000000e+00 : f32
      %broadcast_in_dim3A_158 = vector.broadcast %jit3A_156 : f32 to vector<16xf32>
      %broadcast_in_dim3A_159 = vector.broadcast %jit3A_157 : f32 to vector<16xf32>
      %select_n3A_160 = arith.select %gt3A_140, %broadcast_in_dim3A_158, %broadcast_in_dim3A_159 : vector<16xi1>, vector<16xf32>
      %add3A_161 = arith.addf %add3A_120, %select_n3A_160 : vector<16xf32>
      %get3A_162 = arith.index_cast %scan3A_20 : i32 to index
      %get3A_163 = arith.constant 32 : index
      %get3A_164 = tpu.vector_load %arg22[%get3A_162, %get3A_163] {strides = array<i32>} : memref<128x64xi32, #tpu.memory_space<vmem>>, vector<16xi32>,
      %gt3A_165 = arith.constant 0 : i32
      %gt3A_166 = vector.broadcast %gt3A_165 : i32 to vector<16xi32>
      %gt3A_167 = arith.cmpi sgt, %get3A_164, %gt3A_166 : vector<16xi32>
      %jit3A_168 = arith.constant 1.000000e+00 : f32
      %jit3A_169 = arith.constant 0.000000e+00 : f32
      %broadcast_in_dim3A_170 = vector.broadcast %jit3A_168 : f32 to vector<16xf32>
      %broadcast_in_dim3A_171 = vector.broadcast %jit3A_169 : f32 to vector<16xf32>
      %select_n3A_172 = arith.select %gt3A_167, %broadcast_in_dim3A_170, %broadcast_in_dim3A_171 : vector<16xi1>, vector<16xf32>
      %swap3A_173 = arith.constant 32 : index
      %swap3A_174 = tpu.vector_load %arg29[%swap3A_173] {strides = array<i32>} : memref<64xf32, #tpu.memory_space<vmem>>, vector<16xf32>,
      tpu.vector_store %arg29[%swap3A_173], %select_n3A_172 {strides = array<i32>} : memref<64xf32, #tpu.memory_space<vmem>>, vector<16xf32>,
      %add3A_175 = arith.addf %add3A_134, %select_n3A_172 : vector<16xf32>
      %get3A_176 = arith.index_cast %scan3A_20 : i32 to index
      %get3A_177 = arith.constant 48 : index
      %get3A_178 = tpu.vector_load %arg21[%get3A_176, %get3A_177] {strides = array<i32>} : memref<128x64xi32, #tpu.memory_space<vmem>>, vector<16xi32>,
      %gt3A_179 = arith.constant 0 : i32
      %gt3A_180 = vector.broadcast %gt3A_179 : i32 to vector<16xi32>
      %gt3A_181 = arith.cmpi sgt, %get3A_178, %gt3A_180 : vector<16xi32>
      %get3A_182 = arith.index_cast %scan3A_20 : i32 to index
      %get3A_183 = arith.constant 48 : index
      %get3A_184 = tpu.vector_load %arg23[%get3A_182, %get3A_183] {strides = array<i32>} : memref<128x64xf32, #tpu.memory_space<vmem>>, vector<16xf32>,
      %add3A_185 = arith.constant 3.000000e+00 : f32
      %add3A_186 = vector.broadcast %add3A_185 : f32 to vector<16xf32>
      %add3A_187 = arith.addf %add3A_186, %gather3A : vector<16xf32>
      %get3A_188 = arith.constant 48 : index
      %get3A_189 = tpu.vector_load %arg27[%get3A_188] {strides = array<i32>} : memref<64xf32, #tpu.memory_space<vmem>>, vector<16xf32>,
      %add3A_190 = arith.addf %add3A_187, %get3A_189 : vector<16xf32>
      %sub3A_191 = arith.subf %get3A_184, %add3A_190 : vector<16xf32>
      %jit3A_192 = arith.constant 0.000000e+00 : f32
      %broadcast_in_dim3A_193 = vector.broadcast %jit3A_192 : f32 to vector<16xf32>
      %select_n3A_194 = arith.select %gt3A_181, %sub3A_191, %broadcast_in_dim3A_193 : vector<16xi1>, vector<16xf32>
      %swap3A_195 = arith.constant 48 : index
      %swap3A_196 = tpu.vector_load %arg28[%swap3A_195] {strides = array<i32>} : memref<64xf32, #tpu.memory_space<vmem>>, vector<16xf32>,
      tpu.vector_store %arg28[%swap3A_195], %select_n3A_194 {strides = array<i32>} : memref<64xf32, #tpu.memory_space<vmem>>, vector<16xf32>,
      %jit3A_197 = arith.constant 1.000000e+00 : f32
      %jit3A_198 = arith.constant 0.000000e+00 : f32
      %broadcast_in_dim3A_199 = vector.broadcast %jit3A_197 : f32 to vector<16xf32>
      %broadcast_in_dim3A_200 = vector.broadcast %jit3A_198 : f32 to vector<16xf32>
      %select_n3A_201 = arith.select %gt3A_181, %broadcast_in_dim3A_199, %broadcast_in_dim3A_200 : vector<16xi1>, vector<16xf32>
      %add3A_202 = arith.addf %add3A_161, %select_n3A_201 : vector<16xf32>
      %get3A_203 = arith.index_cast %scan3A_20 : i32 to index
      %get3A_204 = arith.constant 48 : index
      %get3A_205 = tpu.vector_load %arg22[%get3A_203, %get3A_204] {strides = array<i32>} : memref<128x64xi32, #tpu.memory_space<vmem>>, vector<16xi32>,
      %gt3A_206 = arith.constant 0 : i32
      %gt3A_207 = vector.broadcast %gt3A_206 : i32 to vector<16xi32>
      %gt3A_208 = arith.cmpi sgt, %get3A_205, %gt3A_207 : vector<16xi32>
      %jit3A_209 = arith.constant 1.000000e+00 : f32
      %jit3A_210 = arith.constant 0.000000e+00 : f32
      %broadcast_in_dim3A_211 = vector.broadcast %jit3A_209 : f32 to vector<16xf32>
      %broadcast_in_dim3A_212 = vector.broadcast %jit3A_210 : f32 to vector<16xf32>
      %select_n3A_213 = arith.select %gt3A_208, %broadcast_in_dim3A_211, %broadcast_in_dim3A_212 : vector<16xi1>, vector<16xf32>
      %swap3A_214 = arith.constant 48 : index
      %swap3A_215 = tpu.vector_load %arg29[%swap3A_214] {strides = array<i32>} : memref<64xf32, #tpu.memory_space<vmem>>, vector<16xf32>,
      tpu.vector_store %arg29[%swap3A_214], %select_n3A_213 {strides = array<i32>} : memref<64xf32, #tpu.memory_space<vmem>>, vector<16xf32>,
      %add3A_216 = arith.addf %add3A_175, %select_n3A_213 : vector<16xf32>
      %reduce_sum3A = arith.constant true
      %reduce_sum3A_217 = vector.broadcast %reduce_sum3A : i1 to vector<16xi1>
      %reduce_sum3A_218 = tpu.scan <sum>, %add3A_202 masked %reduce_sum3A_217 : vector<16xf32>, vector<16xi1> -> vector<16xf32>
      %reduce_sum3A_219 = vector.extract %reduce_sum3A_218[15] : f32 from vector<16xf32>
      %convert_element_type3A = arith.fptosi %reduce_sum3A_219 : f32 to i32
      %broadcast_in_dim3A_220 = vector.broadcast %convert_element_type3A : i32 to vector<16xi32>
      %gather3A_221 = tpu.vector_load_idx %arg24[%broadcast_in_dim3A_220] : memref<64xf32, #tpu.memory_space<vmem>>[vector<16xi32>], vector<16xf32>,
      %reduce_sum3A_222 = arith.constant true
      %reduce_sum3A_223 = vector.broadcast %reduce_sum3A_222 : i1 to vector<16xi1>
      %reduce_sum3A_224 = tpu.scan <sum>, %add3A_216 masked %reduce_sum3A_223 : vector<16xf32>, vector<16xi1> -> vector<16xf32>
      %reduce_sum3A_225 = vector.extract %reduce_sum3A_224[15] : f32 from vector<16xf32>
      %convert_element_type3A_226 = arith.fptosi %reduce_sum3A_225 : f32 to i32
      %broadcast_in_dim3A_227 = vector.broadcast %convert_element_type3A_226 : i32 to vector<16xi32>
      %gather3A_228 = tpu.vector_load_idx %arg24[%broadcast_in_dim3A_227] : memref<64xf32, #tpu.memory_space<vmem>>[vector<16xi32>], vector<16xf32>,
      %broadcast_in_dim3A_229 = arith.constant 0.000000e+00 : f32
      %broadcast_in_dim3A_230 = vector.broadcast %broadcast_in_dim3A_229 : f32 to vector<16xf32>
      %broadcast_in_dim3A_231 = arith.constant 0.000000e+00 : f32
      %broadcast_in_dim3A_232 = vector.broadcast %broadcast_in_dim3A_231 : f32 to vector<16xf32>
      %broadcast_in_dim3A_233 = arith.constant 0.000000e+00 : f32
      %broadcast_in_dim3A_234 = vector.broadcast %broadcast_in_dim3A_233 : f32 to vector<16xf32>
      %broadcast_in_dim3A_235 = arith.constant 0.000000e+00 : f32
      %broadcast_in_dim3A_236 = vector.broadcast %broadcast_in_dim3A_235 : f32 to vector<16xf32>
      %broadcast_in_dim3A_237 = arith.constant 0.000000e+00 : f32
      %broadcast_in_dim3A_238 = vector.broadcast %broadcast_in_dim3A_237 : f32 to vector<16xf32>
      %broadcast_in_dim3A_239 = arith.constant 0.000000e+00 : f32
      %broadcast_in_dim3A_240 = vector.broadcast %broadcast_in_dim3A_239 : f32 to vector<16xf32>
      %broadcast_in_dim3A_241 = arith.constant 0.000000e+00 : f32
      %broadcast_in_dim3A_242 = vector.broadcast %broadcast_in_dim3A_241 : f32 to vector<16xf32>
      %broadcast_in_dim3A_243 = arith.constant 0.000000e+00 : f32
      %broadcast_in_dim3A_244 = vector.broadcast %broadcast_in_dim3A_243 : f32 to vector<16xf32>
      %broadcast_in_dim3A_245 = arith.constant 0 : i32
      %broadcast_in_dim3A_246 = vector.broadcast %broadcast_in_dim3A_245 : i32 to vector<16xi32>
      %gather3A_247 = tpu.vector_load_idx %arg28[%broadcast_in_dim3A_246] : memref<64xf32, #tpu.memory_space<vmem>>[vector<16xi32>], vector<16xf32>,
      %broadcast_in_dim3A_248 = arith.constant 0 : i32
      %broadcast_in_dim3A_249 = vector.broadcast %broadcast_in_dim3A_248 : i32 to vector<16xi32>
      %gather3A_250 = tpu.vector_load_idx %arg29[%broadcast_in_dim3A_249] : memref<64xf32, #tpu.memory_space<vmem>>[vector<16xi32>], vector<16xf32>,
      %get3A_251 = arith.constant 0 : i32
      %get3A_252 = arith.index_cast %get3A_251 : i32 to index
      %get3A_253 = arith.constant 0 : index
      %get3A_254 = tpu.vector_load %arg25[%get3A_252, %get3A_253] {strides = array<i32>} : memref<56x64xf32, #tpu.memory_space<vmem>>, vector<16xf32>,
      %mul3A_255 = arith.mulf %gather3A_247, %get3A_254 : vector<16xf32>
      %add3A_256 = arith.addf %broadcast_in_dim3A_230, %mul3A_255 : vector<16xf32>
      %get3A_257 = arith.constant 0 : i32
      %get3A_258 = arith.index_cast %get3A_257 : i32 to index
      %get3A_259 = arith.constant 0 : index
      %get3A_260 = tpu.vector_load %arg26[%get3A_258, %get3A_259] {strides = array<i32>} : memref<56x64xf32, #tpu.memory_space<vmem>>, vector<16xf32>,
      %mul3A_261 = arith.mulf %gather3A_250, %get3A_260 : vector<16xf32>
      %add3A_262 = arith.addf %broadcast_in_dim3A_238, %mul3A_261 : vector<16xf32>
      %get3A_263 = arith.constant 0 : i32
      %get3A_264 = arith.index_cast %get3A_263 : i32 to index
      %get3A_265 = arith.constant 16 : index
      %get3A_266 = tpu.vector_load %arg25[%get3A_264, %get3A_265] {strides = array<i32>} : memref<56x64xf32, #tpu.memory_space<vmem>>, vector<16xf32>,
      %mul3A_267 = arith.mulf %gather3A_247, %get3A_266 : vector<16xf32>
      %add3A_268 = arith.addf %broadcast_in_dim3A_232, %mul3A_267 : vector<16xf32>
      %get3A_269 = arith.constant 0 : i32
      %get3A_270 = arith.index_cast %get3A_269 : i32 to index
      %get3A_271 = arith.constant 16 : index
      %get3A_272 = tpu.vector_load %arg26[%get3A_270, %get3A_271] {strides = array<i32>} : memref<56x64xf32, #tpu.memory_space<vmem>>, vector<16xf32>,
      %mul3A_273 = arith.mulf %gather3A_250, %get3A_272 : vector<16xf32>
      %add3A_274 = arith.addf %broadcast_in_dim3A_240, %mul3A_273 : vector<16xf32>
      %get3A_275 = arith.constant 0 : i32
      %get3A_276 = arith.index_cast %get3A_275 : i32 to index
      %get3A_277 = arith.constant 32 : index
      %get3A_278 = tpu.vector_load %arg25[%get3A_276, %get3A_277] {strides = array<i32>} : memref<56x64xf32, #tpu.memory_space<vmem>>, vector<16xf32>,
      %mul3A_279 = arith.mulf %gather3A_247, %get3A_278 : vector<16xf32>
      %add3A_280 = arith.addf %broadcast_in_dim3A_234, %mul3A_279 : vector<16xf32>
      %get3A_281 = arith.constant 0 : i32
      %get3A_282 = arith.index_cast %get3A_281 : i32 to index
      %get3A_283 = arith.constant 32 : index
      %get3A_284 = tpu.vector_load %arg26[%get3A_282, %get3A_283] {strides = array<i32>} : memref<56x64xf32, #tpu.memory_space<vmem>>, vector<16xf32>,
      %mul3A_285 = arith.mulf %gather3A_250, %get3A_284 : vector<16xf32>
      %add3A_286 = arith.addf %broadcast_in_dim3A_242, %mul3A_285 : vector<16xf32>
      %get3A_287 = arith.constant 0 : i32
      %get3A_288 = arith.index_cast %get3A_287 : i32 to index
      %get3A_289 = arith.constant 48 : index
      %get3A_290 = tpu.vector_load %arg25[%get3A_288, %get3A_289] {strides = array<i32>} : memref<56x64xf32, #tpu.memory_space<vmem>>, vector<16xf32>,
      %mul3A_291 = arith.mulf %gather3A_247, %get3A_290 : vector<16xf32>
      %add3A_292 = arith.addf %broadcast_in_dim3A_236, %mul3A_291 : vector<16xf32>
      %get3A_293 = arith.constant 0 : i32
      %get3A_294 = arith.index_cast %get3A_293 : i32 to index
      %get3A_295 = arith.constant 48 : index
      %get3A_296 = tpu.vector_load %arg26[%get3A_294, %get3A_295] {strides = array<i32>} : memref<56x64xf32, #tpu.memory_space<vmem>>, vector<16xf32>,
      %mul3A_297 = arith.mulf %gather3A_250, %get3A_296 : vector<16xf32>
      %add3A_298 = arith.addf %broadcast_in_dim3A_244, %mul3A_297 : vector<16xf32>
      %broadcast_in_dim3A_299 = arith.constant 1 : i32
      %broadcast_in_dim3A_300 = vector.broadcast %broadcast_in_dim3A_299 : i32 to vector<16xi32>
      %gather3A_301 = tpu.vector_load_idx %arg28[%broadcast_in_dim3A_300] : memref<64xf32, #tpu.memory_space<vmem>>[vector<16xi32>], vector<16xf32>,
      %broadcast_in_dim3A_302 = arith.constant 1 : i32
      %broadcast_in_dim3A_303 = vector.broadcast %broadcast_in_dim3A_302 : i32 to vector<16xi32>
      %gather3A_304 = tpu.vector_load_idx %arg29[%broadcast_in_dim3A_303] : memref<64xf32, #tpu.memory_space<vmem>>[vector<16xi32>], vector<16xf32>,
      %get3A_305 = arith.constant 1 : i32
      %get3A_306 = arith.index_cast %get3A_305 : i32 to index
      %get3A_307 = arith.constant 0 : index
      %get3A_308 = tpu.vector_load %arg25[%get3A_306, %get3A_307] {strides = array<i32>} : memref<56x64xf32, #tpu.memory_space<vmem>>, vector<16xf32>,
      %mul3A_309 = arith.mulf %gather3A_301, %get3A_308 : vector<16xf32>
      %add3A_310 = arith.addf %add3A_256, %mul3A_309 : vector<16xf32>
      %get3A_311 = arith.constant 1 : i32
      %get3A_312 = arith.index_cast %get3A_311 : i32 to index
      %get3A_313 = arith.constant 0 : index
      %get3A_314 = tpu.vector_load %arg26[%get3A_312, %get3A_313] {strides = array<i32>} : memref<56x64xf32, #tpu.memory_space<vmem>>, vector<16xf32>,
      %mul3A_315 = arith.mulf %gather3A_304, %get3A_314 : vector<16xf32>
      %add3A_316 = arith.addf %add3A_262, %mul3A_315 : vector<16xf32>
      %get3A_317 = arith.constant 1 : i32
      %get3A_318 = arith.index_cast %get3A_317 : i32 to index
      %get3A_319 = arith.constant 16 : index
      %get3A_320 = tpu.vector_load %arg25[%get3A_318, %get3A_319] {strides = array<i32>} : memref<56x64xf32, #tpu.memory_space<vmem>>, vector<16xf32>,
      %mul3A_321 = arith.mulf %gather3A_301, %get3A_320 : vector<16xf32>
      %add3A_322 = arith.addf %add3A_268, %mul3A_321 : vector<16xf32>
      %get3A_323 = arith.constant 1 : i32
      %get3A_324 = arith.index_cast %get3A_323 : i32 to index
      %get3A_325 = arith.constant 16 : index
      %get3A_326 = tpu.vector_load %arg26[%get3A_324, %get3A_325] {strides = array<i32>} : memref<56x64xf32, #tpu.memory_space<vmem>>, vector<16xf32>,
      %mul3A_327 = arith.mulf %gather3A_304, %get3A_326 : vector<16xf32>
      %add3A_328 = arith.addf %add3A_274, %mul3A_327 : vector<16xf32>
      %get3A_329 = arith.constant 1 : i32
      %get3A_330 = arith.index_cast %get3A_329 : i32 to index
      %get3A_331 = arith.constant 32 : index
      %get3A_332 = tpu.vector_load %arg25[%get3A_330, %get3A_331] {strides = array<i32>} : memref<56x64xf32, #tpu.memory_space<vmem>>, vector<16xf32>,
      %mul3A_333 = arith.mulf %gather3A_301, %get3A_332 : vector<16xf32>
      %add3A_334 = arith.addf %add3A_280, %mul3A_333 : vector<16xf32>
      %get3A_335 = arith.constant 1 : i32
      %get3A_336 = arith.index_cast %get3A_335 : i32 to index
      %get3A_337 = arith.constant 32 : index
      %get3A_338 = tpu.vector_load %arg26[%get3A_336, %get3A_337] {strides = array<i32>} : memref<56x64xf32, #tpu.memory_space<vmem>>, vector<16xf32>,
      %mul3A_339 = arith.mulf %gather3A_304, %get3A_338 : vector<16xf32>
      %add3A_340 = arith.addf %add3A_286, %mul3A_339 : vector<16xf32>
      %get3A_341 = arith.constant 1 : i32
      %get3A_342 = arith.index_cast %get3A_341 : i32 to index
      %get3A_343 = arith.constant 48 : index
      %get3A_344 = tpu.vector_load %arg25[%get3A_342, %get3A_343] {strides = array<i32>} : memref<56x64xf32, #tpu.memory_space<vmem>>, vector<16xf32>,
      %mul3A_345 = arith.mulf %gather3A_301, %get3A_344 : vector<16xf32>
      %add3A_346 = arith.addf %add3A_292, %mul3A_345 : vector<16xf32>
      %get3A_347 = arith.constant 1 : i32
      %get3A_348 = arith.index_cast %get3A_347 : i32 to index
      %get3A_349 = arith.constant 48 : index
      %get3A_350 = tpu.vector_load %arg26[%get3A_348, %get3A_349] {strides = array<i32>} : memref<56x64xf32, #tpu.memory_space<vmem>>, vector<16xf32>,
      %mul3A_351 = arith.mulf %gather3A_304, %get3A_350 : vector<16xf32>
      %add3A_352 = arith.addf %add3A_298, %mul3A_351 : vector<16xf32>
      %broadcast_in_dim3A_353 = arith.constant 2 : i32
      %broadcast_in_dim3A_354 = vector.broadcast %broadcast_in_dim3A_353 : i32 to vector<16xi32>
      %gather3A_355 = tpu.vector_load_idx %arg28[%broadcast_in_dim3A_354] : memref<64xf32, #tpu.memory_space<vmem>>[vector<16xi32>], vector<16xf32>,
      %broadcast_in_dim3A_356 = arith.constant 2 : i32
      %broadcast_in_dim3A_357 = vector.broadcast %broadcast_in_dim3A_356 : i32 to vector<16xi32>
      %gather3A_358 = tpu.vector_load_idx %arg29[%broadcast_in_dim3A_357] : memref<64xf32, #tpu.memory_space<vmem>>[vector<16xi32>], vector<16xf32>,
      %get3A_359 = arith.constant 2 : i32
      %get3A_360 = arith.index_cast %get3A_359 : i32 to index
      %get3A_361 = arith.constant 0 : index
      %get3A_362 = tpu.vector_load %arg25[%get3A_360, %get3A_361] {strides = array<i32>} : memref<56x64xf32, #tpu.memory_space<vmem>>, vector<16xf32>,
      %mul3A_363 = arith.mulf %gather3A_355, %get3A_362 : vector<16xf32>
      %add3A_364 = arith.addf %add3A_310, %mul3A_363 : vector<16xf32>
      %get3A_365 = arith.constant 2 : i32
      %get3A_366 = arith.index_cast %get3A_365 : i32 to index
      %get3A_367 = arith.constant 0 : index
      %get3A_368 = tpu.vector_load %arg26[%get3A_366, %get3A_367] {strides = array<i32>} : memref<56x64xf32, #tpu.memory_space<vmem>>, vector<16xf32>,
      %mul3A_369 = arith.mulf %gather3A_358, %get3A_368 : vector<16xf32>
      %add3A_370 = arith.addf %add3A_316, %mul3A_369 : vector<16xf32>
      %get3A_371 = arith.constant 2 : i32
      %get3A_372 = arith.index_cast %get3A_371 : i32 to index
      %get3A_373 = arith.constant 16 : index
      %get3A_374 = tpu.vector_load %arg25[%get3A_372, %get3A_373] {strides = array<i32>} : memref<56x64xf32, #tpu.memory_space<vmem>>, vector<16xf32>,
      %mul3A_375 = arith.mulf %gather3A_355, %get3A_374 : vector<16xf32>
      %add3A_376 = arith.addf %add3A_322, %mul3A_375 : vector<16xf32>
      %get3A_377 = arith.constant 2 : i32
      %get3A_378 = arith.index_cast %get3A_377 : i32 to index
      %get3A_379 = arith.constant 16 : index
      %get3A_380 = tpu.vector_load %arg26[%get3A_378, %get3A_379] {strides = array<i32>} : memref<56x64xf32, #tpu.memory_space<vmem>>, vector<16xf32>,
      %mul3A_381 = arith.mulf %gather3A_358, %get3A_380 : vector<16xf32>
      %add3A_382 = arith.addf %add3A_328, %mul3A_381 : vector<16xf32>
      %get3A_383 = arith.constant 2 : i32
      %get3A_384 = arith.index_cast %get3A_383 : i32 to index
      %get3A_385 = arith.constant 32 : index
      %get3A_386 = tpu.vector_load %arg25[%get3A_384, %get3A_385] {strides = array<i32>} : memref<56x64xf32, #tpu.memory_space<vmem>>, vector<16xf32>,
      %mul3A_387 = arith.mulf %gather3A_355, %get3A_386 : vector<16xf32>
      %add3A_388 = arith.addf %add3A_334, %mul3A_387 : vector<16xf32>
      %get3A_389 = arith.constant 2 : i32
      %get3A_390 = arith.index_cast %get3A_389 : i32 to index
      %get3A_391 = arith.constant 32 : index
      %get3A_392 = tpu.vector_load %arg26[%get3A_390, %get3A_391] {strides = array<i32>} : memref<56x64xf32, #tpu.memory_space<vmem>>, vector<16xf32>,
      %mul3A_393 = arith.mulf %gather3A_358, %get3A_392 : vector<16xf32>
      %add3A_394 = arith.addf %add3A_340, %mul3A_393 : vector<16xf32>
      %get3A_395 = arith.constant 2 : i32
      %get3A_396 = arith.index_cast %get3A_395 : i32 to index
      %get3A_397 = arith.constant 48 : index
      %get3A_398 = tpu.vector_load %arg25[%get3A_396, %get3A_397] {strides = array<i32>} : memref<56x64xf32, #tpu.memory_space<vmem>>, vector<16xf32>,
      %mul3A_399 = arith.mulf %gather3A_355, %get3A_398 : vector<16xf32>
      %add3A_400 = arith.addf %add3A_346, %mul3A_399 : vector<16xf32>
      %get3A_401 = arith.constant 2 : i32
      %get3A_402 = arith.index_cast %get3A_401 : i32 to index
      %get3A_403 = arith.constant 48 : index
      %get3A_404 = tpu.vector_load %arg26[%get3A_402, %get3A_403] {strides = array<i32>} : memref<56x64xf32, #tpu.memory_space<vmem>>, vector<16xf32>,
      %mul3A_405 = arith.mulf %gather3A_358, %get3A_404 : vector<16xf32>
      %add3A_406 = arith.addf %add3A_352, %mul3A_405 : vector<16xf32>
      %broadcast_in_dim3A_407 = arith.constant 3 : i32
      %broadcast_in_dim3A_408 = vector.broadcast %broadcast_in_dim3A_407 : i32 to vector<16xi32>
      %gather3A_409 = tpu.vector_load_idx %arg28[%broadcast_in_dim3A_408] : memref<64xf32, #tpu.memory_space<vmem>>[vector<16xi32>], vector<16xf32>,
      %broadcast_in_dim3A_410 = arith.constant 3 : i32
      %broadcast_in_dim3A_411 = vector.broadcast %broadcast_in_dim3A_410 : i32 to vector<16xi32>
      %gather3A_412 = tpu.vector_load_idx %arg29[%broadcast_in_dim3A_411] : memref<64xf32, #tpu.memory_space<vmem>>[vector<16xi32>], vector<16xf32>,
      %get3A_413 = arith.constant 3 : i32
      %get3A_414 = arith.index_cast %get3A_413 : i32 to index
      %get3A_415 = arith.constant 0 : index
      %get3A_416 = tpu.vector_load %arg25[%get3A_414, %get3A_415] {strides = array<i32>} : memref<56x64xf32, #tpu.memory_space<vmem>>, vector<16xf32>,
      %mul3A_417 = arith.mulf %gather3A_409, %get3A_416 : vector<16xf32>
      %add3A_418 = arith.addf %add3A_364, %mul3A_417 : vector<16xf32>
      %get3A_419 = arith.constant 3 : i32
      %get3A_420 = arith.index_cast %get3A_419 : i32 to index
      %get3A_421 = arith.constant 0 : index
      %get3A_422 = tpu.vector_load %arg26[%get3A_420, %get3A_421] {strides = array<i32>} : memref<56x64xf32, #tpu.memory_space<vmem>>, vector<16xf32>,
      %mul3A_423 = arith.mulf %gather3A_412, %get3A_422 : vector<16xf32>
      %add3A_424 = arith.addf %add3A_370, %mul3A_423 : vector<16xf32>
      %get3A_425 = arith.constant 3 : i32
      %get3A_426 = arith.index_cast %get3A_425 : i32 to index
      %get3A_427 = arith.constant 16 : index
      %get3A_428 = tpu.vector_load %arg25[%get3A_426, %get3A_427] {strides = array<i32>} : memref<56x64xf32, #tpu.memory_space<vmem>>, vector<16xf32>,
      %mul3A_429 = arith.mulf %gather3A_409, %get3A_428 : vector<16xf32>
      %add3A_430 = arith.addf %add3A_376, %mul3A_429 : vector<16xf32>
      %get3A_431 = arith.constant 3 : i32
      %get3A_432 = arith.index_cast %get3A_431 : i32 to index
      %get3A_433 = arith.constant 16 : index
      %get3A_434 = tpu.vector_load %arg26[%get3A_432, %get3A_433] {strides = array<i32>} : memref<56x64xf32, #tpu.memory_space<vmem>>, vector<16xf32>,
      %mul3A_435 = arith.mulf %gather3A_412, %get3A_434 : vector<16xf32>
      %add3A_436 = arith.addf %add3A_382, %mul3A_435 : vector<16xf32>
      %get3A_437 = arith.constant 3 : i32
      %get3A_438 = arith.index_cast %get3A_437 : i32 to index
      %get3A_439 = arith.constant 32 : index
      %get3A_440 = tpu.vector_load %arg25[%get3A_438, %get3A_439] {strides = array<i32>} : memref<56x64xf32, #tpu.memory_space<vmem>>, vector<16xf32>,
      %mul3A_441 = arith.mulf %gather3A_409, %get3A_440 : vector<16xf32>
      %add3A_442 = arith.addf %add3A_388, %mul3A_441 : vector<16xf32>
      %get3A_443 = arith.constant 3 : i32
      %get3A_444 = arith.index_cast %get3A_443 : i32 to index
      %get3A_445 = arith.constant 32 : index
      %get3A_446 = tpu.vector_load %arg26[%get3A_444, %get3A_445] {strides = array<i32>} : memref<56x64xf32, #tpu.memory_space<vmem>>, vector<16xf32>,
      %mul3A_447 = arith.mulf %gather3A_412, %get3A_446 : vector<16xf32>
      %add3A_448 = arith.addf %add3A_394, %mul3A_447 : vector<16xf32>
      %get3A_449 = arith.constant 3 : i32
      %get3A_450 = arith.index_cast %get3A_449 : i32 to index
      %get3A_451 = arith.constant 48 : index
      %get3A_452 = tpu.vector_load %arg25[%get3A_450, %get3A_451] {strides = array<i32>} : memref<56x64xf32, #tpu.memory_space<vmem>>, vector<16xf32>,
      %mul3A_453 = arith.mulf %gather3A_409, %get3A_452 : vector<16xf32>
      %add3A_454 = arith.addf %add3A_400, %mul3A_453 : vector<16xf32>
      %get3A_455 = arith.constant 3 : i32
      %get3A_456 = arith.index_cast %get3A_455 : i32 to index
      %get3A_457 = arith.constant 48 : index
      %get3A_458 = tpu.vector_load %arg26[%get3A_456, %get3A_457] {strides = array<i32>} : memref<56x64xf32, #tpu.memory_space<vmem>>, vector<16xf32>,
      %mul3A_459 = arith.mulf %gather3A_412, %get3A_458 : vector<16xf32>
      %add3A_460 = arith.addf %add3A_406, %mul3A_459 : vector<16xf32>
      %broadcast_in_dim3A_461 = arith.constant 4 : i32
      %broadcast_in_dim3A_462 = vector.broadcast %broadcast_in_dim3A_461 : i32 to vector<16xi32>
      %gather3A_463 = tpu.vector_load_idx %arg28[%broadcast_in_dim3A_462] : memref<64xf32, #tpu.memory_space<vmem>>[vector<16xi32>], vector<16xf32>,
      %broadcast_in_dim3A_464 = arith.constant 4 : i32
      %broadcast_in_dim3A_465 = vector.broadcast %broadcast_in_dim3A_464 : i32 to vector<16xi32>
      %gather3A_466 = tpu.vector_load_idx %arg29[%broadcast_in_dim3A_465] : memref<64xf32, #tpu.memory_space<vmem>>[vector<16xi32>], vector<16xf32>,
      %get3A_467 = arith.constant 4 : i32
      %get3A_468 = arith.index_cast %get3A_467 : i32 to index
      %get3A_469 = arith.constant 0 : index
      %get3A_470 = tpu.vector_load %arg25[%get3A_468, %get3A_469] {strides = array<i32>} : memref<56x64xf32, #tpu.memory_space<vmem>>, vector<16xf32>,
      %mul3A_471 = arith.mulf %gather3A_463, %get3A_470 : vector<16xf32>
      %add3A_472 = arith.addf %add3A_418, %mul3A_471 : vector<16xf32>
      %get3A_473 = arith.constant 4 : i32
      %get3A_474 = arith.index_cast %get3A_473 : i32 to index
      %get3A_475 = arith.constant 0 : index
      %get3A_476 = tpu.vector_load %arg26[%get3A_474, %get3A_475] {strides = array<i32>} : memref<56x64xf32, #tpu.memory_space<vmem>>, vector<16xf32>,
      %mul3A_477 = arith.mulf %gather3A_466, %get3A_476 : vector<16xf32>
      %add3A_478 = arith.addf %add3A_424, %mul3A_477 : vector<16xf32>
      %get3A_479 = arith.constant 4 : i32
      %get3A_480 = arith.index_cast %get3A_479 : i32 to index
      %get3A_481 = arith.constant 16 : index
      %get3A_482 = tpu.vector_load %arg25[%get3A_480, %get3A_481] {strides = array<i32>} : memref<56x64xf32, #tpu.memory_space<vmem>>, vector<16xf32>,
      %mul3A_483 = arith.mulf %gather3A_463, %get3A_482 : vector<16xf32>
      %add3A_484 = arith.addf %add3A_430, %mul3A_483 : vector<16xf32>
      %get3A_485 = arith.constant 4 : i32
      %get3A_486 = arith.index_cast %get3A_485 : i32 to index
      %get3A_487 = arith.constant 16 : index
      %get3A_488 = tpu.vector_load %arg26[%get3A_486, %get3A_487] {strides = array<i32>} : memref<56x64xf32, #tpu.memory_space<vmem>>, vector<16xf32>,
      %mul3A_489 = arith.mulf %gather3A_466, %get3A_488 : vector<16xf32>
      %add3A_490 = arith.addf %add3A_436, %mul3A_489 : vector<16xf32>
      %get3A_491 = arith.constant 4 : i32
      %get3A_492 = arith.index_cast %get3A_491 : i32 to index
      %get3A_493 = arith.constant 32 : index
      %get3A_494 = tpu.vector_load %arg25[%get3A_492, %get3A_493] {strides = array<i32>} : memref<56x64xf32, #tpu.memory_space<vmem>>, vector<16xf32>,
      %mul3A_495 = arith.mulf %gather3A_463, %get3A_494 : vector<16xf32>
      %add3A_496 = arith.addf %add3A_442, %mul3A_495 : vector<16xf32>
      %get3A_497 = arith.constant 4 : i32
      %get3A_498 = arith.index_cast %get3A_497 : i32 to index
      %get3A_499 = arith.constant 32 : index
      %get3A_500 = tpu.vector_load %arg26[%get3A_498, %get3A_499] {strides = array<i32>} : memref<56x64xf32, #tpu.memory_space<vmem>>, vector<16xf32>,
      %mul3A_501 = arith.mulf %gather3A_466, %get3A_500 : vector<16xf32>
      %add3A_502 = arith.addf %add3A_448, %mul3A_501 : vector<16xf32>
      %get3A_503 = arith.constant 4 : i32
      %get3A_504 = arith.index_cast %get3A_503 : i32 to index
      %get3A_505 = arith.constant 48 : index
      %get3A_506 = tpu.vector_load %arg25[%get3A_504, %get3A_505] {strides = array<i32>} : memref<56x64xf32, #tpu.memory_space<vmem>>, vector<16xf32>,
      %mul3A_507 = arith.mulf %gather3A_463, %get3A_506 : vector<16xf32>
      %add3A_508 = arith.addf %add3A_454, %mul3A_507 : vector<16xf32>
      %get3A_509 = arith.constant 4 : i32
      %get3A_510 = arith.index_cast %get3A_509 : i32 to index
      %get3A_511 = arith.constant 48 : index
      %get3A_512 = tpu.vector_load %arg26[%get3A_510, %get3A_511] {strides = array<i32>} : memref<56x64xf32, #tpu.memory_space<vmem>>, vector<16xf32>,
      %mul3A_513 = arith.mulf %gather3A_466, %get3A_512 : vector<16xf32>
      %add3A_514 = arith.addf %add3A_460, %mul3A_513 : vector<16xf32>
      %broadcast_in_dim3A_515 = arith.constant 5 : i32
      %broadcast_in_dim3A_516 = vector.broadcast %broadcast_in_dim3A_515 : i32 to vector<16xi32>
      %gather3A_517 = tpu.vector_load_idx %arg28[%broadcast_in_dim3A_516] : memref<64xf32, #tpu.memory_space<vmem>>[vector<16xi32>], vector<16xf32>,
      %broadcast_in_dim3A_518 = arith.constant 5 : i32
      %broadcast_in_dim3A_519 = vector.broadcast %broadcast_in_dim3A_518 : i32 to vector<16xi32>
      %gather3A_520 = tpu.vector_load_idx %arg29[%broadcast_in_dim3A_519] : memref<64xf32, #tpu.memory_space<vmem>>[vector<16xi32>], vector<16xf32>,
      %get3A_521 = arith.constant 5 : i32
      %get3A_522 = arith.index_cast %get3A_521 : i32 to index
      %get3A_523 = arith.constant 0 : index
      %get3A_524 = tpu.vector_load %arg25[%get3A_522, %get3A_523] {strides = array<i32>} : memref<56x64xf32, #tpu.memory_space<vmem>>, vector<16xf32>,
      %mul3A_525 = arith.mulf %gather3A_517, %get3A_524 : vector<16xf32>
      %add3A_526 = arith.addf %add3A_472, %mul3A_525 : vector<16xf32>
      %get3A_527 = arith.constant 5 : i32
      %get3A_528 = arith.index_cast %get3A_527 : i32 to index
      %get3A_529 = arith.constant 0 : index
      %get3A_530 = tpu.vector_load %arg26[%get3A_528, %get3A_529] {strides = array<i32>} : memref<56x64xf32, #tpu.memory_space<vmem>>, vector<16xf32>,
      %mul3A_531 = arith.mulf %gather3A_520, %get3A_530 : vector<16xf32>
      %add3A_532 = arith.addf %add3A_478, %mul3A_531 : vector<16xf32>
      %get3A_533 = arith.constant 5 : i32
      %get3A_534 = arith.index_cast %get3A_533 : i32 to index
      %get3A_535 = arith.constant 16 : index
      %get3A_536 = tpu.vector_load %arg25[%get3A_534, %get3A_535] {strides = array<i32>} : memref<56x64xf32, #tpu.memory_space<vmem>>, vector<16xf32>,
      %mul3A_537 = arith.mulf %gather3A_517, %get3A_536 : vector<16xf32>
      %add3A_538 = arith.addf %add3A_484, %mul3A_537 : vector<16xf32>
      %get3A_539 = arith.constant 5 : i32
      %get3A_540 = arith.index_cast %get3A_539 : i32 to index
      %get3A_541 = arith.constant 16 : index
      %get3A_542 = tpu.vector_load %arg26[%get3A_540, %get3A_541] {strides = array<i32>} : memref<56x64xf32, #tpu.memory_space<vmem>>, vector<16xf32>,
      %mul3A_543 = arith.mulf %gather3A_520, %get3A_542 : vector<16xf32>
      %add3A_544 = arith.addf %add3A_490, %mul3A_543 : vector<16xf32>
      %get3A_545 = arith.constant 5 : i32
      %get3A_546 = arith.index_cast %get3A_545 : i32 to index
      %get3A_547 = arith.constant 32 : index
      %get3A_548 = tpu.vector_load %arg25[%get3A_546, %get3A_547] {strides = array<i32>} : memref<56x64xf32, #tpu.memory_space<vmem>>, vector<16xf32>,
      %mul3A_549 = arith.mulf %gather3A_517, %get3A_548 : vector<16xf32>
      %add3A_550 = arith.addf %add3A_496, %mul3A_549 : vector<16xf32>
      %get3A_551 = arith.constant 5 : i32
      %get3A_552 = arith.index_cast %get3A_551 : i32 to index
      %get3A_553 = arith.constant 32 : index
      %get3A_554 = tpu.vector_load %arg26[%get3A_552, %get3A_553] {strides = array<i32>} : memref<56x64xf32, #tpu.memory_space<vmem>>, vector<16xf32>,
      %mul3A_555 = arith.mulf %gather3A_520, %get3A_554 : vector<16xf32>
      %add3A_556 = arith.addf %add3A_502, %mul3A_555 : vector<16xf32>
      %get3A_557 = arith.constant 5 : i32
      %get3A_558 = arith.index_cast %get3A_557 : i32 to index
      %get3A_559 = arith.constant 48 : index
      %get3A_560 = tpu.vector_load %arg25[%get3A_558, %get3A_559] {strides = array<i32>} : memref<56x64xf32, #tpu.memory_space<vmem>>, vector<16xf32>,
      %mul3A_561 = arith.mulf %gather3A_517, %get3A_560 : vector<16xf32>
      %add3A_562 = arith.addf %add3A_508, %mul3A_561 : vector<16xf32>
      %get3A_563 = arith.constant 5 : i32
      %get3A_564 = arith.index_cast %get3A_563 : i32 to index
      %get3A_565 = arith.constant 48 : index
      %get3A_566 = tpu.vector_load %arg26[%get3A_564, %get3A_565] {strides = array<i32>} : memref<56x64xf32, #tpu.memory_space<vmem>>, vector<16xf32>,
      %mul3A_567 = arith.mulf %gather3A_520, %get3A_566 : vector<16xf32>
      %add3A_568 = arith.addf %add3A_514, %mul3A_567 : vector<16xf32>
      %broadcast_in_dim3A_569 = arith.constant 6 : i32
      %broadcast_in_dim3A_570 = vector.broadcast %broadcast_in_dim3A_569 : i32 to vector<16xi32>
      %gather3A_571 = tpu.vector_load_idx %arg28[%broadcast_in_dim3A_570] : memref<64xf32, #tpu.memory_space<vmem>>[vector<16xi32>], vector<16xf32>,
      %broadcast_in_dim3A_572 = arith.constant 6 : i32
      %broadcast_in_dim3A_573 = vector.broadcast %broadcast_in_dim3A_572 : i32 to vector<16xi32>
      %gather3A_574 = tpu.vector_load_idx %arg29[%broadcast_in_dim3A_573] : memref<64xf32, #tpu.memory_space<vmem>>[vector<16xi32>], vector<16xf32>,
      %get3A_575 = arith.constant 6 : i32
      %get3A_576 = arith.index_cast %get3A_575 : i32 to index
      %get3A_577 = arith.constant 0 : index
      %get3A_578 = tpu.vector_load %arg25[%get3A_576, %get3A_577] {strides = array<i32>} : memref<56x64xf32, #tpu.memory_space<vmem>>, vector<16xf32>,
      %mul3A_579 = arith.mulf %gather3A_571, %get3A_578 : vector<16xf32>
      %add3A_580 = arith.addf %add3A_526, %mul3A_579 : vector<16xf32>
      %get3A_581 = arith.constant 6 : i32
      %get3A_582 = arith.index_cast %get3A_581 : i32 to index
      %get3A_583 = arith.constant 0 : index
      %get3A_584 = tpu.vector_load %arg26[%get3A_582, %get3A_583] {strides = array<i32>} : memref<56x64xf32, #tpu.memory_space<vmem>>, vector<16xf32>,
      %mul3A_585 = arith.mulf %gather3A_574, %get3A_584 : vector<16xf32>
      %add3A_586 = arith.addf %add3A_532, %mul3A_585 : vector<16xf32>
      %get3A_587 = arith.constant 6 : i32
      %get3A_588 = arith.index_cast %get3A_587 : i32 to index
      %get3A_589 = arith.constant 16 : index
      %get3A_590 = tpu.vector_load %arg25[%get3A_588, %get3A_589] {strides = array<i32>} : memref<56x64xf32, #tpu.memory_space<vmem>>, vector<16xf32>,
      %mul3A_591 = arith.mulf %gather3A_571, %get3A_590 : vector<16xf32>
      %add3A_592 = arith.addf %add3A_538, %mul3A_591 : vector<16xf32>
      %get3A_593 = arith.constant 6 : i32
      %get3A_594 = arith.index_cast %get3A_593 : i32 to index
      %get3A_595 = arith.constant 16 : index
      %get3A_596 = tpu.vector_load %arg26[%get3A_594, %get3A_595] {strides = array<i32>} : memref<56x64xf32, #tpu.memory_space<vmem>>, vector<16xf32>,
      %mul3A_597 = arith.mulf %gather3A_574, %get3A_596 : vector<16xf32>
      %add3A_598 = arith.addf %add3A_544, %mul3A_597 : vector<16xf32>
      %get3A_599 = arith.constant 6 : i32
      %get3A_600 = arith.index_cast %get3A_599 : i32 to index
      %get3A_601 = arith.constant 32 : index
      %get3A_602 = tpu.vector_load %arg25[%get3A_600, %get3A_601] {strides = array<i32>} : memref<56x64xf32, #tpu.memory_space<vmem>>, vector<16xf32>,
      %mul3A_603 = arith.mulf %gather3A_571, %get3A_602 : vector<16xf32>
      %add3A_604 = arith.addf %add3A_550, %mul3A_603 : vector<16xf32>
      %get3A_605 = arith.constant 6 : i32
      %get3A_606 = arith.index_cast %get3A_605 : i32 to index
      %get3A_607 = arith.constant 32 : index
      %get3A_608 = tpu.vector_load %arg26[%get3A_606, %get3A_607] {strides = array<i32>} : memref<56x64xf32, #tpu.memory_space<vmem>>, vector<16xf32>,
      %mul3A_609 = arith.mulf %gather3A_574, %get3A_608 : vector<16xf32>
      %add3A_610 = arith.addf %add3A_556, %mul3A_609 : vector<16xf32>
      %get3A_611 = arith.constant 6 : i32
      %get3A_612 = arith.index_cast %get3A_611 : i32 to index
      %get3A_613 = arith.constant 48 : index
      %get3A_614 = tpu.vector_load %arg25[%get3A_612, %get3A_613] {strides = array<i32>} : memref<56x64xf32, #tpu.memory_space<vmem>>, vector<16xf32>,
      %mul3A_615 = arith.mulf %gather3A_571, %get3A_614 : vector<16xf32>
      %add3A_616 = arith.addf %add3A_562, %mul3A_615 : vector<16xf32>
      %get3A_617 = arith.constant 6 : i32
      %get3A_618 = arith.index_cast %get3A_617 : i32 to index
      %get3A_619 = arith.constant 48 : index
      %get3A_620 = tpu.vector_load %arg26[%get3A_618, %get3A_619] {strides = array<i32>} : memref<56x64xf32, #tpu.memory_space<vmem>>, vector<16xf32>,
      %mul3A_621 = arith.mulf %gather3A_574, %get3A_620 : vector<16xf32>
      %add3A_622 = arith.addf %add3A_568, %mul3A_621 : vector<16xf32>
      %broadcast_in_dim3A_623 = arith.constant 7 : i32
      %broadcast_in_dim3A_624 = vector.broadcast %broadcast_in_dim3A_623 : i32 to vector<16xi32>
      %gather3A_625 = tpu.vector_load_idx %arg28[%broadcast_in_dim3A_624] : memref<64xf32, #tpu.memory_space<vmem>>[vector<16xi32>], vector<16xf32>,
      %broadcast_in_dim3A_626 = arith.constant 7 : i32
      %broadcast_in_dim3A_627 = vector.broadcast %broadcast_in_dim3A_626 : i32 to vector<16xi32>
      %gather3A_628 = tpu.vector_load_idx %arg29[%broadcast_in_dim3A_627] : memref<64xf32, #tpu.memory_space<vmem>>[vector<16xi32>], vector<16xf32>,
      %get3A_629 = arith.constant 7 : i32
      %get3A_630 = arith.index_cast %get3A_629 : i32 to index
      %get3A_631 = arith.constant 0 : index
      %get3A_632 = tpu.vector_load %arg25[%get3A_630, %get3A_631] {strides = array<i32>} : memref<56x64xf32, #tpu.memory_space<vmem>>, vector<16xf32>,
      %mul3A_633 = arith.mulf %gather3A_625, %get3A_632 : vector<16xf32>
      %add3A_634 = arith.addf %add3A_580, %mul3A_633 : vector<16xf32>
      %get3A_635 = arith.constant 7 : i32
      %get3A_636 = arith.index_cast %get3A_635 : i32 to index
      %get3A_637 = arith.constant 0 : index
      %get3A_638 = tpu.vector_load %arg26[%get3A_636, %get3A_637] {strides = array<i32>} : memref<56x64xf32, #tpu.memory_space<vmem>>, vector<16xf32>,
      %mul3A_639 = arith.mulf %gather3A_628, %get3A_638 : vector<16xf32>
      %add3A_640 = arith.addf %add3A_586, %mul3A_639 : vector<16xf32>
      %get3A_641 = arith.constant 7 : i32
      %get3A_642 = arith.index_cast %get3A_641 : i32 to index
      %get3A_643 = arith.constant 16 : index
      %get3A_644 = tpu.vector_load %arg25[%get3A_642, %get3A_643] {strides = array<i32>} : memref<56x64xf32, #tpu.memory_space<vmem>>, vector<16xf32>,
      %mul3A_645 = arith.mulf %gather3A_625, %get3A_644 : vector<16xf32>
      %add3A_646 = arith.addf %add3A_592, %mul3A_645 : vector<16xf32>
      %get3A_647 = arith.constant 7 : i32
      %get3A_648 = arith.index_cast %get3A_647 : i32 to index
      %get3A_649 = arith.constant 16 : index
      %get3A_650 = tpu.vector_load %arg26[%get3A_648, %get3A_649] {strides = array<i32>} : memref<56x64xf32, #tpu.memory_space<vmem>>, vector<16xf32>,
      %mul3A_651 = arith.mulf %gather3A_628, %get3A_650 : vector<16xf32>
      %add3A_652 = arith.addf %add3A_598, %mul3A_651 : vector<16xf32>
      %get3A_653 = arith.constant 7 : i32
      %get3A_654 = arith.index_cast %get3A_653 : i32 to index
      %get3A_655 = arith.constant 32 : index
      %get3A_656 = tpu.vector_load %arg25[%get3A_654, %get3A_655] {strides = array<i32>} : memref<56x64xf32, #tpu.memory_space<vmem>>, vector<16xf32>,
      %mul3A_657 = arith.mulf %gather3A_625, %get3A_656 : vector<16xf32>
      %add3A_658 = arith.addf %add3A_604, %mul3A_657 : vector<16xf32>
      %get3A_659 = arith.constant 7 : i32
      %get3A_660 = arith.index_cast %get3A_659 : i32 to index
      %get3A_661 = arith.constant 32 : index
      %get3A_662 = tpu.vector_load %arg26[%get3A_660, %get3A_661] {strides = array<i32>} : memref<56x64xf32, #tpu.memory_space<vmem>>, vector<16xf32>,
      %mul3A_663 = arith.mulf %gather3A_628, %get3A_662 : vector<16xf32>
      %add3A_664 = arith.addf %add3A_610, %mul3A_663 : vector<16xf32>
      %get3A_665 = arith.constant 7 : i32
      %get3A_666 = arith.index_cast %get3A_665 : i32 to index
      %get3A_667 = arith.constant 48 : index
      %get3A_668 = tpu.vector_load %arg25[%get3A_666, %get3A_667] {strides = array<i32>} : memref<56x64xf32, #tpu.memory_space<vmem>>, vector<16xf32>,
      %mul3A_669 = arith.mulf %gather3A_625, %get3A_668 : vector<16xf32>
      %add3A_670 = arith.addf %add3A_616, %mul3A_669 : vector<16xf32>
      %get3A_671 = arith.constant 7 : i32
      %get3A_672 = arith.index_cast %get3A_671 : i32 to index
      %get3A_673 = arith.constant 48 : index
      %get3A_674 = tpu.vector_load %arg26[%get3A_672, %get3A_673] {strides = array<i32>} : memref<56x64xf32, #tpu.memory_space<vmem>>, vector<16xf32>,
      %mul3A_675 = arith.mulf %gather3A_628, %get3A_674 : vector<16xf32>
      %add3A_676 = arith.addf %add3A_622, %mul3A_675 : vector<16xf32>
      %broadcast_in_dim3A_677 = arith.constant 8 : i32
      %broadcast_in_dim3A_678 = vector.broadcast %broadcast_in_dim3A_677 : i32 to vector<16xi32>
      %gather3A_679 = tpu.vector_load_idx %arg28[%broadcast_in_dim3A_678] : memref<64xf32, #tpu.memory_space<vmem>>[vector<16xi32>], vector<16xf32>,
      %broadcast_in_dim3A_680 = arith.constant 8 : i32
      %broadcast_in_dim3A_681 = vector.broadcast %broadcast_in_dim3A_680 : i32 to vector<16xi32>
      %gather3A_682 = tpu.vector_load_idx %arg29[%broadcast_in_dim3A_681] : memref<64xf32, #tpu.memory_space<vmem>>[vector<16xi32>], vector<16xf32>,
      %get3A_683 = arith.constant 8 : i32
      %get3A_684 = arith.index_cast %get3A_683 : i32 to index
      %get3A_685 = arith.constant 0 : index
      %get3A_686 = tpu.vector_load %arg25[%get3A_684, %get3A_685] {strides = array<i32>} : memref<56x64xf32, #tpu.memory_space<vmem>>, vector<16xf32>,
      %mul3A_687 = arith.mulf %gather3A_679, %get3A_686 : vector<16xf32>
      %add3A_688 = arith.addf %add3A_634, %mul3A_687 : vector<16xf32>
      %get3A_689 = arith.constant 8 : i32
      %get3A_690 = arith.index_cast %get3A_689 : i32 to index
      %get3A_691 = arith.constant 0 : index
      %get3A_692 = tpu.vector_load %arg26[%get3A_690, %get3A_691] {strides = array<i32>} : memref<56x64xf32, #tpu.memory_space<vmem>>, vector<16xf32>,
      %mul3A_693 = arith.mulf %gather3A_682, %get3A_692 : vector<16xf32>
      %add3A_694 = arith.addf %add3A_640, %mul3A_693 : vector<16xf32>
      %get3A_695 = arith.constant 8 : i32
      %get3A_696 = arith.index_cast %get3A_695 : i32 to index
      %get3A_697 = arith.constant 16 : index
      %get3A_698 = tpu.vector_load %arg25[%get3A_696, %get3A_697] {strides = array<i32>} : memref<56x64xf32, #tpu.memory_space<vmem>>, vector<16xf32>,
      %mul3A_699 = arith.mulf %gather3A_679, %get3A_698 : vector<16xf32>
      %add3A_700 = arith.addf %add3A_646, %mul3A_699 : vector<16xf32>
      %get3A_701 = arith.constant 8 : i32
      %get3A_702 = arith.index_cast %get3A_701 : i32 to index
      %get3A_703 = arith.constant 16 : index
      %get3A_704 = tpu.vector_load %arg26[%get3A_702, %get3A_703] {strides = array<i32>} : memref<56x64xf32, #tpu.memory_space<vmem>>, vector<16xf32>,
      %mul3A_705 = arith.mulf %gather3A_682, %get3A_704 : vector<16xf32>
      %add3A_706 = arith.addf %add3A_652, %mul3A_705 : vector<16xf32>
      %get3A_707 = arith.constant 8 : i32
      %get3A_708 = arith.index_cast %get3A_707 : i32 to index
      %get3A_709 = arith.constant 32 : index
      %get3A_710 = tpu.vector_load %arg25[%get3A_708, %get3A_709] {strides = array<i32>} : memref<56x64xf32, #tpu.memory_space<vmem>>, vector<16xf32>,
      %mul3A_711 = arith.mulf %gather3A_679, %get3A_710 : vector<16xf32>
      %add3A_712 = arith.addf %add3A_658, %mul3A_711 : vector<16xf32>
      %get3A_713 = arith.constant 8 : i32
      %get3A_714 = arith.index_cast %get3A_713 : i32 to index
      %get3A_715 = arith.constant 32 : index
      %get3A_716 = tpu.vector_load %arg26[%get3A_714, %get3A_715] {strides = array<i32>} : memref<56x64xf32, #tpu.memory_space<vmem>>, vector<16xf32>,
      %mul3A_717 = arith.mulf %gather3A_682, %get3A_716 : vector<16xf32>
      %add3A_718 = arith.addf %add3A_664, %mul3A_717 : vector<16xf32>
      %get3A_719 = arith.constant 8 : i32
      %get3A_720 = arith.index_cast %get3A_719 : i32 to index
      %get3A_721 = arith.constant 48 : index
      %get3A_722 = tpu.vector_load %arg25[%get3A_720, %get3A_721] {strides = array<i32>} : memref<56x64xf32, #tpu.memory_space<vmem>>, vector<16xf32>,
      %mul3A_723 = arith.mulf %gather3A_679, %get3A_722 : vector<16xf32>
      %add3A_724 = arith.addf %add3A_670, %mul3A_723 : vector<16xf32>
      %get3A_725 = arith.constant 8 : i32
      %get3A_726 = arith.index_cast %get3A_725 : i32 to index
      %get3A_727 = arith.constant 48 : index
      %get3A_728 = tpu.vector_load %arg26[%get3A_726, %get3A_727] {strides = array<i32>} : memref<56x64xf32, #tpu.memory_space<vmem>>, vector<16xf32>,
      %mul3A_729 = arith.mulf %gather3A_682, %get3A_728 : vector<16xf32>
      %add3A_730 = arith.addf %add3A_676, %mul3A_729 : vector<16xf32>
      %broadcast_in_dim3A_731 = arith.constant 9 : i32
      %broadcast_in_dim3A_732 = vector.broadcast %broadcast_in_dim3A_731 : i32 to vector<16xi32>
      %gather3A_733 = tpu.vector_load_idx %arg28[%broadcast_in_dim3A_732] : memref<64xf32, #tpu.memory_space<vmem>>[vector<16xi32>], vector<16xf32>,
      %broadcast_in_dim3A_734 = arith.constant 9 : i32
      %broadcast_in_dim3A_735 = vector.broadcast %broadcast_in_dim3A_734 : i32 to vector<16xi32>
      %gather3A_736 = tpu.vector_load_idx %arg29[%broadcast_in_dim3A_735] : memref<64xf32, #tpu.memory_space<vmem>>[vector<16xi32>], vector<16xf32>,
      %get3A_737 = arith.constant 9 : i32
      %get3A_738 = arith.index_cast %get3A_737 : i32 to index
      %get3A_739 = arith.constant 0 : index
      %get3A_740 = tpu.vector_load %arg25[%get3A_738, %get3A_739] {strides = array<i32>} : memref<56x64xf32, #tpu.memory_space<vmem>>, vector<16xf32>,
      %mul3A_741 = arith.mulf %gather3A_733, %get3A_740 : vector<16xf32>
      %add3A_742 = arith.addf %add3A_688, %mul3A_741 : vector<16xf32>
      %get3A_743 = arith.constant 9 : i32
      %get3A_744 = arith.index_cast %get3A_743 : i32 to index
      %get3A_745 = arith.constant 0 : index
      %get3A_746 = tpu.vector_load %arg26[%get3A_744, %get3A_745] {strides = array<i32>} : memref<56x64xf32, #tpu.memory_space<vmem>>, vector<16xf32>,
      %mul3A_747 = arith.mulf %gather3A_736, %get3A_746 : vector<16xf32>
      %add3A_748 = arith.addf %add3A_694, %mul3A_747 : vector<16xf32>
      %get3A_749 = arith.constant 9 : i32
      %get3A_750 = arith.index_cast %get3A_749 : i32 to index
      %get3A_751 = arith.constant 16 : index
      %get3A_752 = tpu.vector_load %arg25[%get3A_750, %get3A_751] {strides = array<i32>} : memref<56x64xf32, #tpu.memory_space<vmem>>, vector<16xf32>,
      %mul3A_753 = arith.mulf %gather3A_733, %get3A_752 : vector<16xf32>
      %add3A_754 = arith.addf %add3A_700, %mul3A_753 : vector<16xf32>
      %get3A_755 = arith.constant 9 : i32
      %get3A_756 = arith.index_cast %get3A_755 : i32 to index
      %get3A_757 = arith.constant 16 : index
      %get3A_758 = tpu.vector_load %arg26[%get3A_756, %get3A_757] {strides = array<i32>} : memref<56x64xf32, #tpu.memory_space<vmem>>, vector<16xf32>,
      %mul3A_759 = arith.mulf %gather3A_736, %get3A_758 : vector<16xf32>
      %add3A_760 = arith.addf %add3A_706, %mul3A_759 : vector<16xf32>
      %get3A_761 = arith.constant 9 : i32
      %get3A_762 = arith.index_cast %get3A_761 : i32 to index
      %get3A_763 = arith.constant 32 : index
      %get3A_764 = tpu.vector_load %arg25[%get3A_762, %get3A_763] {strides = array<i32>} : memref<56x64xf32, #tpu.memory_space<vmem>>, vector<16xf32>,
      %mul3A_765 = arith.mulf %gather3A_733, %get3A_764 : vector<16xf32>
      %add3A_766 = arith.addf %add3A_712, %mul3A_765 : vector<16xf32>
      %get3A_767 = arith.constant 9 : i32
      %get3A_768 = arith.index_cast %get3A_767 : i32 to index
      %get3A_769 = arith.constant 32 : index
      %get3A_770 = tpu.vector_load %arg26[%get3A_768, %get3A_769] {strides = array<i32>} : memref<56x64xf32, #tpu.memory_space<vmem>>, vector<16xf32>,
      %mul3A_771 = arith.mulf %gather3A_736, %get3A_770 : vector<16xf32>
      %add3A_772 = arith.addf %add3A_718, %mul3A_771 : vector<16xf32>
      %get3A_773 = arith.constant 9 : i32
      %get3A_774 = arith.index_cast %get3A_773 : i32 to index
      %get3A_775 = arith.constant 48 : index
      %get3A_776 = tpu.vector_load %arg25[%get3A_774, %get3A_775] {strides = array<i32>} : memref<56x64xf32, #tpu.memory_space<vmem>>, vector<16xf32>,
      %mul3A_777 = arith.mulf %gather3A_733, %get3A_776 : vector<16xf32>
      %add3A_778 = arith.addf %add3A_724, %mul3A_777 : vector<16xf32>
      %get3A_779 = arith.constant 9 : i32
      %get3A_780 = arith.index_cast %get3A_779 : i32 to index
      %get3A_781 = arith.constant 48 : index
      %get3A_782 = tpu.vector_load %arg26[%get3A_780, %get3A_781] {strides = array<i32>} : memref<56x64xf32, #tpu.memory_space<vmem>>, vector<16xf32>,
      %mul3A_783 = arith.mulf %gather3A_736, %get3A_782 : vector<16xf32>
      %add3A_784 = arith.addf %add3A_730, %mul3A_783 : vector<16xf32>
      %broadcast_in_dim3A_785 = arith.constant 10 : i32
      %broadcast_in_dim3A_786 = vector.broadcast %broadcast_in_dim3A_785 : i32 to vector<16xi32>
      %gather3A_787 = tpu.vector_load_idx %arg28[%broadcast_in_dim3A_786] : memref<64xf32, #tpu.memory_space<vmem>>[vector<16xi32>], vector<16xf32>,
      %broadcast_in_dim3A_788 = arith.constant 10 : i32
      %broadcast_in_dim3A_789 = vector.broadcast %broadcast_in_dim3A_788 : i32 to vector<16xi32>
      %gather3A_790 = tpu.vector_load_idx %arg29[%broadcast_in_dim3A_789] : memref<64xf32, #tpu.memory_space<vmem>>[vector<16xi32>], vector<16xf32>,
      %get3A_791 = arith.constant 10 : i32
      %get3A_792 = arith.index_cast %get3A_791 : i32 to index
      %get3A_793 = arith.constant 0 : index
      %get3A_794 = tpu.vector_load %arg25[%get3A_792, %get3A_793] {strides = array<i32>} : memref<56x64xf32, #tpu.memory_space<vmem>>, vector<16xf32>,
      %mul3A_795 = arith.mulf %gather3A_787, %get3A_794 : vector<16xf32>
      %add3A_796 = arith.addf %add3A_742, %mul3A_795 : vector<16xf32>
      %get3A_797 = arith.constant 10 : i32
      %get3A_798 = arith.index_cast %get3A_797 : i32 to index
      %get3A_799 = arith.constant 0 : index
      %get3A_800 = tpu.vector_load %arg26[%get3A_798, %get3A_799] {strides = array<i32>} : memref<56x64xf32, #tpu.memory_space<vmem>>, vector<16xf32>,
      %mul3A_801 = arith.mulf %gather3A_790, %get3A_800 : vector<16xf32>
      %add3A_802 = arith.addf %add3A_748, %mul3A_801 : vector<16xf32>
      %get3A_803 = arith.constant 10 : i32
      %get3A_804 = arith.index_cast %get3A_803 : i32 to index
      %get3A_805 = arith.constant 16 : index
      %get3A_806 = tpu.vector_load %arg25[%get3A_804, %get3A_805] {strides = array<i32>} : memref<56x64xf32, #tpu.memory_space<vmem>>, vector<16xf32>,
      %mul3A_807 = arith.mulf %gather3A_787, %get3A_806 : vector<16xf32>
      %add3A_808 = arith.addf %add3A_754, %mul3A_807 : vector<16xf32>
      %get3A_809 = arith.constant 10 : i32
      %get3A_810 = arith.index_cast %get3A_809 : i32 to index
      %get3A_811 = arith.constant 16 : index
      %get3A_812 = tpu.vector_load %arg26[%get3A_810, %get3A_811] {strides = array<i32>} : memref<56x64xf32, #tpu.memory_space<vmem>>, vector<16xf32>,
      %mul3A_813 = arith.mulf %gather3A_790, %get3A_812 : vector<16xf32>
      %add3A_814 = arith.addf %add3A_760, %mul3A_813 : vector<16xf32>
      %get3A_815 = arith.constant 10 : i32
      %get3A_816 = arith.index_cast %get3A_815 : i32 to index
      %get3A_817 = arith.constant 32 : index
      %get3A_818 = tpu.vector_load %arg25[%get3A_816, %get3A_817] {strides = array<i32>} : memref<56x64xf32, #tpu.memory_space<vmem>>, vector<16xf32>,
      %mul3A_819 = arith.mulf %gather3A_787, %get3A_818 : vector<16xf32>
      %add3A_820 = arith.addf %add3A_766, %mul3A_819 : vector<16xf32>
      %get3A_821 = arith.constant 10 : i32
      %get3A_822 = arith.index_cast %get3A_821 : i32 to index
      %get3A_823 = arith.constant 32 : index
      %get3A_824 = tpu.vector_load %arg26[%get3A_822, %get3A_823] {strides = array<i32>} : memref<56x64xf32, #tpu.memory_space<vmem>>, vector<16xf32>,
      %mul3A_825 = arith.mulf %gather3A_790, %get3A_824 : vector<16xf32>
      %add3A_826 = arith.addf %add3A_772, %mul3A_825 : vector<16xf32>
      %get3A_827 = arith.constant 10 : i32
      %get3A_828 = arith.index_cast %get3A_827 : i32 to index
      %get3A_829 = arith.constant 48 : index
      %get3A_830 = tpu.vector_load %arg25[%get3A_828, %get3A_829] {strides = array<i32>} : memref<56x64xf32, #tpu.memory_space<vmem>>, vector<16xf32>,
      %mul3A_831 = arith.mulf %gather3A_787, %get3A_830 : vector<16xf32>
      %add3A_832 = arith.addf %add3A_778, %mul3A_831 : vector<16xf32>
      %get3A_833 = arith.constant 10 : i32
      %get3A_834 = arith.index_cast %get3A_833 : i32 to index
      %get3A_835 = arith.constant 48 : index
      %get3A_836 = tpu.vector_load %arg26[%get3A_834, %get3A_835] {strides = array<i32>} : memref<56x64xf32, #tpu.memory_space<vmem>>, vector<16xf32>,
      %mul3A_837 = arith.mulf %gather3A_790, %get3A_836 : vector<16xf32>
      %add3A_838 = arith.addf %add3A_784, %mul3A_837 : vector<16xf32>
      %broadcast_in_dim3A_839 = arith.constant 11 : i32
      %broadcast_in_dim3A_840 = vector.broadcast %broadcast_in_dim3A_839 : i32 to vector<16xi32>
      %gather3A_841 = tpu.vector_load_idx %arg28[%broadcast_in_dim3A_840] : memref<64xf32, #tpu.memory_space<vmem>>[vector<16xi32>], vector<16xf32>,
      %broadcast_in_dim3A_842 = arith.constant 11 : i32
      %broadcast_in_dim3A_843 = vector.broadcast %broadcast_in_dim3A_842 : i32 to vector<16xi32>
      %gather3A_844 = tpu.vector_load_idx %arg29[%broadcast_in_dim3A_843] : memref<64xf32, #tpu.memory_space<vmem>>[vector<16xi32>], vector<16xf32>,
      %get3A_845 = arith.constant 11 : i32
      %get3A_846 = arith.index_cast %get3A_845 : i32 to index
      %get3A_847 = arith.constant 0 : index
      %get3A_848 = tpu.vector_load %arg25[%get3A_846, %get3A_847] {strides = array<i32>} : memref<56x64xf32, #tpu.memory_space<vmem>>, vector<16xf32>,
      %mul3A_849 = arith.mulf %gather3A_841, %get3A_848 : vector<16xf32>
      %add3A_850 = arith.addf %add3A_796, %mul3A_849 : vector<16xf32>
      %get3A_851 = arith.constant 11 : i32
      %get3A_852 = arith.index_cast %get3A_851 : i32 to index
      %get3A_853 = arith.constant 0 : index
      %get3A_854 = tpu.vector_load %arg26[%get3A_852, %get3A_853] {strides = array<i32>} : memref<56x64xf32, #tpu.memory_space<vmem>>, vector<16xf32>,
      %mul3A_855 = arith.mulf %gather3A_844, %get3A_854 : vector<16xf32>
      %add3A_856 = arith.addf %add3A_802, %mul3A_855 : vector<16xf32>
      %get3A_857 = arith.constant 11 : i32
      %get3A_858 = arith.index_cast %get3A_857 : i32 to index
      %get3A_859 = arith.constant 16 : index
      %get3A_860 = tpu.vector_load %arg25[%get3A_858, %get3A_859] {strides = array<i32>} : memref<56x64xf32, #tpu.memory_space<vmem>>, vector<16xf32>,
      %mul3A_861 = arith.mulf %gather3A_841, %get3A_860 : vector<16xf32>
      %add3A_862 = arith.addf %add3A_808, %mul3A_861 : vector<16xf32>
      %get3A_863 = arith.constant 11 : i32
      %get3A_864 = arith.index_cast %get3A_863 : i32 to index
      %get3A_865 = arith.constant 16 : index
      %get3A_866 = tpu.vector_load %arg26[%get3A_864, %get3A_865] {strides = array<i32>} : memref<56x64xf32, #tpu.memory_space<vmem>>, vector<16xf32>,
      %mul3A_867 = arith.mulf %gather3A_844, %get3A_866 : vector<16xf32>
      %add3A_868 = arith.addf %add3A_814, %mul3A_867 : vector<16xf32>
      %get3A_869 = arith.constant 11 : i32
      %get3A_870 = arith.index_cast %get3A_869 : i32 to index
      %get3A_871 = arith.constant 32 : index
      %get3A_872 = tpu.vector_load %arg25[%get3A_870, %get3A_871] {strides = array<i32>} : memref<56x64xf32, #tpu.memory_space<vmem>>, vector<16xf32>,
      %mul3A_873 = arith.mulf %gather3A_841, %get3A_872 : vector<16xf32>
      %add3A_874 = arith.addf %add3A_820, %mul3A_873 : vector<16xf32>
      %get3A_875 = arith.constant 11 : i32
      %get3A_876 = arith.index_cast %get3A_875 : i32 to index
      %get3A_877 = arith.constant 32 : index
      %get3A_878 = tpu.vector_load %arg26[%get3A_876, %get3A_877] {strides = array<i32>} : memref<56x64xf32, #tpu.memory_space<vmem>>, vector<16xf32>,
      %mul3A_879 = arith.mulf %gather3A_844, %get3A_878 : vector<16xf32>
      %add3A_880 = arith.addf %add3A_826, %mul3A_879 : vector<16xf32>
      %get3A_881 = arith.constant 11 : i32
      %get3A_882 = arith.index_cast %get3A_881 : i32 to index
      %get3A_883 = arith.constant 48 : index
      %get3A_884 = tpu.vector_load %arg25[%get3A_882, %get3A_883] {strides = array<i32>} : memref<56x64xf32, #tpu.memory_space<vmem>>, vector<16xf32>,
      %mul3A_885 = arith.mulf %gather3A_841, %get3A_884 : vector<16xf32>
      %add3A_886 = arith.addf %add3A_832, %mul3A_885 : vector<16xf32>
      %get3A_887 = arith.constant 11 : i32
      %get3A_888 = arith.index_cast %get3A_887 : i32 to index
      %get3A_889 = arith.constant 48 : index
      %get3A_890 = tpu.vector_load %arg26[%get3A_888, %get3A_889] {strides = array<i32>} : memref<56x64xf32, #tpu.memory_space<vmem>>, vector<16xf32>,
      %mul3A_891 = arith.mulf %gather3A_844, %get3A_890 : vector<16xf32>
      %add3A_892 = arith.addf %add3A_838, %mul3A_891 : vector<16xf32>
      %broadcast_in_dim3A_893 = arith.constant 12 : i32
      %broadcast_in_dim3A_894 = vector.broadcast %broadcast_in_dim3A_893 : i32 to vector<16xi32>
      %gather3A_895 = tpu.vector_load_idx %arg28[%broadcast_in_dim3A_894] : memref<64xf32, #tpu.memory_space<vmem>>[vector<16xi32>], vector<16xf32>,
      %broadcast_in_dim3A_896 = arith.constant 12 : i32
      %broadcast_in_dim3A_897 = vector.broadcast %broadcast_in_dim3A_896 : i32 to vector<16xi32>
      %gather3A_898 = tpu.vector_load_idx %arg29[%broadcast_in_dim3A_897] : memref<64xf32, #tpu.memory_space<vmem>>[vector<16xi32>], vector<16xf32>,
      %get3A_899 = arith.constant 12 : i32
      %get3A_900 = arith.index_cast %get3A_899 : i32 to index
      %get3A_901 = arith.constant 0 : index
      %get3A_902 = tpu.vector_load %arg25[%get3A_900, %get3A_901] {strides = array<i32>} : memref<56x64xf32, #tpu.memory_space<vmem>>, vector<16xf32>,
      %mul3A_903 = arith.mulf %gather3A_895, %get3A_902 : vector<16xf32>
      %add3A_904 = arith.addf %add3A_850, %mul3A_903 : vector<16xf32>
      %get3A_905 = arith.constant 12 : i32
      %get3A_906 = arith.index_cast %get3A_905 : i32 to index
      %get3A_907 = arith.constant 0 : index
      %get3A_908 = tpu.vector_load %arg26[%get3A_906, %get3A_907] {strides = array<i32>} : memref<56x64xf32, #tpu.memory_space<vmem>>, vector<16xf32>,
      %mul3A_909 = arith.mulf %gather3A_898, %get3A_908 : vector<16xf32>
      %add3A_910 = arith.addf %add3A_856, %mul3A_909 : vector<16xf32>
      %get3A_911 = arith.constant 12 : i32
      %get3A_912 = arith.index_cast %get3A_911 : i32 to index
      %get3A_913 = arith.constant 16 : index
      %get3A_914 = tpu.vector_load %arg25[%get3A_912, %get3A_913] {strides = array<i32>} : memref<56x64xf32, #tpu.memory_space<vmem>>, vector<16xf32>,
      %mul3A_915 = arith.mulf %gather3A_895, %get3A_914 : vector<16xf32>
      %add3A_916 = arith.addf %add3A_862, %mul3A_915 : vector<16xf32>
      %get3A_917 = arith.constant 12 : i32
      %get3A_918 = arith.index_cast %get3A_917 : i32 to index
      %get3A_919 = arith.constant 16 : index
      %get3A_920 = tpu.vector_load %arg26[%get3A_918, %get3A_919] {strides = array<i32>} : memref<56x64xf32, #tpu.memory_space<vmem>>, vector<16xf32>,
      %mul3A_921 = arith.mulf %gather3A_898, %get3A_920 : vector<16xf32>
      %add3A_922 = arith.addf %add3A_868, %mul3A_921 : vector<16xf32>
      %get3A_923 = arith.constant 12 : i32
      %get3A_924 = arith.index_cast %get3A_923 : i32 to index
      %get3A_925 = arith.constant 32 : index
      %get3A_926 = tpu.vector_load %arg25[%get3A_924, %get3A_925] {strides = array<i32>} : memref<56x64xf32, #tpu.memory_space<vmem>>, vector<16xf32>,
      %mul3A_927 = arith.mulf %gather3A_895, %get3A_926 : vector<16xf32>
      %add3A_928 = arith.addf %add3A_874, %mul3A_927 : vector<16xf32>
      %get3A_929 = arith.constant 12 : i32
      %get3A_930 = arith.index_cast %get3A_929 : i32 to index
      %get3A_931 = arith.constant 32 : index
      %get3A_932 = tpu.vector_load %arg26[%get3A_930, %get3A_931] {strides = array<i32>} : memref<56x64xf32, #tpu.memory_space<vmem>>, vector<16xf32>,
      %mul3A_933 = arith.mulf %gather3A_898, %get3A_932 : vector<16xf32>
      %add3A_934 = arith.addf %add3A_880, %mul3A_933 : vector<16xf32>
      %get3A_935 = arith.constant 12 : i32
      %get3A_936 = arith.index_cast %get3A_935 : i32 to index
      %get3A_937 = arith.constant 48 : index
      %get3A_938 = tpu.vector_load %arg25[%get3A_936, %get3A_937] {strides = array<i32>} : memref<56x64xf32, #tpu.memory_space<vmem>>, vector<16xf32>,
      %mul3A_939 = arith.mulf %gather3A_895, %get3A_938 : vector<16xf32>
      %add3A_940 = arith.addf %add3A_886, %mul3A_939 : vector<16xf32>
      %get3A_941 = arith.constant 12 : i32
      %get3A_942 = arith.index_cast %get3A_941 : i32 to index
      %get3A_943 = arith.constant 48 : index
      %get3A_944 = tpu.vector_load %arg26[%get3A_942, %get3A_943] {strides = array<i32>} : memref<56x64xf32, #tpu.memory_space<vmem>>, vector<16xf32>,
      %mul3A_945 = arith.mulf %gather3A_898, %get3A_944 : vector<16xf32>
      %add3A_946 = arith.addf %add3A_892, %mul3A_945 : vector<16xf32>
      %broadcast_in_dim3A_947 = arith.constant 13 : i32
      %broadcast_in_dim3A_948 = vector.broadcast %broadcast_in_dim3A_947 : i32 to vector<16xi32>
      %gather3A_949 = tpu.vector_load_idx %arg28[%broadcast_in_dim3A_948] : memref<64xf32, #tpu.memory_space<vmem>>[vector<16xi32>], vector<16xf32>,
      %broadcast_in_dim3A_950 = arith.constant 13 : i32
      %broadcast_in_dim3A_951 = vector.broadcast %broadcast_in_dim3A_950 : i32 to vector<16xi32>
      %gather3A_952 = tpu.vector_load_idx %arg29[%broadcast_in_dim3A_951] : memref<64xf32, #tpu.memory_space<vmem>>[vector<16xi32>], vector<16xf32>,
      %get3A_953 = arith.constant 13 : i32
      %get3A_954 = arith.index_cast %get3A_953 : i32 to index
      %get3A_955 = arith.constant 0 : index
      %get3A_956 = tpu.vector_load %arg25[%get3A_954, %get3A_955] {strides = array<i32>} : memref<56x64xf32, #tpu.memory_space<vmem>>, vector<16xf32>,
      %mul3A_957 = arith.mulf %gather3A_949, %get3A_956 : vector<16xf32>
      %add3A_958 = arith.addf %add3A_904, %mul3A_957 : vector<16xf32>
      %get3A_959 = arith.constant 13 : i32
      %get3A_960 = arith.index_cast %get3A_959 : i32 to index
      %get3A_961 = arith.constant 0 : index
      %get3A_962 = tpu.vector_load %arg26[%get3A_960, %get3A_961] {strides = array<i32>} : memref<56x64xf32, #tpu.memory_space<vmem>>, vector<16xf32>,
      %mul3A_963 = arith.mulf %gather3A_952, %get3A_962 : vector<16xf32>
      %add3A_964 = arith.addf %add3A_910, %mul3A_963 : vector<16xf32>
      %get3A_965 = arith.constant 13 : i32
      %get3A_966 = arith.index_cast %get3A_965 : i32 to index
      %get3A_967 = arith.constant 16 : index
      %get3A_968 = tpu.vector_load %arg25[%get3A_966, %get3A_967] {strides = array<i32>} : memref<56x64xf32, #tpu.memory_space<vmem>>, vector<16xf32>,
      %mul3A_969 = arith.mulf %gather3A_949, %get3A_968 : vector<16xf32>
      %add3A_970 = arith.addf %add3A_916, %mul3A_969 : vector<16xf32>
      %get3A_971 = arith.constant 13 : i32
      %get3A_972 = arith.index_cast %get3A_971 : i32 to index
      %get3A_973 = arith.constant 16 : index
      %get3A_974 = tpu.vector_load %arg26[%get3A_972, %get3A_973] {strides = array<i32>} : memref<56x64xf32, #tpu.memory_space<vmem>>, vector<16xf32>,
      %mul3A_975 = arith.mulf %gather3A_952, %get3A_974 : vector<16xf32>
      %add3A_976 = arith.addf %add3A_922, %mul3A_975 : vector<16xf32>
      %get3A_977 = arith.constant 13 : i32
      %get3A_978 = arith.index_cast %get3A_977 : i32 to index
      %get3A_979 = arith.constant 32 : index
      %get3A_980 = tpu.vector_load %arg25[%get3A_978, %get3A_979] {strides = array<i32>} : memref<56x64xf32, #tpu.memory_space<vmem>>, vector<16xf32>,
      %mul3A_981 = arith.mulf %gather3A_949, %get3A_980 : vector<16xf32>
      %add3A_982 = arith.addf %add3A_928, %mul3A_981 : vector<16xf32>
      %get3A_983 = arith.constant 13 : i32
      %get3A_984 = arith.index_cast %get3A_983 : i32 to index
      %get3A_985 = arith.constant 32 : index
      %get3A_986 = tpu.vector_load %arg26[%get3A_984, %get3A_985] {strides = array<i32>} : memref<56x64xf32, #tpu.memory_space<vmem>>, vector<16xf32>,
      %mul3A_987 = arith.mulf %gather3A_952, %get3A_986 : vector<16xf32>
      %add3A_988 = arith.addf %add3A_934, %mul3A_987 : vector<16xf32>
      %get3A_989 = arith.constant 13 : i32
      %get3A_990 = arith.index_cast %get3A_989 : i32 to index
      %get3A_991 = arith.constant 48 : index
      %get3A_992 = tpu.vector_load %arg25[%get3A_990, %get3A_991] {strides = array<i32>} : memref<56x64xf32, #tpu.memory_space<vmem>>, vector<16xf32>,
      %mul3A_993 = arith.mulf %gather3A_949, %get3A_992 : vector<16xf32>
      %add3A_994 = arith.addf %add3A_940, %mul3A_993 : vector<16xf32>
      %get3A_995 = arith.constant 13 : i32
      %get3A_996 = arith.index_cast %get3A_995 : i32 to index
      %get3A_997 = arith.constant 48 : index
      %get3A_998 = tpu.vector_load %arg26[%get3A_996, %get3A_997] {strides = array<i32>} : memref<56x64xf32, #tpu.memory_space<vmem>>, vector<16xf32>,
      %mul3A_999 = arith.mulf %gather3A_952, %get3A_998 : vector<16xf32>
      %add3A_1000 = arith.addf %add3A_946, %mul3A_999 : vector<16xf32>
      %broadcast_in_dim3A_1001 = arith.constant 14 : i32
      %broadcast_in_dim3A_1002 = vector.broadcast %broadcast_in_dim3A_1001 : i32 to vector<16xi32>
      %gather3A_1003 = tpu.vector_load_idx %arg28[%broadcast_in_dim3A_1002] : memref<64xf32, #tpu.memory_space<vmem>>[vector<16xi32>], vector<16xf32>,
      %broadcast_in_dim3A_1004 = arith.constant 14 : i32
      %broadcast_in_dim3A_1005 = vector.broadcast %broadcast_in_dim3A_1004 : i32 to vector<16xi32>
      %gather3A_1006 = tpu.vector_load_idx %arg29[%broadcast_in_dim3A_1005] : memref<64xf32, #tpu.memory_space<vmem>>[vector<16xi32>], vector<16xf32>,
      %get3A_1007 = arith.constant 14 : i32
      %get3A_1008 = arith.index_cast %get3A_1007 : i32 to index
      %get3A_1009 = arith.constant 0 : index
      %get3A_1010 = tpu.vector_load %arg25[%get3A_1008, %get3A_1009] {strides = array<i32>} : memref<56x64xf32, #tpu.memory_space<vmem>>, vector<16xf32>,
      %mul3A_1011 = arith.mulf %gather3A_1003, %get3A_1010 : vector<16xf32>
      %add3A_1012 = arith.addf %add3A_958, %mul3A_1011 : vector<16xf32>
      %get3A_1013 = arith.constant 14 : i32
      %get3A_1014 = arith.index_cast %get3A_1013 : i32 to index
      %get3A_1015 = arith.constant 0 : index
      %get3A_1016 = tpu.vector_load %arg26[%get3A_1014, %get3A_1015] {strides = array<i32>} : memref<56x64xf32, #tpu.memory_space<vmem>>, vector<16xf32>,
      %mul3A_1017 = arith.mulf %gather3A_1006, %get3A_1016 : vector<16xf32>
      %add3A_1018 = arith.addf %add3A_964, %mul3A_1017 : vector<16xf32>
      %get3A_1019 = arith.constant 14 : i32
      %get3A_1020 = arith.index_cast %get3A_1019 : i32 to index
      %get3A_1021 = arith.constant 16 : index
      %get3A_1022 = tpu.vector_load %arg25[%get3A_1020, %get3A_1021] {strides = array<i32>} : memref<56x64xf32, #tpu.memory_space<vmem>>, vector<16xf32>,
      %mul3A_1023 = arith.mulf %gather3A_1003, %get3A_1022 : vector<16xf32>
      %add3A_1024 = arith.addf %add3A_970, %mul3A_1023 : vector<16xf32>
      %get3A_1025 = arith.constant 14 : i32
      %get3A_1026 = arith.index_cast %get3A_1025 : i32 to index
      %get3A_1027 = arith.constant 16 : index
      %get3A_1028 = tpu.vector_load %arg26[%get3A_1026, %get3A_1027] {strides = array<i32>} : memref<56x64xf32, #tpu.memory_space<vmem>>, vector<16xf32>,
      %mul3A_1029 = arith.mulf %gather3A_1006, %get3A_1028 : vector<16xf32>
      %add3A_1030 = arith.addf %add3A_976, %mul3A_1029 : vector<16xf32>
      %get3A_1031 = arith.constant 14 : i32
      %get3A_1032 = arith.index_cast %get3A_1031 : i32 to index
      %get3A_1033 = arith.constant 32 : index
      %get3A_1034 = tpu.vector_load %arg25[%get3A_1032, %get3A_1033] {strides = array<i32>} : memref<56x64xf32, #tpu.memory_space<vmem>>, vector<16xf32>,
      %mul3A_1035 = arith.mulf %gather3A_1003, %get3A_1034 : vector<16xf32>
      %add3A_1036 = arith.addf %add3A_982, %mul3A_1035 : vector<16xf32>
      %get3A_1037 = arith.constant 14 : i32
      %get3A_1038 = arith.index_cast %get3A_1037 : i32 to index
      %get3A_1039 = arith.constant 32 : index
      %get3A_1040 = tpu.vector_load %arg26[%get3A_1038, %get3A_1039] {strides = array<i32>} : memref<56x64xf32, #tpu.memory_space<vmem>>, vector<16xf32>,
      %mul3A_1041 = arith.mulf %gather3A_1006, %get3A_1040 : vector<16xf32>
      %add3A_1042 = arith.addf %add3A_988, %mul3A_1041 : vector<16xf32>
      %get3A_1043 = arith.constant 14 : i32
      %get3A_1044 = arith.index_cast %get3A_1043 : i32 to index
      %get3A_1045 = arith.constant 48 : index
      %get3A_1046 = tpu.vector_load %arg25[%get3A_1044, %get3A_1045] {strides = array<i32>} : memref<56x64xf32, #tpu.memory_space<vmem>>, vector<16xf32>,
      %mul3A_1047 = arith.mulf %gather3A_1003, %get3A_1046 : vector<16xf32>
      %add3A_1048 = arith.addf %add3A_994, %mul3A_1047 : vector<16xf32>
      %get3A_1049 = arith.constant 14 : i32
      %get3A_1050 = arith.index_cast %get3A_1049 : i32 to index
      %get3A_1051 = arith.constant 48 : index
      %get3A_1052 = tpu.vector_load %arg26[%get3A_1050, %get3A_1051] {strides = array<i32>} : memref<56x64xf32, #tpu.memory_space<vmem>>, vector<16xf32>,
      %mul3A_1053 = arith.mulf %gather3A_1006, %get3A_1052 : vector<16xf32>
      %add3A_1054 = arith.addf %add3A_1000, %mul3A_1053 : vector<16xf32>
      %broadcast_in_dim3A_1055 = arith.constant 15 : i32
      %broadcast_in_dim3A_1056 = vector.broadcast %broadcast_in_dim3A_1055 : i32 to vector<16xi32>
      %gather3A_1057 = tpu.vector_load_idx %arg28[%broadcast_in_dim3A_1056] : memref<64xf32, #tpu.memory_space<vmem>>[vector<16xi32>], vector<16xf32>,
      %broadcast_in_dim3A_1058 = arith.constant 15 : i32
      %broadcast_in_dim3A_1059 = vector.broadcast %broadcast_in_dim3A_1058 : i32 to vector<16xi32>
      %gather3A_1060 = tpu.vector_load_idx %arg29[%broadcast_in_dim3A_1059] : memref<64xf32, #tpu.memory_space<vmem>>[vector<16xi32>], vector<16xf32>,
      %get3A_1061 = arith.constant 15 : i32
      %get3A_1062 = arith.index_cast %get3A_1061 : i32 to index
      %get3A_1063 = arith.constant 0 : index
      %get3A_1064 = tpu.vector_load %arg25[%get3A_1062, %get3A_1063] {strides = array<i32>} : memref<56x64xf32, #tpu.memory_space<vmem>>, vector<16xf32>,
      %mul3A_1065 = arith.mulf %gather3A_1057, %get3A_1064 : vector<16xf32>
      %add3A_1066 = arith.addf %add3A_1012, %mul3A_1065 : vector<16xf32>
      %get3A_1067 = arith.constant 15 : i32
      %get3A_1068 = arith.index_cast %get3A_1067 : i32 to index
      %get3A_1069 = arith.constant 0 : index
      %get3A_1070 = tpu.vector_load %arg26[%get3A_1068, %get3A_1069] {strides = array<i32>} : memref<56x64xf32, #tpu.memory_space<vmem>>, vector<16xf32>,
      %mul3A_1071 = arith.mulf %gather3A_1060, %get3A_1070 : vector<16xf32>
      %add3A_1072 = arith.addf %add3A_1018, %mul3A_1071 : vector<16xf32>
      %get3A_1073 = arith.constant 15 : i32
      %get3A_1074 = arith.index_cast %get3A_1073 : i32 to index
      %get3A_1075 = arith.constant 16 : index
      %get3A_1076 = tpu.vector_load %arg25[%get3A_1074, %get3A_1075] {strides = array<i32>} : memref<56x64xf32, #tpu.memory_space<vmem>>, vector<16xf32>,
      %mul3A_1077 = arith.mulf %gather3A_1057, %get3A_1076 : vector<16xf32>
      %add3A_1078 = arith.addf %add3A_1024, %mul3A_1077 : vector<16xf32>
      %get3A_1079 = arith.constant 15 : i32
      %get3A_1080 = arith.index_cast %get3A_1079 : i32 to index
      %get3A_1081 = arith.constant 16 : index
      %get3A_1082 = tpu.vector_load %arg26[%get3A_1080, %get3A_1081] {strides = array<i32>} : memref<56x64xf32, #tpu.memory_space<vmem>>, vector<16xf32>,
      %mul3A_1083 = arith.mulf %gather3A_1060, %get3A_1082 : vector<16xf32>
      %add3A_1084 = arith.addf %add3A_1030, %mul3A_1083 : vector<16xf32>
      %get3A_1085 = arith.constant 15 : i32
      %get3A_1086 = arith.index_cast %get3A_1085 : i32 to index
      %get3A_1087 = arith.constant 32 : index
      %get3A_1088 = tpu.vector_load %arg25[%get3A_1086, %get3A_1087] {strides = array<i32>} : memref<56x64xf32, #tpu.memory_space<vmem>>, vector<16xf32>,
      %mul3A_1089 = arith.mulf %gather3A_1057, %get3A_1088 : vector<16xf32>
      %add3A_1090 = arith.addf %add3A_1036, %mul3A_1089 : vector<16xf32>
      %get3A_1091 = arith.constant 15 : i32
      %get3A_1092 = arith.index_cast %get3A_1091 : i32 to index
      %get3A_1093 = arith.constant 32 : index
      %get3A_1094 = tpu.vector_load %arg26[%get3A_1092, %get3A_1093] {strides = array<i32>} : memref<56x64xf32, #tpu.memory_space<vmem>>, vector<16xf32>,
      %mul3A_1095 = arith.mulf %gather3A_1060, %get3A_1094 : vector<16xf32>
      %add3A_1096 = arith.addf %add3A_1042, %mul3A_1095 : vector<16xf32>
      %get3A_1097 = arith.constant 15 : i32
      %get3A_1098 = arith.index_cast %get3A_1097 : i32 to index
      %get3A_1099 = arith.constant 48 : index
      %get3A_1100 = tpu.vector_load %arg25[%get3A_1098, %get3A_1099] {strides = array<i32>} : memref<56x64xf32, #tpu.memory_space<vmem>>, vector<16xf32>,
      %mul3A_1101 = arith.mulf %gather3A_1057, %get3A_1100 : vector<16xf32>
      %add3A_1102 = arith.addf %add3A_1048, %mul3A_1101 : vector<16xf32>
      %get3A_1103 = arith.constant 15 : i32
      %get3A_1104 = arith.index_cast %get3A_1103 : i32 to index
      %get3A_1105 = arith.constant 48 : index
      %get3A_1106 = tpu.vector_load %arg26[%get3A_1104, %get3A_1105] {strides = array<i32>} : memref<56x64xf32, #tpu.memory_space<vmem>>, vector<16xf32>,
      %mul3A_1107 = arith.mulf %gather3A_1060, %get3A_1106 : vector<16xf32>
      %add3A_1108 = arith.addf %add3A_1054, %mul3A_1107 : vector<16xf32>
      %broadcast_in_dim3A_1109 = arith.constant 16 : i32
      %broadcast_in_dim3A_1110 = vector.broadcast %broadcast_in_dim3A_1109 : i32 to vector<16xi32>
      %gather3A_1111 = tpu.vector_load_idx %arg28[%broadcast_in_dim3A_1110] : memref<64xf32, #tpu.memory_space<vmem>>[vector<16xi32>], vector<16xf32>,
      %broadcast_in_dim3A_1112 = arith.constant 16 : i32
      %broadcast_in_dim3A_1113 = vector.broadcast %broadcast_in_dim3A_1112 : i32 to vector<16xi32>
      %gather3A_1114 = tpu.vector_load_idx %arg29[%broadcast_in_dim3A_1113] : memref<64xf32, #tpu.memory_space<vmem>>[vector<16xi32>], vector<16xf32>,
      %get3A_1115 = arith.constant 16 : i32
      %get3A_1116 = arith.index_cast %get3A_1115 : i32 to index
      %get3A_1117 = arith.constant 0 : index
      %get3A_1118 = tpu.vector_load %arg25[%get3A_1116, %get3A_1117] {strides = array<i32>} : memref<56x64xf32, #tpu.memory_space<vmem>>, vector<16xf32>,
      %mul3A_1119 = arith.mulf %gather3A_1111, %get3A_1118 : vector<16xf32>
      %add3A_1120 = arith.addf %add3A_1066, %mul3A_1119 : vector<16xf32>
      %get3A_1121 = arith.constant 16 : i32
      %get3A_1122 = arith.index_cast %get3A_1121 : i32 to index
      %get3A_1123 = arith.constant 0 : index
      %get3A_1124 = tpu.vector_load %arg26[%get3A_1122, %get3A_1123] {strides = array<i32>} : memref<56x64xf32, #tpu.memory_space<vmem>>, vector<16xf32>,
      %mul3A_1125 = arith.mulf %gather3A_1114, %get3A_1124 : vector<16xf32>
      %add3A_1126 = arith.addf %add3A_1072, %mul3A_1125 : vector<16xf32>
      %get3A_1127 = arith.constant 16 : i32
      %get3A_1128 = arith.index_cast %get3A_1127 : i32 to index
      %get3A_1129 = arith.constant 16 : index
      %get3A_1130 = tpu.vector_load %arg25[%get3A_1128, %get3A_1129] {strides = array<i32>} : memref<56x64xf32, #tpu.memory_space<vmem>>, vector<16xf32>,
      %mul3A_1131 = arith.mulf %gather3A_1111, %get3A_1130 : vector<16xf32>
      %add3A_1132 = arith.addf %add3A_1078, %mul3A_1131 : vector<16xf32>
      %get3A_1133 = arith.constant 16 : i32
      %get3A_1134 = arith.index_cast %get3A_1133 : i32 to index
      %get3A_1135 = arith.constant 16 : index
      %get3A_1136 = tpu.vector_load %arg26[%get3A_1134, %get3A_1135] {strides = array<i32>} : memref<56x64xf32, #tpu.memory_space<vmem>>, vector<16xf32>,
      %mul3A_1137 = arith.mulf %gather3A_1114, %get3A_1136 : vector<16xf32>
      %add3A_1138 = arith.addf %add3A_1084, %mul3A_1137 : vector<16xf32>
      %get3A_1139 = arith.constant 16 : i32
      %get3A_1140 = arith.index_cast %get3A_1139 : i32 to index
      %get3A_1141 = arith.constant 32 : index
      %get3A_1142 = tpu.vector_load %arg25[%get3A_1140, %get3A_1141] {strides = array<i32>} : memref<56x64xf32, #tpu.memory_space<vmem>>, vector<16xf32>,
      %mul3A_1143 = arith.mulf %gather3A_1111, %get3A_1142 : vector<16xf32>
      %add3A_1144 = arith.addf %add3A_1090, %mul3A_1143 : vector<16xf32>
      %get3A_1145 = arith.constant 16 : i32
      %get3A_1146 = arith.index_cast %get3A_1145 : i32 to index
      %get3A_1147 = arith.constant 32 : index
      %get3A_1148 = tpu.vector_load %arg26[%get3A_1146, %get3A_1147] {strides = array<i32>} : memref<56x64xf32, #tpu.memory_space<vmem>>, vector<16xf32>,
      %mul3A_1149 = arith.mulf %gather3A_1114, %get3A_1148 : vector<16xf32>
      %add3A_1150 = arith.addf %add3A_1096, %mul3A_1149 : vector<16xf32>
      %get3A_1151 = arith.constant 16 : i32
      %get3A_1152 = arith.index_cast %get3A_1151 : i32 to index
      %get3A_1153 = arith.constant 48 : index
      %get3A_1154 = tpu.vector_load %arg25[%get3A_1152, %get3A_1153] {strides = array<i32>} : memref<56x64xf32, #tpu.memory_space<vmem>>, vector<16xf32>,
      %mul3A_1155 = arith.mulf %gather3A_1111, %get3A_1154 : vector<16xf32>
      %add3A_1156 = arith.addf %add3A_1102, %mul3A_1155 : vector<16xf32>
      %get3A_1157 = arith.constant 16 : i32
      %get3A_1158 = arith.index_cast %get3A_1157 : i32 to index
      %get3A_1159 = arith.constant 48 : index
      %get3A_1160 = tpu.vector_load %arg26[%get3A_1158, %get3A_1159] {strides = array<i32>} : memref<56x64xf32, #tpu.memory_space<vmem>>, vector<16xf32>,
      %mul3A_1161 = arith.mulf %gather3A_1114, %get3A_1160 : vector<16xf32>
      %add3A_1162 = arith.addf %add3A_1108, %mul3A_1161 : vector<16xf32>
      %broadcast_in_dim3A_1163 = arith.constant 17 : i32
      %broadcast_in_dim3A_1164 = vector.broadcast %broadcast_in_dim3A_1163 : i32 to vector<16xi32>
      %gather3A_1165 = tpu.vector_load_idx %arg28[%broadcast_in_dim3A_1164] : memref<64xf32, #tpu.memory_space<vmem>>[vector<16xi32>], vector<16xf32>,
      %broadcast_in_dim3A_1166 = arith.constant 17 : i32
      %broadcast_in_dim3A_1167 = vector.broadcast %broadcast_in_dim3A_1166 : i32 to vector<16xi32>
      %gather3A_1168 = tpu.vector_load_idx %arg29[%broadcast_in_dim3A_1167] : memref<64xf32, #tpu.memory_space<vmem>>[vector<16xi32>], vector<16xf32>,
      %get3A_1169 = arith.constant 17 : i32
      %get3A_1170 = arith.index_cast %get3A_1169 : i32 to index
      %get3A_1171 = arith.constant 0 : index
      %get3A_1172 = tpu.vector_load %arg25[%get3A_1170, %get3A_1171] {strides = array<i32>} : memref<56x64xf32, #tpu.memory_space<vmem>>, vector<16xf32>,
      %mul3A_1173 = arith.mulf %gather3A_1165, %get3A_1172 : vector<16xf32>
      %add3A_1174 = arith.addf %add3A_1120, %mul3A_1173 : vector<16xf32>
      %get3A_1175 = arith.constant 17 : i32
      %get3A_1176 = arith.index_cast %get3A_1175 : i32 to index
      %get3A_1177 = arith.constant 0 : index
      %get3A_1178 = tpu.vector_load %arg26[%get3A_1176, %get3A_1177] {strides = array<i32>} : memref<56x64xf32, #tpu.memory_space<vmem>>, vector<16xf32>,
      %mul3A_1179 = arith.mulf %gather3A_1168, %get3A_1178 : vector<16xf32>
      %add3A_1180 = arith.addf %add3A_1126, %mul3A_1179 : vector<16xf32>
      %get3A_1181 = arith.constant 17 : i32
      %get3A_1182 = arith.index_cast %get3A_1181 : i32 to index
      %get3A_1183 = arith.constant 16 : index
      %get3A_1184 = tpu.vector_load %arg25[%get3A_1182, %get3A_1183] {strides = array<i32>} : memref<56x64xf32, #tpu.memory_space<vmem>>, vector<16xf32>,
      %mul3A_1185 = arith.mulf %gather3A_1165, %get3A_1184 : vector<16xf32>
      %add3A_1186 = arith.addf %add3A_1132, %mul3A_1185 : vector<16xf32>
      %get3A_1187 = arith.constant 17 : i32
      %get3A_1188 = arith.index_cast %get3A_1187 : i32 to index
      %get3A_1189 = arith.constant 16 : index
      %get3A_1190 = tpu.vector_load %arg26[%get3A_1188, %get3A_1189] {strides = array<i32>} : memref<56x64xf32, #tpu.memory_space<vmem>>, vector<16xf32>,
      %mul3A_1191 = arith.mulf %gather3A_1168, %get3A_1190 : vector<16xf32>
      %add3A_1192 = arith.addf %add3A_1138, %mul3A_1191 : vector<16xf32>
      %get3A_1193 = arith.constant 17 : i32
      %get3A_1194 = arith.index_cast %get3A_1193 : i32 to index
      %get3A_1195 = arith.constant 32 : index
      %get3A_1196 = tpu.vector_load %arg25[%get3A_1194, %get3A_1195] {strides = array<i32>} : memref<56x64xf32, #tpu.memory_space<vmem>>, vector<16xf32>,
      %mul3A_1197 = arith.mulf %gather3A_1165, %get3A_1196 : vector<16xf32>
      %add3A_1198 = arith.addf %add3A_1144, %mul3A_1197 : vector<16xf32>
      %get3A_1199 = arith.constant 17 : i32
      %get3A_1200 = arith.index_cast %get3A_1199 : i32 to index
      %get3A_1201 = arith.constant 32 : index
      %get3A_1202 = tpu.vector_load %arg26[%get3A_1200, %get3A_1201] {strides = array<i32>} : memref<56x64xf32, #tpu.memory_space<vmem>>, vector<16xf32>,
      %mul3A_1203 = arith.mulf %gather3A_1168, %get3A_1202 : vector<16xf32>
      %add3A_1204 = arith.addf %add3A_1150, %mul3A_1203 : vector<16xf32>
      %get3A_1205 = arith.constant 17 : i32
      %get3A_1206 = arith.index_cast %get3A_1205 : i32 to index
      %get3A_1207 = arith.constant 48 : index
      %get3A_1208 = tpu.vector_load %arg25[%get3A_1206, %get3A_1207] {strides = array<i32>} : memref<56x64xf32, #tpu.memory_space<vmem>>, vector<16xf32>,
      %mul3A_1209 = arith.mulf %gather3A_1165, %get3A_1208 : vector<16xf32>
      %add3A_1210 = arith.addf %add3A_1156, %mul3A_1209 : vector<16xf32>
      %get3A_1211 = arith.constant 17 : i32
      %get3A_1212 = arith.index_cast %get3A_1211 : i32 to index
      %get3A_1213 = arith.constant 48 : index
      %get3A_1214 = tpu.vector_load %arg26[%get3A_1212, %get3A_1213] {strides = array<i32>} : memref<56x64xf32, #tpu.memory_space<vmem>>, vector<16xf32>,
      %mul3A_1215 = arith.mulf %gather3A_1168, %get3A_1214 : vector<16xf32>
      %add3A_1216 = arith.addf %add3A_1162, %mul3A_1215 : vector<16xf32>
      %broadcast_in_dim3A_1217 = arith.constant 18 : i32
      %broadcast_in_dim3A_1218 = vector.broadcast %broadcast_in_dim3A_1217 : i32 to vector<16xi32>
      %gather3A_1219 = tpu.vector_load_idx %arg28[%broadcast_in_dim3A_1218] : memref<64xf32, #tpu.memory_space<vmem>>[vector<16xi32>], vector<16xf32>,
      %broadcast_in_dim3A_1220 = arith.constant 18 : i32
      %broadcast_in_dim3A_1221 = vector.broadcast %broadcast_in_dim3A_1220 : i32 to vector<16xi32>
      %gather3A_1222 = tpu.vector_load_idx %arg29[%broadcast_in_dim3A_1221] : memref<64xf32, #tpu.memory_space<vmem>>[vector<16xi32>], vector<16xf32>,
      %get3A_1223 = arith.constant 18 : i32
      %get3A_1224 = arith.index_cast %get3A_1223 : i32 to index
      %get3A_1225 = arith.constant 0 : index
      %get3A_1226 = tpu.vector_load %arg25[%get3A_1224, %get3A_1225] {strides = array<i32>} : memref<56x64xf32, #tpu.memory_space<vmem>>, vector<16xf32>,
      %mul3A_1227 = arith.mulf %gather3A_1219, %get3A_1226 : vector<16xf32>
      %add3A_1228 = arith.addf %add3A_1174, %mul3A_1227 : vector<16xf32>
      %get3A_1229 = arith.constant 18 : i32
      %get3A_1230 = arith.index_cast %get3A_1229 : i32 to index
      %get3A_1231 = arith.constant 0 : index
      %get3A_1232 = tpu.vector_load %arg26[%get3A_1230, %get3A_1231] {strides = array<i32>} : memref<56x64xf32, #tpu.memory_space<vmem>>, vector<16xf32>,
      %mul3A_1233 = arith.mulf %gather3A_1222, %get3A_1232 : vector<16xf32>
      %add3A_1234 = arith.addf %add3A_1180, %mul3A_1233 : vector<16xf32>
      %get3A_1235 = arith.constant 18 : i32
      %get3A_1236 = arith.index_cast %get3A_1235 : i32 to index
      %get3A_1237 = arith.constant 16 : index
      %get3A_1238 = tpu.vector_load %arg25[%get3A_1236, %get3A_1237] {strides = array<i32>} : memref<56x64xf32, #tpu.memory_space<vmem>>, vector<16xf32>,
      %mul3A_1239 = arith.mulf %gather3A_1219, %get3A_1238 : vector<16xf32>
      %add3A_1240 = arith.addf %add3A_1186, %mul3A_1239 : vector<16xf32>
      %get3A_1241 = arith.constant 18 : i32
      %get3A_1242 = arith.index_cast %get3A_1241 : i32 to index
      %get3A_1243 = arith.constant 16 : index
      %get3A_1244 = tpu.vector_load %arg26[%get3A_1242, %get3A_1243] {strides = array<i32>} : memref<56x64xf32, #tpu.memory_space<vmem>>, vector<16xf32>,
      %mul3A_1245 = arith.mulf %gather3A_1222, %get3A_1244 : vector<16xf32>
      %add3A_1246 = arith.addf %add3A_1192, %mul3A_1245 : vector<16xf32>
      %get3A_1247 = arith.constant 18 : i32
      %get3A_1248 = arith.index_cast %get3A_1247 : i32 to index
      %get3A_1249 = arith.constant 32 : index
      %get3A_1250 = tpu.vector_load %arg25[%get3A_1248, %get3A_1249] {strides = array<i32>} : memref<56x64xf32, #tpu.memory_space<vmem>>, vector<16xf32>,
      %mul3A_1251 = arith.mulf %gather3A_1219, %get3A_1250 : vector<16xf32>
      %add3A_1252 = arith.addf %add3A_1198, %mul3A_1251 : vector<16xf32>
      %get3A_1253 = arith.constant 18 : i32
      %get3A_1254 = arith.index_cast %get3A_1253 : i32 to index
      %get3A_1255 = arith.constant 32 : index
      %get3A_1256 = tpu.vector_load %arg26[%get3A_1254, %get3A_1255] {strides = array<i32>} : memref<56x64xf32, #tpu.memory_space<vmem>>, vector<16xf32>,
      %mul3A_1257 = arith.mulf %gather3A_1222, %get3A_1256 : vector<16xf32>
      %add3A_1258 = arith.addf %add3A_1204, %mul3A_1257 : vector<16xf32>
      %get3A_1259 = arith.constant 18 : i32
      %get3A_1260 = arith.index_cast %get3A_1259 : i32 to index
      %get3A_1261 = arith.constant 48 : index
      %get3A_1262 = tpu.vector_load %arg25[%get3A_1260, %get3A_1261] {strides = array<i32>} : memref<56x64xf32, #tpu.memory_space<vmem>>, vector<16xf32>,
      %mul3A_1263 = arith.mulf %gather3A_1219, %get3A_1262 : vector<16xf32>
      %add3A_1264 = arith.addf %add3A_1210, %mul3A_1263 : vector<16xf32>
      %get3A_1265 = arith.constant 18 : i32
      %get3A_1266 = arith.index_cast %get3A_1265 : i32 to index
      %get3A_1267 = arith.constant 48 : index
      %get3A_1268 = tpu.vector_load %arg26[%get3A_1266, %get3A_1267] {strides = array<i32>} : memref<56x64xf32, #tpu.memory_space<vmem>>, vector<16xf32>,
      %mul3A_1269 = arith.mulf %gather3A_1222, %get3A_1268 : vector<16xf32>
      %add3A_1270 = arith.addf %add3A_1216, %mul3A_1269 : vector<16xf32>
      %broadcast_in_dim3A_1271 = arith.constant 19 : i32
      %broadcast_in_dim3A_1272 = vector.broadcast %broadcast_in_dim3A_1271 : i32 to vector<16xi32>
      %gather3A_1273 = tpu.vector_load_idx %arg28[%broadcast_in_dim3A_1272] : memref<64xf32, #tpu.memory_space<vmem>>[vector<16xi32>], vector<16xf32>,
      %broadcast_in_dim3A_1274 = arith.constant 19 : i32
      %broadcast_in_dim3A_1275 = vector.broadcast %broadcast_in_dim3A_1274 : i32 to vector<16xi32>
      %gather3A_1276 = tpu.vector_load_idx %arg29[%broadcast_in_dim3A_1275] : memref<64xf32, #tpu.memory_space<vmem>>[vector<16xi32>], vector<16xf32>,
      %get3A_1277 = arith.constant 19 : i32
      %get3A_1278 = arith.index_cast %get3A_1277 : i32 to index
      %get3A_1279 = arith.constant 0 : index
      %get3A_1280 = tpu.vector_load %arg25[%get3A_1278, %get3A_1279] {strides = array<i32>} : memref<56x64xf32, #tpu.memory_space<vmem>>, vector<16xf32>,
      %mul3A_1281 = arith.mulf %gather3A_1273, %get3A_1280 : vector<16xf32>
      %add3A_1282 = arith.addf %add3A_1228, %mul3A_1281 : vector<16xf32>
      %get3A_1283 = arith.constant 19 : i32
      %get3A_1284 = arith.index_cast %get3A_1283 : i32 to index
      %get3A_1285 = arith.constant 0 : index
      %get3A_1286 = tpu.vector_load %arg26[%get3A_1284, %get3A_1285] {strides = array<i32>} : memref<56x64xf32, #tpu.memory_space<vmem>>, vector<16xf32>,
      %mul3A_1287 = arith.mulf %gather3A_1276, %get3A_1286 : vector<16xf32>
      %add3A_1288 = arith.addf %add3A_1234, %mul3A_1287 : vector<16xf32>
      %get3A_1289 = arith.constant 19 : i32
      %get3A_1290 = arith.index_cast %get3A_1289 : i32 to index
      %get3A_1291 = arith.constant 16 : index
      %get3A_1292 = tpu.vector_load %arg25[%get3A_1290, %get3A_1291] {strides = array<i32>} : memref<56x64xf32, #tpu.memory_space<vmem>>, vector<16xf32>,
      %mul3A_1293 = arith.mulf %gather3A_1273, %get3A_1292 : vector<16xf32>
      %add3A_1294 = arith.addf %add3A_1240, %mul3A_1293 : vector<16xf32>
      %get3A_1295 = arith.constant 19 : i32
      %get3A_1296 = arith.index_cast %get3A_1295 : i32 to index
      %get3A_1297 = arith.constant 16 : index
      %get3A_1298 = tpu.vector_load %arg26[%get3A_1296, %get3A_1297] {strides = array<i32>} : memref<56x64xf32, #tpu.memory_space<vmem>>, vector<16xf32>,
      %mul3A_1299 = arith.mulf %gather3A_1276, %get3A_1298 : vector<16xf32>
      %add3A_1300 = arith.addf %add3A_1246, %mul3A_1299 : vector<16xf32>
      %get3A_1301 = arith.constant 19 : i32
      %get3A_1302 = arith.index_cast %get3A_1301 : i32 to index
      %get3A_1303 = arith.constant 32 : index
      %get3A_1304 = tpu.vector_load %arg25[%get3A_1302, %get3A_1303] {strides = array<i32>} : memref<56x64xf32, #tpu.memory_space<vmem>>, vector<16xf32>,
      %mul3A_1305 = arith.mulf %gather3A_1273, %get3A_1304 : vector<16xf32>
      %add3A_1306 = arith.addf %add3A_1252, %mul3A_1305 : vector<16xf32>
      %get3A_1307 = arith.constant 19 : i32
      %get3A_1308 = arith.index_cast %get3A_1307 : i32 to index
      %get3A_1309 = arith.constant 32 : index
      %get3A_1310 = tpu.vector_load %arg26[%get3A_1308, %get3A_1309] {strides = array<i32>} : memref<56x64xf32, #tpu.memory_space<vmem>>, vector<16xf32>,
      %mul3A_1311 = arith.mulf %gather3A_1276, %get3A_1310 : vector<16xf32>
      %add3A_1312 = arith.addf %add3A_1258, %mul3A_1311 : vector<16xf32>
      %get3A_1313 = arith.constant 19 : i32
      %get3A_1314 = arith.index_cast %get3A_1313 : i32 to index
      %get3A_1315 = arith.constant 48 : index
      %get3A_1316 = tpu.vector_load %arg25[%get3A_1314, %get3A_1315] {strides = array<i32>} : memref<56x64xf32, #tpu.memory_space<vmem>>, vector<16xf32>,
      %mul3A_1317 = arith.mulf %gather3A_1273, %get3A_1316 : vector<16xf32>
      %add3A_1318 = arith.addf %add3A_1264, %mul3A_1317 : vector<16xf32>
      %get3A_1319 = arith.constant 19 : i32
      %get3A_1320 = arith.index_cast %get3A_1319 : i32 to index
      %get3A_1321 = arith.constant 48 : index
      %get3A_1322 = tpu.vector_load %arg26[%get3A_1320, %get3A_1321] {strides = array<i32>} : memref<56x64xf32, #tpu.memory_space<vmem>>, vector<16xf32>,
      %mul3A_1323 = arith.mulf %gather3A_1276, %get3A_1322 : vector<16xf32>
      %add3A_1324 = arith.addf %add3A_1270, %mul3A_1323 : vector<16xf32>
      %broadcast_in_dim3A_1325 = arith.constant 20 : i32
      %broadcast_in_dim3A_1326 = vector.broadcast %broadcast_in_dim3A_1325 : i32 to vector<16xi32>
      %gather3A_1327 = tpu.vector_load_idx %arg28[%broadcast_in_dim3A_1326] : memref<64xf32, #tpu.memory_space<vmem>>[vector<16xi32>], vector<16xf32>,
      %broadcast_in_dim3A_1328 = arith.constant 20 : i32
      %broadcast_in_dim3A_1329 = vector.broadcast %broadcast_in_dim3A_1328 : i32 to vector<16xi32>
      %gather3A_1330 = tpu.vector_load_idx %arg29[%broadcast_in_dim3A_1329] : memref<64xf32, #tpu.memory_space<vmem>>[vector<16xi32>], vector<16xf32>,
      %get3A_1331 = arith.constant 20 : i32
      %get3A_1332 = arith.index_cast %get3A_1331 : i32 to index
      %get3A_1333 = arith.constant 0 : index
      %get3A_1334 = tpu.vector_load %arg25[%get3A_1332, %get3A_1333] {strides = array<i32>} : memref<56x64xf32, #tpu.memory_space<vmem>>, vector<16xf32>,
      %mul3A_1335 = arith.mulf %gather3A_1327, %get3A_1334 : vector<16xf32>
      %add3A_1336 = arith.addf %add3A_1282, %mul3A_1335 : vector<16xf32>
      %get3A_1337 = arith.constant 20 : i32
      %get3A_1338 = arith.index_cast %get3A_1337 : i32 to index
      %get3A_1339 = arith.constant 0 : index
      %get3A_1340 = tpu.vector_load %arg26[%get3A_1338, %get3A_1339] {strides = array<i32>} : memref<56x64xf32, #tpu.memory_space<vmem>>, vector<16xf32>,
      %mul3A_1341 = arith.mulf %gather3A_1330, %get3A_1340 : vector<16xf32>
      %add3A_1342 = arith.addf %add3A_1288, %mul3A_1341 : vector<16xf32>
      %get3A_1343 = arith.constant 20 : i32
      %get3A_1344 = arith.index_cast %get3A_1343 : i32 to index
      %get3A_1345 = arith.constant 16 : index
      %get3A_1346 = tpu.vector_load %arg25[%get3A_1344, %get3A_1345] {strides = array<i32>} : memref<56x64xf32, #tpu.memory_space<vmem>>, vector<16xf32>,
      %mul3A_1347 = arith.mulf %gather3A_1327, %get3A_1346 : vector<16xf32>
      %add3A_1348 = arith.addf %add3A_1294, %mul3A_1347 : vector<16xf32>
      %get3A_1349 = arith.constant 20 : i32
      %get3A_1350 = arith.index_cast %get3A_1349 : i32 to index
      %get3A_1351 = arith.constant 16 : index
      %get3A_1352 = tpu.vector_load %arg26[%get3A_1350, %get3A_1351] {strides = array<i32>} : memref<56x64xf32, #tpu.memory_space<vmem>>, vector<16xf32>,
      %mul3A_1353 = arith.mulf %gather3A_1330, %get3A_1352 : vector<16xf32>
      %add3A_1354 = arith.addf %add3A_1300, %mul3A_1353 : vector<16xf32>
      %get3A_1355 = arith.constant 20 : i32
      %get3A_1356 = arith.index_cast %get3A_1355 : i32 to index
      %get3A_1357 = arith.constant 32 : index
      %get3A_1358 = tpu.vector_load %arg25[%get3A_1356, %get3A_1357] {strides = array<i32>} : memref<56x64xf32, #tpu.memory_space<vmem>>, vector<16xf32>,
      %mul3A_1359 = arith.mulf %gather3A_1327, %get3A_1358 : vector<16xf32>
      %add3A_1360 = arith.addf %add3A_1306, %mul3A_1359 : vector<16xf32>
      %get3A_1361 = arith.constant 20 : i32
      %get3A_1362 = arith.index_cast %get3A_1361 : i32 to index
      %get3A_1363 = arith.constant 32 : index
      %get3A_1364 = tpu.vector_load %arg26[%get3A_1362, %get3A_1363] {strides = array<i32>} : memref<56x64xf32, #tpu.memory_space<vmem>>, vector<16xf32>,
      %mul3A_1365 = arith.mulf %gather3A_1330, %get3A_1364 : vector<16xf32>
      %add3A_1366 = arith.addf %add3A_1312, %mul3A_1365 : vector<16xf32>
      %get3A_1367 = arith.constant 20 : i32
      %get3A_1368 = arith.index_cast %get3A_1367 : i32 to index
      %get3A_1369 = arith.constant 48 : index
      %get3A_1370 = tpu.vector_load %arg25[%get3A_1368, %get3A_1369] {strides = array<i32>} : memref<56x64xf32, #tpu.memory_space<vmem>>, vector<16xf32>,
      %mul3A_1371 = arith.mulf %gather3A_1327, %get3A_1370 : vector<16xf32>
      %add3A_1372 = arith.addf %add3A_1318, %mul3A_1371 : vector<16xf32>
      %get3A_1373 = arith.constant 20 : i32
      %get3A_1374 = arith.index_cast %get3A_1373 : i32 to index
      %get3A_1375 = arith.constant 48 : index
      %get3A_1376 = tpu.vector_load %arg26[%get3A_1374, %get3A_1375] {strides = array<i32>} : memref<56x64xf32, #tpu.memory_space<vmem>>, vector<16xf32>,
      %mul3A_1377 = arith.mulf %gather3A_1330, %get3A_1376 : vector<16xf32>
      %add3A_1378 = arith.addf %add3A_1324, %mul3A_1377 : vector<16xf32>
      %broadcast_in_dim3A_1379 = arith.constant 21 : i32
      %broadcast_in_dim3A_1380 = vector.broadcast %broadcast_in_dim3A_1379 : i32 to vector<16xi32>
      %gather3A_1381 = tpu.vector_load_idx %arg28[%broadcast_in_dim3A_1380] : memref<64xf32, #tpu.memory_space<vmem>>[vector<16xi32>], vector<16xf32>,
      %broadcast_in_dim3A_1382 = arith.constant 21 : i32
      %broadcast_in_dim3A_1383 = vector.broadcast %broadcast_in_dim3A_1382 : i32 to vector<16xi32>
      %gather3A_1384 = tpu.vector_load_idx %arg29[%broadcast_in_dim3A_1383] : memref<64xf32, #tpu.memory_space<vmem>>[vector<16xi32>], vector<16xf32>,
      %get3A_1385 = arith.constant 21 : i32
      %get3A_1386 = arith.index_cast %get3A_1385 : i32 to index
      %get3A_1387 = arith.constant 0 : index
      %get3A_1388 = tpu.vector_load %arg25[%get3A_1386, %get3A_1387] {strides = array<i32>} : memref<56x64xf32, #tpu.memory_space<vmem>>, vector<16xf32>,
      %mul3A_1389 = arith.mulf %gather3A_1381, %get3A_1388 : vector<16xf32>
      %add3A_1390 = arith.addf %add3A_1336, %mul3A_1389 : vector<16xf32>
      %get3A_1391 = arith.constant 21 : i32
      %get3A_1392 = arith.index_cast %get3A_1391 : i32 to index
      %get3A_1393 = arith.constant 0 : index
      %get3A_1394 = tpu.vector_load %arg26[%get3A_1392, %get3A_1393] {strides = array<i32>} : memref<56x64xf32, #tpu.memory_space<vmem>>, vector<16xf32>,
      %mul3A_1395 = arith.mulf %gather3A_1384, %get3A_1394 : vector<16xf32>
      %add3A_1396 = arith.addf %add3A_1342, %mul3A_1395 : vector<16xf32>
      %get3A_1397 = arith.constant 21 : i32
      %get3A_1398 = arith.index_cast %get3A_1397 : i32 to index
      %get3A_1399 = arith.constant 16 : index
      %get3A_1400 = tpu.vector_load %arg25[%get3A_1398, %get3A_1399] {strides = array<i32>} : memref<56x64xf32, #tpu.memory_space<vmem>>, vector<16xf32>,
      %mul3A_1401 = arith.mulf %gather3A_1381, %get3A_1400 : vector<16xf32>
      %add3A_1402 = arith.addf %add3A_1348, %mul3A_1401 : vector<16xf32>
      %get3A_1403 = arith.constant 21 : i32
      %get3A_1404 = arith.index_cast %get3A_1403 : i32 to index
      %get3A_1405 = arith.constant 16 : index
      %get3A_1406 = tpu.vector_load %arg26[%get3A_1404, %get3A_1405] {strides = array<i32>} : memref<56x64xf32, #tpu.memory_space<vmem>>, vector<16xf32>,
      %mul3A_1407 = arith.mulf %gather3A_1384, %get3A_1406 : vector<16xf32>
      %add3A_1408 = arith.addf %add3A_1354, %mul3A_1407 : vector<16xf32>
      %get3A_1409 = arith.constant 21 : i32
      %get3A_1410 = arith.index_cast %get3A_1409 : i32 to index
      %get3A_1411 = arith.constant 32 : index
      %get3A_1412 = tpu.vector_load %arg25[%get3A_1410, %get3A_1411] {strides = array<i32>} : memref<56x64xf32, #tpu.memory_space<vmem>>, vector<16xf32>,
      %mul3A_1413 = arith.mulf %gather3A_1381, %get3A_1412 : vector<16xf32>
      %add3A_1414 = arith.addf %add3A_1360, %mul3A_1413 : vector<16xf32>
      %get3A_1415 = arith.constant 21 : i32
      %get3A_1416 = arith.index_cast %get3A_1415 : i32 to index
      %get3A_1417 = arith.constant 32 : index
      %get3A_1418 = tpu.vector_load %arg26[%get3A_1416, %get3A_1417] {strides = array<i32>} : memref<56x64xf32, #tpu.memory_space<vmem>>, vector<16xf32>,
      %mul3A_1419 = arith.mulf %gather3A_1384, %get3A_1418 : vector<16xf32>
      %add3A_1420 = arith.addf %add3A_1366, %mul3A_1419 : vector<16xf32>
      %get3A_1421 = arith.constant 21 : i32
      %get3A_1422 = arith.index_cast %get3A_1421 : i32 to index
      %get3A_1423 = arith.constant 48 : index
      %get3A_1424 = tpu.vector_load %arg25[%get3A_1422, %get3A_1423] {strides = array<i32>} : memref<56x64xf32, #tpu.memory_space<vmem>>, vector<16xf32>,
      %mul3A_1425 = arith.mulf %gather3A_1381, %get3A_1424 : vector<16xf32>
      %add3A_1426 = arith.addf %add3A_1372, %mul3A_1425 : vector<16xf32>
      %get3A_1427 = arith.constant 21 : i32
      %get3A_1428 = arith.index_cast %get3A_1427 : i32 to index
      %get3A_1429 = arith.constant 48 : index
      %get3A_1430 = tpu.vector_load %arg26[%get3A_1428, %get3A_1429] {strides = array<i32>} : memref<56x64xf32, #tpu.memory_space<vmem>>, vector<16xf32>,
      %mul3A_1431 = arith.mulf %gather3A_1384, %get3A_1430 : vector<16xf32>
      %add3A_1432 = arith.addf %add3A_1378, %mul3A_1431 : vector<16xf32>
      %broadcast_in_dim3A_1433 = arith.constant 22 : i32
      %broadcast_in_dim3A_1434 = vector.broadcast %broadcast_in_dim3A_1433 : i32 to vector<16xi32>
      %gather3A_1435 = tpu.vector_load_idx %arg28[%broadcast_in_dim3A_1434] : memref<64xf32, #tpu.memory_space<vmem>>[vector<16xi32>], vector<16xf32>,
      %broadcast_in_dim3A_1436 = arith.constant 22 : i32
      %broadcast_in_dim3A_1437 = vector.broadcast %broadcast_in_dim3A_1436 : i32 to vector<16xi32>
      %gather3A_1438 = tpu.vector_load_idx %arg29[%broadcast_in_dim3A_1437] : memref<64xf32, #tpu.memory_space<vmem>>[vector<16xi32>], vector<16xf32>,
      %get3A_1439 = arith.constant 22 : i32
      %get3A_1440 = arith.index_cast %get3A_1439 : i32 to index
      %get3A_1441 = arith.constant 0 : index
      %get3A_1442 = tpu.vector_load %arg25[%get3A_1440, %get3A_1441] {strides = array<i32>} : memref<56x64xf32, #tpu.memory_space<vmem>>, vector<16xf32>,
      %mul3A_1443 = arith.mulf %gather3A_1435, %get3A_1442 : vector<16xf32>
      %add3A_1444 = arith.addf %add3A_1390, %mul3A_1443 : vector<16xf32>
      %get3A_1445 = arith.constant 22 : i32
      %get3A_1446 = arith.index_cast %get3A_1445 : i32 to index
      %get3A_1447 = arith.constant 0 : index
      %get3A_1448 = tpu.vector_load %arg26[%get3A_1446, %get3A_1447] {strides = array<i32>} : memref<56x64xf32, #tpu.memory_space<vmem>>, vector<16xf32>,
      %mul3A_1449 = arith.mulf %gather3A_1438, %get3A_1448 : vector<16xf32>
      %add3A_1450 = arith.addf %add3A_1396, %mul3A_1449 : vector<16xf32>
      %get3A_1451 = arith.constant 22 : i32
      %get3A_1452 = arith.index_cast %get3A_1451 : i32 to index
      %get3A_1453 = arith.constant 16 : index
      %get3A_1454 = tpu.vector_load %arg25[%get3A_1452, %get3A_1453] {strides = array<i32>} : memref<56x64xf32, #tpu.memory_space<vmem>>, vector<16xf32>,
      %mul3A_1455 = arith.mulf %gather3A_1435, %get3A_1454 : vector<16xf32>
      %add3A_1456 = arith.addf %add3A_1402, %mul3A_1455 : vector<16xf32>
      %get3A_1457 = arith.constant 22 : i32
      %get3A_1458 = arith.index_cast %get3A_1457 : i32 to index
      %get3A_1459 = arith.constant 16 : index
      %get3A_1460 = tpu.vector_load %arg26[%get3A_1458, %get3A_1459] {strides = array<i32>} : memref<56x64xf32, #tpu.memory_space<vmem>>, vector<16xf32>,
      %mul3A_1461 = arith.mulf %gather3A_1438, %get3A_1460 : vector<16xf32>
      %add3A_1462 = arith.addf %add3A_1408, %mul3A_1461 : vector<16xf32>
      %get3A_1463 = arith.constant 22 : i32
      %get3A_1464 = arith.index_cast %get3A_1463 : i32 to index
      %get3A_1465 = arith.constant 32 : index
      %get3A_1466 = tpu.vector_load %arg25[%get3A_1464, %get3A_1465] {strides = array<i32>} : memref<56x64xf32, #tpu.memory_space<vmem>>, vector<16xf32>,
      %mul3A_1467 = arith.mulf %gather3A_1435, %get3A_1466 : vector<16xf32>
      %add3A_1468 = arith.addf %add3A_1414, %mul3A_1467 : vector<16xf32>
      %get3A_1469 = arith.constant 22 : i32
      %get3A_1470 = arith.index_cast %get3A_1469 : i32 to index
      %get3A_1471 = arith.constant 32 : index
      %get3A_1472 = tpu.vector_load %arg26[%get3A_1470, %get3A_1471] {strides = array<i32>} : memref<56x64xf32, #tpu.memory_space<vmem>>, vector<16xf32>,
      %mul3A_1473 = arith.mulf %gather3A_1438, %get3A_1472 : vector<16xf32>
      %add3A_1474 = arith.addf %add3A_1420, %mul3A_1473 : vector<16xf32>
      %get3A_1475 = arith.constant 22 : i32
      %get3A_1476 = arith.index_cast %get3A_1475 : i32 to index
      %get3A_1477 = arith.constant 48 : index
      %get3A_1478 = tpu.vector_load %arg25[%get3A_1476, %get3A_1477] {strides = array<i32>} : memref<56x64xf32, #tpu.memory_space<vmem>>, vector<16xf32>,
      %mul3A_1479 = arith.mulf %gather3A_1435, %get3A_1478 : vector<16xf32>
      %add3A_1480 = arith.addf %add3A_1426, %mul3A_1479 : vector<16xf32>
      %get3A_1481 = arith.constant 22 : i32
      %get3A_1482 = arith.index_cast %get3A_1481 : i32 to index
      %get3A_1483 = arith.constant 48 : index
      %get3A_1484 = tpu.vector_load %arg26[%get3A_1482, %get3A_1483] {strides = array<i32>} : memref<56x64xf32, #tpu.memory_space<vmem>>, vector<16xf32>,
      %mul3A_1485 = arith.mulf %gather3A_1438, %get3A_1484 : vector<16xf32>
      %add3A_1486 = arith.addf %add3A_1432, %mul3A_1485 : vector<16xf32>
      %broadcast_in_dim3A_1487 = arith.constant 23 : i32
      %broadcast_in_dim3A_1488 = vector.broadcast %broadcast_in_dim3A_1487 : i32 to vector<16xi32>
      %gather3A_1489 = tpu.vector_load_idx %arg28[%broadcast_in_dim3A_1488] : memref<64xf32, #tpu.memory_space<vmem>>[vector<16xi32>], vector<16xf32>,
      %broadcast_in_dim3A_1490 = arith.constant 23 : i32
      %broadcast_in_dim3A_1491 = vector.broadcast %broadcast_in_dim3A_1490 : i32 to vector<16xi32>
      %gather3A_1492 = tpu.vector_load_idx %arg29[%broadcast_in_dim3A_1491] : memref<64xf32, #tpu.memory_space<vmem>>[vector<16xi32>], vector<16xf32>,
      %get3A_1493 = arith.constant 23 : i32
      %get3A_1494 = arith.index_cast %get3A_1493 : i32 to index
      %get3A_1495 = arith.constant 0 : index
      %get3A_1496 = tpu.vector_load %arg25[%get3A_1494, %get3A_1495] {strides = array<i32>} : memref<56x64xf32, #tpu.memory_space<vmem>>, vector<16xf32>,
      %mul3A_1497 = arith.mulf %gather3A_1489, %get3A_1496 : vector<16xf32>
      %add3A_1498 = arith.addf %add3A_1444, %mul3A_1497 : vector<16xf32>
      %get3A_1499 = arith.constant 23 : i32
      %get3A_1500 = arith.index_cast %get3A_1499 : i32 to index
      %get3A_1501 = arith.constant 0 : index
      %get3A_1502 = tpu.vector_load %arg26[%get3A_1500, %get3A_1501] {strides = array<i32>} : memref<56x64xf32, #tpu.memory_space<vmem>>, vector<16xf32>,
      %mul3A_1503 = arith.mulf %gather3A_1492, %get3A_1502 : vector<16xf32>
      %add3A_1504 = arith.addf %add3A_1450, %mul3A_1503 : vector<16xf32>
      %get3A_1505 = arith.constant 23 : i32
      %get3A_1506 = arith.index_cast %get3A_1505 : i32 to index
      %get3A_1507 = arith.constant 16 : index
      %get3A_1508 = tpu.vector_load %arg25[%get3A_1506, %get3A_1507] {strides = array<i32>} : memref<56x64xf32, #tpu.memory_space<vmem>>, vector<16xf32>,
      %mul3A_1509 = arith.mulf %gather3A_1489, %get3A_1508 : vector<16xf32>
      %add3A_1510 = arith.addf %add3A_1456, %mul3A_1509 : vector<16xf32>
      %get3A_1511 = arith.constant 23 : i32
      %get3A_1512 = arith.index_cast %get3A_1511 : i32 to index
      %get3A_1513 = arith.constant 16 : index
      %get3A_1514 = tpu.vector_load %arg26[%get3A_1512, %get3A_1513] {strides = array<i32>} : memref<56x64xf32, #tpu.memory_space<vmem>>, vector<16xf32>,
      %mul3A_1515 = arith.mulf %gather3A_1492, %get3A_1514 : vector<16xf32>
      %add3A_1516 = arith.addf %add3A_1462, %mul3A_1515 : vector<16xf32>
      %get3A_1517 = arith.constant 23 : i32
      %get3A_1518 = arith.index_cast %get3A_1517 : i32 to index
      %get3A_1519 = arith.constant 32 : index
      %get3A_1520 = tpu.vector_load %arg25[%get3A_1518, %get3A_1519] {strides = array<i32>} : memref<56x64xf32, #tpu.memory_space<vmem>>, vector<16xf32>,
      %mul3A_1521 = arith.mulf %gather3A_1489, %get3A_1520 : vector<16xf32>
      %add3A_1522 = arith.addf %add3A_1468, %mul3A_1521 : vector<16xf32>
      %get3A_1523 = arith.constant 23 : i32
      %get3A_1524 = arith.index_cast %get3A_1523 : i32 to index
      %get3A_1525 = arith.constant 32 : index
      %get3A_1526 = tpu.vector_load %arg26[%get3A_1524, %get3A_1525] {strides = array<i32>} : memref<56x64xf32, #tpu.memory_space<vmem>>, vector<16xf32>,
      %mul3A_1527 = arith.mulf %gather3A_1492, %get3A_1526 : vector<16xf32>
      %add3A_1528 = arith.addf %add3A_1474, %mul3A_1527 : vector<16xf32>
      %get3A_1529 = arith.constant 23 : i32
      %get3A_1530 = arith.index_cast %get3A_1529 : i32 to index
      %get3A_1531 = arith.constant 48 : index
      %get3A_1532 = tpu.vector_load %arg25[%get3A_1530, %get3A_1531] {strides = array<i32>} : memref<56x64xf32, #tpu.memory_space<vmem>>, vector<16xf32>,
      %mul3A_1533 = arith.mulf %gather3A_1489, %get3A_1532 : vector<16xf32>
      %add3A_1534 = arith.addf %add3A_1480, %mul3A_1533 : vector<16xf32>
      %get3A_1535 = arith.constant 23 : i32
      %get3A_1536 = arith.index_cast %get3A_1535 : i32 to index
      %get3A_1537 = arith.constant 48 : index
      %get3A_1538 = tpu.vector_load %arg26[%get3A_1536, %get3A_1537] {strides = array<i32>} : memref<56x64xf32, #tpu.memory_space<vmem>>, vector<16xf32>,
      %mul3A_1539 = arith.mulf %gather3A_1492, %get3A_1538 : vector<16xf32>
      %add3A_1540 = arith.addf %add3A_1486, %mul3A_1539 : vector<16xf32>
      %broadcast_in_dim3A_1541 = arith.constant 24 : i32
      %broadcast_in_dim3A_1542 = vector.broadcast %broadcast_in_dim3A_1541 : i32 to vector<16xi32>
      %gather3A_1543 = tpu.vector_load_idx %arg28[%broadcast_in_dim3A_1542] : memref<64xf32, #tpu.memory_space<vmem>>[vector<16xi32>], vector<16xf32>,
      %broadcast_in_dim3A_1544 = arith.constant 24 : i32
      %broadcast_in_dim3A_1545 = vector.broadcast %broadcast_in_dim3A_1544 : i32 to vector<16xi32>
      %gather3A_1546 = tpu.vector_load_idx %arg29[%broadcast_in_dim3A_1545] : memref<64xf32, #tpu.memory_space<vmem>>[vector<16xi32>], vector<16xf32>,
      %get3A_1547 = arith.constant 24 : i32
      %get3A_1548 = arith.index_cast %get3A_1547 : i32 to index
      %get3A_1549 = arith.constant 0 : index
      %get3A_1550 = tpu.vector_load %arg25[%get3A_1548, %get3A_1549] {strides = array<i32>} : memref<56x64xf32, #tpu.memory_space<vmem>>, vector<16xf32>,
      %mul3A_1551 = arith.mulf %gather3A_1543, %get3A_1550 : vector<16xf32>
      %add3A_1552 = arith.addf %add3A_1498, %mul3A_1551 : vector<16xf32>
      %get3A_1553 = arith.constant 24 : i32
      %get3A_1554 = arith.index_cast %get3A_1553 : i32 to index
      %get3A_1555 = arith.constant 0 : index
      %get3A_1556 = tpu.vector_load %arg26[%get3A_1554, %get3A_1555] {strides = array<i32>} : memref<56x64xf32, #tpu.memory_space<vmem>>, vector<16xf32>,
      %mul3A_1557 = arith.mulf %gather3A_1546, %get3A_1556 : vector<16xf32>
      %add3A_1558 = arith.addf %add3A_1504, %mul3A_1557 : vector<16xf32>
      %get3A_1559 = arith.constant 24 : i32
      %get3A_1560 = arith.index_cast %get3A_1559 : i32 to index
      %get3A_1561 = arith.constant 16 : index
      %get3A_1562 = tpu.vector_load %arg25[%get3A_1560, %get3A_1561] {strides = array<i32>} : memref<56x64xf32, #tpu.memory_space<vmem>>, vector<16xf32>,
      %mul3A_1563 = arith.mulf %gather3A_1543, %get3A_1562 : vector<16xf32>
      %add3A_1564 = arith.addf %add3A_1510, %mul3A_1563 : vector<16xf32>
      %get3A_1565 = arith.constant 24 : i32
      %get3A_1566 = arith.index_cast %get3A_1565 : i32 to index
      %get3A_1567 = arith.constant 16 : index
      %get3A_1568 = tpu.vector_load %arg26[%get3A_1566, %get3A_1567] {strides = array<i32>} : memref<56x64xf32, #tpu.memory_space<vmem>>, vector<16xf32>,
      %mul3A_1569 = arith.mulf %gather3A_1546, %get3A_1568 : vector<16xf32>
      %add3A_1570 = arith.addf %add3A_1516, %mul3A_1569 : vector<16xf32>
      %get3A_1571 = arith.constant 24 : i32
      %get3A_1572 = arith.index_cast %get3A_1571 : i32 to index
      %get3A_1573 = arith.constant 32 : index
      %get3A_1574 = tpu.vector_load %arg25[%get3A_1572, %get3A_1573] {strides = array<i32>} : memref<56x64xf32, #tpu.memory_space<vmem>>, vector<16xf32>,
      %mul3A_1575 = arith.mulf %gather3A_1543, %get3A_1574 : vector<16xf32>
      %add3A_1576 = arith.addf %add3A_1522, %mul3A_1575 : vector<16xf32>
      %get3A_1577 = arith.constant 24 : i32
      %get3A_1578 = arith.index_cast %get3A_1577 : i32 to index
      %get3A_1579 = arith.constant 32 : index
      %get3A_1580 = tpu.vector_load %arg26[%get3A_1578, %get3A_1579] {strides = array<i32>} : memref<56x64xf32, #tpu.memory_space<vmem>>, vector<16xf32>,
      %mul3A_1581 = arith.mulf %gather3A_1546, %get3A_1580 : vector<16xf32>
      %add3A_1582 = arith.addf %add3A_1528, %mul3A_1581 : vector<16xf32>
      %get3A_1583 = arith.constant 24 : i32
      %get3A_1584 = arith.index_cast %get3A_1583 : i32 to index
      %get3A_1585 = arith.constant 48 : index
      %get3A_1586 = tpu.vector_load %arg25[%get3A_1584, %get3A_1585] {strides = array<i32>} : memref<56x64xf32, #tpu.memory_space<vmem>>, vector<16xf32>,
      %mul3A_1587 = arith.mulf %gather3A_1543, %get3A_1586 : vector<16xf32>
      %add3A_1588 = arith.addf %add3A_1534, %mul3A_1587 : vector<16xf32>
      %get3A_1589 = arith.constant 24 : i32
      %get3A_1590 = arith.index_cast %get3A_1589 : i32 to index
      %get3A_1591 = arith.constant 48 : index
      %get3A_1592 = tpu.vector_load %arg26[%get3A_1590, %get3A_1591] {strides = array<i32>} : memref<56x64xf32, #tpu.memory_space<vmem>>, vector<16xf32>,
      %mul3A_1593 = arith.mulf %gather3A_1546, %get3A_1592 : vector<16xf32>
      %add3A_1594 = arith.addf %add3A_1540, %mul3A_1593 : vector<16xf32>
      %broadcast_in_dim3A_1595 = arith.constant 25 : i32
      %broadcast_in_dim3A_1596 = vector.broadcast %broadcast_in_dim3A_1595 : i32 to vector<16xi32>
      %gather3A_1597 = tpu.vector_load_idx %arg28[%broadcast_in_dim3A_1596] : memref<64xf32, #tpu.memory_space<vmem>>[vector<16xi32>], vector<16xf32>,
      %broadcast_in_dim3A_1598 = arith.constant 25 : i32
      %broadcast_in_dim3A_1599 = vector.broadcast %broadcast_in_dim3A_1598 : i32 to vector<16xi32>
      %gather3A_1600 = tpu.vector_load_idx %arg29[%broadcast_in_dim3A_1599] : memref<64xf32, #tpu.memory_space<vmem>>[vector<16xi32>], vector<16xf32>,
      %get3A_1601 = arith.constant 25 : i32
      %get3A_1602 = arith.index_cast %get3A_1601 : i32 to index
      %get3A_1603 = arith.constant 0 : index
      %get3A_1604 = tpu.vector_load %arg25[%get3A_1602, %get3A_1603] {strides = array<i32>} : memref<56x64xf32, #tpu.memory_space<vmem>>, vector<16xf32>,
      %mul3A_1605 = arith.mulf %gather3A_1597, %get3A_1604 : vector<16xf32>
      %add3A_1606 = arith.addf %add3A_1552, %mul3A_1605 : vector<16xf32>
      %get3A_1607 = arith.constant 25 : i32
      %get3A_1608 = arith.index_cast %get3A_1607 : i32 to index
      %get3A_1609 = arith.constant 0 : index
      %get3A_1610 = tpu.vector_load %arg26[%get3A_1608, %get3A_1609] {strides = array<i32>} : memref<56x64xf32, #tpu.memory_space<vmem>>, vector<16xf32>,
      %mul3A_1611 = arith.mulf %gather3A_1600, %get3A_1610 : vector<16xf32>
      %add3A_1612 = arith.addf %add3A_1558, %mul3A_1611 : vector<16xf32>
      %get3A_1613 = arith.constant 25 : i32
      %get3A_1614 = arith.index_cast %get3A_1613 : i32 to index
      %get3A_1615 = arith.constant 16 : index
      %get3A_1616 = tpu.vector_load %arg25[%get3A_1614, %get3A_1615] {strides = array<i32>} : memref<56x64xf32, #tpu.memory_space<vmem>>, vector<16xf32>,
      %mul3A_1617 = arith.mulf %gather3A_1597, %get3A_1616 : vector<16xf32>
      %add3A_1618 = arith.addf %add3A_1564, %mul3A_1617 : vector<16xf32>
      %get3A_1619 = arith.constant 25 : i32
      %get3A_1620 = arith.index_cast %get3A_1619 : i32 to index
      %get3A_1621 = arith.constant 16 : index
      %get3A_1622 = tpu.vector_load %arg26[%get3A_1620, %get3A_1621] {strides = array<i32>} : memref<56x64xf32, #tpu.memory_space<vmem>>, vector<16xf32>,
      %mul3A_1623 = arith.mulf %gather3A_1600, %get3A_1622 : vector<16xf32>
      %add3A_1624 = arith.addf %add3A_1570, %mul3A_1623 : vector<16xf32>
      %get3A_1625 = arith.constant 25 : i32
      %get3A_1626 = arith.index_cast %get3A_1625 : i32 to index
      %get3A_1627 = arith.constant 32 : index
      %get3A_1628 = tpu.vector_load %arg25[%get3A_1626, %get3A_1627] {strides = array<i32>} : memref<56x64xf32, #tpu.memory_space<vmem>>, vector<16xf32>,
      %mul3A_1629 = arith.mulf %gather3A_1597, %get3A_1628 : vector<16xf32>
      %add3A_1630 = arith.addf %add3A_1576, %mul3A_1629 : vector<16xf32>
      %get3A_1631 = arith.constant 25 : i32
      %get3A_1632 = arith.index_cast %get3A_1631 : i32 to index
      %get3A_1633 = arith.constant 32 : index
      %get3A_1634 = tpu.vector_load %arg26[%get3A_1632, %get3A_1633] {strides = array<i32>} : memref<56x64xf32, #tpu.memory_space<vmem>>, vector<16xf32>,
      %mul3A_1635 = arith.mulf %gather3A_1600, %get3A_1634 : vector<16xf32>
      %add3A_1636 = arith.addf %add3A_1582, %mul3A_1635 : vector<16xf32>
      %get3A_1637 = arith.constant 25 : i32
      %get3A_1638 = arith.index_cast %get3A_1637 : i32 to index
      %get3A_1639 = arith.constant 48 : index
      %get3A_1640 = tpu.vector_load %arg25[%get3A_1638, %get3A_1639] {strides = array<i32>} : memref<56x64xf32, #tpu.memory_space<vmem>>, vector<16xf32>,
      %mul3A_1641 = arith.mulf %gather3A_1597, %get3A_1640 : vector<16xf32>
      %add3A_1642 = arith.addf %add3A_1588, %mul3A_1641 : vector<16xf32>
      %get3A_1643 = arith.constant 25 : i32
      %get3A_1644 = arith.index_cast %get3A_1643 : i32 to index
      %get3A_1645 = arith.constant 48 : index
      %get3A_1646 = tpu.vector_load %arg26[%get3A_1644, %get3A_1645] {strides = array<i32>} : memref<56x64xf32, #tpu.memory_space<vmem>>, vector<16xf32>,
      %mul3A_1647 = arith.mulf %gather3A_1600, %get3A_1646 : vector<16xf32>
      %add3A_1648 = arith.addf %add3A_1594, %mul3A_1647 : vector<16xf32>
      %broadcast_in_dim3A_1649 = arith.constant 26 : i32
      %broadcast_in_dim3A_1650 = vector.broadcast %broadcast_in_dim3A_1649 : i32 to vector<16xi32>
      %gather3A_1651 = tpu.vector_load_idx %arg28[%broadcast_in_dim3A_1650] : memref<64xf32, #tpu.memory_space<vmem>>[vector<16xi32>], vector<16xf32>,
      %broadcast_in_dim3A_1652 = arith.constant 26 : i32
      %broadcast_in_dim3A_1653 = vector.broadcast %broadcast_in_dim3A_1652 : i32 to vector<16xi32>
      %gather3A_1654 = tpu.vector_load_idx %arg29[%broadcast_in_dim3A_1653] : memref<64xf32, #tpu.memory_space<vmem>>[vector<16xi32>], vector<16xf32>,
      %get3A_1655 = arith.constant 26 : i32
      %get3A_1656 = arith.index_cast %get3A_1655 : i32 to index
      %get3A_1657 = arith.constant 0 : index
      %get3A_1658 = tpu.vector_load %arg25[%get3A_1656, %get3A_1657] {strides = array<i32>} : memref<56x64xf32, #tpu.memory_space<vmem>>, vector<16xf32>,
      %mul3A_1659 = arith.mulf %gather3A_1651, %get3A_1658 : vector<16xf32>
      %add3A_1660 = arith.addf %add3A_1606, %mul3A_1659 : vector<16xf32>
      %get3A_1661 = arith.constant 26 : i32
      %get3A_1662 = arith.index_cast %get3A_1661 : i32 to index
      %get3A_1663 = arith.constant 0 : index
      %get3A_1664 = tpu.vector_load %arg26[%get3A_1662, %get3A_1663] {strides = array<i32>} : memref<56x64xf32, #tpu.memory_space<vmem>>, vector<16xf32>,
      %mul3A_1665 = arith.mulf %gather3A_1654, %get3A_1664 : vector<16xf32>
      %add3A_1666 = arith.addf %add3A_1612, %mul3A_1665 : vector<16xf32>
      %get3A_1667 = arith.constant 26 : i32
      %get3A_1668 = arith.index_cast %get3A_1667 : i32 to index
      %get3A_1669 = arith.constant 16 : index
      %get3A_1670 = tpu.vector_load %arg25[%get3A_1668, %get3A_1669] {strides = array<i32>} : memref<56x64xf32, #tpu.memory_space<vmem>>, vector<16xf32>,
      %mul3A_1671 = arith.mulf %gather3A_1651, %get3A_1670 : vector<16xf32>
      %add3A_1672 = arith.addf %add3A_1618, %mul3A_1671 : vector<16xf32>
      %get3A_1673 = arith.constant 26 : i32
      %get3A_1674 = arith.index_cast %get3A_1673 : i32 to index
      %get3A_1675 = arith.constant 16 : index
      %get3A_1676 = tpu.vector_load %arg26[%get3A_1674, %get3A_1675] {strides = array<i32>} : memref<56x64xf32, #tpu.memory_space<vmem>>, vector<16xf32>,
      %mul3A_1677 = arith.mulf %gather3A_1654, %get3A_1676 : vector<16xf32>
      %add3A_1678 = arith.addf %add3A_1624, %mul3A_1677 : vector<16xf32>
      %get3A_1679 = arith.constant 26 : i32
      %get3A_1680 = arith.index_cast %get3A_1679 : i32 to index
      %get3A_1681 = arith.constant 32 : index
      %get3A_1682 = tpu.vector_load %arg25[%get3A_1680, %get3A_1681] {strides = array<i32>} : memref<56x64xf32, #tpu.memory_space<vmem>>, vector<16xf32>,
      %mul3A_1683 = arith.mulf %gather3A_1651, %get3A_1682 : vector<16xf32>
      %add3A_1684 = arith.addf %add3A_1630, %mul3A_1683 : vector<16xf32>
      %get3A_1685 = arith.constant 26 : i32
      %get3A_1686 = arith.index_cast %get3A_1685 : i32 to index
      %get3A_1687 = arith.constant 32 : index
      %get3A_1688 = tpu.vector_load %arg26[%get3A_1686, %get3A_1687] {strides = array<i32>} : memref<56x64xf32, #tpu.memory_space<vmem>>, vector<16xf32>,
      %mul3A_1689 = arith.mulf %gather3A_1654, %get3A_1688 : vector<16xf32>
      %add3A_1690 = arith.addf %add3A_1636, %mul3A_1689 : vector<16xf32>
      %get3A_1691 = arith.constant 26 : i32
      %get3A_1692 = arith.index_cast %get3A_1691 : i32 to index
      %get3A_1693 = arith.constant 48 : index
      %get3A_1694 = tpu.vector_load %arg25[%get3A_1692, %get3A_1693] {strides = array<i32>} : memref<56x64xf32, #tpu.memory_space<vmem>>, vector<16xf32>,
      %mul3A_1695 = arith.mulf %gather3A_1651, %get3A_1694 : vector<16xf32>
      %add3A_1696 = arith.addf %add3A_1642, %mul3A_1695 : vector<16xf32>
      %get3A_1697 = arith.constant 26 : i32
      %get3A_1698 = arith.index_cast %get3A_1697 : i32 to index
      %get3A_1699 = arith.constant 48 : index
      %get3A_1700 = tpu.vector_load %arg26[%get3A_1698, %get3A_1699] {strides = array<i32>} : memref<56x64xf32, #tpu.memory_space<vmem>>, vector<16xf32>,
      %mul3A_1701 = arith.mulf %gather3A_1654, %get3A_1700 : vector<16xf32>
      %add3A_1702 = arith.addf %add3A_1648, %mul3A_1701 : vector<16xf32>
      %broadcast_in_dim3A_1703 = arith.constant 27 : i32
      %broadcast_in_dim3A_1704 = vector.broadcast %broadcast_in_dim3A_1703 : i32 to vector<16xi32>
      %gather3A_1705 = tpu.vector_load_idx %arg28[%broadcast_in_dim3A_1704] : memref<64xf32, #tpu.memory_space<vmem>>[vector<16xi32>], vector<16xf32>,
      %broadcast_in_dim3A_1706 = arith.constant 27 : i32
      %broadcast_in_dim3A_1707 = vector.broadcast %broadcast_in_dim3A_1706 : i32 to vector<16xi32>
      %gather3A_1708 = tpu.vector_load_idx %arg29[%broadcast_in_dim3A_1707] : memref<64xf32, #tpu.memory_space<vmem>>[vector<16xi32>], vector<16xf32>,
      %get3A_1709 = arith.constant 27 : i32
      %get3A_1710 = arith.index_cast %get3A_1709 : i32 to index
      %get3A_1711 = arith.constant 0 : index
      %get3A_1712 = tpu.vector_load %arg25[%get3A_1710, %get3A_1711] {strides = array<i32>} : memref<56x64xf32, #tpu.memory_space<vmem>>, vector<16xf32>,
      %mul3A_1713 = arith.mulf %gather3A_1705, %get3A_1712 : vector<16xf32>
      %add3A_1714 = arith.addf %add3A_1660, %mul3A_1713 : vector<16xf32>
      %get3A_1715 = arith.constant 27 : i32
      %get3A_1716 = arith.index_cast %get3A_1715 : i32 to index
      %get3A_1717 = arith.constant 0 : index
      %get3A_1718 = tpu.vector_load %arg26[%get3A_1716, %get3A_1717] {strides = array<i32>} : memref<56x64xf32, #tpu.memory_space<vmem>>, vector<16xf32>,
      %mul3A_1719 = arith.mulf %gather3A_1708, %get3A_1718 : vector<16xf32>
      %add3A_1720 = arith.addf %add3A_1666, %mul3A_1719 : vector<16xf32>
      %get3A_1721 = arith.constant 27 : i32
      %get3A_1722 = arith.index_cast %get3A_1721 : i32 to index
      %get3A_1723 = arith.constant 16 : index
      %get3A_1724 = tpu.vector_load %arg25[%get3A_1722, %get3A_1723] {strides = array<i32>} : memref<56x64xf32, #tpu.memory_space<vmem>>, vector<16xf32>,
      %mul3A_1725 = arith.mulf %gather3A_1705, %get3A_1724 : vector<16xf32>
      %add3A_1726 = arith.addf %add3A_1672, %mul3A_1725 : vector<16xf32>
      %get3A_1727 = arith.constant 27 : i32
      %get3A_1728 = arith.index_cast %get3A_1727 : i32 to index
      %get3A_1729 = arith.constant 16 : index
      %get3A_1730 = tpu.vector_load %arg26[%get3A_1728, %get3A_1729] {strides = array<i32>} : memref<56x64xf32, #tpu.memory_space<vmem>>, vector<16xf32>,
      %mul3A_1731 = arith.mulf %gather3A_1708, %get3A_1730 : vector<16xf32>
      %add3A_1732 = arith.addf %add3A_1678, %mul3A_1731 : vector<16xf32>
      %get3A_1733 = arith.constant 27 : i32
      %get3A_1734 = arith.index_cast %get3A_1733 : i32 to index
      %get3A_1735 = arith.constant 32 : index
      %get3A_1736 = tpu.vector_load %arg25[%get3A_1734, %get3A_1735] {strides = array<i32>} : memref<56x64xf32, #tpu.memory_space<vmem>>, vector<16xf32>,
      %mul3A_1737 = arith.mulf %gather3A_1705, %get3A_1736 : vector<16xf32>
      %add3A_1738 = arith.addf %add3A_1684, %mul3A_1737 : vector<16xf32>
      %get3A_1739 = arith.constant 27 : i32
      %get3A_1740 = arith.index_cast %get3A_1739 : i32 to index
      %get3A_1741 = arith.constant 32 : index
      %get3A_1742 = tpu.vector_load %arg26[%get3A_1740, %get3A_1741] {strides = array<i32>} : memref<56x64xf32, #tpu.memory_space<vmem>>, vector<16xf32>,
      %mul3A_1743 = arith.mulf %gather3A_1708, %get3A_1742 : vector<16xf32>
      %add3A_1744 = arith.addf %add3A_1690, %mul3A_1743 : vector<16xf32>
      %get3A_1745 = arith.constant 27 : i32
      %get3A_1746 = arith.index_cast %get3A_1745 : i32 to index
      %get3A_1747 = arith.constant 48 : index
      %get3A_1748 = tpu.vector_load %arg25[%get3A_1746, %get3A_1747] {strides = array<i32>} : memref<56x64xf32, #tpu.memory_space<vmem>>, vector<16xf32>,
      %mul3A_1749 = arith.mulf %gather3A_1705, %get3A_1748 : vector<16xf32>
      %add3A_1750 = arith.addf %add3A_1696, %mul3A_1749 : vector<16xf32>
      %get3A_1751 = arith.constant 27 : i32
      %get3A_1752 = arith.index_cast %get3A_1751 : i32 to index
      %get3A_1753 = arith.constant 48 : index
      %get3A_1754 = tpu.vector_load %arg26[%get3A_1752, %get3A_1753] {strides = array<i32>} : memref<56x64xf32, #tpu.memory_space<vmem>>, vector<16xf32>,
      %mul3A_1755 = arith.mulf %gather3A_1708, %get3A_1754 : vector<16xf32>
      %add3A_1756 = arith.addf %add3A_1702, %mul3A_1755 : vector<16xf32>
      %broadcast_in_dim3A_1757 = arith.constant 28 : i32
      %broadcast_in_dim3A_1758 = vector.broadcast %broadcast_in_dim3A_1757 : i32 to vector<16xi32>
      %gather3A_1759 = tpu.vector_load_idx %arg28[%broadcast_in_dim3A_1758] : memref<64xf32, #tpu.memory_space<vmem>>[vector<16xi32>], vector<16xf32>,
      %broadcast_in_dim3A_1760 = arith.constant 28 : i32
      %broadcast_in_dim3A_1761 = vector.broadcast %broadcast_in_dim3A_1760 : i32 to vector<16xi32>
      %gather3A_1762 = tpu.vector_load_idx %arg29[%broadcast_in_dim3A_1761] : memref<64xf32, #tpu.memory_space<vmem>>[vector<16xi32>], vector<16xf32>,
      %get3A_1763 = arith.constant 28 : i32
      %get3A_1764 = arith.index_cast %get3A_1763 : i32 to index
      %get3A_1765 = arith.constant 0 : index
      %get3A_1766 = tpu.vector_load %arg25[%get3A_1764, %get3A_1765] {strides = array<i32>} : memref<56x64xf32, #tpu.memory_space<vmem>>, vector<16xf32>,
      %mul3A_1767 = arith.mulf %gather3A_1759, %get3A_1766 : vector<16xf32>
      %add3A_1768 = arith.addf %add3A_1714, %mul3A_1767 : vector<16xf32>
      %get3A_1769 = arith.constant 28 : i32
      %get3A_1770 = arith.index_cast %get3A_1769 : i32 to index
      %get3A_1771 = arith.constant 0 : index
      %get3A_1772 = tpu.vector_load %arg26[%get3A_1770, %get3A_1771] {strides = array<i32>} : memref<56x64xf32, #tpu.memory_space<vmem>>, vector<16xf32>,
      %mul3A_1773 = arith.mulf %gather3A_1762, %get3A_1772 : vector<16xf32>
      %add3A_1774 = arith.addf %add3A_1720, %mul3A_1773 : vector<16xf32>
      %get3A_1775 = arith.constant 28 : i32
      %get3A_1776 = arith.index_cast %get3A_1775 : i32 to index
      %get3A_1777 = arith.constant 16 : index
      %get3A_1778 = tpu.vector_load %arg25[%get3A_1776, %get3A_1777] {strides = array<i32>} : memref<56x64xf32, #tpu.memory_space<vmem>>, vector<16xf32>,
      %mul3A_1779 = arith.mulf %gather3A_1759, %get3A_1778 : vector<16xf32>
      %add3A_1780 = arith.addf %add3A_1726, %mul3A_1779 : vector<16xf32>
      %get3A_1781 = arith.constant 28 : i32
      %get3A_1782 = arith.index_cast %get3A_1781 : i32 to index
      %get3A_1783 = arith.constant 16 : index
      %get3A_1784 = tpu.vector_load %arg26[%get3A_1782, %get3A_1783] {strides = array<i32>} : memref<56x64xf32, #tpu.memory_space<vmem>>, vector<16xf32>,
      %mul3A_1785 = arith.mulf %gather3A_1762, %get3A_1784 : vector<16xf32>
      %add3A_1786 = arith.addf %add3A_1732, %mul3A_1785 : vector<16xf32>
      %get3A_1787 = arith.constant 28 : i32
      %get3A_1788 = arith.index_cast %get3A_1787 : i32 to index
      %get3A_1789 = arith.constant 32 : index
      %get3A_1790 = tpu.vector_load %arg25[%get3A_1788, %get3A_1789] {strides = array<i32>} : memref<56x64xf32, #tpu.memory_space<vmem>>, vector<16xf32>,
      %mul3A_1791 = arith.mulf %gather3A_1759, %get3A_1790 : vector<16xf32>
      %add3A_1792 = arith.addf %add3A_1738, %mul3A_1791 : vector<16xf32>
      %get3A_1793 = arith.constant 28 : i32
      %get3A_1794 = arith.index_cast %get3A_1793 : i32 to index
      %get3A_1795 = arith.constant 32 : index
      %get3A_1796 = tpu.vector_load %arg26[%get3A_1794, %get3A_1795] {strides = array<i32>} : memref<56x64xf32, #tpu.memory_space<vmem>>, vector<16xf32>,
      %mul3A_1797 = arith.mulf %gather3A_1762, %get3A_1796 : vector<16xf32>
      %add3A_1798 = arith.addf %add3A_1744, %mul3A_1797 : vector<16xf32>
      %get3A_1799 = arith.constant 28 : i32
      %get3A_1800 = arith.index_cast %get3A_1799 : i32 to index
      %get3A_1801 = arith.constant 48 : index
      %get3A_1802 = tpu.vector_load %arg25[%get3A_1800, %get3A_1801] {strides = array<i32>} : memref<56x64xf32, #tpu.memory_space<vmem>>, vector<16xf32>,
      %mul3A_1803 = arith.mulf %gather3A_1759, %get3A_1802 : vector<16xf32>
      %add3A_1804 = arith.addf %add3A_1750, %mul3A_1803 : vector<16xf32>
      %get3A_1805 = arith.constant 28 : i32
      %get3A_1806 = arith.index_cast %get3A_1805 : i32 to index
      %get3A_1807 = arith.constant 48 : index
      %get3A_1808 = tpu.vector_load %arg26[%get3A_1806, %get3A_1807] {strides = array<i32>} : memref<56x64xf32, #tpu.memory_space<vmem>>, vector<16xf32>,
      %mul3A_1809 = arith.mulf %gather3A_1762, %get3A_1808 : vector<16xf32>
      %add3A_1810 = arith.addf %add3A_1756, %mul3A_1809 : vector<16xf32>
      %broadcast_in_dim3A_1811 = arith.constant 29 : i32
      %broadcast_in_dim3A_1812 = vector.broadcast %broadcast_in_dim3A_1811 : i32 to vector<16xi32>
      %gather3A_1813 = tpu.vector_load_idx %arg28[%broadcast_in_dim3A_1812] : memref<64xf32, #tpu.memory_space<vmem>>[vector<16xi32>], vector<16xf32>,
      %broadcast_in_dim3A_1814 = arith.constant 29 : i32
      %broadcast_in_dim3A_1815 = vector.broadcast %broadcast_in_dim3A_1814 : i32 to vector<16xi32>
      %gather3A_1816 = tpu.vector_load_idx %arg29[%broadcast_in_dim3A_1815] : memref<64xf32, #tpu.memory_space<vmem>>[vector<16xi32>], vector<16xf32>,
      %get3A_1817 = arith.constant 29 : i32
      %get3A_1818 = arith.index_cast %get3A_1817 : i32 to index
      %get3A_1819 = arith.constant 0 : index
      %get3A_1820 = tpu.vector_load %arg25[%get3A_1818, %get3A_1819] {strides = array<i32>} : memref<56x64xf32, #tpu.memory_space<vmem>>, vector<16xf32>,
      %mul3A_1821 = arith.mulf %gather3A_1813, %get3A_1820 : vector<16xf32>
      %add3A_1822 = arith.addf %add3A_1768, %mul3A_1821 : vector<16xf32>
      %get3A_1823 = arith.constant 29 : i32
      %get3A_1824 = arith.index_cast %get3A_1823 : i32 to index
      %get3A_1825 = arith.constant 0 : index
      %get3A_1826 = tpu.vector_load %arg26[%get3A_1824, %get3A_1825] {strides = array<i32>} : memref<56x64xf32, #tpu.memory_space<vmem>>, vector<16xf32>,
      %mul3A_1827 = arith.mulf %gather3A_1816, %get3A_1826 : vector<16xf32>
      %add3A_1828 = arith.addf %add3A_1774, %mul3A_1827 : vector<16xf32>
      %get3A_1829 = arith.constant 29 : i32
      %get3A_1830 = arith.index_cast %get3A_1829 : i32 to index
      %get3A_1831 = arith.constant 16 : index
      %get3A_1832 = tpu.vector_load %arg25[%get3A_1830, %get3A_1831] {strides = array<i32>} : memref<56x64xf32, #tpu.memory_space<vmem>>, vector<16xf32>,
      %mul3A_1833 = arith.mulf %gather3A_1813, %get3A_1832 : vector<16xf32>
      %add3A_1834 = arith.addf %add3A_1780, %mul3A_1833 : vector<16xf32>
      %get3A_1835 = arith.constant 29 : i32
      %get3A_1836 = arith.index_cast %get3A_1835 : i32 to index
      %get3A_1837 = arith.constant 16 : index
      %get3A_1838 = tpu.vector_load %arg26[%get3A_1836, %get3A_1837] {strides = array<i32>} : memref<56x64xf32, #tpu.memory_space<vmem>>, vector<16xf32>,
      %mul3A_1839 = arith.mulf %gather3A_1816, %get3A_1838 : vector<16xf32>
      %add3A_1840 = arith.addf %add3A_1786, %mul3A_1839 : vector<16xf32>
      %get3A_1841 = arith.constant 29 : i32
      %get3A_1842 = arith.index_cast %get3A_1841 : i32 to index
      %get3A_1843 = arith.constant 32 : index
      %get3A_1844 = tpu.vector_load %arg25[%get3A_1842, %get3A_1843] {strides = array<i32>} : memref<56x64xf32, #tpu.memory_space<vmem>>, vector<16xf32>,
      %mul3A_1845 = arith.mulf %gather3A_1813, %get3A_1844 : vector<16xf32>
      %add3A_1846 = arith.addf %add3A_1792, %mul3A_1845 : vector<16xf32>
      %get3A_1847 = arith.constant 29 : i32
      %get3A_1848 = arith.index_cast %get3A_1847 : i32 to index
      %get3A_1849 = arith.constant 32 : index
      %get3A_1850 = tpu.vector_load %arg26[%get3A_1848, %get3A_1849] {strides = array<i32>} : memref<56x64xf32, #tpu.memory_space<vmem>>, vector<16xf32>,
      %mul3A_1851 = arith.mulf %gather3A_1816, %get3A_1850 : vector<16xf32>
      %add3A_1852 = arith.addf %add3A_1798, %mul3A_1851 : vector<16xf32>
      %get3A_1853 = arith.constant 29 : i32
      %get3A_1854 = arith.index_cast %get3A_1853 : i32 to index
      %get3A_1855 = arith.constant 48 : index
      %get3A_1856 = tpu.vector_load %arg25[%get3A_1854, %get3A_1855] {strides = array<i32>} : memref<56x64xf32, #tpu.memory_space<vmem>>, vector<16xf32>,
      %mul3A_1857 = arith.mulf %gather3A_1813, %get3A_1856 : vector<16xf32>
      %add3A_1858 = arith.addf %add3A_1804, %mul3A_1857 : vector<16xf32>
      %get3A_1859 = arith.constant 29 : i32
      %get3A_1860 = arith.index_cast %get3A_1859 : i32 to index
      %get3A_1861 = arith.constant 48 : index
      %get3A_1862 = tpu.vector_load %arg26[%get3A_1860, %get3A_1861] {strides = array<i32>} : memref<56x64xf32, #tpu.memory_space<vmem>>, vector<16xf32>,
      %mul3A_1863 = arith.mulf %gather3A_1816, %get3A_1862 : vector<16xf32>
      %add3A_1864 = arith.addf %add3A_1810, %mul3A_1863 : vector<16xf32>
      %broadcast_in_dim3A_1865 = arith.constant 30 : i32
      %broadcast_in_dim3A_1866 = vector.broadcast %broadcast_in_dim3A_1865 : i32 to vector<16xi32>
      %gather3A_1867 = tpu.vector_load_idx %arg28[%broadcast_in_dim3A_1866] : memref<64xf32, #tpu.memory_space<vmem>>[vector<16xi32>], vector<16xf32>,
      %broadcast_in_dim3A_1868 = arith.constant 30 : i32
      %broadcast_in_dim3A_1869 = vector.broadcast %broadcast_in_dim3A_1868 : i32 to vector<16xi32>
      %gather3A_1870 = tpu.vector_load_idx %arg29[%broadcast_in_dim3A_1869] : memref<64xf32, #tpu.memory_space<vmem>>[vector<16xi32>], vector<16xf32>,
      %get3A_1871 = arith.constant 30 : i32
      %get3A_1872 = arith.index_cast %get3A_1871 : i32 to index
      %get3A_1873 = arith.constant 0 : index
      %get3A_1874 = tpu.vector_load %arg25[%get3A_1872, %get3A_1873] {strides = array<i32>} : memref<56x64xf32, #tpu.memory_space<vmem>>, vector<16xf32>,
      %mul3A_1875 = arith.mulf %gather3A_1867, %get3A_1874 : vector<16xf32>
      %add3A_1876 = arith.addf %add3A_1822, %mul3A_1875 : vector<16xf32>
      %get3A_1877 = arith.constant 30 : i32
      %get3A_1878 = arith.index_cast %get3A_1877 : i32 to index
      %get3A_1879 = arith.constant 0 : index
      %get3A_1880 = tpu.vector_load %arg26[%get3A_1878, %get3A_1879] {strides = array<i32>} : memref<56x64xf32, #tpu.memory_space<vmem>>, vector<16xf32>,
      %mul3A_1881 = arith.mulf %gather3A_1870, %get3A_1880 : vector<16xf32>
      %add3A_1882 = arith.addf %add3A_1828, %mul3A_1881 : vector<16xf32>
      %get3A_1883 = arith.constant 30 : i32
      %get3A_1884 = arith.index_cast %get3A_1883 : i32 to index
      %get3A_1885 = arith.constant 16 : index
      %get3A_1886 = tpu.vector_load %arg25[%get3A_1884, %get3A_1885] {strides = array<i32>} : memref<56x64xf32, #tpu.memory_space<vmem>>, vector<16xf32>,
      %mul3A_1887 = arith.mulf %gather3A_1867, %get3A_1886 : vector<16xf32>
      %add3A_1888 = arith.addf %add3A_1834, %mul3A_1887 : vector<16xf32>
      %get3A_1889 = arith.constant 30 : i32
      %get3A_1890 = arith.index_cast %get3A_1889 : i32 to index
      %get3A_1891 = arith.constant 16 : index
      %get3A_1892 = tpu.vector_load %arg26[%get3A_1890, %get3A_1891] {strides = array<i32>} : memref<56x64xf32, #tpu.memory_space<vmem>>, vector<16xf32>,
      %mul3A_1893 = arith.mulf %gather3A_1870, %get3A_1892 : vector<16xf32>
      %add3A_1894 = arith.addf %add3A_1840, %mul3A_1893 : vector<16xf32>
      %get3A_1895 = arith.constant 30 : i32
      %get3A_1896 = arith.index_cast %get3A_1895 : i32 to index
      %get3A_1897 = arith.constant 32 : index
      %get3A_1898 = tpu.vector_load %arg25[%get3A_1896, %get3A_1897] {strides = array<i32>} : memref<56x64xf32, #tpu.memory_space<vmem>>, vector<16xf32>,
      %mul3A_1899 = arith.mulf %gather3A_1867, %get3A_1898 : vector<16xf32>
      %add3A_1900 = arith.addf %add3A_1846, %mul3A_1899 : vector<16xf32>
      %get3A_1901 = arith.constant 30 : i32
      %get3A_1902 = arith.index_cast %get3A_1901 : i32 to index
      %get3A_1903 = arith.constant 32 : index
      %get3A_1904 = tpu.vector_load %arg26[%get3A_1902, %get3A_1903] {strides = array<i32>} : memref<56x64xf32, #tpu.memory_space<vmem>>, vector<16xf32>,
      %mul3A_1905 = arith.mulf %gather3A_1870, %get3A_1904 : vector<16xf32>
      %add3A_1906 = arith.addf %add3A_1852, %mul3A_1905 : vector<16xf32>
      %get3A_1907 = arith.constant 30 : i32
      %get3A_1908 = arith.index_cast %get3A_1907 : i32 to index
      %get3A_1909 = arith.constant 48 : index
      %get3A_1910 = tpu.vector_load %arg25[%get3A_1908, %get3A_1909] {strides = array<i32>} : memref<56x64xf32, #tpu.memory_space<vmem>>, vector<16xf32>,
      %mul3A_1911 = arith.mulf %gather3A_1867, %get3A_1910 : vector<16xf32>
      %add3A_1912 = arith.addf %add3A_1858, %mul3A_1911 : vector<16xf32>
      %get3A_1913 = arith.constant 30 : i32
      %get3A_1914 = arith.index_cast %get3A_1913 : i32 to index
      %get3A_1915 = arith.constant 48 : index
      %get3A_1916 = tpu.vector_load %arg26[%get3A_1914, %get3A_1915] {strides = array<i32>} : memref<56x64xf32, #tpu.memory_space<vmem>>, vector<16xf32>,
      %mul3A_1917 = arith.mulf %gather3A_1870, %get3A_1916 : vector<16xf32>
      %add3A_1918 = arith.addf %add3A_1864, %mul3A_1917 : vector<16xf32>
      %broadcast_in_dim3A_1919 = arith.constant 31 : i32
      %broadcast_in_dim3A_1920 = vector.broadcast %broadcast_in_dim3A_1919 : i32 to vector<16xi32>
      %gather3A_1921 = tpu.vector_load_idx %arg28[%broadcast_in_dim3A_1920] : memref<64xf32, #tpu.memory_space<vmem>>[vector<16xi32>], vector<16xf32>,
      %broadcast_in_dim3A_1922 = arith.constant 31 : i32
      %broadcast_in_dim3A_1923 = vector.broadcast %broadcast_in_dim3A_1922 : i32 to vector<16xi32>
      %gather3A_1924 = tpu.vector_load_idx %arg29[%broadcast_in_dim3A_1923] : memref<64xf32, #tpu.memory_space<vmem>>[vector<16xi32>], vector<16xf32>,
      %get3A_1925 = arith.constant 31 : i32
      %get3A_1926 = arith.index_cast %get3A_1925 : i32 to index
      %get3A_1927 = arith.constant 0 : index
      %get3A_1928 = tpu.vector_load %arg25[%get3A_1926, %get3A_1927] {strides = array<i32>} : memref<56x64xf32, #tpu.memory_space<vmem>>, vector<16xf32>,
      %mul3A_1929 = arith.mulf %gather3A_1921, %get3A_1928 : vector<16xf32>
      %add3A_1930 = arith.addf %add3A_1876, %mul3A_1929 : vector<16xf32>
      %get3A_1931 = arith.constant 31 : i32
      %get3A_1932 = arith.index_cast %get3A_1931 : i32 to index
      %get3A_1933 = arith.constant 0 : index
      %get3A_1934 = tpu.vector_load %arg26[%get3A_1932, %get3A_1933] {strides = array<i32>} : memref<56x64xf32, #tpu.memory_space<vmem>>, vector<16xf32>,
      %mul3A_1935 = arith.mulf %gather3A_1924, %get3A_1934 : vector<16xf32>
      %add3A_1936 = arith.addf %add3A_1882, %mul3A_1935 : vector<16xf32>
      %get3A_1937 = arith.constant 31 : i32
      %get3A_1938 = arith.index_cast %get3A_1937 : i32 to index
      %get3A_1939 = arith.constant 16 : index
      %get3A_1940 = tpu.vector_load %arg25[%get3A_1938, %get3A_1939] {strides = array<i32>} : memref<56x64xf32, #tpu.memory_space<vmem>>, vector<16xf32>,
      %mul3A_1941 = arith.mulf %gather3A_1921, %get3A_1940 : vector<16xf32>
      %add3A_1942 = arith.addf %add3A_1888, %mul3A_1941 : vector<16xf32>
      %get3A_1943 = arith.constant 31 : i32
      %get3A_1944 = arith.index_cast %get3A_1943 : i32 to index
      %get3A_1945 = arith.constant 16 : index
      %get3A_1946 = tpu.vector_load %arg26[%get3A_1944, %get3A_1945] {strides = array<i32>} : memref<56x64xf32, #tpu.memory_space<vmem>>, vector<16xf32>,
      %mul3A_1947 = arith.mulf %gather3A_1924, %get3A_1946 : vector<16xf32>
      %add3A_1948 = arith.addf %add3A_1894, %mul3A_1947 : vector<16xf32>
      %get3A_1949 = arith.constant 31 : i32
      %get3A_1950 = arith.index_cast %get3A_1949 : i32 to index
      %get3A_1951 = arith.constant 32 : index
      %get3A_1952 = tpu.vector_load %arg25[%get3A_1950, %get3A_1951] {strides = array<i32>} : memref<56x64xf32, #tpu.memory_space<vmem>>, vector<16xf32>,
      %mul3A_1953 = arith.mulf %gather3A_1921, %get3A_1952 : vector<16xf32>
      %add3A_1954 = arith.addf %add3A_1900, %mul3A_1953 : vector<16xf32>
      %get3A_1955 = arith.constant 31 : i32
      %get3A_1956 = arith.index_cast %get3A_1955 : i32 to index
      %get3A_1957 = arith.constant 32 : index
      %get3A_1958 = tpu.vector_load %arg26[%get3A_1956, %get3A_1957] {strides = array<i32>} : memref<56x64xf32, #tpu.memory_space<vmem>>, vector<16xf32>,
      %mul3A_1959 = arith.mulf %gather3A_1924, %get3A_1958 : vector<16xf32>
      %add3A_1960 = arith.addf %add3A_1906, %mul3A_1959 : vector<16xf32>
      %get3A_1961 = arith.constant 31 : i32
      %get3A_1962 = arith.index_cast %get3A_1961 : i32 to index
      %get3A_1963 = arith.constant 48 : index
      %get3A_1964 = tpu.vector_load %arg25[%get3A_1962, %get3A_1963] {strides = array<i32>} : memref<56x64xf32, #tpu.memory_space<vmem>>, vector<16xf32>,
      %mul3A_1965 = arith.mulf %gather3A_1921, %get3A_1964 : vector<16xf32>
      %add3A_1966 = arith.addf %add3A_1912, %mul3A_1965 : vector<16xf32>
      %get3A_1967 = arith.constant 31 : i32
      %get3A_1968 = arith.index_cast %get3A_1967 : i32 to index
      %get3A_1969 = arith.constant 48 : index
      %get3A_1970 = tpu.vector_load %arg26[%get3A_1968, %get3A_1969] {strides = array<i32>} : memref<56x64xf32, #tpu.memory_space<vmem>>, vector<16xf32>,
      %mul3A_1971 = arith.mulf %gather3A_1924, %get3A_1970 : vector<16xf32>
      %add3A_1972 = arith.addf %add3A_1918, %mul3A_1971 : vector<16xf32>
      %broadcast_in_dim3A_1973 = arith.constant 32 : i32
      %broadcast_in_dim3A_1974 = vector.broadcast %broadcast_in_dim3A_1973 : i32 to vector<16xi32>
      %gather3A_1975 = tpu.vector_load_idx %arg28[%broadcast_in_dim3A_1974] : memref<64xf32, #tpu.memory_space<vmem>>[vector<16xi32>], vector<16xf32>,
      %broadcast_in_dim3A_1976 = arith.constant 32 : i32
      %broadcast_in_dim3A_1977 = vector.broadcast %broadcast_in_dim3A_1976 : i32 to vector<16xi32>
      %gather3A_1978 = tpu.vector_load_idx %arg29[%broadcast_in_dim3A_1977] : memref<64xf32, #tpu.memory_space<vmem>>[vector<16xi32>], vector<16xf32>,
      %get3A_1979 = arith.constant 32 : i32
      %get3A_1980 = arith.index_cast %get3A_1979 : i32 to index
      %get3A_1981 = arith.constant 0 : index
      %get3A_1982 = tpu.vector_load %arg25[%get3A_1980, %get3A_1981] {strides = array<i32>} : memref<56x64xf32, #tpu.memory_space<vmem>>, vector<16xf32>,
      %mul3A_1983 = arith.mulf %gather3A_1975, %get3A_1982 : vector<16xf32>
      %add3A_1984 = arith.addf %add3A_1930, %mul3A_1983 : vector<16xf32>
      %get3A_1985 = arith.constant 32 : i32
      %get3A_1986 = arith.index_cast %get3A_1985 : i32 to index
      %get3A_1987 = arith.constant 0 : index
      %get3A_1988 = tpu.vector_load %arg26[%get3A_1986, %get3A_1987] {strides = array<i32>} : memref<56x64xf32, #tpu.memory_space<vmem>>, vector<16xf32>,
      %mul3A_1989 = arith.mulf %gather3A_1978, %get3A_1988 : vector<16xf32>
      %add3A_1990 = arith.addf %add3A_1936, %mul3A_1989 : vector<16xf32>
      %get3A_1991 = arith.constant 32 : i32
      %get3A_1992 = arith.index_cast %get3A_1991 : i32 to index
      %get3A_1993 = arith.constant 16 : index
      %get3A_1994 = tpu.vector_load %arg25[%get3A_1992, %get3A_1993] {strides = array<i32>} : memref<56x64xf32, #tpu.memory_space<vmem>>, vector<16xf32>,
      %mul3A_1995 = arith.mulf %gather3A_1975, %get3A_1994 : vector<16xf32>
      %add3A_1996 = arith.addf %add3A_1942, %mul3A_1995 : vector<16xf32>
      %get3A_1997 = arith.constant 32 : i32
      %get3A_1998 = arith.index_cast %get3A_1997 : i32 to index
      %get3A_1999 = arith.constant 16 : index
      %get3A_2000 = tpu.vector_load %arg26[%get3A_1998, %get3A_1999] {strides = array<i32>} : memref<56x64xf32, #tpu.memory_space<vmem>>, vector<16xf32>,
      %mul3A_2001 = arith.mulf %gather3A_1978, %get3A_2000 : vector<16xf32>
      %add3A_2002 = arith.addf %add3A_1948, %mul3A_2001 : vector<16xf32>
      %get3A_2003 = arith.constant 32 : i32
      %get3A_2004 = arith.index_cast %get3A_2003 : i32 to index
      %get3A_2005 = arith.constant 32 : index
      %get3A_2006 = tpu.vector_load %arg25[%get3A_2004, %get3A_2005] {strides = array<i32>} : memref<56x64xf32, #tpu.memory_space<vmem>>, vector<16xf32>,
      %mul3A_2007 = arith.mulf %gather3A_1975, %get3A_2006 : vector<16xf32>
      %add3A_2008 = arith.addf %add3A_1954, %mul3A_2007 : vector<16xf32>
      %get3A_2009 = arith.constant 32 : i32
      %get3A_2010 = arith.index_cast %get3A_2009 : i32 to index
      %get3A_2011 = arith.constant 32 : index
      %get3A_2012 = tpu.vector_load %arg26[%get3A_2010, %get3A_2011] {strides = array<i32>} : memref<56x64xf32, #tpu.memory_space<vmem>>, vector<16xf32>,
      %mul3A_2013 = arith.mulf %gather3A_1978, %get3A_2012 : vector<16xf32>
      %add3A_2014 = arith.addf %add3A_1960, %mul3A_2013 : vector<16xf32>
      %get3A_2015 = arith.constant 32 : i32
      %get3A_2016 = arith.index_cast %get3A_2015 : i32 to index
      %get3A_2017 = arith.constant 48 : index
      %get3A_2018 = tpu.vector_load %arg25[%get3A_2016, %get3A_2017] {strides = array<i32>} : memref<56x64xf32, #tpu.memory_space<vmem>>, vector<16xf32>,
      %mul3A_2019 = arith.mulf %gather3A_1975, %get3A_2018 : vector<16xf32>
      %add3A_2020 = arith.addf %add3A_1966, %mul3A_2019 : vector<16xf32>
      %get3A_2021 = arith.constant 32 : i32
      %get3A_2022 = arith.index_cast %get3A_2021 : i32 to index
      %get3A_2023 = arith.constant 48 : index
      %get3A_2024 = tpu.vector_load %arg26[%get3A_2022, %get3A_2023] {strides = array<i32>} : memref<56x64xf32, #tpu.memory_space<vmem>>, vector<16xf32>,
      %mul3A_2025 = arith.mulf %gather3A_1978, %get3A_2024 : vector<16xf32>
      %add3A_2026 = arith.addf %add3A_1972, %mul3A_2025 : vector<16xf32>
      %broadcast_in_dim3A_2027 = arith.constant 33 : i32
      %broadcast_in_dim3A_2028 = vector.broadcast %broadcast_in_dim3A_2027 : i32 to vector<16xi32>
      %gather3A_2029 = tpu.vector_load_idx %arg28[%broadcast_in_dim3A_2028] : memref<64xf32, #tpu.memory_space<vmem>>[vector<16xi32>], vector<16xf32>,
      %broadcast_in_dim3A_2030 = arith.constant 33 : i32
      %broadcast_in_dim3A_2031 = vector.broadcast %broadcast_in_dim3A_2030 : i32 to vector<16xi32>
      %gather3A_2032 = tpu.vector_load_idx %arg29[%broadcast_in_dim3A_2031] : memref<64xf32, #tpu.memory_space<vmem>>[vector<16xi32>], vector<16xf32>,
      %get3A_2033 = arith.constant 33 : i32
      %get3A_2034 = arith.index_cast %get3A_2033 : i32 to index
      %get3A_2035 = arith.constant 0 : index
      %get3A_2036 = tpu.vector_load %arg25[%get3A_2034, %get3A_2035] {strides = array<i32>} : memref<56x64xf32, #tpu.memory_space<vmem>>, vector<16xf32>,
      %mul3A_2037 = arith.mulf %gather3A_2029, %get3A_2036 : vector<16xf32>
      %add3A_2038 = arith.addf %add3A_1984, %mul3A_2037 : vector<16xf32>
      %get3A_2039 = arith.constant 33 : i32
      %get3A_2040 = arith.index_cast %get3A_2039 : i32 to index
      %get3A_2041 = arith.constant 0 : index
      %get3A_2042 = tpu.vector_load %arg26[%get3A_2040, %get3A_2041] {strides = array<i32>} : memref<56x64xf32, #tpu.memory_space<vmem>>, vector<16xf32>,
      %mul3A_2043 = arith.mulf %gather3A_2032, %get3A_2042 : vector<16xf32>
      %add3A_2044 = arith.addf %add3A_1990, %mul3A_2043 : vector<16xf32>
      %get3A_2045 = arith.constant 33 : i32
      %get3A_2046 = arith.index_cast %get3A_2045 : i32 to index
      %get3A_2047 = arith.constant 16 : index
      %get3A_2048 = tpu.vector_load %arg25[%get3A_2046, %get3A_2047] {strides = array<i32>} : memref<56x64xf32, #tpu.memory_space<vmem>>, vector<16xf32>,
      %mul3A_2049 = arith.mulf %gather3A_2029, %get3A_2048 : vector<16xf32>
      %add3A_2050 = arith.addf %add3A_1996, %mul3A_2049 : vector<16xf32>
      %get3A_2051 = arith.constant 33 : i32
      %get3A_2052 = arith.index_cast %get3A_2051 : i32 to index
      %get3A_2053 = arith.constant 16 : index
      %get3A_2054 = tpu.vector_load %arg26[%get3A_2052, %get3A_2053] {strides = array<i32>} : memref<56x64xf32, #tpu.memory_space<vmem>>, vector<16xf32>,
      %mul3A_2055 = arith.mulf %gather3A_2032, %get3A_2054 : vector<16xf32>
      %add3A_2056 = arith.addf %add3A_2002, %mul3A_2055 : vector<16xf32>
      %get3A_2057 = arith.constant 33 : i32
      %get3A_2058 = arith.index_cast %get3A_2057 : i32 to index
      %get3A_2059 = arith.constant 32 : index
      %get3A_2060 = tpu.vector_load %arg25[%get3A_2058, %get3A_2059] {strides = array<i32>} : memref<56x64xf32, #tpu.memory_space<vmem>>, vector<16xf32>,
      %mul3A_2061 = arith.mulf %gather3A_2029, %get3A_2060 : vector<16xf32>
      %add3A_2062 = arith.addf %add3A_2008, %mul3A_2061 : vector<16xf32>
      %get3A_2063 = arith.constant 33 : i32
      %get3A_2064 = arith.index_cast %get3A_2063 : i32 to index
      %get3A_2065 = arith.constant 32 : index
      %get3A_2066 = tpu.vector_load %arg26[%get3A_2064, %get3A_2065] {strides = array<i32>} : memref<56x64xf32, #tpu.memory_space<vmem>>, vector<16xf32>,
      %mul3A_2067 = arith.mulf %gather3A_2032, %get3A_2066 : vector<16xf32>
      %add3A_2068 = arith.addf %add3A_2014, %mul3A_2067 : vector<16xf32>
      %get3A_2069 = arith.constant 33 : i32
      %get3A_2070 = arith.index_cast %get3A_2069 : i32 to index
      %get3A_2071 = arith.constant 48 : index
      %get3A_2072 = tpu.vector_load %arg25[%get3A_2070, %get3A_2071] {strides = array<i32>} : memref<56x64xf32, #tpu.memory_space<vmem>>, vector<16xf32>,
      %mul3A_2073 = arith.mulf %gather3A_2029, %get3A_2072 : vector<16xf32>
      %add3A_2074 = arith.addf %add3A_2020, %mul3A_2073 : vector<16xf32>
      %get3A_2075 = arith.constant 33 : i32
      %get3A_2076 = arith.index_cast %get3A_2075 : i32 to index
      %get3A_2077 = arith.constant 48 : index
      %get3A_2078 = tpu.vector_load %arg26[%get3A_2076, %get3A_2077] {strides = array<i32>} : memref<56x64xf32, #tpu.memory_space<vmem>>, vector<16xf32>,
      %mul3A_2079 = arith.mulf %gather3A_2032, %get3A_2078 : vector<16xf32>
      %add3A_2080 = arith.addf %add3A_2026, %mul3A_2079 : vector<16xf32>
      %broadcast_in_dim3A_2081 = arith.constant 34 : i32
      %broadcast_in_dim3A_2082 = vector.broadcast %broadcast_in_dim3A_2081 : i32 to vector<16xi32>
      %gather3A_2083 = tpu.vector_load_idx %arg28[%broadcast_in_dim3A_2082] : memref<64xf32, #tpu.memory_space<vmem>>[vector<16xi32>], vector<16xf32>,
      %broadcast_in_dim3A_2084 = arith.constant 34 : i32
      %broadcast_in_dim3A_2085 = vector.broadcast %broadcast_in_dim3A_2084 : i32 to vector<16xi32>
      %gather3A_2086 = tpu.vector_load_idx %arg29[%broadcast_in_dim3A_2085] : memref<64xf32, #tpu.memory_space<vmem>>[vector<16xi32>], vector<16xf32>,
      %get3A_2087 = arith.constant 34 : i32
      %get3A_2088 = arith.index_cast %get3A_2087 : i32 to index
      %get3A_2089 = arith.constant 0 : index
      %get3A_2090 = tpu.vector_load %arg25[%get3A_2088, %get3A_2089] {strides = array<i32>} : memref<56x64xf32, #tpu.memory_space<vmem>>, vector<16xf32>,
      %mul3A_2091 = arith.mulf %gather3A_2083, %get3A_2090 : vector<16xf32>
      %add3A_2092 = arith.addf %add3A_2038, %mul3A_2091 : vector<16xf32>
      %get3A_2093 = arith.constant 34 : i32
      %get3A_2094 = arith.index_cast %get3A_2093 : i32 to index
      %get3A_2095 = arith.constant 0 : index
      %get3A_2096 = tpu.vector_load %arg26[%get3A_2094, %get3A_2095] {strides = array<i32>} : memref<56x64xf32, #tpu.memory_space<vmem>>, vector<16xf32>,
      %mul3A_2097 = arith.mulf %gather3A_2086, %get3A_2096 : vector<16xf32>
      %add3A_2098 = arith.addf %add3A_2044, %mul3A_2097 : vector<16xf32>
      %get3A_2099 = arith.constant 34 : i32
      %get3A_2100 = arith.index_cast %get3A_2099 : i32 to index
      %get3A_2101 = arith.constant 16 : index
      %get3A_2102 = tpu.vector_load %arg25[%get3A_2100, %get3A_2101] {strides = array<i32>} : memref<56x64xf32, #tpu.memory_space<vmem>>, vector<16xf32>,
      %mul3A_2103 = arith.mulf %gather3A_2083, %get3A_2102 : vector<16xf32>
      %add3A_2104 = arith.addf %add3A_2050, %mul3A_2103 : vector<16xf32>
      %get3A_2105 = arith.constant 34 : i32
      %get3A_2106 = arith.index_cast %get3A_2105 : i32 to index
      %get3A_2107 = arith.constant 16 : index
      %get3A_2108 = tpu.vector_load %arg26[%get3A_2106, %get3A_2107] {strides = array<i32>} : memref<56x64xf32, #tpu.memory_space<vmem>>, vector<16xf32>,
      %mul3A_2109 = arith.mulf %gather3A_2086, %get3A_2108 : vector<16xf32>
      %add3A_2110 = arith.addf %add3A_2056, %mul3A_2109 : vector<16xf32>
      %get3A_2111 = arith.constant 34 : i32
      %get3A_2112 = arith.index_cast %get3A_2111 : i32 to index
      %get3A_2113 = arith.constant 32 : index
      %get3A_2114 = tpu.vector_load %arg25[%get3A_2112, %get3A_2113] {strides = array<i32>} : memref<56x64xf32, #tpu.memory_space<vmem>>, vector<16xf32>,
      %mul3A_2115 = arith.mulf %gather3A_2083, %get3A_2114 : vector<16xf32>
      %add3A_2116 = arith.addf %add3A_2062, %mul3A_2115 : vector<16xf32>
      %get3A_2117 = arith.constant 34 : i32
      %get3A_2118 = arith.index_cast %get3A_2117 : i32 to index
      %get3A_2119 = arith.constant 32 : index
      %get3A_2120 = tpu.vector_load %arg26[%get3A_2118, %get3A_2119] {strides = array<i32>} : memref<56x64xf32, #tpu.memory_space<vmem>>, vector<16xf32>,
      %mul3A_2121 = arith.mulf %gather3A_2086, %get3A_2120 : vector<16xf32>
      %add3A_2122 = arith.addf %add3A_2068, %mul3A_2121 : vector<16xf32>
      %get3A_2123 = arith.constant 34 : i32
      %get3A_2124 = arith.index_cast %get3A_2123 : i32 to index
      %get3A_2125 = arith.constant 48 : index
      %get3A_2126 = tpu.vector_load %arg25[%get3A_2124, %get3A_2125] {strides = array<i32>} : memref<56x64xf32, #tpu.memory_space<vmem>>, vector<16xf32>,
      %mul3A_2127 = arith.mulf %gather3A_2083, %get3A_2126 : vector<16xf32>
      %add3A_2128 = arith.addf %add3A_2074, %mul3A_2127 : vector<16xf32>
      %get3A_2129 = arith.constant 34 : i32
      %get3A_2130 = arith.index_cast %get3A_2129 : i32 to index
      %get3A_2131 = arith.constant 48 : index
      %get3A_2132 = tpu.vector_load %arg26[%get3A_2130, %get3A_2131] {strides = array<i32>} : memref<56x64xf32, #tpu.memory_space<vmem>>, vector<16xf32>,
      %mul3A_2133 = arith.mulf %gather3A_2086, %get3A_2132 : vector<16xf32>
      %add3A_2134 = arith.addf %add3A_2080, %mul3A_2133 : vector<16xf32>
      %broadcast_in_dim3A_2135 = arith.constant 35 : i32
      %broadcast_in_dim3A_2136 = vector.broadcast %broadcast_in_dim3A_2135 : i32 to vector<16xi32>
      %gather3A_2137 = tpu.vector_load_idx %arg28[%broadcast_in_dim3A_2136] : memref<64xf32, #tpu.memory_space<vmem>>[vector<16xi32>], vector<16xf32>,
      %broadcast_in_dim3A_2138 = arith.constant 35 : i32
      %broadcast_in_dim3A_2139 = vector.broadcast %broadcast_in_dim3A_2138 : i32 to vector<16xi32>
      %gather3A_2140 = tpu.vector_load_idx %arg29[%broadcast_in_dim3A_2139] : memref<64xf32, #tpu.memory_space<vmem>>[vector<16xi32>], vector<16xf32>,
      %get3A_2141 = arith.constant 35 : i32
      %get3A_2142 = arith.index_cast %get3A_2141 : i32 to index
      %get3A_2143 = arith.constant 0 : index
      %get3A_2144 = tpu.vector_load %arg25[%get3A_2142, %get3A_2143] {strides = array<i32>} : memref<56x64xf32, #tpu.memory_space<vmem>>, vector<16xf32>,
      %mul3A_2145 = arith.mulf %gather3A_2137, %get3A_2144 : vector<16xf32>
      %add3A_2146 = arith.addf %add3A_2092, %mul3A_2145 : vector<16xf32>
      %get3A_2147 = arith.constant 35 : i32
      %get3A_2148 = arith.index_cast %get3A_2147 : i32 to index
      %get3A_2149 = arith.constant 0 : index
      %get3A_2150 = tpu.vector_load %arg26[%get3A_2148, %get3A_2149] {strides = array<i32>} : memref<56x64xf32, #tpu.memory_space<vmem>>, vector<16xf32>,
      %mul3A_2151 = arith.mulf %gather3A_2140, %get3A_2150 : vector<16xf32>
      %add3A_2152 = arith.addf %add3A_2098, %mul3A_2151 : vector<16xf32>
      %get3A_2153 = arith.constant 35 : i32
      %get3A_2154 = arith.index_cast %get3A_2153 : i32 to index
      %get3A_2155 = arith.constant 16 : index
      %get3A_2156 = tpu.vector_load %arg25[%get3A_2154, %get3A_2155] {strides = array<i32>} : memref<56x64xf32, #tpu.memory_space<vmem>>, vector<16xf32>,
      %mul3A_2157 = arith.mulf %gather3A_2137, %get3A_2156 : vector<16xf32>
      %add3A_2158 = arith.addf %add3A_2104, %mul3A_2157 : vector<16xf32>
      %get3A_2159 = arith.constant 35 : i32
      %get3A_2160 = arith.index_cast %get3A_2159 : i32 to index
      %get3A_2161 = arith.constant 16 : index
      %get3A_2162 = tpu.vector_load %arg26[%get3A_2160, %get3A_2161] {strides = array<i32>} : memref<56x64xf32, #tpu.memory_space<vmem>>, vector<16xf32>,
      %mul3A_2163 = arith.mulf %gather3A_2140, %get3A_2162 : vector<16xf32>
      %add3A_2164 = arith.addf %add3A_2110, %mul3A_2163 : vector<16xf32>
      %get3A_2165 = arith.constant 35 : i32
      %get3A_2166 = arith.index_cast %get3A_2165 : i32 to index
      %get3A_2167 = arith.constant 32 : index
      %get3A_2168 = tpu.vector_load %arg25[%get3A_2166, %get3A_2167] {strides = array<i32>} : memref<56x64xf32, #tpu.memory_space<vmem>>, vector<16xf32>,
      %mul3A_2169 = arith.mulf %gather3A_2137, %get3A_2168 : vector<16xf32>
      %add3A_2170 = arith.addf %add3A_2116, %mul3A_2169 : vector<16xf32>
      %get3A_2171 = arith.constant 35 : i32
      %get3A_2172 = arith.index_cast %get3A_2171 : i32 to index
      %get3A_2173 = arith.constant 32 : index
      %get3A_2174 = tpu.vector_load %arg26[%get3A_2172, %get3A_2173] {strides = array<i32>} : memref<56x64xf32, #tpu.memory_space<vmem>>, vector<16xf32>,
      %mul3A_2175 = arith.mulf %gather3A_2140, %get3A_2174 : vector<16xf32>
      %add3A_2176 = arith.addf %add3A_2122, %mul3A_2175 : vector<16xf32>
      %get3A_2177 = arith.constant 35 : i32
      %get3A_2178 = arith.index_cast %get3A_2177 : i32 to index
      %get3A_2179 = arith.constant 48 : index
      %get3A_2180 = tpu.vector_load %arg25[%get3A_2178, %get3A_2179] {strides = array<i32>} : memref<56x64xf32, #tpu.memory_space<vmem>>, vector<16xf32>,
      %mul3A_2181 = arith.mulf %gather3A_2137, %get3A_2180 : vector<16xf32>
      %add3A_2182 = arith.addf %add3A_2128, %mul3A_2181 : vector<16xf32>
      %get3A_2183 = arith.constant 35 : i32
      %get3A_2184 = arith.index_cast %get3A_2183 : i32 to index
      %get3A_2185 = arith.constant 48 : index
      %get3A_2186 = tpu.vector_load %arg26[%get3A_2184, %get3A_2185] {strides = array<i32>} : memref<56x64xf32, #tpu.memory_space<vmem>>, vector<16xf32>,
      %mul3A_2187 = arith.mulf %gather3A_2140, %get3A_2186 : vector<16xf32>
      %add3A_2188 = arith.addf %add3A_2134, %mul3A_2187 : vector<16xf32>
      %broadcast_in_dim3A_2189 = arith.constant 36 : i32
      %broadcast_in_dim3A_2190 = vector.broadcast %broadcast_in_dim3A_2189 : i32 to vector<16xi32>
      %gather3A_2191 = tpu.vector_load_idx %arg28[%broadcast_in_dim3A_2190] : memref<64xf32, #tpu.memory_space<vmem>>[vector<16xi32>], vector<16xf32>,
      %broadcast_in_dim3A_2192 = arith.constant 36 : i32
      %broadcast_in_dim3A_2193 = vector.broadcast %broadcast_in_dim3A_2192 : i32 to vector<16xi32>
      %gather3A_2194 = tpu.vector_load_idx %arg29[%broadcast_in_dim3A_2193] : memref<64xf32, #tpu.memory_space<vmem>>[vector<16xi32>], vector<16xf32>,
      %get3A_2195 = arith.constant 36 : i32
      %get3A_2196 = arith.index_cast %get3A_2195 : i32 to index
      %get3A_2197 = arith.constant 0 : index
      %get3A_2198 = tpu.vector_load %arg25[%get3A_2196, %get3A_2197] {strides = array<i32>} : memref<56x64xf32, #tpu.memory_space<vmem>>, vector<16xf32>,
      %mul3A_2199 = arith.mulf %gather3A_2191, %get3A_2198 : vector<16xf32>
      %add3A_2200 = arith.addf %add3A_2146, %mul3A_2199 : vector<16xf32>
      %get3A_2201 = arith.constant 36 : i32
      %get3A_2202 = arith.index_cast %get3A_2201 : i32 to index
      %get3A_2203 = arith.constant 0 : index
      %get3A_2204 = tpu.vector_load %arg26[%get3A_2202, %get3A_2203] {strides = array<i32>} : memref<56x64xf32, #tpu.memory_space<vmem>>, vector<16xf32>,
      %mul3A_2205 = arith.mulf %gather3A_2194, %get3A_2204 : vector<16xf32>
      %add3A_2206 = arith.addf %add3A_2152, %mul3A_2205 : vector<16xf32>
      %get3A_2207 = arith.constant 36 : i32
      %get3A_2208 = arith.index_cast %get3A_2207 : i32 to index
      %get3A_2209 = arith.constant 16 : index
      %get3A_2210 = tpu.vector_load %arg25[%get3A_2208, %get3A_2209] {strides = array<i32>} : memref<56x64xf32, #tpu.memory_space<vmem>>, vector<16xf32>,
      %mul3A_2211 = arith.mulf %gather3A_2191, %get3A_2210 : vector<16xf32>
      %add3A_2212 = arith.addf %add3A_2158, %mul3A_2211 : vector<16xf32>
      %get3A_2213 = arith.constant 36 : i32
      %get3A_2214 = arith.index_cast %get3A_2213 : i32 to index
      %get3A_2215 = arith.constant 16 : index
      %get3A_2216 = tpu.vector_load %arg26[%get3A_2214, %get3A_2215] {strides = array<i32>} : memref<56x64xf32, #tpu.memory_space<vmem>>, vector<16xf32>,
      %mul3A_2217 = arith.mulf %gather3A_2194, %get3A_2216 : vector<16xf32>
      %add3A_2218 = arith.addf %add3A_2164, %mul3A_2217 : vector<16xf32>
      %get3A_2219 = arith.constant 36 : i32
      %get3A_2220 = arith.index_cast %get3A_2219 : i32 to index
      %get3A_2221 = arith.constant 32 : index
      %get3A_2222 = tpu.vector_load %arg25[%get3A_2220, %get3A_2221] {strides = array<i32>} : memref<56x64xf32, #tpu.memory_space<vmem>>, vector<16xf32>,
      %mul3A_2223 = arith.mulf %gather3A_2191, %get3A_2222 : vector<16xf32>
      %add3A_2224 = arith.addf %add3A_2170, %mul3A_2223 : vector<16xf32>
      %get3A_2225 = arith.constant 36 : i32
      %get3A_2226 = arith.index_cast %get3A_2225 : i32 to index
      %get3A_2227 = arith.constant 32 : index
      %get3A_2228 = tpu.vector_load %arg26[%get3A_2226, %get3A_2227] {strides = array<i32>} : memref<56x64xf32, #tpu.memory_space<vmem>>, vector<16xf32>,
      %mul3A_2229 = arith.mulf %gather3A_2194, %get3A_2228 : vector<16xf32>
      %add3A_2230 = arith.addf %add3A_2176, %mul3A_2229 : vector<16xf32>
      %get3A_2231 = arith.constant 36 : i32
      %get3A_2232 = arith.index_cast %get3A_2231 : i32 to index
      %get3A_2233 = arith.constant 48 : index
      %get3A_2234 = tpu.vector_load %arg25[%get3A_2232, %get3A_2233] {strides = array<i32>} : memref<56x64xf32, #tpu.memory_space<vmem>>, vector<16xf32>,
      %mul3A_2235 = arith.mulf %gather3A_2191, %get3A_2234 : vector<16xf32>
      %add3A_2236 = arith.addf %add3A_2182, %mul3A_2235 : vector<16xf32>
      %get3A_2237 = arith.constant 36 : i32
      %get3A_2238 = arith.index_cast %get3A_2237 : i32 to index
      %get3A_2239 = arith.constant 48 : index
      %get3A_2240 = tpu.vector_load %arg26[%get3A_2238, %get3A_2239] {strides = array<i32>} : memref<56x64xf32, #tpu.memory_space<vmem>>, vector<16xf32>,
      %mul3A_2241 = arith.mulf %gather3A_2194, %get3A_2240 : vector<16xf32>
      %add3A_2242 = arith.addf %add3A_2188, %mul3A_2241 : vector<16xf32>
      %broadcast_in_dim3A_2243 = arith.constant 37 : i32
      %broadcast_in_dim3A_2244 = vector.broadcast %broadcast_in_dim3A_2243 : i32 to vector<16xi32>
      %gather3A_2245 = tpu.vector_load_idx %arg28[%broadcast_in_dim3A_2244] : memref<64xf32, #tpu.memory_space<vmem>>[vector<16xi32>], vector<16xf32>,
      %broadcast_in_dim3A_2246 = arith.constant 37 : i32
      %broadcast_in_dim3A_2247 = vector.broadcast %broadcast_in_dim3A_2246 : i32 to vector<16xi32>
      %gather3A_2248 = tpu.vector_load_idx %arg29[%broadcast_in_dim3A_2247] : memref<64xf32, #tpu.memory_space<vmem>>[vector<16xi32>], vector<16xf32>,
      %get3A_2249 = arith.constant 37 : i32
      %get3A_2250 = arith.index_cast %get3A_2249 : i32 to index
      %get3A_2251 = arith.constant 0 : index
      %get3A_2252 = tpu.vector_load %arg25[%get3A_2250, %get3A_2251] {strides = array<i32>} : memref<56x64xf32, #tpu.memory_space<vmem>>, vector<16xf32>,
      %mul3A_2253 = arith.mulf %gather3A_2245, %get3A_2252 : vector<16xf32>
      %add3A_2254 = arith.addf %add3A_2200, %mul3A_2253 : vector<16xf32>
      %get3A_2255 = arith.constant 37 : i32
      %get3A_2256 = arith.index_cast %get3A_2255 : i32 to index
      %get3A_2257 = arith.constant 0 : index
      %get3A_2258 = tpu.vector_load %arg26[%get3A_2256, %get3A_2257] {strides = array<i32>} : memref<56x64xf32, #tpu.memory_space<vmem>>, vector<16xf32>,
      %mul3A_2259 = arith.mulf %gather3A_2248, %get3A_2258 : vector<16xf32>
      %add3A_2260 = arith.addf %add3A_2206, %mul3A_2259 : vector<16xf32>
      %get3A_2261 = arith.constant 37 : i32
      %get3A_2262 = arith.index_cast %get3A_2261 : i32 to index
      %get3A_2263 = arith.constant 16 : index
      %get3A_2264 = tpu.vector_load %arg25[%get3A_2262, %get3A_2263] {strides = array<i32>} : memref<56x64xf32, #tpu.memory_space<vmem>>, vector<16xf32>,
      %mul3A_2265 = arith.mulf %gather3A_2245, %get3A_2264 : vector<16xf32>
      %add3A_2266 = arith.addf %add3A_2212, %mul3A_2265 : vector<16xf32>
      %get3A_2267 = arith.constant 37 : i32
      %get3A_2268 = arith.index_cast %get3A_2267 : i32 to index
      %get3A_2269 = arith.constant 16 : index
      %get3A_2270 = tpu.vector_load %arg26[%get3A_2268, %get3A_2269] {strides = array<i32>} : memref<56x64xf32, #tpu.memory_space<vmem>>, vector<16xf32>,
      %mul3A_2271 = arith.mulf %gather3A_2248, %get3A_2270 : vector<16xf32>
      %add3A_2272 = arith.addf %add3A_2218, %mul3A_2271 : vector<16xf32>
      %get3A_2273 = arith.constant 37 : i32
      %get3A_2274 = arith.index_cast %get3A_2273 : i32 to index
      %get3A_2275 = arith.constant 32 : index
      %get3A_2276 = tpu.vector_load %arg25[%get3A_2274, %get3A_2275] {strides = array<i32>} : memref<56x64xf32, #tpu.memory_space<vmem>>, vector<16xf32>,
      %mul3A_2277 = arith.mulf %gather3A_2245, %get3A_2276 : vector<16xf32>
      %add3A_2278 = arith.addf %add3A_2224, %mul3A_2277 : vector<16xf32>
      %get3A_2279 = arith.constant 37 : i32
      %get3A_2280 = arith.index_cast %get3A_2279 : i32 to index
      %get3A_2281 = arith.constant 32 : index
      %get3A_2282 = tpu.vector_load %arg26[%get3A_2280, %get3A_2281] {strides = array<i32>} : memref<56x64xf32, #tpu.memory_space<vmem>>, vector<16xf32>,
      %mul3A_2283 = arith.mulf %gather3A_2248, %get3A_2282 : vector<16xf32>
      %add3A_2284 = arith.addf %add3A_2230, %mul3A_2283 : vector<16xf32>
      %get3A_2285 = arith.constant 37 : i32
      %get3A_2286 = arith.index_cast %get3A_2285 : i32 to index
      %get3A_2287 = arith.constant 48 : index
      %get3A_2288 = tpu.vector_load %arg25[%get3A_2286, %get3A_2287] {strides = array<i32>} : memref<56x64xf32, #tpu.memory_space<vmem>>, vector<16xf32>,
      %mul3A_2289 = arith.mulf %gather3A_2245, %get3A_2288 : vector<16xf32>
      %add3A_2290 = arith.addf %add3A_2236, %mul3A_2289 : vector<16xf32>
      %get3A_2291 = arith.constant 37 : i32
      %get3A_2292 = arith.index_cast %get3A_2291 : i32 to index
      %get3A_2293 = arith.constant 48 : index
      %get3A_2294 = tpu.vector_load %arg26[%get3A_2292, %get3A_2293] {strides = array<i32>} : memref<56x64xf32, #tpu.memory_space<vmem>>, vector<16xf32>,
      %mul3A_2295 = arith.mulf %gather3A_2248, %get3A_2294 : vector<16xf32>
      %add3A_2296 = arith.addf %add3A_2242, %mul3A_2295 : vector<16xf32>
      %broadcast_in_dim3A_2297 = arith.constant 38 : i32
      %broadcast_in_dim3A_2298 = vector.broadcast %broadcast_in_dim3A_2297 : i32 to vector<16xi32>
      %gather3A_2299 = tpu.vector_load_idx %arg28[%broadcast_in_dim3A_2298] : memref<64xf32, #tpu.memory_space<vmem>>[vector<16xi32>], vector<16xf32>,
      %broadcast_in_dim3A_2300 = arith.constant 38 : i32
      %broadcast_in_dim3A_2301 = vector.broadcast %broadcast_in_dim3A_2300 : i32 to vector<16xi32>
      %gather3A_2302 = tpu.vector_load_idx %arg29[%broadcast_in_dim3A_2301] : memref<64xf32, #tpu.memory_space<vmem>>[vector<16xi32>], vector<16xf32>,
      %get3A_2303 = arith.constant 38 : i32
      %get3A_2304 = arith.index_cast %get3A_2303 : i32 to index
      %get3A_2305 = arith.constant 0 : index
      %get3A_2306 = tpu.vector_load %arg25[%get3A_2304, %get3A_2305] {strides = array<i32>} : memref<56x64xf32, #tpu.memory_space<vmem>>, vector<16xf32>,
      %mul3A_2307 = arith.mulf %gather3A_2299, %get3A_2306 : vector<16xf32>
      %add3A_2308 = arith.addf %add3A_2254, %mul3A_2307 : vector<16xf32>
      %get3A_2309 = arith.constant 38 : i32
      %get3A_2310 = arith.index_cast %get3A_2309 : i32 to index
      %get3A_2311 = arith.constant 0 : index
      %get3A_2312 = tpu.vector_load %arg26[%get3A_2310, %get3A_2311] {strides = array<i32>} : memref<56x64xf32, #tpu.memory_space<vmem>>, vector<16xf32>,
      %mul3A_2313 = arith.mulf %gather3A_2302, %get3A_2312 : vector<16xf32>
      %add3A_2314 = arith.addf %add3A_2260, %mul3A_2313 : vector<16xf32>
      %get3A_2315 = arith.constant 38 : i32
      %get3A_2316 = arith.index_cast %get3A_2315 : i32 to index
      %get3A_2317 = arith.constant 16 : index
      %get3A_2318 = tpu.vector_load %arg25[%get3A_2316, %get3A_2317] {strides = array<i32>} : memref<56x64xf32, #tpu.memory_space<vmem>>, vector<16xf32>,
      %mul3A_2319 = arith.mulf %gather3A_2299, %get3A_2318 : vector<16xf32>
      %add3A_2320 = arith.addf %add3A_2266, %mul3A_2319 : vector<16xf32>
      %get3A_2321 = arith.constant 38 : i32
      %get3A_2322 = arith.index_cast %get3A_2321 : i32 to index
      %get3A_2323 = arith.constant 16 : index
      %get3A_2324 = tpu.vector_load %arg26[%get3A_2322, %get3A_2323] {strides = array<i32>} : memref<56x64xf32, #tpu.memory_space<vmem>>, vector<16xf32>,
      %mul3A_2325 = arith.mulf %gather3A_2302, %get3A_2324 : vector<16xf32>
      %add3A_2326 = arith.addf %add3A_2272, %mul3A_2325 : vector<16xf32>
      %get3A_2327 = arith.constant 38 : i32
      %get3A_2328 = arith.index_cast %get3A_2327 : i32 to index
      %get3A_2329 = arith.constant 32 : index
      %get3A_2330 = tpu.vector_load %arg25[%get3A_2328, %get3A_2329] {strides = array<i32>} : memref<56x64xf32, #tpu.memory_space<vmem>>, vector<16xf32>,
      %mul3A_2331 = arith.mulf %gather3A_2299, %get3A_2330 : vector<16xf32>
      %add3A_2332 = arith.addf %add3A_2278, %mul3A_2331 : vector<16xf32>
      %get3A_2333 = arith.constant 38 : i32
      %get3A_2334 = arith.index_cast %get3A_2333 : i32 to index
      %get3A_2335 = arith.constant 32 : index
      %get3A_2336 = tpu.vector_load %arg26[%get3A_2334, %get3A_2335] {strides = array<i32>} : memref<56x64xf32, #tpu.memory_space<vmem>>, vector<16xf32>,
      %mul3A_2337 = arith.mulf %gather3A_2302, %get3A_2336 : vector<16xf32>
      %add3A_2338 = arith.addf %add3A_2284, %mul3A_2337 : vector<16xf32>
      %get3A_2339 = arith.constant 38 : i32
      %get3A_2340 = arith.index_cast %get3A_2339 : i32 to index
      %get3A_2341 = arith.constant 48 : index
      %get3A_2342 = tpu.vector_load %arg25[%get3A_2340, %get3A_2341] {strides = array<i32>} : memref<56x64xf32, #tpu.memory_space<vmem>>, vector<16xf32>,
      %mul3A_2343 = arith.mulf %gather3A_2299, %get3A_2342 : vector<16xf32>
      %add3A_2344 = arith.addf %add3A_2290, %mul3A_2343 : vector<16xf32>
      %get3A_2345 = arith.constant 38 : i32
      %get3A_2346 = arith.index_cast %get3A_2345 : i32 to index
      %get3A_2347 = arith.constant 48 : index
      %get3A_2348 = tpu.vector_load %arg26[%get3A_2346, %get3A_2347] {strides = array<i32>} : memref<56x64xf32, #tpu.memory_space<vmem>>, vector<16xf32>,
      %mul3A_2349 = arith.mulf %gather3A_2302, %get3A_2348 : vector<16xf32>
      %add3A_2350 = arith.addf %add3A_2296, %mul3A_2349 : vector<16xf32>
      %broadcast_in_dim3A_2351 = arith.constant 39 : i32
      %broadcast_in_dim3A_2352 = vector.broadcast %broadcast_in_dim3A_2351 : i32 to vector<16xi32>
      %gather3A_2353 = tpu.vector_load_idx %arg28[%broadcast_in_dim3A_2352] : memref<64xf32, #tpu.memory_space<vmem>>[vector<16xi32>], vector<16xf32>,
      %broadcast_in_dim3A_2354 = arith.constant 39 : i32
      %broadcast_in_dim3A_2355 = vector.broadcast %broadcast_in_dim3A_2354 : i32 to vector<16xi32>
      %gather3A_2356 = tpu.vector_load_idx %arg29[%broadcast_in_dim3A_2355] : memref<64xf32, #tpu.memory_space<vmem>>[vector<16xi32>], vector<16xf32>,
      %get3A_2357 = arith.constant 39 : i32
      %get3A_2358 = arith.index_cast %get3A_2357 : i32 to index
      %get3A_2359 = arith.constant 0 : index
      %get3A_2360 = tpu.vector_load %arg25[%get3A_2358, %get3A_2359] {strides = array<i32>} : memref<56x64xf32, #tpu.memory_space<vmem>>, vector<16xf32>,
      %mul3A_2361 = arith.mulf %gather3A_2353, %get3A_2360 : vector<16xf32>
      %add3A_2362 = arith.addf %add3A_2308, %mul3A_2361 : vector<16xf32>
      %get3A_2363 = arith.constant 39 : i32
      %get3A_2364 = arith.index_cast %get3A_2363 : i32 to index
      %get3A_2365 = arith.constant 0 : index
      %get3A_2366 = tpu.vector_load %arg26[%get3A_2364, %get3A_2365] {strides = array<i32>} : memref<56x64xf32, #tpu.memory_space<vmem>>, vector<16xf32>,
      %mul3A_2367 = arith.mulf %gather3A_2356, %get3A_2366 : vector<16xf32>
      %add3A_2368 = arith.addf %add3A_2314, %mul3A_2367 : vector<16xf32>
      %get3A_2369 = arith.constant 39 : i32
      %get3A_2370 = arith.index_cast %get3A_2369 : i32 to index
      %get3A_2371 = arith.constant 16 : index
      %get3A_2372 = tpu.vector_load %arg25[%get3A_2370, %get3A_2371] {strides = array<i32>} : memref<56x64xf32, #tpu.memory_space<vmem>>, vector<16xf32>,
      %mul3A_2373 = arith.mulf %gather3A_2353, %get3A_2372 : vector<16xf32>
      %add3A_2374 = arith.addf %add3A_2320, %mul3A_2373 : vector<16xf32>
      %get3A_2375 = arith.constant 39 : i32
      %get3A_2376 = arith.index_cast %get3A_2375 : i32 to index
      %get3A_2377 = arith.constant 16 : index
      %get3A_2378 = tpu.vector_load %arg26[%get3A_2376, %get3A_2377] {strides = array<i32>} : memref<56x64xf32, #tpu.memory_space<vmem>>, vector<16xf32>,
      %mul3A_2379 = arith.mulf %gather3A_2356, %get3A_2378 : vector<16xf32>
      %add3A_2380 = arith.addf %add3A_2326, %mul3A_2379 : vector<16xf32>
      %get3A_2381 = arith.constant 39 : i32
      %get3A_2382 = arith.index_cast %get3A_2381 : i32 to index
      %get3A_2383 = arith.constant 32 : index
      %get3A_2384 = tpu.vector_load %arg25[%get3A_2382, %get3A_2383] {strides = array<i32>} : memref<56x64xf32, #tpu.memory_space<vmem>>, vector<16xf32>,
      %mul3A_2385 = arith.mulf %gather3A_2353, %get3A_2384 : vector<16xf32>
      %add3A_2386 = arith.addf %add3A_2332, %mul3A_2385 : vector<16xf32>
      %get3A_2387 = arith.constant 39 : i32
      %get3A_2388 = arith.index_cast %get3A_2387 : i32 to index
      %get3A_2389 = arith.constant 32 : index
      %get3A_2390 = tpu.vector_load %arg26[%get3A_2388, %get3A_2389] {strides = array<i32>} : memref<56x64xf32, #tpu.memory_space<vmem>>, vector<16xf32>,
      %mul3A_2391 = arith.mulf %gather3A_2356, %get3A_2390 : vector<16xf32>
      %add3A_2392 = arith.addf %add3A_2338, %mul3A_2391 : vector<16xf32>
      %get3A_2393 = arith.constant 39 : i32
      %get3A_2394 = arith.index_cast %get3A_2393 : i32 to index
      %get3A_2395 = arith.constant 48 : index
      %get3A_2396 = tpu.vector_load %arg25[%get3A_2394, %get3A_2395] {strides = array<i32>} : memref<56x64xf32, #tpu.memory_space<vmem>>, vector<16xf32>,
      %mul3A_2397 = arith.mulf %gather3A_2353, %get3A_2396 : vector<16xf32>
      %add3A_2398 = arith.addf %add3A_2344, %mul3A_2397 : vector<16xf32>
      %get3A_2399 = arith.constant 39 : i32
      %get3A_2400 = arith.index_cast %get3A_2399 : i32 to index
      %get3A_2401 = arith.constant 48 : index
      %get3A_2402 = tpu.vector_load %arg26[%get3A_2400, %get3A_2401] {strides = array<i32>} : memref<56x64xf32, #tpu.memory_space<vmem>>, vector<16xf32>,
      %mul3A_2403 = arith.mulf %gather3A_2356, %get3A_2402 : vector<16xf32>
      %add3A_2404 = arith.addf %add3A_2350, %mul3A_2403 : vector<16xf32>
      %broadcast_in_dim3A_2405 = arith.constant 40 : i32
      %broadcast_in_dim3A_2406 = vector.broadcast %broadcast_in_dim3A_2405 : i32 to vector<16xi32>
      %gather3A_2407 = tpu.vector_load_idx %arg28[%broadcast_in_dim3A_2406] : memref<64xf32, #tpu.memory_space<vmem>>[vector<16xi32>], vector<16xf32>,
      %broadcast_in_dim3A_2408 = arith.constant 40 : i32
      %broadcast_in_dim3A_2409 = vector.broadcast %broadcast_in_dim3A_2408 : i32 to vector<16xi32>
      %gather3A_2410 = tpu.vector_load_idx %arg29[%broadcast_in_dim3A_2409] : memref<64xf32, #tpu.memory_space<vmem>>[vector<16xi32>], vector<16xf32>,
      %get3A_2411 = arith.constant 40 : i32
      %get3A_2412 = arith.index_cast %get3A_2411 : i32 to index
      %get3A_2413 = arith.constant 0 : index
      %get3A_2414 = tpu.vector_load %arg25[%get3A_2412, %get3A_2413] {strides = array<i32>} : memref<56x64xf32, #tpu.memory_space<vmem>>, vector<16xf32>,
      %mul3A_2415 = arith.mulf %gather3A_2407, %get3A_2414 : vector<16xf32>
      %add3A_2416 = arith.addf %add3A_2362, %mul3A_2415 : vector<16xf32>
      %get3A_2417 = arith.constant 40 : i32
      %get3A_2418 = arith.index_cast %get3A_2417 : i32 to index
      %get3A_2419 = arith.constant 0 : index
      %get3A_2420 = tpu.vector_load %arg26[%get3A_2418, %get3A_2419] {strides = array<i32>} : memref<56x64xf32, #tpu.memory_space<vmem>>, vector<16xf32>,
      %mul3A_2421 = arith.mulf %gather3A_2410, %get3A_2420 : vector<16xf32>
      %add3A_2422 = arith.addf %add3A_2368, %mul3A_2421 : vector<16xf32>
      %get3A_2423 = arith.constant 40 : i32
      %get3A_2424 = arith.index_cast %get3A_2423 : i32 to index
      %get3A_2425 = arith.constant 16 : index
      %get3A_2426 = tpu.vector_load %arg25[%get3A_2424, %get3A_2425] {strides = array<i32>} : memref<56x64xf32, #tpu.memory_space<vmem>>, vector<16xf32>,
      %mul3A_2427 = arith.mulf %gather3A_2407, %get3A_2426 : vector<16xf32>
      %add3A_2428 = arith.addf %add3A_2374, %mul3A_2427 : vector<16xf32>
      %get3A_2429 = arith.constant 40 : i32
      %get3A_2430 = arith.index_cast %get3A_2429 : i32 to index
      %get3A_2431 = arith.constant 16 : index
      %get3A_2432 = tpu.vector_load %arg26[%get3A_2430, %get3A_2431] {strides = array<i32>} : memref<56x64xf32, #tpu.memory_space<vmem>>, vector<16xf32>,
      %mul3A_2433 = arith.mulf %gather3A_2410, %get3A_2432 : vector<16xf32>
      %add3A_2434 = arith.addf %add3A_2380, %mul3A_2433 : vector<16xf32>
      %get3A_2435 = arith.constant 40 : i32
      %get3A_2436 = arith.index_cast %get3A_2435 : i32 to index
      %get3A_2437 = arith.constant 32 : index
      %get3A_2438 = tpu.vector_load %arg25[%get3A_2436, %get3A_2437] {strides = array<i32>} : memref<56x64xf32, #tpu.memory_space<vmem>>, vector<16xf32>,
      %mul3A_2439 = arith.mulf %gather3A_2407, %get3A_2438 : vector<16xf32>
      %add3A_2440 = arith.addf %add3A_2386, %mul3A_2439 : vector<16xf32>
      %get3A_2441 = arith.constant 40 : i32
      %get3A_2442 = arith.index_cast %get3A_2441 : i32 to index
      %get3A_2443 = arith.constant 32 : index
      %get3A_2444 = tpu.vector_load %arg26[%get3A_2442, %get3A_2443] {strides = array<i32>} : memref<56x64xf32, #tpu.memory_space<vmem>>, vector<16xf32>,
      %mul3A_2445 = arith.mulf %gather3A_2410, %get3A_2444 : vector<16xf32>
      %add3A_2446 = arith.addf %add3A_2392, %mul3A_2445 : vector<16xf32>
      %get3A_2447 = arith.constant 40 : i32
      %get3A_2448 = arith.index_cast %get3A_2447 : i32 to index
      %get3A_2449 = arith.constant 48 : index
      %get3A_2450 = tpu.vector_load %arg25[%get3A_2448, %get3A_2449] {strides = array<i32>} : memref<56x64xf32, #tpu.memory_space<vmem>>, vector<16xf32>,
      %mul3A_2451 = arith.mulf %gather3A_2407, %get3A_2450 : vector<16xf32>
      %add3A_2452 = arith.addf %add3A_2398, %mul3A_2451 : vector<16xf32>
      %get3A_2453 = arith.constant 40 : i32
      %get3A_2454 = arith.index_cast %get3A_2453 : i32 to index
      %get3A_2455 = arith.constant 48 : index
      %get3A_2456 = tpu.vector_load %arg26[%get3A_2454, %get3A_2455] {strides = array<i32>} : memref<56x64xf32, #tpu.memory_space<vmem>>, vector<16xf32>,
      %mul3A_2457 = arith.mulf %gather3A_2410, %get3A_2456 : vector<16xf32>
      %add3A_2458 = arith.addf %add3A_2404, %mul3A_2457 : vector<16xf32>
      %broadcast_in_dim3A_2459 = arith.constant 41 : i32
      %broadcast_in_dim3A_2460 = vector.broadcast %broadcast_in_dim3A_2459 : i32 to vector<16xi32>
      %gather3A_2461 = tpu.vector_load_idx %arg28[%broadcast_in_dim3A_2460] : memref<64xf32, #tpu.memory_space<vmem>>[vector<16xi32>], vector<16xf32>,
      %broadcast_in_dim3A_2462 = arith.constant 41 : i32
      %broadcast_in_dim3A_2463 = vector.broadcast %broadcast_in_dim3A_2462 : i32 to vector<16xi32>
      %gather3A_2464 = tpu.vector_load_idx %arg29[%broadcast_in_dim3A_2463] : memref<64xf32, #tpu.memory_space<vmem>>[vector<16xi32>], vector<16xf32>,
      %get3A_2465 = arith.constant 41 : i32
      %get3A_2466 = arith.index_cast %get3A_2465 : i32 to index
      %get3A_2467 = arith.constant 0 : index
      %get3A_2468 = tpu.vector_load %arg25[%get3A_2466, %get3A_2467] {strides = array<i32>} : memref<56x64xf32, #tpu.memory_space<vmem>>, vector<16xf32>,
      %mul3A_2469 = arith.mulf %gather3A_2461, %get3A_2468 : vector<16xf32>
      %add3A_2470 = arith.addf %add3A_2416, %mul3A_2469 : vector<16xf32>
      %get3A_2471 = arith.constant 41 : i32
      %get3A_2472 = arith.index_cast %get3A_2471 : i32 to index
      %get3A_2473 = arith.constant 0 : index
      %get3A_2474 = tpu.vector_load %arg26[%get3A_2472, %get3A_2473] {strides = array<i32>} : memref<56x64xf32, #tpu.memory_space<vmem>>, vector<16xf32>,
      %mul3A_2475 = arith.mulf %gather3A_2464, %get3A_2474 : vector<16xf32>
      %add3A_2476 = arith.addf %add3A_2422, %mul3A_2475 : vector<16xf32>
      %get3A_2477 = arith.constant 41 : i32
      %get3A_2478 = arith.index_cast %get3A_2477 : i32 to index
      %get3A_2479 = arith.constant 16 : index
      %get3A_2480 = tpu.vector_load %arg25[%get3A_2478, %get3A_2479] {strides = array<i32>} : memref<56x64xf32, #tpu.memory_space<vmem>>, vector<16xf32>,
      %mul3A_2481 = arith.mulf %gather3A_2461, %get3A_2480 : vector<16xf32>
      %add3A_2482 = arith.addf %add3A_2428, %mul3A_2481 : vector<16xf32>
      %get3A_2483 = arith.constant 41 : i32
      %get3A_2484 = arith.index_cast %get3A_2483 : i32 to index
      %get3A_2485 = arith.constant 16 : index
      %get3A_2486 = tpu.vector_load %arg26[%get3A_2484, %get3A_2485] {strides = array<i32>} : memref<56x64xf32, #tpu.memory_space<vmem>>, vector<16xf32>,
      %mul3A_2487 = arith.mulf %gather3A_2464, %get3A_2486 : vector<16xf32>
      %add3A_2488 = arith.addf %add3A_2434, %mul3A_2487 : vector<16xf32>
      %get3A_2489 = arith.constant 41 : i32
      %get3A_2490 = arith.index_cast %get3A_2489 : i32 to index
      %get3A_2491 = arith.constant 32 : index
      %get3A_2492 = tpu.vector_load %arg25[%get3A_2490, %get3A_2491] {strides = array<i32>} : memref<56x64xf32, #tpu.memory_space<vmem>>, vector<16xf32>,
      %mul3A_2493 = arith.mulf %gather3A_2461, %get3A_2492 : vector<16xf32>
      %add3A_2494 = arith.addf %add3A_2440, %mul3A_2493 : vector<16xf32>
      %get3A_2495 = arith.constant 41 : i32
      %get3A_2496 = arith.index_cast %get3A_2495 : i32 to index
      %get3A_2497 = arith.constant 32 : index
      %get3A_2498 = tpu.vector_load %arg26[%get3A_2496, %get3A_2497] {strides = array<i32>} : memref<56x64xf32, #tpu.memory_space<vmem>>, vector<16xf32>,
      %mul3A_2499 = arith.mulf %gather3A_2464, %get3A_2498 : vector<16xf32>
      %add3A_2500 = arith.addf %add3A_2446, %mul3A_2499 : vector<16xf32>
      %get3A_2501 = arith.constant 41 : i32
      %get3A_2502 = arith.index_cast %get3A_2501 : i32 to index
      %get3A_2503 = arith.constant 48 : index
      %get3A_2504 = tpu.vector_load %arg25[%get3A_2502, %get3A_2503] {strides = array<i32>} : memref<56x64xf32, #tpu.memory_space<vmem>>, vector<16xf32>,
      %mul3A_2505 = arith.mulf %gather3A_2461, %get3A_2504 : vector<16xf32>
      %add3A_2506 = arith.addf %add3A_2452, %mul3A_2505 : vector<16xf32>
      %get3A_2507 = arith.constant 41 : i32
      %get3A_2508 = arith.index_cast %get3A_2507 : i32 to index
      %get3A_2509 = arith.constant 48 : index
      %get3A_2510 = tpu.vector_load %arg26[%get3A_2508, %get3A_2509] {strides = array<i32>} : memref<56x64xf32, #tpu.memory_space<vmem>>, vector<16xf32>,
      %mul3A_2511 = arith.mulf %gather3A_2464, %get3A_2510 : vector<16xf32>
      %add3A_2512 = arith.addf %add3A_2458, %mul3A_2511 : vector<16xf32>
      %broadcast_in_dim3A_2513 = arith.constant 42 : i32
      %broadcast_in_dim3A_2514 = vector.broadcast %broadcast_in_dim3A_2513 : i32 to vector<16xi32>
      %gather3A_2515 = tpu.vector_load_idx %arg28[%broadcast_in_dim3A_2514] : memref<64xf32, #tpu.memory_space<vmem>>[vector<16xi32>], vector<16xf32>,
      %broadcast_in_dim3A_2516 = arith.constant 42 : i32
      %broadcast_in_dim3A_2517 = vector.broadcast %broadcast_in_dim3A_2516 : i32 to vector<16xi32>
      %gather3A_2518 = tpu.vector_load_idx %arg29[%broadcast_in_dim3A_2517] : memref<64xf32, #tpu.memory_space<vmem>>[vector<16xi32>], vector<16xf32>,
      %get3A_2519 = arith.constant 42 : i32
      %get3A_2520 = arith.index_cast %get3A_2519 : i32 to index
      %get3A_2521 = arith.constant 0 : index
      %get3A_2522 = tpu.vector_load %arg25[%get3A_2520, %get3A_2521] {strides = array<i32>} : memref<56x64xf32, #tpu.memory_space<vmem>>, vector<16xf32>,
      %mul3A_2523 = arith.mulf %gather3A_2515, %get3A_2522 : vector<16xf32>
      %add3A_2524 = arith.addf %add3A_2470, %mul3A_2523 : vector<16xf32>
      %get3A_2525 = arith.constant 42 : i32
      %get3A_2526 = arith.index_cast %get3A_2525 : i32 to index
      %get3A_2527 = arith.constant 0 : index
      %get3A_2528 = tpu.vector_load %arg26[%get3A_2526, %get3A_2527] {strides = array<i32>} : memref<56x64xf32, #tpu.memory_space<vmem>>, vector<16xf32>,
      %mul3A_2529 = arith.mulf %gather3A_2518, %get3A_2528 : vector<16xf32>
      %add3A_2530 = arith.addf %add3A_2476, %mul3A_2529 : vector<16xf32>
      %get3A_2531 = arith.constant 42 : i32
      %get3A_2532 = arith.index_cast %get3A_2531 : i32 to index
      %get3A_2533 = arith.constant 16 : index
      %get3A_2534 = tpu.vector_load %arg25[%get3A_2532, %get3A_2533] {strides = array<i32>} : memref<56x64xf32, #tpu.memory_space<vmem>>, vector<16xf32>,
      %mul3A_2535 = arith.mulf %gather3A_2515, %get3A_2534 : vector<16xf32>
      %add3A_2536 = arith.addf %add3A_2482, %mul3A_2535 : vector<16xf32>
      %get3A_2537 = arith.constant 42 : i32
      %get3A_2538 = arith.index_cast %get3A_2537 : i32 to index
      %get3A_2539 = arith.constant 16 : index
      %get3A_2540 = tpu.vector_load %arg26[%get3A_2538, %get3A_2539] {strides = array<i32>} : memref<56x64xf32, #tpu.memory_space<vmem>>, vector<16xf32>,
      %mul3A_2541 = arith.mulf %gather3A_2518, %get3A_2540 : vector<16xf32>
      %add3A_2542 = arith.addf %add3A_2488, %mul3A_2541 : vector<16xf32>
      %get3A_2543 = arith.constant 42 : i32
      %get3A_2544 = arith.index_cast %get3A_2543 : i32 to index
      %get3A_2545 = arith.constant 32 : index
      %get3A_2546 = tpu.vector_load %arg25[%get3A_2544, %get3A_2545] {strides = array<i32>} : memref<56x64xf32, #tpu.memory_space<vmem>>, vector<16xf32>,
      %mul3A_2547 = arith.mulf %gather3A_2515, %get3A_2546 : vector<16xf32>
      %add3A_2548 = arith.addf %add3A_2494, %mul3A_2547 : vector<16xf32>
      %get3A_2549 = arith.constant 42 : i32
      %get3A_2550 = arith.index_cast %get3A_2549 : i32 to index
      %get3A_2551 = arith.constant 32 : index
      %get3A_2552 = tpu.vector_load %arg26[%get3A_2550, %get3A_2551] {strides = array<i32>} : memref<56x64xf32, #tpu.memory_space<vmem>>, vector<16xf32>,
      %mul3A_2553 = arith.mulf %gather3A_2518, %get3A_2552 : vector<16xf32>
      %add3A_2554 = arith.addf %add3A_2500, %mul3A_2553 : vector<16xf32>
      %get3A_2555 = arith.constant 42 : i32
      %get3A_2556 = arith.index_cast %get3A_2555 : i32 to index
      %get3A_2557 = arith.constant 48 : index
      %get3A_2558 = tpu.vector_load %arg25[%get3A_2556, %get3A_2557] {strides = array<i32>} : memref<56x64xf32, #tpu.memory_space<vmem>>, vector<16xf32>,
      %mul3A_2559 = arith.mulf %gather3A_2515, %get3A_2558 : vector<16xf32>
      %add3A_2560 = arith.addf %add3A_2506, %mul3A_2559 : vector<16xf32>
      %get3A_2561 = arith.constant 42 : i32
      %get3A_2562 = arith.index_cast %get3A_2561 : i32 to index
      %get3A_2563 = arith.constant 48 : index
      %get3A_2564 = tpu.vector_load %arg26[%get3A_2562, %get3A_2563] {strides = array<i32>} : memref<56x64xf32, #tpu.memory_space<vmem>>, vector<16xf32>,
      %mul3A_2565 = arith.mulf %gather3A_2518, %get3A_2564 : vector<16xf32>
      %add3A_2566 = arith.addf %add3A_2512, %mul3A_2565 : vector<16xf32>
      %broadcast_in_dim3A_2567 = arith.constant 43 : i32
      %broadcast_in_dim3A_2568 = vector.broadcast %broadcast_in_dim3A_2567 : i32 to vector<16xi32>
      %gather3A_2569 = tpu.vector_load_idx %arg28[%broadcast_in_dim3A_2568] : memref<64xf32, #tpu.memory_space<vmem>>[vector<16xi32>], vector<16xf32>,
      %broadcast_in_dim3A_2570 = arith.constant 43 : i32
      %broadcast_in_dim3A_2571 = vector.broadcast %broadcast_in_dim3A_2570 : i32 to vector<16xi32>
      %gather3A_2572 = tpu.vector_load_idx %arg29[%broadcast_in_dim3A_2571] : memref<64xf32, #tpu.memory_space<vmem>>[vector<16xi32>], vector<16xf32>,
      %get3A_2573 = arith.constant 43 : i32
      %get3A_2574 = arith.index_cast %get3A_2573 : i32 to index
      %get3A_2575 = arith.constant 0 : index
      %get3A_2576 = tpu.vector_load %arg25[%get3A_2574, %get3A_2575] {strides = array<i32>} : memref<56x64xf32, #tpu.memory_space<vmem>>, vector<16xf32>,
      %mul3A_2577 = arith.mulf %gather3A_2569, %get3A_2576 : vector<16xf32>
      %add3A_2578 = arith.addf %add3A_2524, %mul3A_2577 : vector<16xf32>
      %get3A_2579 = arith.constant 43 : i32
      %get3A_2580 = arith.index_cast %get3A_2579 : i32 to index
      %get3A_2581 = arith.constant 0 : index
      %get3A_2582 = tpu.vector_load %arg26[%get3A_2580, %get3A_2581] {strides = array<i32>} : memref<56x64xf32, #tpu.memory_space<vmem>>, vector<16xf32>,
      %mul3A_2583 = arith.mulf %gather3A_2572, %get3A_2582 : vector<16xf32>
      %add3A_2584 = arith.addf %add3A_2530, %mul3A_2583 : vector<16xf32>
      %get3A_2585 = arith.constant 43 : i32
      %get3A_2586 = arith.index_cast %get3A_2585 : i32 to index
      %get3A_2587 = arith.constant 16 : index
      %get3A_2588 = tpu.vector_load %arg25[%get3A_2586, %get3A_2587] {strides = array<i32>} : memref<56x64xf32, #tpu.memory_space<vmem>>, vector<16xf32>,
      %mul3A_2589 = arith.mulf %gather3A_2569, %get3A_2588 : vector<16xf32>
      %add3A_2590 = arith.addf %add3A_2536, %mul3A_2589 : vector<16xf32>
      %get3A_2591 = arith.constant 43 : i32
      %get3A_2592 = arith.index_cast %get3A_2591 : i32 to index
      %get3A_2593 = arith.constant 16 : index
      %get3A_2594 = tpu.vector_load %arg26[%get3A_2592, %get3A_2593] {strides = array<i32>} : memref<56x64xf32, #tpu.memory_space<vmem>>, vector<16xf32>,
      %mul3A_2595 = arith.mulf %gather3A_2572, %get3A_2594 : vector<16xf32>
      %add3A_2596 = arith.addf %add3A_2542, %mul3A_2595 : vector<16xf32>
      %get3A_2597 = arith.constant 43 : i32
      %get3A_2598 = arith.index_cast %get3A_2597 : i32 to index
      %get3A_2599 = arith.constant 32 : index
      %get3A_2600 = tpu.vector_load %arg25[%get3A_2598, %get3A_2599] {strides = array<i32>} : memref<56x64xf32, #tpu.memory_space<vmem>>, vector<16xf32>,
      %mul3A_2601 = arith.mulf %gather3A_2569, %get3A_2600 : vector<16xf32>
      %add3A_2602 = arith.addf %add3A_2548, %mul3A_2601 : vector<16xf32>
      %get3A_2603 = arith.constant 43 : i32
      %get3A_2604 = arith.index_cast %get3A_2603 : i32 to index
      %get3A_2605 = arith.constant 32 : index
      %get3A_2606 = tpu.vector_load %arg26[%get3A_2604, %get3A_2605] {strides = array<i32>} : memref<56x64xf32, #tpu.memory_space<vmem>>, vector<16xf32>,
      %mul3A_2607 = arith.mulf %gather3A_2572, %get3A_2606 : vector<16xf32>
      %add3A_2608 = arith.addf %add3A_2554, %mul3A_2607 : vector<16xf32>
      %get3A_2609 = arith.constant 43 : i32
      %get3A_2610 = arith.index_cast %get3A_2609 : i32 to index
      %get3A_2611 = arith.constant 48 : index
      %get3A_2612 = tpu.vector_load %arg25[%get3A_2610, %get3A_2611] {strides = array<i32>} : memref<56x64xf32, #tpu.memory_space<vmem>>, vector<16xf32>,
      %mul3A_2613 = arith.mulf %gather3A_2569, %get3A_2612 : vector<16xf32>
      %add3A_2614 = arith.addf %add3A_2560, %mul3A_2613 : vector<16xf32>
      %get3A_2615 = arith.constant 43 : i32
      %get3A_2616 = arith.index_cast %get3A_2615 : i32 to index
      %get3A_2617 = arith.constant 48 : index
      %get3A_2618 = tpu.vector_load %arg26[%get3A_2616, %get3A_2617] {strides = array<i32>} : memref<56x64xf32, #tpu.memory_space<vmem>>, vector<16xf32>,
      %mul3A_2619 = arith.mulf %gather3A_2572, %get3A_2618 : vector<16xf32>
      %add3A_2620 = arith.addf %add3A_2566, %mul3A_2619 : vector<16xf32>
      %broadcast_in_dim3A_2621 = arith.constant 44 : i32
      %broadcast_in_dim3A_2622 = vector.broadcast %broadcast_in_dim3A_2621 : i32 to vector<16xi32>
      %gather3A_2623 = tpu.vector_load_idx %arg28[%broadcast_in_dim3A_2622] : memref<64xf32, #tpu.memory_space<vmem>>[vector<16xi32>], vector<16xf32>,
      %broadcast_in_dim3A_2624 = arith.constant 44 : i32
      %broadcast_in_dim3A_2625 = vector.broadcast %broadcast_in_dim3A_2624 : i32 to vector<16xi32>
      %gather3A_2626 = tpu.vector_load_idx %arg29[%broadcast_in_dim3A_2625] : memref<64xf32, #tpu.memory_space<vmem>>[vector<16xi32>], vector<16xf32>,
      %get3A_2627 = arith.constant 44 : i32
      %get3A_2628 = arith.index_cast %get3A_2627 : i32 to index
      %get3A_2629 = arith.constant 0 : index
      %get3A_2630 = tpu.vector_load %arg25[%get3A_2628, %get3A_2629] {strides = array<i32>} : memref<56x64xf32, #tpu.memory_space<vmem>>, vector<16xf32>,
      %mul3A_2631 = arith.mulf %gather3A_2623, %get3A_2630 : vector<16xf32>
      %add3A_2632 = arith.addf %add3A_2578, %mul3A_2631 : vector<16xf32>
      %get3A_2633 = arith.constant 44 : i32
      %get3A_2634 = arith.index_cast %get3A_2633 : i32 to index
      %get3A_2635 = arith.constant 0 : index
      %get3A_2636 = tpu.vector_load %arg26[%get3A_2634, %get3A_2635] {strides = array<i32>} : memref<56x64xf32, #tpu.memory_space<vmem>>, vector<16xf32>,
      %mul3A_2637 = arith.mulf %gather3A_2626, %get3A_2636 : vector<16xf32>
      %add3A_2638 = arith.addf %add3A_2584, %mul3A_2637 : vector<16xf32>
      %get3A_2639 = arith.constant 44 : i32
      %get3A_2640 = arith.index_cast %get3A_2639 : i32 to index
      %get3A_2641 = arith.constant 16 : index
      %get3A_2642 = tpu.vector_load %arg25[%get3A_2640, %get3A_2641] {strides = array<i32>} : memref<56x64xf32, #tpu.memory_space<vmem>>, vector<16xf32>,
      %mul3A_2643 = arith.mulf %gather3A_2623, %get3A_2642 : vector<16xf32>
      %add3A_2644 = arith.addf %add3A_2590, %mul3A_2643 : vector<16xf32>
      %get3A_2645 = arith.constant 44 : i32
      %get3A_2646 = arith.index_cast %get3A_2645 : i32 to index
      %get3A_2647 = arith.constant 16 : index
      %get3A_2648 = tpu.vector_load %arg26[%get3A_2646, %get3A_2647] {strides = array<i32>} : memref<56x64xf32, #tpu.memory_space<vmem>>, vector<16xf32>,
      %mul3A_2649 = arith.mulf %gather3A_2626, %get3A_2648 : vector<16xf32>
      %add3A_2650 = arith.addf %add3A_2596, %mul3A_2649 : vector<16xf32>
      %get3A_2651 = arith.constant 44 : i32
      %get3A_2652 = arith.index_cast %get3A_2651 : i32 to index
      %get3A_2653 = arith.constant 32 : index
      %get3A_2654 = tpu.vector_load %arg25[%get3A_2652, %get3A_2653] {strides = array<i32>} : memref<56x64xf32, #tpu.memory_space<vmem>>, vector<16xf32>,
      %mul3A_2655 = arith.mulf %gather3A_2623, %get3A_2654 : vector<16xf32>
      %add3A_2656 = arith.addf %add3A_2602, %mul3A_2655 : vector<16xf32>
      %get3A_2657 = arith.constant 44 : i32
      %get3A_2658 = arith.index_cast %get3A_2657 : i32 to index
      %get3A_2659 = arith.constant 32 : index
      %get3A_2660 = tpu.vector_load %arg26[%get3A_2658, %get3A_2659] {strides = array<i32>} : memref<56x64xf32, #tpu.memory_space<vmem>>, vector<16xf32>,
      %mul3A_2661 = arith.mulf %gather3A_2626, %get3A_2660 : vector<16xf32>
      %add3A_2662 = arith.addf %add3A_2608, %mul3A_2661 : vector<16xf32>
      %get3A_2663 = arith.constant 44 : i32
      %get3A_2664 = arith.index_cast %get3A_2663 : i32 to index
      %get3A_2665 = arith.constant 48 : index
      %get3A_2666 = tpu.vector_load %arg25[%get3A_2664, %get3A_2665] {strides = array<i32>} : memref<56x64xf32, #tpu.memory_space<vmem>>, vector<16xf32>,
      %mul3A_2667 = arith.mulf %gather3A_2623, %get3A_2666 : vector<16xf32>
      %add3A_2668 = arith.addf %add3A_2614, %mul3A_2667 : vector<16xf32>
      %get3A_2669 = arith.constant 44 : i32
      %get3A_2670 = arith.index_cast %get3A_2669 : i32 to index
      %get3A_2671 = arith.constant 48 : index
      %get3A_2672 = tpu.vector_load %arg26[%get3A_2670, %get3A_2671] {strides = array<i32>} : memref<56x64xf32, #tpu.memory_space<vmem>>, vector<16xf32>,
      %mul3A_2673 = arith.mulf %gather3A_2626, %get3A_2672 : vector<16xf32>
      %add3A_2674 = arith.addf %add3A_2620, %mul3A_2673 : vector<16xf32>
      %broadcast_in_dim3A_2675 = arith.constant 45 : i32
      %broadcast_in_dim3A_2676 = vector.broadcast %broadcast_in_dim3A_2675 : i32 to vector<16xi32>
      %gather3A_2677 = tpu.vector_load_idx %arg28[%broadcast_in_dim3A_2676] : memref<64xf32, #tpu.memory_space<vmem>>[vector<16xi32>], vector<16xf32>,
      %broadcast_in_dim3A_2678 = arith.constant 45 : i32
      %broadcast_in_dim3A_2679 = vector.broadcast %broadcast_in_dim3A_2678 : i32 to vector<16xi32>
      %gather3A_2680 = tpu.vector_load_idx %arg29[%broadcast_in_dim3A_2679] : memref<64xf32, #tpu.memory_space<vmem>>[vector<16xi32>], vector<16xf32>,
      %get3A_2681 = arith.constant 45 : i32
      %get3A_2682 = arith.index_cast %get3A_2681 : i32 to index
      %get3A_2683 = arith.constant 0 : index
      %get3A_2684 = tpu.vector_load %arg25[%get3A_2682, %get3A_2683] {strides = array<i32>} : memref<56x64xf32, #tpu.memory_space<vmem>>, vector<16xf32>,
      %mul3A_2685 = arith.mulf %gather3A_2677, %get3A_2684 : vector<16xf32>
      %add3A_2686 = arith.addf %add3A_2632, %mul3A_2685 : vector<16xf32>
      %get3A_2687 = arith.constant 45 : i32
      %get3A_2688 = arith.index_cast %get3A_2687 : i32 to index
      %get3A_2689 = arith.constant 0 : index
      %get3A_2690 = tpu.vector_load %arg26[%get3A_2688, %get3A_2689] {strides = array<i32>} : memref<56x64xf32, #tpu.memory_space<vmem>>, vector<16xf32>,
      %mul3A_2691 = arith.mulf %gather3A_2680, %get3A_2690 : vector<16xf32>
      %add3A_2692 = arith.addf %add3A_2638, %mul3A_2691 : vector<16xf32>
      %get3A_2693 = arith.constant 45 : i32
      %get3A_2694 = arith.index_cast %get3A_2693 : i32 to index
      %get3A_2695 = arith.constant 16 : index
      %get3A_2696 = tpu.vector_load %arg25[%get3A_2694, %get3A_2695] {strides = array<i32>} : memref<56x64xf32, #tpu.memory_space<vmem>>, vector<16xf32>,
      %mul3A_2697 = arith.mulf %gather3A_2677, %get3A_2696 : vector<16xf32>
      %add3A_2698 = arith.addf %add3A_2644, %mul3A_2697 : vector<16xf32>
      %get3A_2699 = arith.constant 45 : i32
      %get3A_2700 = arith.index_cast %get3A_2699 : i32 to index
      %get3A_2701 = arith.constant 16 : index
      %get3A_2702 = tpu.vector_load %arg26[%get3A_2700, %get3A_2701] {strides = array<i32>} : memref<56x64xf32, #tpu.memory_space<vmem>>, vector<16xf32>,
      %mul3A_2703 = arith.mulf %gather3A_2680, %get3A_2702 : vector<16xf32>
      %add3A_2704 = arith.addf %add3A_2650, %mul3A_2703 : vector<16xf32>
      %get3A_2705 = arith.constant 45 : i32
      %get3A_2706 = arith.index_cast %get3A_2705 : i32 to index
      %get3A_2707 = arith.constant 32 : index
      %get3A_2708 = tpu.vector_load %arg25[%get3A_2706, %get3A_2707] {strides = array<i32>} : memref<56x64xf32, #tpu.memory_space<vmem>>, vector<16xf32>,
      %mul3A_2709 = arith.mulf %gather3A_2677, %get3A_2708 : vector<16xf32>
      %add3A_2710 = arith.addf %add3A_2656, %mul3A_2709 : vector<16xf32>
      %get3A_2711 = arith.constant 45 : i32
      %get3A_2712 = arith.index_cast %get3A_2711 : i32 to index
      %get3A_2713 = arith.constant 32 : index
      %get3A_2714 = tpu.vector_load %arg26[%get3A_2712, %get3A_2713] {strides = array<i32>} : memref<56x64xf32, #tpu.memory_space<vmem>>, vector<16xf32>,
      %mul3A_2715 = arith.mulf %gather3A_2680, %get3A_2714 : vector<16xf32>
      %add3A_2716 = arith.addf %add3A_2662, %mul3A_2715 : vector<16xf32>
      %get3A_2717 = arith.constant 45 : i32
      %get3A_2718 = arith.index_cast %get3A_2717 : i32 to index
      %get3A_2719 = arith.constant 48 : index
      %get3A_2720 = tpu.vector_load %arg25[%get3A_2718, %get3A_2719] {strides = array<i32>} : memref<56x64xf32, #tpu.memory_space<vmem>>, vector<16xf32>,
      %mul3A_2721 = arith.mulf %gather3A_2677, %get3A_2720 : vector<16xf32>
      %add3A_2722 = arith.addf %add3A_2668, %mul3A_2721 : vector<16xf32>
      %get3A_2723 = arith.constant 45 : i32
      %get3A_2724 = arith.index_cast %get3A_2723 : i32 to index
      %get3A_2725 = arith.constant 48 : index
      %get3A_2726 = tpu.vector_load %arg26[%get3A_2724, %get3A_2725] {strides = array<i32>} : memref<56x64xf32, #tpu.memory_space<vmem>>, vector<16xf32>,
      %mul3A_2727 = arith.mulf %gather3A_2680, %get3A_2726 : vector<16xf32>
      %add3A_2728 = arith.addf %add3A_2674, %mul3A_2727 : vector<16xf32>
      %broadcast_in_dim3A_2729 = arith.constant 46 : i32
      %broadcast_in_dim3A_2730 = vector.broadcast %broadcast_in_dim3A_2729 : i32 to vector<16xi32>
      %gather3A_2731 = tpu.vector_load_idx %arg28[%broadcast_in_dim3A_2730] : memref<64xf32, #tpu.memory_space<vmem>>[vector<16xi32>], vector<16xf32>,
      %broadcast_in_dim3A_2732 = arith.constant 46 : i32
      %broadcast_in_dim3A_2733 = vector.broadcast %broadcast_in_dim3A_2732 : i32 to vector<16xi32>
      %gather3A_2734 = tpu.vector_load_idx %arg29[%broadcast_in_dim3A_2733] : memref<64xf32, #tpu.memory_space<vmem>>[vector<16xi32>], vector<16xf32>,
      %get3A_2735 = arith.constant 46 : i32
      %get3A_2736 = arith.index_cast %get3A_2735 : i32 to index
      %get3A_2737 = arith.constant 0 : index
      %get3A_2738 = tpu.vector_load %arg25[%get3A_2736, %get3A_2737] {strides = array<i32>} : memref<56x64xf32, #tpu.memory_space<vmem>>, vector<16xf32>,
      %mul3A_2739 = arith.mulf %gather3A_2731, %get3A_2738 : vector<16xf32>
      %add3A_2740 = arith.addf %add3A_2686, %mul3A_2739 : vector<16xf32>
      %get3A_2741 = arith.constant 46 : i32
      %get3A_2742 = arith.index_cast %get3A_2741 : i32 to index
      %get3A_2743 = arith.constant 0 : index
      %get3A_2744 = tpu.vector_load %arg26[%get3A_2742, %get3A_2743] {strides = array<i32>} : memref<56x64xf32, #tpu.memory_space<vmem>>, vector<16xf32>,
      %mul3A_2745 = arith.mulf %gather3A_2734, %get3A_2744 : vector<16xf32>
      %add3A_2746 = arith.addf %add3A_2692, %mul3A_2745 : vector<16xf32>
      %get3A_2747 = arith.constant 46 : i32
      %get3A_2748 = arith.index_cast %get3A_2747 : i32 to index
      %get3A_2749 = arith.constant 16 : index
      %get3A_2750 = tpu.vector_load %arg25[%get3A_2748, %get3A_2749] {strides = array<i32>} : memref<56x64xf32, #tpu.memory_space<vmem>>, vector<16xf32>,
      %mul3A_2751 = arith.mulf %gather3A_2731, %get3A_2750 : vector<16xf32>
      %add3A_2752 = arith.addf %add3A_2698, %mul3A_2751 : vector<16xf32>
      %get3A_2753 = arith.constant 46 : i32
      %get3A_2754 = arith.index_cast %get3A_2753 : i32 to index
      %get3A_2755 = arith.constant 16 : index
      %get3A_2756 = tpu.vector_load %arg26[%get3A_2754, %get3A_2755] {strides = array<i32>} : memref<56x64xf32, #tpu.memory_space<vmem>>, vector<16xf32>,
      %mul3A_2757 = arith.mulf %gather3A_2734, %get3A_2756 : vector<16xf32>
      %add3A_2758 = arith.addf %add3A_2704, %mul3A_2757 : vector<16xf32>
      %get3A_2759 = arith.constant 46 : i32
      %get3A_2760 = arith.index_cast %get3A_2759 : i32 to index
      %get3A_2761 = arith.constant 32 : index
      %get3A_2762 = tpu.vector_load %arg25[%get3A_2760, %get3A_2761] {strides = array<i32>} : memref<56x64xf32, #tpu.memory_space<vmem>>, vector<16xf32>,
      %mul3A_2763 = arith.mulf %gather3A_2731, %get3A_2762 : vector<16xf32>
      %add3A_2764 = arith.addf %add3A_2710, %mul3A_2763 : vector<16xf32>
      %get3A_2765 = arith.constant 46 : i32
      %get3A_2766 = arith.index_cast %get3A_2765 : i32 to index
      %get3A_2767 = arith.constant 32 : index
      %get3A_2768 = tpu.vector_load %arg26[%get3A_2766, %get3A_2767] {strides = array<i32>} : memref<56x64xf32, #tpu.memory_space<vmem>>, vector<16xf32>,
      %mul3A_2769 = arith.mulf %gather3A_2734, %get3A_2768 : vector<16xf32>
      %add3A_2770 = arith.addf %add3A_2716, %mul3A_2769 : vector<16xf32>
      %get3A_2771 = arith.constant 46 : i32
      %get3A_2772 = arith.index_cast %get3A_2771 : i32 to index
      %get3A_2773 = arith.constant 48 : index
      %get3A_2774 = tpu.vector_load %arg25[%get3A_2772, %get3A_2773] {strides = array<i32>} : memref<56x64xf32, #tpu.memory_space<vmem>>, vector<16xf32>,
      %mul3A_2775 = arith.mulf %gather3A_2731, %get3A_2774 : vector<16xf32>
      %add3A_2776 = arith.addf %add3A_2722, %mul3A_2775 : vector<16xf32>
      %get3A_2777 = arith.constant 46 : i32
      %get3A_2778 = arith.index_cast %get3A_2777 : i32 to index
      %get3A_2779 = arith.constant 48 : index
      %get3A_2780 = tpu.vector_load %arg26[%get3A_2778, %get3A_2779] {strides = array<i32>} : memref<56x64xf32, #tpu.memory_space<vmem>>, vector<16xf32>,
      %mul3A_2781 = arith.mulf %gather3A_2734, %get3A_2780 : vector<16xf32>
      %add3A_2782 = arith.addf %add3A_2728, %mul3A_2781 : vector<16xf32>
      %broadcast_in_dim3A_2783 = arith.constant 47 : i32
      %broadcast_in_dim3A_2784 = vector.broadcast %broadcast_in_dim3A_2783 : i32 to vector<16xi32>
      %gather3A_2785 = tpu.vector_load_idx %arg28[%broadcast_in_dim3A_2784] : memref<64xf32, #tpu.memory_space<vmem>>[vector<16xi32>], vector<16xf32>,
      %broadcast_in_dim3A_2786 = arith.constant 47 : i32
      %broadcast_in_dim3A_2787 = vector.broadcast %broadcast_in_dim3A_2786 : i32 to vector<16xi32>
      %gather3A_2788 = tpu.vector_load_idx %arg29[%broadcast_in_dim3A_2787] : memref<64xf32, #tpu.memory_space<vmem>>[vector<16xi32>], vector<16xf32>,
      %get3A_2789 = arith.constant 47 : i32
      %get3A_2790 = arith.index_cast %get3A_2789 : i32 to index
      %get3A_2791 = arith.constant 0 : index
      %get3A_2792 = tpu.vector_load %arg25[%get3A_2790, %get3A_2791] {strides = array<i32>} : memref<56x64xf32, #tpu.memory_space<vmem>>, vector<16xf32>,
      %mul3A_2793 = arith.mulf %gather3A_2785, %get3A_2792 : vector<16xf32>
      %add3A_2794 = arith.addf %add3A_2740, %mul3A_2793 : vector<16xf32>
      %get3A_2795 = arith.constant 47 : i32
      %get3A_2796 = arith.index_cast %get3A_2795 : i32 to index
      %get3A_2797 = arith.constant 0 : index
      %get3A_2798 = tpu.vector_load %arg26[%get3A_2796, %get3A_2797] {strides = array<i32>} : memref<56x64xf32, #tpu.memory_space<vmem>>, vector<16xf32>,
      %mul3A_2799 = arith.mulf %gather3A_2788, %get3A_2798 : vector<16xf32>
      %add3A_2800 = arith.addf %add3A_2746, %mul3A_2799 : vector<16xf32>
      %get3A_2801 = arith.constant 47 : i32
      %get3A_2802 = arith.index_cast %get3A_2801 : i32 to index
      %get3A_2803 = arith.constant 16 : index
      %get3A_2804 = tpu.vector_load %arg25[%get3A_2802, %get3A_2803] {strides = array<i32>} : memref<56x64xf32, #tpu.memory_space<vmem>>, vector<16xf32>,
      %mul3A_2805 = arith.mulf %gather3A_2785, %get3A_2804 : vector<16xf32>
      %add3A_2806 = arith.addf %add3A_2752, %mul3A_2805 : vector<16xf32>
      %get3A_2807 = arith.constant 47 : i32
      %get3A_2808 = arith.index_cast %get3A_2807 : i32 to index
      %get3A_2809 = arith.constant 16 : index
      %get3A_2810 = tpu.vector_load %arg26[%get3A_2808, %get3A_2809] {strides = array<i32>} : memref<56x64xf32, #tpu.memory_space<vmem>>, vector<16xf32>,
      %mul3A_2811 = arith.mulf %gather3A_2788, %get3A_2810 : vector<16xf32>
      %add3A_2812 = arith.addf %add3A_2758, %mul3A_2811 : vector<16xf32>
      %get3A_2813 = arith.constant 47 : i32
      %get3A_2814 = arith.index_cast %get3A_2813 : i32 to index
      %get3A_2815 = arith.constant 32 : index
      %get3A_2816 = tpu.vector_load %arg25[%get3A_2814, %get3A_2815] {strides = array<i32>} : memref<56x64xf32, #tpu.memory_space<vmem>>, vector<16xf32>,
      %mul3A_2817 = arith.mulf %gather3A_2785, %get3A_2816 : vector<16xf32>
      %add3A_2818 = arith.addf %add3A_2764, %mul3A_2817 : vector<16xf32>
      %get3A_2819 = arith.constant 47 : i32
      %get3A_2820 = arith.index_cast %get3A_2819 : i32 to index
      %get3A_2821 = arith.constant 32 : index
      %get3A_2822 = tpu.vector_load %arg26[%get3A_2820, %get3A_2821] {strides = array<i32>} : memref<56x64xf32, #tpu.memory_space<vmem>>, vector<16xf32>,
      %mul3A_2823 = arith.mulf %gather3A_2788, %get3A_2822 : vector<16xf32>
      %add3A_2824 = arith.addf %add3A_2770, %mul3A_2823 : vector<16xf32>
      %get3A_2825 = arith.constant 47 : i32
      %get3A_2826 = arith.index_cast %get3A_2825 : i32 to index
      %get3A_2827 = arith.constant 48 : index
      %get3A_2828 = tpu.vector_load %arg25[%get3A_2826, %get3A_2827] {strides = array<i32>} : memref<56x64xf32, #tpu.memory_space<vmem>>, vector<16xf32>,
      %mul3A_2829 = arith.mulf %gather3A_2785, %get3A_2828 : vector<16xf32>
      %add3A_2830 = arith.addf %add3A_2776, %mul3A_2829 : vector<16xf32>
      %get3A_2831 = arith.constant 47 : i32
      %get3A_2832 = arith.index_cast %get3A_2831 : i32 to index
      %get3A_2833 = arith.constant 48 : index
      %get3A_2834 = tpu.vector_load %arg26[%get3A_2832, %get3A_2833] {strides = array<i32>} : memref<56x64xf32, #tpu.memory_space<vmem>>, vector<16xf32>,
      %mul3A_2835 = arith.mulf %gather3A_2788, %get3A_2834 : vector<16xf32>
      %add3A_2836 = arith.addf %add3A_2782, %mul3A_2835 : vector<16xf32>
      %broadcast_in_dim3A_2837 = arith.constant 48 : i32
      %broadcast_in_dim3A_2838 = vector.broadcast %broadcast_in_dim3A_2837 : i32 to vector<16xi32>
      %gather3A_2839 = tpu.vector_load_idx %arg28[%broadcast_in_dim3A_2838] : memref<64xf32, #tpu.memory_space<vmem>>[vector<16xi32>], vector<16xf32>,
      %broadcast_in_dim3A_2840 = arith.constant 48 : i32
      %broadcast_in_dim3A_2841 = vector.broadcast %broadcast_in_dim3A_2840 : i32 to vector<16xi32>
      %gather3A_2842 = tpu.vector_load_idx %arg29[%broadcast_in_dim3A_2841] : memref<64xf32, #tpu.memory_space<vmem>>[vector<16xi32>], vector<16xf32>,
      %get3A_2843 = arith.constant 48 : i32
      %get3A_2844 = arith.index_cast %get3A_2843 : i32 to index
      %get3A_2845 = arith.constant 0 : index
      %get3A_2846 = tpu.vector_load %arg25[%get3A_2844, %get3A_2845] {strides = array<i32>} : memref<56x64xf32, #tpu.memory_space<vmem>>, vector<16xf32>,
      %mul3A_2847 = arith.mulf %gather3A_2839, %get3A_2846 : vector<16xf32>
      %add3A_2848 = arith.addf %add3A_2794, %mul3A_2847 : vector<16xf32>
      %get3A_2849 = arith.constant 48 : i32
      %get3A_2850 = arith.index_cast %get3A_2849 : i32 to index
      %get3A_2851 = arith.constant 0 : index
      %get3A_2852 = tpu.vector_load %arg26[%get3A_2850, %get3A_2851] {strides = array<i32>} : memref<56x64xf32, #tpu.memory_space<vmem>>, vector<16xf32>,
      %mul3A_2853 = arith.mulf %gather3A_2842, %get3A_2852 : vector<16xf32>
      %add3A_2854 = arith.addf %add3A_2800, %mul3A_2853 : vector<16xf32>
      %get3A_2855 = arith.constant 48 : i32
      %get3A_2856 = arith.index_cast %get3A_2855 : i32 to index
      %get3A_2857 = arith.constant 16 : index
      %get3A_2858 = tpu.vector_load %arg25[%get3A_2856, %get3A_2857] {strides = array<i32>} : memref<56x64xf32, #tpu.memory_space<vmem>>, vector<16xf32>,
      %mul3A_2859 = arith.mulf %gather3A_2839, %get3A_2858 : vector<16xf32>
      %add3A_2860 = arith.addf %add3A_2806, %mul3A_2859 : vector<16xf32>
      %get3A_2861 = arith.constant 48 : i32
      %get3A_2862 = arith.index_cast %get3A_2861 : i32 to index
      %get3A_2863 = arith.constant 16 : index
      %get3A_2864 = tpu.vector_load %arg26[%get3A_2862, %get3A_2863] {strides = array<i32>} : memref<56x64xf32, #tpu.memory_space<vmem>>, vector<16xf32>,
      %mul3A_2865 = arith.mulf %gather3A_2842, %get3A_2864 : vector<16xf32>
      %add3A_2866 = arith.addf %add3A_2812, %mul3A_2865 : vector<16xf32>
      %get3A_2867 = arith.constant 48 : i32
      %get3A_2868 = arith.index_cast %get3A_2867 : i32 to index
      %get3A_2869 = arith.constant 32 : index
      %get3A_2870 = tpu.vector_load %arg25[%get3A_2868, %get3A_2869] {strides = array<i32>} : memref<56x64xf32, #tpu.memory_space<vmem>>, vector<16xf32>,
      %mul3A_2871 = arith.mulf %gather3A_2839, %get3A_2870 : vector<16xf32>
      %add3A_2872 = arith.addf %add3A_2818, %mul3A_2871 : vector<16xf32>
      %get3A_2873 = arith.constant 48 : i32
      %get3A_2874 = arith.index_cast %get3A_2873 : i32 to index
      %get3A_2875 = arith.constant 32 : index
      %get3A_2876 = tpu.vector_load %arg26[%get3A_2874, %get3A_2875] {strides = array<i32>} : memref<56x64xf32, #tpu.memory_space<vmem>>, vector<16xf32>,
      %mul3A_2877 = arith.mulf %gather3A_2842, %get3A_2876 : vector<16xf32>
      %add3A_2878 = arith.addf %add3A_2824, %mul3A_2877 : vector<16xf32>
      %get3A_2879 = arith.constant 48 : i32
      %get3A_2880 = arith.index_cast %get3A_2879 : i32 to index
      %get3A_2881 = arith.constant 48 : index
      %get3A_2882 = tpu.vector_load %arg25[%get3A_2880, %get3A_2881] {strides = array<i32>} : memref<56x64xf32, #tpu.memory_space<vmem>>, vector<16xf32>,
      %mul3A_2883 = arith.mulf %gather3A_2839, %get3A_2882 : vector<16xf32>
      %add3A_2884 = arith.addf %add3A_2830, %mul3A_2883 : vector<16xf32>
      %get3A_2885 = arith.constant 48 : i32
      %get3A_2886 = arith.index_cast %get3A_2885 : i32 to index
      %get3A_2887 = arith.constant 48 : index
      %get3A_2888 = tpu.vector_load %arg26[%get3A_2886, %get3A_2887] {strides = array<i32>} : memref<56x64xf32, #tpu.memory_space<vmem>>, vector<16xf32>,
      %mul3A_2889 = arith.mulf %gather3A_2842, %get3A_2888 : vector<16xf32>
      %add3A_2890 = arith.addf %add3A_2836, %mul3A_2889 : vector<16xf32>
      %broadcast_in_dim3A_2891 = arith.constant 49 : i32
      %broadcast_in_dim3A_2892 = vector.broadcast %broadcast_in_dim3A_2891 : i32 to vector<16xi32>
      %gather3A_2893 = tpu.vector_load_idx %arg28[%broadcast_in_dim3A_2892] : memref<64xf32, #tpu.memory_space<vmem>>[vector<16xi32>], vector<16xf32>,
      %broadcast_in_dim3A_2894 = arith.constant 49 : i32
      %broadcast_in_dim3A_2895 = vector.broadcast %broadcast_in_dim3A_2894 : i32 to vector<16xi32>
      %gather3A_2896 = tpu.vector_load_idx %arg29[%broadcast_in_dim3A_2895] : memref<64xf32, #tpu.memory_space<vmem>>[vector<16xi32>], vector<16xf32>,
      %get3A_2897 = arith.constant 49 : i32
      %get3A_2898 = arith.index_cast %get3A_2897 : i32 to index
      %get3A_2899 = arith.constant 0 : index
      %get3A_2900 = tpu.vector_load %arg25[%get3A_2898, %get3A_2899] {strides = array<i32>} : memref<56x64xf32, #tpu.memory_space<vmem>>, vector<16xf32>,
      %mul3A_2901 = arith.mulf %gather3A_2893, %get3A_2900 : vector<16xf32>
      %add3A_2902 = arith.addf %add3A_2848, %mul3A_2901 : vector<16xf32>
      %get3A_2903 = arith.constant 49 : i32
      %get3A_2904 = arith.index_cast %get3A_2903 : i32 to index
      %get3A_2905 = arith.constant 0 : index
      %get3A_2906 = tpu.vector_load %arg26[%get3A_2904, %get3A_2905] {strides = array<i32>} : memref<56x64xf32, #tpu.memory_space<vmem>>, vector<16xf32>,
      %mul3A_2907 = arith.mulf %gather3A_2896, %get3A_2906 : vector<16xf32>
      %add3A_2908 = arith.addf %add3A_2854, %mul3A_2907 : vector<16xf32>
      %get3A_2909 = arith.constant 49 : i32
      %get3A_2910 = arith.index_cast %get3A_2909 : i32 to index
      %get3A_2911 = arith.constant 16 : index
      %get3A_2912 = tpu.vector_load %arg25[%get3A_2910, %get3A_2911] {strides = array<i32>} : memref<56x64xf32, #tpu.memory_space<vmem>>, vector<16xf32>,
      %mul3A_2913 = arith.mulf %gather3A_2893, %get3A_2912 : vector<16xf32>
      %add3A_2914 = arith.addf %add3A_2860, %mul3A_2913 : vector<16xf32>
      %get3A_2915 = arith.constant 49 : i32
      %get3A_2916 = arith.index_cast %get3A_2915 : i32 to index
      %get3A_2917 = arith.constant 16 : index
      %get3A_2918 = tpu.vector_load %arg26[%get3A_2916, %get3A_2917] {strides = array<i32>} : memref<56x64xf32, #tpu.memory_space<vmem>>, vector<16xf32>,
      %mul3A_2919 = arith.mulf %gather3A_2896, %get3A_2918 : vector<16xf32>
      %add3A_2920 = arith.addf %add3A_2866, %mul3A_2919 : vector<16xf32>
      %get3A_2921 = arith.constant 49 : i32
      %get3A_2922 = arith.index_cast %get3A_2921 : i32 to index
      %get3A_2923 = arith.constant 32 : index
      %get3A_2924 = tpu.vector_load %arg25[%get3A_2922, %get3A_2923] {strides = array<i32>} : memref<56x64xf32, #tpu.memory_space<vmem>>, vector<16xf32>,
      %mul3A_2925 = arith.mulf %gather3A_2893, %get3A_2924 : vector<16xf32>
      %add3A_2926 = arith.addf %add3A_2872, %mul3A_2925 : vector<16xf32>
      %get3A_2927 = arith.constant 49 : i32
      %get3A_2928 = arith.index_cast %get3A_2927 : i32 to index
      %get3A_2929 = arith.constant 32 : index
      %get3A_2930 = tpu.vector_load %arg26[%get3A_2928, %get3A_2929] {strides = array<i32>} : memref<56x64xf32, #tpu.memory_space<vmem>>, vector<16xf32>,
      %mul3A_2931 = arith.mulf %gather3A_2896, %get3A_2930 : vector<16xf32>
      %add3A_2932 = arith.addf %add3A_2878, %mul3A_2931 : vector<16xf32>
      %get3A_2933 = arith.constant 49 : i32
      %get3A_2934 = arith.index_cast %get3A_2933 : i32 to index
      %get3A_2935 = arith.constant 48 : index
      %get3A_2936 = tpu.vector_load %arg25[%get3A_2934, %get3A_2935] {strides = array<i32>} : memref<56x64xf32, #tpu.memory_space<vmem>>, vector<16xf32>,
      %mul3A_2937 = arith.mulf %gather3A_2893, %get3A_2936 : vector<16xf32>
      %add3A_2938 = arith.addf %add3A_2884, %mul3A_2937 : vector<16xf32>
      %get3A_2939 = arith.constant 49 : i32
      %get3A_2940 = arith.index_cast %get3A_2939 : i32 to index
      %get3A_2941 = arith.constant 48 : index
      %get3A_2942 = tpu.vector_load %arg26[%get3A_2940, %get3A_2941] {strides = array<i32>} : memref<56x64xf32, #tpu.memory_space<vmem>>, vector<16xf32>,
      %mul3A_2943 = arith.mulf %gather3A_2896, %get3A_2942 : vector<16xf32>
      %add3A_2944 = arith.addf %add3A_2890, %mul3A_2943 : vector<16xf32>
      %broadcast_in_dim3A_2945 = arith.constant 0.000000e+00 : f32
      %broadcast_in_dim3A_2946 = vector.broadcast %broadcast_in_dim3A_2945 : f32 to vector<16xf32>
      %mul3A_2947 = arith.mulf %gather3A_221, %add3A_2902 : vector<16xf32>
      %mul3A_2948 = arith.mulf %gather3A_228, %add3A_2908 : vector<16xf32>
      %add3A_2949 = arith.addf %mul3A_2947, %mul3A_2948 : vector<16xf32>
      %get3A_2950 = arith.index_cast %scan3A_20 : i32 to index
      %get3A_2951 = arith.constant 0 : index
      %get3A_2952 = tpu.vector_load %arg20[%get3A_2950, %get3A_2951] {strides = array<i32>} : memref<128x64xf32, #tpu.memory_space<vmem>>, vector<16xf32>,
      %mul3A_2953 = arith.mulf %add3A_2949, %get3A_2952 : vector<16xf32>
      %add3A_2954 = arith.addf %broadcast_in_dim3A_2946, %mul3A_2953 : vector<16xf32>
      %mul3A_2955 = arith.mulf %gather3A_221, %add3A_2914 : vector<16xf32>
      %mul3A_2956 = arith.mulf %gather3A_228, %add3A_2920 : vector<16xf32>
      %add3A_2957 = arith.addf %mul3A_2955, %mul3A_2956 : vector<16xf32>
      %get3A_2958 = arith.index_cast %scan3A_20 : i32 to index
      %get3A_2959 = arith.constant 16 : index
      %get3A_2960 = tpu.vector_load %arg20[%get3A_2958, %get3A_2959] {strides = array<i32>} : memref<128x64xf32, #tpu.memory_space<vmem>>, vector<16xf32>,
      %mul3A_2961 = arith.mulf %add3A_2957, %get3A_2960 : vector<16xf32>
      %add3A_2962 = arith.addf %add3A_2954, %mul3A_2961 : vector<16xf32>
      %mul3A_2963 = arith.mulf %gather3A_221, %add3A_2926 : vector<16xf32>
      %mul3A_2964 = arith.mulf %gather3A_228, %add3A_2932 : vector<16xf32>
      %add3A_2965 = arith.addf %mul3A_2963, %mul3A_2964 : vector<16xf32>
      %get3A_2966 = arith.index_cast %scan3A_20 : i32 to index
      %get3A_2967 = arith.constant 32 : index
      %get3A_2968 = tpu.vector_load %arg20[%get3A_2966, %get3A_2967] {strides = array<i32>} : memref<128x64xf32, #tpu.memory_space<vmem>>, vector<16xf32>,
      %mul3A_2969 = arith.mulf %add3A_2965, %get3A_2968 : vector<16xf32>
      %add3A_2970 = arith.addf %add3A_2962, %mul3A_2969 : vector<16xf32>
      %mul3A_2971 = arith.mulf %gather3A_221, %add3A_2938 : vector<16xf32>
      %mul3A_2972 = arith.mulf %gather3A_228, %add3A_2944 : vector<16xf32>
      %add3A_2973 = arith.addf %mul3A_2971, %mul3A_2972 : vector<16xf32>
      %get3A_2974 = arith.index_cast %scan3A_20 : i32 to index
      %get3A_2975 = arith.constant 48 : index
      %get3A_2976 = tpu.vector_load %arg20[%get3A_2974, %get3A_2975] {strides = array<i32>} : memref<128x64xf32, #tpu.memory_space<vmem>>, vector<16xf32>,
      %mul3A_2977 = arith.mulf %add3A_2973, %get3A_2976 : vector<16xf32>
      %add3A_2978 = arith.addf %add3A_2970, %mul3A_2977 : vector<16xf32>
      %add3A_2979 = arith.constant 3.000000e+00 : f32
      %add3A_2980 = vector.broadcast %add3A_2979 : f32 to vector<16xf32>
      %add3A_2981 = arith.addf %add3A_2980, %gather3A : vector<16xf32>
      %broadcast_in_dim3A_2982 = vector.broadcast %scan3A_20 : i32 to vector<16xi32>
      %gather3A_2983 = tpu.vector_load_idx %arg19[%broadcast_in_dim3A_2982] : memref<128xf32, #tpu.memory_space<vmem>>[vector<16xi32>], vector<16xf32>,
      %add3A_2984 = arith.addf %add3A_2981, %gather3A_2983 : vector<16xf32>
      %reduce_sum3A_2985 = arith.constant true
      %reduce_sum3A_2986 = vector.broadcast %reduce_sum3A_2985 : i1 to vector<16xi1>
      %reduce_sum3A_2987 = tpu.scan <sum>, %add3A_2978 masked %reduce_sum3A_2986 : vector<16xf32>, vector<16xi1> -> vector<16xf32>
      %reduce_sum3A_2988 = vector.extract %reduce_sum3A_2987[15] : f32 from vector<16xf32>
      %add3A_2989 = vector.broadcast %reduce_sum3A_2988 : f32 to vector<16xf32>
      %add3A_2990 = arith.addf %add3A_2984, %add3A_2989 : vector<16xf32>
      %iota3A = tpu.iota {dimensions = array<i32: 0>} : vector<16xi32>
      %eq3A = arith.constant 0 : i32
      %eq3A_2991 = vector.broadcast %eq3A : i32 to vector<16xi32>
      %eq3A_2992 = arith.cmpi eq, %iota3A, %eq3A_2991 : vector<16xi32>
      %broadcast_in_dim3A_2993 = vector.broadcast %scan3A_20 : i32 to vector<16xi32>
      tpu.vector_store_idx %arg30[%broadcast_in_dim3A_2993], %add3A_2990 masked %eq3A_2992 : memref<128xf32, #tpu.memory_space<vmem>>[vector<16xi32>], vector<16xf32>, vector<16xi1>
    }
    %scan3A_19 = arith.constant 128 : i32
    "tpu.region"() ({
      %run_scoped3A = tpu.sem_alloc : memref<!tpu.dma_semaphore, #tpu.memory_space<semaphore_mem>>
      %dma_start3A_20 = tpu.memref_slice %arg13[%mul3A_2] : memref<4096xf32, #tpu.memory_space<hbm>> -> memref<128xf32, #tpu.memory_space<hbm>>
      %dma_start3A_21 = tpu.memref_slice %arg13[%mul3A_2] : memref<4096xf32, #tpu.memory_space<hbm>> -> memref<128xf32, #tpu.memory_space<hbm>>
      tpu.enqueue_dma source(%arg30 : memref<128xf32, #tpu.memory_space<vmem>>) target(%dma_start3A_21 : memref<128xf32, #tpu.memory_space<hbm>>) target_semaphore(%run_scoped3A : memref<!tpu.dma_semaphore, #tpu.memory_space<semaphore_mem>>)
      %dma_wait3A_22 = tpu.memref_slice %arg13[%mul3A_2] : memref<4096xf32, #tpu.memory_space<hbm>> -> memref<128xf32, #tpu.memory_space<hbm>>
      %dma_wait3A_23 = tpu.memref_slice %arg13[%mul3A_2] : memref<4096xf32, #tpu.memory_space<hbm>> -> memref<128xf32, #tpu.memory_space<hbm>>
      tpu.wait_dma2 semaphore(%run_scoped3A : memref<!tpu.dma_semaphore, #tpu.memory_space<semaphore_mem>>) src(%arg30 : memref<128xf32, #tpu.memory_space<vmem>>) dst(%dma_wait3A_23 : memref<128xf32, #tpu.memory_space<hbm>>)
      tpu.yield
    }) : () -> ()
    return
  }
}

</mosaic_0001>

<sc_bundles>
// kernel: kernel.3.cloned.1.call-start
scs
__scs_entry_jumppad:
0x0: {  	(pc) =	sbr.rel $0x88, $3  }
0x1: {  	(tag) =	ssettag $0x0;
	lr =	simm.s32 $0x1  }
0x2: {  	[smem:$0x3F97] =	sst lr;
	_ =	strace $0xD0000000  }
0x3: {  	_ = 	snop  }
0x4: {  	_ = 	snop  }
0x5: {  	_ = 	snop  }
0x6: {  	_ = 	snop  }
0x7: {  	_ = 	snop  }
__scs_overlays_trampoline_lowered:
0x8: {  	[smem:$0x3FA6] =	sst s0  }
0x9: {  	[smem:$0x3FA7] =	sst s1  }
0xa: {  	[smem:$0x3FA8] =	sst s2  }
0xb: {  	[smem:$0x3FA9] =	sst s3  }
0xc: {  	[smem:$0x3FAA] =	sst s4  }
0xd: {  	[smem:$0x3FAB] =	sst s5  }
0xe: {  	[smem:$0x3FAC] =	sst s6  }
0xf: {  	[smem:$0x3FAD] =	sst s7  }
0x10: {  	[smem:$0x3FAE] =	sst s8  }
0x11: {  	[smem:$0x3FAF] =	sst s9;
	s0 =	simm.s32 @!p0 $0x0  }
0x12: {  	s1 =	sld [smem:$0x3F95];
	s0 =	simm.s32 @p0 $0x1  }
0x13: {  	[smem:$0x3FB0] =	sst s0;
	s0 =	simm.s32 @!p1 $0x0  }
0x14: {  	s2 =	sld [smem:$0x3F94];
	s0 =	simm.s32 @p1 $0x1  }
0x15: {  	[smem:$0x3FB1] =	sst s0;
	s0 =	simm.s32 @!p2 $0x0  }
0x16: {  	s3 =	sld [smem:$0x3FDB];
	s0 =	simm.s32 @p2 $0x1  }
0x17: {  	s4 =	simm.s32 $0x1BF5;
	[smem:$0x3FB3] =	sst s0  }
0x18: {  	s0 =	sld [smem:$0x3F96];
	_ =	swait.ge [sflag:s4], $0x0  }
0x19: {  	s7 =	sld [smem:$0x3F97]  }
0x1a: {  	s8 =	sadd.s32 $0xFFFFE003, lr  }
0x1b: {  	s9 =	sadd.s32 $0xFFFFFEF7, lr;
	s5 =	simm.s32 $0xFFFFFFFF;
	p2 =	slt.u32 s8, $0xFFFFF086  }
0x1c: {  	p1 =	slt.u32 s9, $0xF7A;
	s5 =	simm.s32 @!p2 $0x0  }
0x1d: {  	s5 =	simm.s32 @p1 $0x1;
	p0 =	seq.s32 s7, s2  }
0x1e: {  	s7 =	smul.u32 @!p0 $0xF7A, s2;
	p2 =	seq.s32 @!p0 s5, $0x0  }
0x1f: {  	s9 =	smul.u32 $0xF7A, s1;
	s8 =	simm.s32 @!p0 $0x1BF5;
	p2 =	por !p2, p0  }
0x20: {  	[sflag:s8] =	ssyncset.s32 @!p0 $0xFFFFF086;
	s6 =	sadd.s32 @!p0 s3, s7;
	s7 =	simm.s32 @!p0 $0x108  }
0x21: {  	s3 =	sadd.s32 s3, s9;
	s6 =	sadd.s32 @!p0 $0x88, s6;
	s7 =	simm.s32 @p2 $0x1082  }
0x22: {  	[simem:s7], [sflag:s8] =	dma.local @!p0 [hbm:s6], $0xF7A  }
0x23: {  	s9 =	sor.u32 $0xD0000000, s2;
	s6 =	simm.s32 $0x108;
	_ =	swait.ge @!p0 [sflag:s8], $0x0  }
0x24: {  	s3 =	sadd.s32 $0x88, s3;
	s6 =	simm.s32 @!p1 $0x1082;
	[sflag:s4] =	ssyncset.s32 $0xFFFFF086  }
0x25: {  	[simem:s6], [sflag:s4] =	dma.local [hbm:s3], $0xF7A  }
0x26: {  	[smem:$0x3F97] =	sst s1;
	(tag) =	ssettag s2;
	_ =	strace s9  }
0x27: {  	s1 =	sld [smem:$0x3FA7]  }
0x28: {  	s2 =	sld [smem:$0x3FA8]  }
0x29: {  	s4 =	sld [smem:$0x3FAA]  }
0x2a: {  	p0 =	seq.s32 s5, $0x0;
	s5 =	sld [smem:$0x3FAB]  }
0x2b: {  	s6 =	sld [smem:$0x3FAC]  }
0x2c: {  	s7 =	sld [smem:$0x3FAD]  }
0x2d: {  	s3 =	simm.s32 $0x108;
	s8 =	sld [smem:$0x3FAE]  }
0x2e: {  	s3 =	simm.s32 @!p0 $0x1082;
	s9 =	sld [smem:$0x3FAF]  }
0x2f: {  	lr =	sadd.s32 s0, s3;
	s0 =	sld [smem:$0x3FA6]  }
0x30: {  	s3 =	sld [smem:$0x3FA9]  }
0x31: {  	[smem:$0x3FB2] =	sst s10  }
0x32: {  	s10 =	sld [smem:$0x3FB0];
	_ =	sdelay $0x3  }
0x33: {  	p0 =	seq.s32 s10, $0x1;
	s10 =	sld [smem:$0x3FB2];
	_ =	sdelay $0x3  }
0x34: {  	[smem:$0x3FB2] =	sst s10  }
0x35: {  	s10 =	sld [smem:$0x3FB1];
	_ =	sdelay $0x3  }
0x36: {  	p1 =	seq.s32 s10, $0x1;
	s10 =	sld [smem:$0x3FB2];
	_ =	sdelay $0x3  }
0x37: {  	[smem:$0x3FB2] =	sst s10  }
0x38: {  	s10 =	sld [smem:$0x3FB3]  }
0x39: {  	_ = 	snop;
	(pc) =	sbr.ind lr, $3  }
0x3a: {  	_ = 	snop  }
0x3b: {  	_ = 	snop  }
0x3c: {  	p2 =	seq.s32 s10, $0x1;
	s10 =	sld [smem:$0x3FB2]  }
0x3d: {  	_ =	shalt  }
0x3e: {  	_ =	shalt  }
0x3f: {  	_ =	shalt  }
0x40: {  	_ =	shalt  }
0x41: {  	_ =	shalt  }
0x42: {  	_ =	shalt  }
0x43: {  	_ =	shalt  }
0x44: {  	_ =	shalt  }
0x45: {  	_ =	shalt  }
0x46: {  	_ =	shalt  }
0x47: {  	_ =	shalt  }
0x48: {  	_ =	shalt  }
0x49: {  	_ =	shalt  }
0x4a: {  	_ =	shalt  }
0x4b: {  	_ =	shalt  }
0x4c: {  	_ =	shalt  }
0x4d: {  	_ =	shalt  }
0x4e: {  	_ =	shalt  }
0x4f: {  	_ =	shalt  }
0x50: {  	_ =	shalt  }
0x51: {  	_ =	shalt  }
0x52: {  	_ =	shalt  }
0x53: {  	_ =	shalt  }
0x54: {  	_ =	shalt  }
0x55: {  	_ =	shalt  }
0x56: {  	_ =	shalt  }
0x57: {  	_ =	shalt  }
0x58: {  	_ =	shalt  }
0x59: {  	_ =	shalt  }
0x5a: {  	_ =	shalt  }
0x5b: {  	_ =	shalt  }
0x5c: {  	_ =	shalt  }
0x5d: {  	_ =	shalt  }
0x5e: {  	_ =	shalt  }
0x5f: {  	_ =	shalt  }
0x60: {  	_ =	shalt  }
0x61: {  	_ =	shalt  }
0x62: {  	_ =	shalt  }
0x63: {  	_ =	shalt  }
0x64: {  	_ =	shalt  }
0x65: {  	_ =	shalt  }
0x66: {  	_ =	shalt  }
0x67: {  	_ =	shalt  }
0x68: {  	_ =	shalt  }
0x69: {  	_ =	shalt  }
0x6a: {  	_ =	shalt  }
0x6b: {  	_ =	shalt  }
0x6c: {  	_ =	shalt  }
0x6d: {  	_ =	shalt  }
0x6e: {  	_ =	shalt  }
0x6f: {  	_ =	shalt  }
0x70: {  	_ =	shalt  }
0x71: {  	_ =	shalt  }
0x72: {  	_ =	shalt  }
0x73: {  	_ =	shalt  }
0x74: {  	_ =	shalt  }
0x75: {  	_ =	shalt  }
0x76: {  	_ =	shalt  }
0x77: {  	_ =	shalt  }
0x78: {  	_ =	shalt  }
0x79: {  	_ =	shalt  }
0x7a: {  	_ =	shalt  }
0x7b: {  	_ =	shalt  }
0x7c: {  	_ =	shalt  }
0x7d: {  	_ =	shalt  }
0x7e: {  	_ =	shalt  }
0x7f: {  	_ =	shalt  }
0x80: {  	_ =	shalt  }
0x81: {  	_ =	shalt  }
0x82: {  	_ =	shalt  }
0x83: {  	_ =	shalt  }
0x84: {  	_ =	shalt  }
0x85: {  	_ =	shalt  }
0x86: {  	_ =	shalt  }
0x87: {  	_ =	shalt  }
.Lfunc_end0:
.L_simem_size_0:
called_computation_lowered:
.L_overlay_start_0:
0x88: {  	s2 =	sld [smem:$0x3FD9]  }
0x89: {  	s3 =	sld [smem:$0x3FFE];
	_ =	sdelay $0x1  }
0x8a: {  	s1 =	srdreg.scid  }
0x8b: {  	s0 =	sand.u32 $0x1, s1  }
0x8c: {  	s14 =	sshll.u32 s0, $0xA;
	s2 =	sadd.s32 s3, s2  }
0x8d: {  	s2 =	sadd.s32 s2, s14  }
0x8e: {  	[smem:$0x3FBE] =	sst s2  }
0x8f: {  	_ = 	snop  }
0x90: {  	s2 =	sld [smem:$0x3FC9]  }
0x91: {  	s15 =	sld [smem:$0x3FD0]  }
0x92: {  	s4 =	sld [smem:$0x3FC8]  }
0x93: {  	s5 =	sld [smem:$0x3FC4]  }
0x94: {  	s7 =	simm.s32 $0xA;
	s8 =	simm.s32 $0x10;
	s6 =	sld [smem:$0x3FC3]  }
0x95: {  	[smem:s8], [sflag:s7] =	dma.local [hbm:s15], $0x1  }
0x96: {  	_ =	swait.eq [sflag:s7], $0x1  }
0x97: {  	s16 =	sld [smem:$0x10];
	[sflag:s7] =	ssyncset.done $0x0  }
0x98: {  	s17 =	sld [smem:$0x11];
	[sflag:s7] =	ssyncadd.s32 $0xFFFFFFFF  }
0x99: {  	s18 =	sld [smem:$0x12];
	(tm) =	ssettm $0x1  }
0x9a: {  	s9 =	sld [smem:$0x3FFB];
	_ =	sdelay $0x3  }
0x9b: {  	_ =	strace s9  }
0x9c: {  	s9 =	sld [smem:$0x3FFC];
	_ =	sdelay $0x3  }
0x9d: {  	_ =	strace s9  }
0x9e: {  	s9 =	sld [smem:$0x3FFD];
	_ =	sdelay $0x3  }
0x9f: {  	_ =	strace s9  }
0xa0: {  	_ =	strace $0x8FFFFFFF  }
0xa1: {  	s19 =	sld [smem:$0x3FDB];
	_ =	sdelay $0x1  }
0xa2: {  	s10 =	simm.s32 $_scs_section_size  }
0xa3: {  	s11 =	simm.s32 $_size__tile_overlayer_lowered;
	s12 =	simm.s32 $_tile_overlayer_lowered  }
0xa4: {  	s22 =	simm.s32 $0x1BFF;
	s21 =	sshll.u32 s12, $0x1;
	s9 =	sadd.s32 s10, s19  }
0xa5: {  	s13 =	simm.s32 $0x0;
	s20 =	sshll.u32 s11, $0x1;
	s11 =	sadd.s32 s21, s9  }
0xa6: {  	[timem:s13], [sflag:s22] =	dma.local [hbm:s11], s20  }
0xa7: {  	_ =	swait.ge [sflag:s22], s20  }
0xa8: {  	s10 =	ssub.s32 $0x0, s20;
	[sflag:s22] =	ssyncset.done $0x0  }
0xa9: {  	[sflag:s22] =	ssyncadd.s32 s10;
	_ =	sdelay $0x1  }
0xaa: {  	s23 =	simm.s32 $0x1B8B  }
0xab: {  	_ =	swait.ge [sflag:s23], $0x1  }
0xac: {  	[sflag:s23] =	ssyncset.done $0x0  }
0xad: {  	s25 =	simm.s32 $0x1B8E;
	s24 =	sld [smem:$0x3FFE];
	[sflag:s23] =	ssyncadd.s32 $0xFFFFFFFF  }
0xae: {  	s26 =	simm.s32 $execute0_lowered;
	[smem:$0x3FD2] =	sst s25  }
0xaf: {  	s11 =	sshll.u32 s26, $0x1;
	_ =	strace $0x80000046;
	[dreg:$0x1] =	wrdreg $0xFFFFFFFF  }
0xb0: {  	s28 =	simm.s32 $_size_execute0_lowered;
	s9 =	sadd.s32 s9, s11;
	[dreg:$0x0] =	wrdreg $0x0  }
0xb1: {  	s11 =	sshll.u32 s28, $0x1;
	[dreg:$0x2] =	wrdreg s9  }
0xb2: {  	[dreg:$0x3] =	wrdreg s11  }
0xb3: {  	[dreg:$0x4] =	wrdreg $0xC0  }
0xb4: {  	_ =	task [dreg:s13], $0x5FFFF  }
0xb5: {  	[dreg:$0x1] =	wrdreg $0xFFFFFFFF  }
0xb6: {  	[dreg:$0x0] =	wrdreg $0x60  }
0xb7: {  	[dreg:$0x2] =	wrdreg s2  }
0xb8: {  	[dreg:$0x3] =	wrdreg s4  }
0xb9: {  	[dreg:$0x4] =	wrdreg s24  }
0xba: {  	[dreg:$0x5] =	wrdreg s5  }
0xbb: {  	[dreg:$0x6] =	wrdreg s6  }
0xbc: {  	[dreg:$0x7] =	wrdreg s16  }
0xbd: {  	[dreg:$0x8] =	wrdreg s17  }
0xbe: {  	[dreg:$0x9] =	wrdreg s18  }
0xbf: {  	[dreg:$0xa] =	wrdreg $0x9  }
0xc0: {  	_ =	task.clear_ibuf [dreg:s13], $0xBFFFF;
	_ =	strace $0x90000046  }
0xc1: {  	s29 =	simm.s32 $0x9;
	_ =	strace $0x80000048  }
0xc2: {  	_ =	swait.ge [sflag:s29], $0x1  }
0xc3: {  	[sflag:s29] =	ssyncadd.s32 $0xFFFFFFFF  }
0xc4: {  	_ =	strace $0x90000048  }
0xc5: {  	_ =	sfence  }
0xc6: {  	s30 =	sld [smem:$0x0];
	_ =	sdelay $0x2  }
0xc7: {  	s31 =	sshll.u32 s1, $0xD;
	s1 =	sshrl.u32 s1, $0x2  }
0xc8: {  	s3 =	sand.u32 $0x4000, s31;
	s1 =	sadd.s32 s1, s30  }
0xc9: {  	s0 =	sor.u32 s3, s0;
	s1 =	sshll.u32 s1, $0x11  }
0xca: {  	s0 =	sor.u32 s1, s0  }
0xcb: {  	s0 =	sadd.s32 $0x8F2B, s0  }
0xcc: {  	[sflag:s0] =	ssyncadd.remote.s32 $0x1  }
0xcd: {  	_ =	sfence.sel $0xFFFF  }
0xce: {  	[dreg:$0x0] =	wrdreg $0xFFFFFFFF;
	(pc) =	sbr.abs _section_cstart, $3  }
0xcf: {  	[dreg:$0x1] =	wrdreg $0xFFFFFFFF  }
0xd0: {  	_ =	task.clear_ibuf [dreg:s13], $0x2FFFF;
	_ =	strace $0x9FFFFFFF  }
0xd1: {  	(tm) =	ssettm $0x7FFFFFFF  }
tec
execute0_lowered:
.L_overlay_start_1:
0x0: {  	(tag) =	ssettag $0x1  }
0x1: {  	s0 =	rddreg [dreg:$0x0]  }
0x2: {  	s1 =	rddreg [dreg:$0x1]  }
0x3: {  	s3 =	rddreg [dreg:$0x2]  }
0x4: {  	s2 =	rddreg [dreg:$0x4]  }
0x5: {  	s5 =	rddreg [dreg:$0x5]  }
0x6: {  	s8 =	rddreg [dreg:$0x6]  }
0x7: {  	s15 =	rddreg [dreg:$0x7];
	s6 =	srdreg.scid;
	s4 =	simm.s32 $0x0  }
0x8: {  	s9 =	stileid.u32;
	s18 =	simm.s32 $0x2;
	s19 =	simm.s32 $0x80  }
0x9: {  	s29 =	simm.s32 $0x38;
	s30 =	simm.s32 $0x8240;
	s31 =	simm.s32 $0x9040  }
0xa: {  	s20 =	simm.s32 $0x9EC0;
	s21 =	simm.s32 $0x9F00;
	s22 =	simm.s32 $0x0  }
0xb: {  	s7 =	sand.u32 $0x1, s6;
	[smem:$0x7FF] =	sst s4;
	s23 =	sshll.u32 s9, $0x8  }
0xc: {  	s10 =	sadd.s32 $0x310200, s3;
	s24 =	sshll.u32 s7, $0x7;
	_ =	strace $0x80000047  }
0xd: {  	[dreg:$0x9] =	wrdreg s10;
	s25 =	ssub.s32 $0x2, s7;
	s7 =	sadd.s32 $0x189600, s3  }
0xe: {  	s9 =	sor.u32 s24, s23;
	s11 =	sshrl.u32 s25, $0x1;
	s23 =	simm.s32 $0x8200  }
0xf: {  	v6 =	vimm.f32 $0.0e+00;
	v7 =	vimm.s32 $0x1;
	v8 =	vimm.s32 $0x2;
	s24 =	simm.s32 $0x100;
	s6 =	sshll.u32 s9, $0x3;
	s16 =	sshrl.u32 s9, $0x3  }
0x10: {  	v9 =	vimm.s32 $0x3;
	v10 =	vimm.s32 $0x4;
	v11 =	vimm.s32 $0x5;
	s26 =	ssub.s32 s25, s11;
	s25 =	simm.s32 $0x1;
	s13 =	sadd.s32 s6, s3  }
0x11: {  	v12 =	vimm.s32 $0x6;
	v13 =	vimm.s32 $0x7;
	v14 =	vimm.s32 $0x8;
	s6 =	sadd.s32 $0x24CC00, s3;
	s3 =	sadd.s32 $0x2A00, s3;
	s0 =	sadd.s32 s0, s16  }
0x12: {  	v15 =	vimm.s32 $0x9;
	v18 =	vimm.s32 $0xA;
	v19 =	vimm.s32 $0xB;
	s28 =	sadd.s32 s1, s16;
	s14 =	sadd.s32 s8, s16;
	s15 =	sadd.s32 s15, s16  }
0x13: {  	v20 =	vimm.s32 $0xC;
	v21 =	vimm.s32 $0xD;
	v22 =	vimm.s32 $0xE;
	s16 =	sadd.s32 s5, s16;
	s17 =	smax.u32 s26, $0x1;
	[dreg:$0xa] =	wrdreg s3  }
0x14: {  	v23 =	vimm.s32 $0xF;
	v27 =	vimm.s32 $0x10;
	v29 =	vimm.s32 $0x11;
	s26 =	simm.s32 $0x180;
	s1 =	simm.s32 $0x9E80;
	[dreg:$0xb] =	wrdreg s0  }
0x15: {  	v30 =	vimm.s32 $0x12;
	v35 =	vimm.s32 $0x13;
	v33 =	vimm.s32 $0x14;
	[dreg:$0xc] =	wrdreg s28;
	s11 =	sadd.s32 $0xAC00, s13;
	s12 =	sadd.s32 $0x2C00, s13  }
0x16: {  	v38 =	vimm.s32 $0x15;
	v56 =	vimm.s32 $0x16;
	v57 =	vimm.s32 $0x17;
	s13 =	sadd.s32 $0x12C00, s13;
	s0 =	simm.s32 $0x40;
	s3 =	simm.s32 $0x9E40  }
.LBB2_1:
0x17: {  	s5 =	rddreg [dreg:$0xb]  }
0x18: {  	[tilespmem:s4], [sflag:$0x2] =	stream.linear.gather [hbm4b:s5+s4], $0x80, $0x38;
	[tilespmem:$0x9F80] =	vst v63  }
0x19: {  	_ =	swait.ge [sflag:s18], $0x80  }
0x1a: {  	[sflag:s18] =	ssyncset.done $0x0  }
0x1b: {  	s10 =	rddreg [dreg:$0xc];
	[sflag:s18] =	ssyncadd.s32 $0xFFFFFF80  }
0x1c: {  	[tilespmem:s19], [sflag:$0x2] =	stream.linear.gather [hbm4b:s10+s4], $0x80, $0x38;
	[tilespmem:$0x9F80] =	vst v63  }
0x1d: {  	_ =	swait.ge [sflag:s18], $0x80  }
0x1e: {  	[sflag:s18] =	ssyncset.done $0x0  }
0x1f: {  	s8 =	simm.s32 $0x2200;
	[sflag:s18] =	ssyncadd.s32 $0xFFFFFF80  }
0x20: {  	[tilespmem:s8], [sflag:$0x2] =	stream.linear.gather [hbm4b:s11+s4], $0x2000, $0x38;
	[tilespmem:$0x9F80] =	vst v63  }
0x21: {  	_ =	swait.ge [sflag:s18], $0x2000  }
0x22: {  	[sflag:s18] =	ssyncset.done $0x0  }
0x23: {  	s9 =	simm.s32 $0x4200;
	[sflag:s18] =	ssyncadd.s32 $0xFFFFE000  }
0x24: {  	[tilespmem:s9], [sflag:$0x2] =	stream.linear.gather [hbm4b:s12+s4], $0x2000, $0x38;
	[tilespmem:$0x9F80] =	vst v63  }
0x25: {  	_ =	swait.ge [sflag:s18], $0x2000  }
0x26: {  	[sflag:s18] =	ssyncset.done $0x0  }
0x27: {  	s10 =	simm.s32 $0x6200;
	[sflag:s18] =	ssyncadd.s32 $0xFFFFE000  }
0x28: {  	[tilespmem:s10], [sflag:$0x2] =	stream.linear.gather [hbm4b:s13+s4], $0x2000, $0x38;
	[tilespmem:$0x9F80] =	vst v63  }
0x29: {  	_ =	swait.ge [sflag:s18], $0x2000  }
0x2a: {  	[sflag:s18] =	ssyncset.done $0x0  }
0x2b: {  	s8 =	rddreg [dreg:$0xa];
	[sflag:s18] =	ssyncadd.s32 $0xFFFFE000  }
0x2c: {  	[tilespmem:s23], [sflag:$0x2] =	stream.linear.gather [hbm4b:s8+s4], $0x40, $0x38;
	[tilespmem:$0x9F80] =	vst v63  }
0x2d: {  	_ =	swait.ge [sflag:s18], $0x40  }
0x2e: {  	[sflag:s18] =	ssyncset.done $0x0  }
0x2f: {  	[sflag:s18] =	ssyncadd.s32 $0xFFFFFFC0  }
0x30: {  	s9 =	rddreg [dreg:$0x3]  }
0x31: {  	[tilespmem:s24], [sflag:$0x1] =	stream.indirect.gather [hbm4b:s9+s19], $0x1, s4, s19, $0xb8;
	[tilespmem:$0x9F80] =	vst v63  }
0x32: {  	_ =	swait.ge [sflag:s25], $0x80  }
0x33: {  	[sflag:s25] =	ssyncset.done $0x0  }
0x34: {  	[sflag:s25] =	ssyncadd.s32 $0xFFFFFF80  }
0x35: {  	[tilespmem:s26], [sflag:$0x1] =	stream.indirect.gather [hbm4b:s2+s19], $0x1, s19, s19, $0xb8;
	[tilespmem:$0x9F80] =	vst v63  }
0x36: {  	_ =	swait.ge [sflag:s25], $0x80  }
0x37: {  	[sflag:s25] =	ssyncset.done $0x0  }
0x38: {  	s8 =	simm.s32 $0x200;
	s10 =	rddreg [dreg:$0x9];
	[sflag:s25] =	ssyncadd.s32 $0xFFFFFF80  }
0x39: {  	[tilespmem:s8], [sflag:$0x1] =	stream.indirect.gather [hbm4b:s10+s19], $0x40, s19, s19, $0xb8;
	[tilespmem:$0x9F80] =	vst v63  }
0x3a: {  	_ =	swait.ge [sflag:s25], $0x2000  }
0x3b: {  	[sflag:s25] =	ssyncset.done $0x0  }
0x3c: {  	[sflag:s25] =	ssyncadd.s32 $0xFFFFE000  }
0x3d: {  	[hbm4b:s14+s4] =	stream.linear.scatter [tilespmem:s24], [sflag:$0x2], $0x80, $0x38;
	[tilespmem:$0x9F80] =	vst v63  }
0x3e: {  	_ =	swait.ge [sflag:s18], $0x80  }
0x3f: {  	[sflag:s18] =	ssyncset.done $0x0  }
0x40: {  	[sflag:s18] =	ssyncadd.s32 $0xFFFFFF80  }
0x41: {  	[hbm4b:s15+s4] =	stream.linear.scatter [tilespmem:s26], [sflag:$0x2], $0x80, $0x38;
	[tilespmem:$0x9F80] =	vst v63  }
0x42: {  	_ =	swait.ge [sflag:s18], $0x80  }
0x43: {  	[sflag:s18] =	ssyncset.done $0x0  }
0x44: {  	s28 =	simm.s32 $0x0;
	s5 =	simm.s32 $0x0;
	[sflag:s18] =	ssyncadd.s32 $0xFFFFFF80  }
.LBB2_2:
0x45: {  	s8 =	sshra.s32 s28, $0x2  }
0x46: {  	s9 =	sadd.s32 $0x2200, s8  }
0x47: {  	[tilespmem:s30], [sflag:$0x1] =	stream.indirect.gather [hbm4b:s6+s29], $0x40, s9, s29, $0xb8;
	[tilespmem:$0x9F80] =	vst v63  }
0x48: {  	s10 =	sadd.s32 $0x4200, s8  }
0x49: {  	[tilespmem:s31], [sflag:$0x1] =	stream.indirect.gather [hbm4b:s7+s29], $0x40, s10, s29, $0xb8;
	[tilespmem:$0x9F80] =	vst v63  }
0x4a: {  	_ = 	snop  }
0x4b: {  	[tilespmem:s3], [sflag:$0x1] =	stream.indirect.gather [hbm4b:s2+s0], $0x1, s9, s0, $0xb8;
	[tilespmem:$0x9F80] =	vst v63  }
0x4c: {  	_ =	swait.ge [sflag:s25], $0xE00  }
0x4d: {  	[sflag:s25] =	ssyncset.done $0x0  }
0x4e: {  	[sflag:s25] =	ssyncadd.s32 $0xFFFFF200  }
0x4f: {  	_ =	swait.ge [sflag:s25], $0xE00  }
0x50: {  	v0 =	vmov s5;
	[sflag:s25] =	ssyncset.done $0x0  }
0x51: {  	[tilespmem:$0x1FFE0] =	vst v0;
	[sflag:s25] =	ssyncadd.s32 $0xFFFFF200  }
0x52: {  	_ =	swait.ge [sflag:s25], $0x40  }
0x53: {  	[sflag:s25] =	ssyncset.done $0x0  }
0x54: {  	[sflag:s25] =	ssyncadd.s32 $0xFFFFFFC0  }
0x55: {  	v0 =	vld.idx.msk [tilespmem:v0+s24+$0x0], $0xffff;
	_ =	sdelay $0x1  }
0x56: {  	v1 =	vld [tilespmem:$0x9E40];
	_ =	sdelay $0x1  }
0x57: {  	v2 =	vld [tilespmem:s8+$0x6200]  }
0x58: {  	v3 =	vld [tilespmem:s8+$0x2200];
	v16 =	vadd.f32 $3.000000000e+00, v0;
	_ =	sdelay $0x1  }
0x59: {  	v0 =	vadd.f32 v1, v16;
	_ =	sdelay $0x1  }
0x5a: {  	v0 =	vsub.f32 v2, v0  }
0x5b: {  	vm0 =	vgt.s32 v3, $0x0  }
0x5c: {  	v0 =	vnsel vm0, $0x0, v0  }
0x5d: {  	[tilespmem:$0x9E80] =	vst v0  }
0x5e: {  	v0 =	vld [tilespmem:s8+$0x4200];
	_ =	sdelay $0x4  }
0x5f: {  	vm1 =	vgt.s32 v0, $0x0  }
0x60: {  	v61 =	vld [tilespmem:$0x9E50];
	v0 =	vsel vm1, $0x3F800000, v6  }
0x61: {  	[tilespmem:$0x9EC0] =	vst v0  }
0x62: {  	v62 =	vld [tilespmem:s8+$0x6210]  }
0x63: {  	v63 =	vld [tilespmem:s8+$0x2210];
	_ =	sdelay $0x1  }
0x64: {  	v1 =	vadd.f32 v61, v16;
	_ =	sdelay $0x1  }
0x65: {  	v1 =	vsub.f32 v62, v1  }
0x66: {  	vm12 =	vgt.s32 v63, $0x0  }
0x67: {  	v1 =	vnsel vm12, $0x0, v1  }
0x68: {  	[tilespmem:$0x9E90] =	vst v1  }
0x69: {  	v1 =	vld [tilespmem:s8+$0x4210];
	_ =	sdelay $0x4  }
0x6a: {  	vm2 =	vgt.s32 v1, $0x0  }
0x6b: {  	v32 =	vld [tilespmem:$0x9E60];
	v1 =	vsel vm2, $0x3F800000, v6  }
0x6c: {  	[tilespmem:$0x9ED0] =	vst v1  }
0x6d: {  	v34 =	vld [tilespmem:s8+$0x6220]  }
0x6e: {  	v4 =	vld [tilespmem:s8+$0x2220];
	_ =	sdelay $0x1  }
0x6f: {  	v2 =	vadd.f32 v32, v16;
	_ =	sdelay $0x1  }
0x70: {  	v2 =	vsub.f32 v34, v2  }
0x71: {  	vm13 =	vgt.s32 v4, $0x0  }
0x72: {  	v2 =	vnsel vm13, $0x0, v2  }
0x73: {  	[tilespmem:$0x9EA0] =	vst v2  }
0x74: {  	v2 =	vld [tilespmem:s8+$0x4220];
	_ =	sdelay $0x4  }
0x75: {  	vm3 =	vgt.s32 v2, $0x0  }
0x76: {  	v36 =	vld [tilespmem:$0x9E70];
	v2 =	vsel vm3, $0x3F800000, v6  }
0x77: {  	[tilespmem:$0x9EE0] =	vst v2  }
0x78: {  	v4 =	vld [tilespmem:s8+$0x6230]  }
0x79: {  	v5 =	vld [tilespmem:s8+$0x2230];
	_ =	sdelay $0x1  }
0x7a: {  	v3 =	vadd.f32 v36, v16;
	_ =	sdelay $0x1  }
0x7b: {  	v3 =	vsub.f32 v4, v3  }
0x7c: {  	vm14 =	vgt.s32 v5, $0x0;
	v4 =	vsel vm0, $0x3F800000, v6;
	v5 =	vsel vm12, $0x3F800000, v6  }
0x7d: {  	v4 =	vadd.f32 v5, v4  }
0x7e: {  	v54 =	vld [tilespmem:$0x9050];
	v5 =	vsel vm13, $0x3F800000, v6  }
0x7f: {  	v46 =	vld [tilespmem:$0x9060];
	v37 =	vadd.f32 v5, v4  }
0x80: {  	v47 =	vld [tilespmem:$0x9070];
	v39 =	vsel vm14, $0x3F800000, v6  }
0x81: {  	v49 =	vld [tilespmem:$0x9080];
	v0 =	vadd.f32 v1, v0;
	v1 =	vadd.f32 v39, v37  }
0x82: {  	v50 =	vld [tilespmem:$0x8290];
	v3 =	vnsel vm14, $0x0, v3  }
0x83: {  	v51 =	vld [tilespmem:$0x9090];
	[tilespmem:$0x9EB0] =	vst v3;
	(xrf2) =	vadd.scan.msk.f32 $0xffff, v1  }
0x84: {  	v3 =	vld [tilespmem:s8+$0x4230]  }
0x85: {  	v52 =	vld [tilespmem:$0x82A0]  }
0x86: {  	v60 =	vld [tilespmem:$0x82B0]  }
0x87: {  	v48 =	vld [tilespmem:$0x90C0]  }
0x88: {  	v53 =	vld [tilespmem:$0x82D0]  }
0x89: {  	v58 =	vld [tilespmem:$0x90D0];
	v0 =	vadd.f32 v2, v0;
	vm15 =	vgt.s32 v3, $0x0  }
0x8a: {  	v59 =	vld [tilespmem:$0x82E0];
	v40 =	vsel vm15, $0x3F800000, v6  }
0x8b: {  	[tilespmem:$0x1EE10] =	vst v46;
	v46 =	vld [tilespmem:$0x8270];
	v0 =	vadd.f32 v40, v0  }
0x8c: {  	[tilespmem:$0x1EE20] =	vst v47;
	v47 =	vld [tilespmem:$0x9100]  }
0x8d: {  	[tilespmem:$0x1EE30] =	vst v48;
	v48 =	vld [tilespmem:$0x8310];
	(xrf2) =	vadd.scan.msk.f32 $0xffff, v0;
	v41, _, _ =	vpop (xrf2)  }
0x8e: {  	[tilespmem:$0x1EE40] =	vst v53;
	v53 =	vld [tilespmem:$0x9110];
	(v2sf) =	vpush v41, $0xF  }
0x8f: {  	v32 =	vld [tilespmem:$0x90E0]  }
0x90: {  	[tilespmem:$0x1EE50] =	vst v58;
	v58 =	vld [tilespmem:$0x8320]  }
0x91: {  	[tilespmem:$0x1EE60] =	vst v59;
	v59 =	vld [tilespmem:$0x9120]  }
0x92: {  	v61 =	vld [tilespmem:$0x90A0]  }
0x93: {  	[tilespmem:$0x1EEB0] =	vst v47;
	v47 =	vld [tilespmem:$0x9140]  }
0x94: {  	[tilespmem:$0x1EE70] =	vst v32;
	v32 =	vld [tilespmem:$0x8330]  }
0x95: {  	[tilespmem:$0x1EEC0] =	vst v48;
	v48 =	vld [tilespmem:$0x8350]  }
0x96: {  	[tilespmem:$0x1EED0] =	vst v53;
	v53 =	vld [tilespmem:$0x9150]  }
0x97: {  	[tilespmem:$0x1EEE0] =	vst v58;
	v58 =	vld [tilespmem:$0x8360];
	v42, _, _ =	vpop (xrf2)  }
0x98: {  	[tilespmem:$0x1EEF0] =	vst v59;
	v59 =	vld [tilespmem:$0x9160];
	(v2sf) =	vpush v42, $0xF  }
0x99: {  	[tilespmem:$0x1EF00] =	vst v32;
	v32 =	vld [tilespmem:$0x8370]  }
0x9a: {  	v62 =	vld [tilespmem:$0x90B0]  }
0x9b: {  	v63 =	vld [tilespmem:$0x82C0]  }
0x9c: {  	v34 =	vld [tilespmem:$0x82F0]  }
0x9d: {  	v39 =	vld [tilespmem:$0x8280];
	s10 =	spop (v2sf)  }
0x9e: {  	[tilespmem:$0x9EF0] =	vst v40;
	v40 =	vld [tilespmem:$0x8240];
	s9 =	scvt.f32.s32 s10  }
0x9f: {  	v55 =	vld.msk [tilespmem:s1+$0x0], $0xffff  }
0xa0: {  	v36 =	vld.msk [tilespmem:s20+$0x0], $0xffff;
	v43 =	vmov s9  }
0xa1: {  	v1 =	vld.idx.msk [tilespmem:v7+s1+$0x0], $0xffff  }
0xa2: {  	v37 =	vld.idx.msk [tilespmem:v7+s20+$0x0], $0xffff  }
0xa3: {  	v42 =	vld [tilespmem:$0x90F0]  }
0xa4: {  	v2 =	vld.idx.msk [tilespmem:v8+s1+$0x0], $0xffff  }
0xa5: {  	v0 =	vld.idx.msk [tilespmem:v43+s23+$0x0], $0xffff  }
0xa6: {  	[tilespmem:$0x1FFF0] =	vst v16;
	v43 =	vld [tilespmem:$0x8300]  }
0xa7: {  	[tilespmem:$0x1EF30] =	vst v47;
	v3 =	vld.idx.msk [tilespmem:v8+s20+$0x0], $0xffff;
	s10 =	spop (v2sf)  }
0xa8: {  	[tilespmem:$0x1EE90] =	vst v42;
	v42 =	vld [tilespmem:$0x9130];
	s10 =	scvt.f32.s32 s10  }
0xa9: {  	[tilespmem:$0x1EE80] =	vst v34;
	v34 =	vld.idx.msk [tilespmem:v9+s1+$0x0], $0xffff  }
0xaa: {  	[tilespmem:$0x1EF40] =	vst v48;
	v31 =	vld.idx.msk [tilespmem:v9+s20+$0x0], $0xffff;
	v44 =	vmov s10  }
0xab: {  	[tilespmem:$0x1EEA0] =	vst v43;
	v43 =	vld [tilespmem:$0x8340]  }
0xac: {  	[tilespmem:$0x1EF50] =	vst v53;
	v4 =	vld.idx.msk [tilespmem:v10+s1+$0x0], $0xffff  }
0xad: {  	[tilespmem:$0x1EF10] =	vst v42;
	v42 =	vld [tilespmem:$0x9170]  }
0xae: {  	[tilespmem:$0x1EF60] =	vst v58;
	v5 =	vld.idx.msk [tilespmem:v10+s20+$0x0], $0xffff  }
0xaf: {  	[tilespmem:$0x1EF70] =	vst v59;
	v45 =	vld.idx.msk [tilespmem:v44+s23+$0x0], $0xffff  }
0xb0: {  	[tilespmem:$0x1EF20] =	vst v43;
	v43 =	vld [tilespmem:$0x8380]  }
0xb1: {  	[tilespmem:$0x1EF80] =	vst v32;
	v24 =	vld.idx.msk [tilespmem:v11+s1+$0x0], $0xffff  }
0xb2: {  	v25 =	vld.idx.msk [tilespmem:v11+s20+$0x0], $0xffff;
	[tilespmem:$0x1EF90] =	vst v42  }
0xb3: {  	v41 =	vld [tilespmem:$0x9040];
	[tilespmem:$0x1FFC0] =	vst v0  }
0xb4: {  	v44 =	vld [tilespmem:$0x8250];
	[tilespmem:$0x1FFD0] =	vst v45  }
0xb5: {  	v45 =	vld [tilespmem:$0x8260];
	[tilespmem:$0x1EFA0] =	vst v43  }
0xb6: {  	v58 =	vld [tilespmem:$0x91A0]  }
0xb7: {  	v59 =	vld [tilespmem:$0x83B0];
	_ =	sdelay $0x3  }
0xb8: {  	[tilespmem:$0x1EFF0] =	vst v58;
	v58 =	vld [tilespmem:$0x91E0]  }
0xb9: {  	[tilespmem:$0x1F000] =	vst v59;
	v59 =	vld [tilespmem:$0x83F0];
	_ =	sdelay $0x3  }
0xba: {  	[tilespmem:$0x1F070] =	vst v58;
	v58 =	vld [tilespmem:$0x9220]  }
0xbb: {  	[tilespmem:$0x1F080] =	vst v59;
	v59 =	vld [tilespmem:$0x8430];
	_ =	sdelay $0x3  }
0xbc: {  	[tilespmem:$0x1F0F0] =	vst v58;
	v58 =	vld [tilespmem:$0x9260]  }
0xbd: {  	[tilespmem:$0x1F100] =	vst v59;
	v59 =	vld [tilespmem:$0x8470];
	_ =	sdelay $0x3  }
0xbe: {  	[tilespmem:$0x1F170] =	vst v58;
	v58 =	vld [tilespmem:$0x92A0]  }
0xbf: {  	[tilespmem:$0x1F180] =	vst v59;
	v59 =	vld [tilespmem:$0x84B0];
	_ =	sdelay $0x3  }
0xc0: {  	[tilespmem:$0x1F1F0] =	vst v58;
	v58 =	vld [tilespmem:$0x92D0]  }
0xc1: {  	[tilespmem:$0x1F200] =	vst v59;
	v59 =	vld [tilespmem:$0x84E0];
	_ =	sdelay $0x3  }
0xc2: {  	[tilespmem:$0x1F250] =	vst v58;
	v58 =	vld [tilespmem:$0x9300]  }
0xc3: {  	[tilespmem:$0x1F260] =	vst v59;
	v59 =	vld [tilespmem:$0x8510];
	_ =	sdelay $0x3  }
0xc4: {  	[tilespmem:$0x1F2B0] =	vst v58;
	v58 =	vld [tilespmem:$0x9330]  }
0xc5: {  	[tilespmem:$0x1F2C0] =	vst v59;
	v59 =	vld [tilespmem:$0x8540];
	_ =	sdelay $0x3  }
0xc6: {  	[tilespmem:$0x1F310] =	vst v58;
	v58 =	vld [tilespmem:$0x9360]  }
0xc7: {  	[tilespmem:$0x1F320] =	vst v59;
	v59 =	vld [tilespmem:$0x8570];
	_ =	sdelay $0x3  }
0xc8: {  	[tilespmem:$0x1F370] =	vst v58;
	v58 =	vld [tilespmem:$0x9390]  }
0xc9: {  	[tilespmem:$0x1F380] =	vst v59;
	v59 =	vld [tilespmem:$0x85A0];
	_ =	sdelay $0x3  }
0xca: {  	[tilespmem:$0x1F3D0] =	vst v58;
	v58 =	vld [tilespmem:$0x93C0]  }
0xcb: {  	[tilespmem:$0x1F3E0] =	vst v59;
	v59 =	vld [tilespmem:$0x85D0];
	_ =	sdelay $0x1  }
0xcc: {  	v53 =	vld [tilespmem:$0x83A0]  }
0xcd: {  	v42 =	vld [tilespmem:$0x83C0]  }
0xce: {  	[tilespmem:$0x1F430] =	vst v58;
	v58 =	vld [tilespmem:$0x93F0]  }
0xcf: {  	[tilespmem:$0x1F440] =	vst v59;
	v59 =	vld [tilespmem:$0x8600]  }
0xd0: {  	v43 =	vld [tilespmem:$0x91C0]  }
0xd1: {  	[tilespmem:$0x1EFE0] =	vst v53;
	v53 =	vld [tilespmem:$0x83E0]  }
0xd2: {  	[tilespmem:$0x1F020] =	vst v42;
	v42 =	vld [tilespmem:$0x8400]  }
0xd3: {  	[tilespmem:$0x1F490] =	vst v58;
	v58 =	vld [tilespmem:$0x9420]  }
0xd4: {  	[tilespmem:$0x1F4A0] =	vst v59;
	v59 =	vld [tilespmem:$0x8630]  }
0xd5: {  	[tilespmem:$0x1F030] =	vst v43;
	v43 =	vld [tilespmem:$0x9200]  }
0xd6: {  	[tilespmem:$0x1F060] =	vst v53;
	v53 =	vld [tilespmem:$0x8420]  }
0xd7: {  	[tilespmem:$0x1F0A0] =	vst v42;
	v42 =	vld [tilespmem:$0x8440]  }
0xd8: {  	[tilespmem:$0x1F4F0] =	vst v58;
	v58 =	vld [tilespmem:$0x9450]  }
0xd9: {  	[tilespmem:$0x1F500] =	vst v59;
	v59 =	vld [tilespmem:$0x8660]  }
0xda: {  	[tilespmem:$0x1F0B0] =	vst v43;
	v43 =	vld [tilespmem:$0x9240]  }
0xdb: {  	[tilespmem:$0x1F0E0] =	vst v53;
	v53 =	vld [tilespmem:$0x8460]  }
0xdc: {  	[tilespmem:$0x1F120] =	vst v42;
	v42 =	vld [tilespmem:$0x8480]  }
0xdd: {  	[tilespmem:$0x1F550] =	vst v58;
	v58 =	vld [tilespmem:$0x9480]  }
0xde: {  	[tilespmem:$0x1F560] =	vst v59;
	v59 =	vld [tilespmem:$0x8690]  }
0xdf: {  	[tilespmem:$0x1F130] =	vst v43;
	v43 =	vld [tilespmem:$0x9280]  }
0xe0: {  	[tilespmem:$0x1F160] =	vst v53;
	v53 =	vld [tilespmem:$0x84A0]  }
0xe1: {  	[tilespmem:$0x1F1A0] =	vst v42;
	v42 =	vld [tilespmem:$0x84C0]  }
0xe2: {  	[tilespmem:$0x1F5B0] =	vst v58;
	v58 =	vld [tilespmem:$0x94B0]  }
0xe3: {  	[tilespmem:$0x1F5C0] =	vst v59;
	v59 =	vld [tilespmem:$0x86C0]  }
0xe4: {  	[tilespmem:$0x1F1B0] =	vst v43;
	v43 =	vld [tilespmem:$0x92C0]  }
0xe5: {  	[tilespmem:$0x1F1E0] =	vst v53;
	v53 =	vld [tilespmem:$0x84D0]  }
0xe6: {  	[tilespmem:$0x1F220] =	vst v42;
	v42 =	vld [tilespmem:$0x84F0]  }
0xe7: {  	[tilespmem:$0x1F610] =	vst v58;
	v58 =	vld [tilespmem:$0x86E0]  }
0xe8: {  	[tilespmem:$0x1F620] =	vst v59;
	v59 =	vld [tilespmem:$0x94E0]  }
0xe9: {  	[tilespmem:$0x1F230] =	vst v43;
	v43 =	vld [tilespmem:$0x92F0]  }
0xea: {  	[tilespmem:$0x1F240] =	vst v53;
	v53 =	vld [tilespmem:$0x8500]  }
0xeb: {  	[tilespmem:$0x1F280] =	vst v42;
	v42 =	vld [tilespmem:$0x8520]  }
0xec: {  	[tilespmem:$0x1F660] =	vst v58;
	v58 =	vld [tilespmem:$0x9500]  }
0xed: {  	[tilespmem:$0x1F670] =	vst v59;
	v59 =	vld [tilespmem:$0x8710]  }
0xee: {  	[tilespmem:$0x1F290] =	vst v43;
	v43 =	vld [tilespmem:$0x9320]  }
0xef: {  	[tilespmem:$0x1F2A0] =	vst v53;
	v53 =	vld [tilespmem:$0x8530]  }
0xf0: {  	[tilespmem:$0x1F2E0] =	vst v42;
	v42 =	vld [tilespmem:$0x8550]  }
0xf1: {  	[tilespmem:$0x1F6B0] =	vst v58;
	v58 =	vld [tilespmem:$0x9520]  }
0xf2: {  	[tilespmem:$0x1F6C0] =	vst v59;
	v59 =	vld [tilespmem:$0x8730]  }
0xf3: {  	[tilespmem:$0x1F2F0] =	vst v43;
	v43 =	vld [tilespmem:$0x9350]  }
0xf4: {  	[tilespmem:$0x1F300] =	vst v53;
	v53 =	vld [tilespmem:$0x8560]  }
0xf5: {  	[tilespmem:$0x1F340] =	vst v42;
	v42 =	vld [tilespmem:$0x8580]  }
0xf6: {  	[tilespmem:$0x1F6F0] =	vst v58;
	v58 =	vld [tilespmem:$0x8740]  }
0xf7: {  	[tilespmem:$0x1F700] =	vst v59;
	v59 =	vld [tilespmem:$0x9540]  }
0xf8: {  	[tilespmem:$0x1F350] =	vst v43;
	v43 =	vld [tilespmem:$0x9380]  }
0xf9: {  	[tilespmem:$0x1F360] =	vst v53;
	v53 =	vld [tilespmem:$0x8590]  }
0xfa: {  	[tilespmem:$0x1F3A0] =	vst v42;
	v42 =	vld [tilespmem:$0x85B0]  }
0xfb: {  	[tilespmem:$0x1F720] =	vst v58;
	v58 =	vld [tilespmem:$0x9550]  }
0xfc: {  	[tilespmem:$0x1F730] =	vst v59;
	v59 =	vld [tilespmem:$0x8760]  }
0xfd: {  	[tilespmem:$0x1F3B0] =	vst v43;
	v43 =	vld [tilespmem:$0x93B0]  }
0xfe: {  	[tilespmem:$0x1F3C0] =	vst v53;
	v53 =	vld [tilespmem:$0x85C0]  }
0xff: {  	[tilespmem:$0x1F400] =	vst v42;
	v42 =	vld [tilespmem:$0x85E0]  }
0x100: {  	[tilespmem:$0x1F750] =	vst v58;
	v58 =	vld [tilespmem:$0x8770]  }
0x101: {  	[tilespmem:$0x1F760] =	vst v59;
	v59 =	vld [tilespmem:$0x9570]  }
0x102: {  	[tilespmem:$0x1F410] =	vst v43;
	v43 =	vld [tilespmem:$0x93E0]  }
0x103: {  	[tilespmem:$0x1F420] =	vst v53;
	v53 =	vld [tilespmem:$0x85F0]  }
0x104: {  	[tilespmem:$0x1F460] =	vst v42;
	v42 =	vld [tilespmem:$0x8610]  }
0x105: {  	[tilespmem:$0x1F780] =	vst v58;
	v58 =	vld [tilespmem:$0x8780]  }
0x106: {  	[tilespmem:$0x1F790] =	vst v59;
	v59 =	vld [tilespmem:$0x9580]  }
0x107: {  	[tilespmem:$0x1F470] =	vst v43;
	v43 =	vld [tilespmem:$0x9410]  }
0x108: {  	[tilespmem:$0x1F480] =	vst v53;
	v53 =	vld [tilespmem:$0x8620]  }
0x109: {  	[tilespmem:$0x1F4C0] =	vst v42;
	v42 =	vld [tilespmem:$0x8640]  }
0x10a: {  	[tilespmem:$0x1F7A0] =	vst v58;
	v58 =	vld [tilespmem:$0x8790]  }
0x10b: {  	[tilespmem:$0x1F7B0] =	vst v59;
	v59 =	vld [tilespmem:$0x9590]  }
0x10c: {  	[tilespmem:$0x1F4D0] =	vst v43;
	v43 =	vld [tilespmem:$0x9440]  }
0x10d: {  	[tilespmem:$0x1F4E0] =	vst v53;
	v53 =	vld [tilespmem:$0x8650]  }
0x10e: {  	[tilespmem:$0x1F520] =	vst v42;
	v42 =	vld [tilespmem:$0x8670]  }
0x10f: {  	[tilespmem:$0x1F7C0] =	vst v58;
	v58 =	vld [tilespmem:$0x87A0]  }
0x110: {  	[tilespmem:$0x1F7D0] =	vst v59;
	v59 =	vld [tilespmem:$0x95A0]  }
0x111: {  	[tilespmem:$0x1F530] =	vst v43;
	v43 =	vld [tilespmem:$0x9470]  }
0x112: {  	[tilespmem:$0x1F540] =	vst v53;
	v53 =	vld [tilespmem:$0x8680]  }
0x113: {  	[tilespmem:$0x1F580] =	vst v42;
	v42 =	vld [tilespmem:$0x86A0]  }
0x114: {  	[tilespmem:$0x1F7E0] =	vst v58;
	v58 =	vld [tilespmem:$0x87B0]  }
0x115: {  	[tilespmem:$0x1F7F0] =	vst v59;
	v59 =	vld [tilespmem:$0x95B0]  }
0x116: {  	[tilespmem:$0x1F590] =	vst v43;
	v43 =	vld [tilespmem:$0x94A0]  }
0x117: {  	[tilespmem:$0x1F5A0] =	vst v53;
	v53 =	vld [tilespmem:$0x86B0]  }
0x118: {  	[tilespmem:$0x1F5E0] =	vst v42;
	v42 =	vld [tilespmem:$0x94C0]  }
0x119: {  	[tilespmem:$0x1F800] =	vst v58;
	v58 =	vld.idx.msk [tilespmem:v56+s1+$0x0], $0xffff  }
0x11a: {  	[tilespmem:$0x1F810] =	vst v59;
	v59 =	vld.idx.msk [tilespmem:v56+s20+$0x0], $0xffff  }
0x11b: {  	v56 =	vld [tilespmem:$0x87C0]  }
0x11c: {  	[tilespmem:$0x1F5F0] =	vst v43;
	v43 =	vld [tilespmem:$0x86D0];
	_ =	sdelay $0x1  }
0x11d: {  	[tilespmem:$0x1F600] =	vst v53;
	v53 =	vld [tilespmem:$0x94D0]  }
0x11e: {  	[tilespmem:$0x1F630] =	vst v42;
	v42 =	vld [tilespmem:$0x86F0]  }
0x11f: {  	[tilespmem:$0x1F820] =	vst v56;
	v56 =	vld [tilespmem:$0x95C0]  }
0x120: {  	[tilespmem:$0x1F640] =	vst v43;
	v43 =	vld [tilespmem:$0x94F0];
	_ =	sdelay $0x1  }
0x121: {  	[tilespmem:$0x1F650] =	vst v53;
	v53 =	vld [tilespmem:$0x8700]  }
0x122: {  	[tilespmem:$0x1F680] =	vst v42;
	v42 =	vld.idx.msk [tilespmem:v35+s1+$0x0], $0xffff  }
0x123: {  	[tilespmem:$0x1F830] =	vst v56;
	v56 =	vld [tilespmem:$0x87D0]  }
0x124: {  	[tilespmem:$0x1F690] =	vst v43;
	v43 =	vld.idx.msk [tilespmem:v35+s20+$0x0], $0xffff  }
0x125: {  	v35 =	vld [tilespmem:$0x9510]  }
0x126: {  	[tilespmem:$0x1F6A0] =	vst v53;
	v53 =	vld [tilespmem:$0x8720];
	_ =	sdelay $0x1  }
0x127: {  	[tilespmem:$0x1F840] =	vst v56;
	v56 =	vld [tilespmem:$0x95D0];
	_ =	sdelay $0x1  }
0x128: {  	[tilespmem:$0x1F6D0] =	vst v35;
	v35 =	vld [tilespmem:$0x9530]  }
0x129: {  	[tilespmem:$0x1F6E0] =	vst v53;
	v53 =	vimm.s32 $0x14;
	_ =	sdelay $0x1  }
0x12a: {  	[tilespmem:$0x1F850] =	vst v56;
	v56 =	vld [tilespmem:$0x87E0];
	_ =	sdelay $0x1  }
0x12b: {  	[tilespmem:$0x1F710] =	vst v35;
	v35 =	vld.idx.msk [tilespmem:v33+s1+$0x0], $0xffff  }
0x12c: {  	v33 =	vld.idx.msk [tilespmem:v53+s20+$0x0], $0xffff  }
0x12d: {  	v53 =	vld [tilespmem:$0x8750]  }
0x12e: {  	[tilespmem:$0x1F860] =	vst v56;
	v56 =	vld [tilespmem:$0x95E0]  }
0x12f: {  	v0 =	vld [tilespmem:$0x9180];
	_ =	sdelay $0x2  }
0x130: {  	[tilespmem:$0x1F740] =	vst v53;
	v53 =	vld [tilespmem:$0x9560]  }
0x131: {  	[tilespmem:$0x1F870] =	vst v56;
	v56 =	vld [tilespmem:$0x87F0]  }
0x132: {  	[tilespmem:$0x1EFB0] =	vst v0;
	v0 =	vimm.s32 $0x15;
	_ =	sdelay $0x2  }
0x133: {  	[tilespmem:$0x1F770] =	vst v53;
	v53 =	vld.idx.msk [tilespmem:v38+s1+$0x0], $0xffff  }
0x134: {  	[tilespmem:$0x1F880] =	vst v56;
	v56 =	vld [tilespmem:$0x95F0]  }
0x135: {  	v38 =	vld.idx.msk [tilespmem:v0+s20+$0x0], $0xffff;
	v0 =	vimm.s32 $0x17;
	_ =	sdelay $0x3  }
0x136: {  	[tilespmem:$0x1F890] =	vst v56;
	v56 =	vld.idx.msk [tilespmem:v57+s1+$0x0], $0xffff  }
0x137: {  	v57 =	vld.idx.msk [tilespmem:v0+s20+$0x0], $0xffff  }
0x138: {  	v0 =	vld [tilespmem:$0x8800];
	_ =	sdelay $0x4  }
0x139: {  	[tilespmem:$0x1F8A0] =	vst v0;
	v0 =	vld [tilespmem:$0x9600];
	_ =	sdelay $0x4  }
0x13a: {  	[tilespmem:$0x1F8B0] =	vst v0;
	v0 =	vld [tilespmem:$0x8810];
	_ =	sdelay $0x4  }
0x13b: {  	[tilespmem:$0x1F8C0] =	vst v0;
	v0 =	vld [tilespmem:$0x9610];
	_ =	sdelay $0x4  }
0x13c: {  	[tilespmem:$0x1F8D0] =	vst v0;
	v0 =	vld [tilespmem:$0x8820];
	_ =	sdelay $0x4  }
0x13d: {  	[tilespmem:$0x1F8E0] =	vst v0;
	v0 =	vld [tilespmem:$0x9620];
	_ =	sdelay $0x4  }
0x13e: {  	[tilespmem:$0x1F8F0] =	vst v0;
	v0 =	vld [tilespmem:$0x8830];
	_ =	sdelay $0x4  }
0x13f: {  	v40 =	vmul.f32 v40, v55;
	[tilespmem:$0x1F900] =	vst v0;
	v0 =	vld [tilespmem:$0x9630];
	_ =	sdelay $0x1  }
0x140: {  	v39 =	vmul.f32 v39, v1;
	v40 =	vadd.f32 $0.0e+00, v40  }
0x141: {  	v41 =	vmul.f32 v41, v36  }
0x142: {  	v49 =	vmul.f32 v49, v37;
	v39 =	vadd.f32 v39, v40;
	v44 =	vmul.f32 v44, v55  }
0x143: {  	v40 =	vmul.f32 v54, v36;
	v41 =	vadd.f32 $0.0e+00, v41;
	[tilespmem:$0x1F910] =	vst v0;
	v0 =	vimm.s32 $0x18  }
0x144: {  	v50 =	vmul.f32 v50, v1;
	v44 =	vadd.f32 $0.0e+00, v44  }
0x145: {  	v51 =	vmul.f32 v51, v37;
	v40 =	vadd.f32 $0.0e+00, v40;
	v41 =	vadd.f32 v49, v41;
	v49 =	vld [tilespmem:$0x1EE10]  }
0x146: {  	v44 =	vadd.f32 v50, v44;
	v50 =	vld [tilespmem:$0x8850]  }
0x147: {  	v40 =	vadd.f32 v51, v40;
	v45 =	vmul.f32 v45, v55;
	v51 =	vld [tilespmem:$0x1EE30]  }
0x148: {  	v54 =	vld.idx.msk [tilespmem:v0+s1+$0x0], $0xffff  }
0x149: {  	v46 =	vmul.f32 v46, v55;
	v52 =	vmul.f32 v52, v1;
	v45 =	vadd.f32 $0.0e+00, v45;
	v55 =	vld.idx.msk [tilespmem:v0+s20+$0x0], $0xffff  }
0x14a: {  	v0 =	vld [tilespmem:$0x8840]  }
0x14b: {  	v45 =	vadd.f32 v52, v45;
	v52 =	vld [tilespmem:$0x9650]  }
0x14c: {  	[tilespmem:$0x1F940] =	vst v50;
	v50 =	vld [tilespmem:$0x1EE20];
	v51 =	vmul.f32 v51, v3;
	_ =	sdelay $0x1  }
0x14d: {  	v41 =	vadd.f32 v51, v41;
	v51 =	vld [tilespmem:$0x1EE50]  }
0x14e: {  	[tilespmem:$0x1F920] =	vst v0;
	v0 =	vld [tilespmem:$0x9640]  }
0x14f: {  	v49 =	vmul.f32 v49, v36  }
0x150: {  	[tilespmem:$0x1F950] =	vst v52;
	v52 =	vld [tilespmem:$0x1EE40];
	v36 =	vmul.f32 v50, v36;
	v50 =	vmul.f32 v63, v2;
	_ =	sdelay $0x1  }
0x151: {  	v39 =	vadd.f32 v50, v39;
	v50 =	vmul.f32 v51, v3  }
0x152: {  	v46 =	vadd.f32 $0.0e+00, v46;
	v36 =	vadd.f32 $0.0e+00, v36;
	[tilespmem:$0x1F930] =	vst v0;
	v0 =	vmul.f32 v60, v1  }
0x153: {  	v40 =	vadd.f32 v50, v40;
	v50 =	vld [tilespmem:$0x1EE80];
	v1 =	vmul.f32 v61, v37;
	v37 =	vmul.f32 v62, v37  }
0x154: {  	v49 =	vadd.f32 $0.0e+00, v49;
	v60 =	vmul.f32 v52, v2;
	v52 =	vld [tilespmem:$0x1EE60]  }
0x155: {  	v0 =	vadd.f32 v0, v46;
	v46 =	vadd.f32 v37, v36;
	v37 =	vld [tilespmem:$0x9670]  }
0x156: {  	v49 =	vadd.f32 v1, v49;
	v1 =	vimm.s32 $0x19;
	v44 =	vadd.f32 v60, v44;
	v60 =	vld [tilespmem:$0x1EE70];
	_ =	sdelay $0x2  }
0x157: {  	v36 =	vld [tilespmem:$0x1EE90]  }
0x158: {  	v51 =	vmul.f32 v52, v2;
	v2 =	vmul.f32 v50, v2;
	v50 =	vld [tilespmem:$0x8880]  }
0x159: {  	[tilespmem:$0x1F960] =	vst v37;
	v37 =	vld.idx.msk [tilespmem:v1+s1+$0x0], $0xffff;
	v52 =	vmul.f32 v60, v3  }
0x15a: {  	v60 =	vld.idx.msk [tilespmem:v1+s20+$0x0], $0xffff  }
0x15b: {  	v49 =	vadd.f32 v52, v49;
	v52 =	vld [tilespmem:$0x1EEA0]  }
0x15c: {  	v1 =	vmul.f32 v36, v3;
	v36 =	vld [tilespmem:$0x1EEB0];
	_ =	sdelay $0x3  }
0x15d: {  	v1 =	vadd.f32 v1, v46;
	v46 =	vld [tilespmem:$0x8890];
	[tilespmem:$0x1F970] =	vst v50;
	v50 =	vmul.f32 v52, v34  }
0x15e: {  	v0 =	vadd.f32 v2, v0;
	v2 =	vmul.f32 v36, v31;
	v36 =	vld [tilespmem:$0x9690]  }
0x15f: {  	v39 =	vadd.f32 v50, v39;
	v50 =	vld [tilespmem:$0x1EEC0]  }
0x160: {  	v45 =	vadd.f32 v51, v45;
	v51 =	vld [tilespmem:$0x1EED0];
	_ =	sdelay $0x2  }
0x161: {  	[tilespmem:$0x1F980] =	vst v46;
	v2 =	vadd.f32 v2, v41;
	v41 =	vld [tilespmem:$0x1EEE0]  }
0x162: {  	[tilespmem:$0x1F990] =	vst v36;
	v36 =	vld [tilespmem:$0x88A0];
	v46 =	vmul.f32 v50, v34  }
0x163: {  	v50 =	vmul.f32 v51, v31;
	v51 =	vld [tilespmem:$0x1EEF0]  }
0x164: {  	v44 =	vadd.f32 v46, v44;
	v46 =	vld [tilespmem:$0x1EF00];
	_ =	sdelay $0x2  }
0x165: {  	v40 =	vadd.f32 v50, v40;
	v50 =	vld [tilespmem:$0x96A0]  }
0x166: {  	v41 =	vmul.f32 v41, v34;
	[tilespmem:$0x1F9A0] =	vst v36;
	v36 =	vld [tilespmem:$0x1EF20]  }
0x167: {  	v51 =	vmul.f32 v51, v31;
	v34 =	vmul.f32 v46, v34;
	v46 =	vld [tilespmem:$0x1EF30];
	_ =	sdelay $0x1  }
0x168: {  	v41 =	vadd.f32 v41, v45;
	v45 =	vadd.f32 v51, v49;
	v49 =	vld [tilespmem:$0x96B0]  }
0x169: {  	[tilespmem:$0x1F9B0] =	vst v50;
	v50 =	vld [tilespmem:$0x1EF40]  }
0x16a: {  	v0 =	vadd.f32 v34, v0;
	v34 =	vmul.f32 v36, v4;
	v36 =	vld [tilespmem:$0x1EF50]  }
0x16b: {  	v46 =	vmul.f32 v46, v5;
	_ =	sdelay $0x1  }
0x16c: {  	v2 =	vadd.f32 v46, v2;
	v46 =	vld [tilespmem:$0x1EF60];
	_ =	sdelay $0x1  }
0x16d: {  	v51 =	vld [tilespmem:$0x1EF10];
	[tilespmem:$0x1F9C0] =	vst v49;
	v49 =	vmul.f32 v50, v4;
	v50 =	vmul.f32 v36, v5  }
0x16e: {  	v3 =	vimm.s32 $0x1A  }
0x16f: {  	v40 =	vadd.f32 v50, v40;
	v50 =	vld [tilespmem:$0x1EF70]  }
0x170: {  	v36 =	vmul.f32 v46, v4;
	v46 =	vld [tilespmem:$0x1EF90];
	_ =	sdelay $0x1  }
0x171: {  	v31 =	vmul.f32 v51, v31  }
0x172: {  	v39 =	vadd.f32 v34, v39;
	v34 =	vld.idx.msk [tilespmem:v3+s20+$0x0], $0xffff  }
0x173: {  	v1 =	vadd.f32 v31, v1;
	v31 =	vld.idx.msk [tilespmem:v3+s1+$0x0], $0xffff  }
0x174: {  	v44 =	vadd.f32 v49, v44;
	v49 =	vmul.f32 v50, v5;
	v3 =	vmul.f32 v46, v5;
	v5 =	vld [tilespmem:$0x96C0];
	_ =	sdelay $0x4  }
0x175: {  	[tilespmem:$0x1F9D0] =	vst v5;
	v5 =	vld [tilespmem:$0x1EFA0];
	_ =	sdelay $0x4  }
0x176: {  	v46 =	vmul.f32 v5, v24;
	v5 =	vld [tilespmem:$0x1EFB0];
	_ =	sdelay $0x1  }
0x177: {  	v41 =	vadd.f32 v36, v41;
	v36 =	vld [tilespmem:$0x1EF80];
	_ =	sdelay $0x1  }
0x178: {  	v48 =	vld [tilespmem:$0x9190]  }
0x179: {  	v45 =	vadd.f32 v49, v45;
	v49 =	vmul.f32 v5, v25;
	v5 =	vld [tilespmem:$0x88D0];
	_ =	sdelay $0x1  }
0x17a: {  	v4 =	vmul.f32 v36, v4;
	_ =	sdelay $0x1  }
0x17b: {  	[tilespmem:$0x1EFD0] =	vst v48;
	v0 =	vadd.f32 v4, v0;
	v4 =	vld [tilespmem:$0x96D0]  }
0x17c: {  	[tilespmem:$0x1F9E0] =	vst v5;
	v5 =	vld [tilespmem:$0x1EFD0];
	_ =	sdelay $0x1  }
0x17d: {  	v47 =	vld [tilespmem:$0x8390];
	_ =	sdelay $0x2  }
0x17e: {  	[tilespmem:$0x1F9F0] =	vst v4;
	v4 =	vadd.f32 v46, v39;
	v39 =	vmul.f32 v5, v25;
	v5 =	vld [tilespmem:$0x88E0];
	_ =	sdelay $0x1  }
0x17f: {  	[tilespmem:$0x1EFC0] =	vst v47  }
0x180: {  	v36 =	vld [tilespmem:$0x1EFC0];
	_ =	sdelay $0x1  }
0x181: {  	[tilespmem:$0x1FA00] =	vst v5;
	v5 =	vld [tilespmem:$0x1EFE0];
	_ =	sdelay $0x2  }
0x182: {  	v1 =	vadd.f32 v3, v1;
	v3 =	vmul.f32 v36, v24;
	_ =	sdelay $0x1  }
0x183: {  	v3 =	vadd.f32 v3, v44;
	v44 =	vmul.f32 v5, v24;
	v5 =	vld [tilespmem:$0x1EFF0];
	_ =	sdelay $0x4  }
0x184: {  	v2 =	vadd.f32 v49, v2;
	v49 =	vmul.f32 v5, v25;
	v5 =	vld [tilespmem:$0x96E0];
	_ =	sdelay $0x3  }
0x185: {  	v32 =	vld [tilespmem:$0x91B0]  }
0x186: {  	[tilespmem:$0x1FA10] =	vst v5;
	v5 =	vld [tilespmem:$0x1F000];
	_ =	sdelay $0x3  }
0x187: {  	[tilespmem:$0x1F010] =	vst v32  }
0x188: {  	v24 =	vmul.f32 v5, v24;
	v5 =	vld [tilespmem:$0x1F010];
	_ =	sdelay $0x4  }
0x189: {  	v25 =	vmul.f32 v5, v25;
	v5 =	vld [tilespmem:$0x88F0];
	_ =	sdelay $0x3  }
0x18a: {  	v6 =	vld.idx.msk [tilespmem:v12+s1+$0x0], $0xffff  }
0x18b: {  	[tilespmem:$0x1FA20] =	vst v5;
	v5 =	vld [tilespmem:$0x1F020];
	_ =	sdelay $0x3  }
0x18c: {  	v47 =	vld [tilespmem:$0x83D0]  }
0x18d: {  	v36 =	vmul.f32 v5, v6;
	v5 =	vld [tilespmem:$0x96F0];
	_ =	sdelay $0x2  }
0x18e: {  	v7 =	vld.idx.msk [tilespmem:v12+s20+$0x0], $0xffff  }
0x18f: {  	v48 =	vld [tilespmem:$0x91D0];
	[tilespmem:$0x1F040] =	vst v47  }
0x190: {  	[tilespmem:$0x1FA30] =	vst v5;
	v5 =	vld [tilespmem:$0x1F030]  }
0x191: {  	v1 =	vadd.f32 v25, v1;
	v25 =	vld [tilespmem:$0x1F040];
	_ =	sdelay $0x2  }
0x192: {  	v39 =	vadd.f32 v39, v40;
	v40 =	vadd.f32 v44, v41  }
0x193: {  	[tilespmem:$0x1F050] =	vst v48;
	v41 =	vadd.f32 v49, v45;
	v49 =	vmul.f32 v5, v7;
	v5 =	vimm.s32 $0x1B  }
0x194: {  	v44 =	vmul.f32 v25, v6;
	v25 =	vld [tilespmem:$0x1F050];
	_ =	sdelay $0x3  }
0x195: {  	v0 =	vadd.f32 v24, v0;
	v24 =	vld.idx.msk [tilespmem:v5+s1+$0x0], $0xffff  }
0x196: {  	v4 =	vadd.f32 v36, v4;
	v36 =	vmul.f32 v25, v7;
	v25 =	vld.idx.msk [tilespmem:v5+s20+$0x0], $0xffff  }
0x197: {  	v5 =	vld [tilespmem:$0x1F060];
	_ =	sdelay $0x4  }
0x198: {  	v45 =	vmul.f32 v5, v6;
	v5 =	vld [tilespmem:$0x1F070];
	_ =	sdelay $0x4  }
0x199: {  	v2 =	vadd.f32 v49, v2;
	v49 =	vmul.f32 v5, v7;
	v5 =	vld [tilespmem:$0x8900];
	_ =	sdelay $0x3  }
0x19a: {  	v32 =	vld [tilespmem:$0x91F0]  }
0x19b: {  	[tilespmem:$0x1FA40] =	vst v5;
	v5 =	vld [tilespmem:$0x1F080];
	_ =	sdelay $0x3  }
0x19c: {  	[tilespmem:$0x1F090] =	vst v32  }
0x19d: {  	v5 =	vmul.f32 v5, v6;
	v6 =	vld [tilespmem:$0x1F090];
	_ =	sdelay $0x3  }
0x19e: {  	v17 =	vld.idx.msk [tilespmem:v13+s20+$0x0], $0xffff  }
0x19f: {  	v6 =	vmul.f32 v6, v7;
	v7 =	vld [tilespmem:$0x1F0B0];
	_ =	sdelay $0x3  }
0x1a0: {  	v48 =	vld [tilespmem:$0x9210]  }
0x1a1: {  	v3 =	vadd.f32 v44, v3;
	v44 =	vmul.f32 v7, v17;
	v7 =	vld [tilespmem:$0x9710];
	_ =	sdelay $0x3  }
0x1a2: {  	[tilespmem:$0x1F0D0] =	vst v48  }
0x1a3: {  	[tilespmem:$0x1FA50] =	vst v7;
	v7 =	vld [tilespmem:$0x1F0D0];
	_ =	sdelay $0x4  }
0x1a4: {  	v39 =	vadd.f32 v36, v39;
	v36 =	vmul.f32 v7, v17;
	v7 =	vld [tilespmem:$0x8920];
	_ =	sdelay $0x1  }
0x1a5: {  	v47 =	vld [tilespmem:$0x8410];
	_ =	sdelay $0x2  }
0x1a6: {  	[tilespmem:$0x1FA60] =	vst v7;
	v7 =	vld [tilespmem:$0x9720]  }
0x1a7: {  	v16 =	vld.idx.msk [tilespmem:v13+s1+$0x0], $0xffff  }
0x1a8: {  	[tilespmem:$0x1F0C0] =	vst v47;
	v0 =	vadd.f32 v5, v0;
	v5 =	vld [tilespmem:$0x1F0A0]  }
0x1a9: {  	v1 =	vadd.f32 v6, v1;
	v6 =	vld [tilespmem:$0x1F0C0];
	_ =	sdelay $0x1  }
0x1aa: {  	[tilespmem:$0x1FA70] =	vst v7;
	v7 =	vld [tilespmem:$0x1F0F0];
	_ =	sdelay $0x1  }
0x1ab: {  	v5 =	vmul.f32 v5, v16  }
0x1ac: {  	v32 =	vld [tilespmem:$0x9230];
	v6 =	vmul.f32 v6, v16  }
0x1ad: {  	v4 =	vadd.f32 v5, v4;
	v5 =	vld [tilespmem:$0x1F0E0]  }
0x1ae: {  	v3 =	vadd.f32 v6, v3;
	v6 =	vadd.f32 v36, v39;
	v39 =	vmul.f32 v7, v17;
	v7 =	vld [tilespmem:$0x1F100];
	_ =	sdelay $0x3  }
0x1af: {  	[tilespmem:$0x1F110] =	vst v32  }
0x1b0: {  	v5 =	vmul.f32 v5, v16;
	v16 =	vmul.f32 v7, v16;
	v7 =	vld [tilespmem:$0x1F110];
	_ =	sdelay $0x2  }
0x1b1: {  	v40 =	vadd.f32 v45, v40;
	_ =	sdelay $0x1  }
0x1b2: {  	v5 =	vadd.f32 v5, v40;
	v40 =	vmul.f32 v7, v17;
	v7 =	vld [tilespmem:$0x9730];
	_ =	sdelay $0x3  }
0x1b3: {  	v8 =	vld.idx.msk [tilespmem:v14+s1+$0x0], $0xffff  }
0x1b4: {  	[tilespmem:$0x1FA80] =	vst v7;
	v7 =	vld [tilespmem:$0x1F120];
	_ =	sdelay $0x2  }
0x1b5: {  	v9 =	vld.idx.msk [tilespmem:v14+s20+$0x0], $0xffff;
	v41 =	vadd.f32 v49, v41  }
0x1b6: {  	v47 =	vld [tilespmem:$0x8450]  }
0x1b7: {  	v39 =	vadd.f32 v39, v41;
	v41 =	vmul.f32 v7, v8;
	v7 =	vld [tilespmem:$0x1F130];
	_ =	sdelay $0x4  }
0x1b8: {  	v48 =	vld [tilespmem:$0x9250];
	[tilespmem:$0x1F140] =	vst v47;
	v2 =	vadd.f32 v44, v2;
	v44 =	vmul.f32 v7, v9;
	v7 =	vimm.s32 $0x1C  }
0x1b9: {  	v0 =	vadd.f32 v16, v0;
	v16 =	vld [tilespmem:$0x1F140];
	_ =	sdelay $0x3  }
0x1ba: {  	v17 =	vld.idx.msk [tilespmem:v7+s1+$0x0], $0xffff  }
0x1bb: {  	[tilespmem:$0x1F150] =	vst v48;
	v36 =	vmul.f32 v16, v8;
	v16 =	vld.idx.msk [tilespmem:v7+s20+$0x0], $0xffff  }
0x1bc: {  	v7 =	vld [tilespmem:$0x1F150];
	_ =	sdelay $0x4  }
0x1bd: {  	v4 =	vadd.f32 v41, v4;
	v41 =	vmul.f32 v7, v9;
	v7 =	vld [tilespmem:$0x8940];
	_ =	sdelay $0x4  }
0x1be: {  	[tilespmem:$0x1FA90] =	vst v7;
	v7 =	vld [tilespmem:$0x1F160];
	_ =	sdelay $0x4  }
0x1bf: {  	v1 =	vadd.f32 v40, v1;
	v40 =	vmul.f32 v7, v8;
	v7 =	vld [tilespmem:$0x1F170];
	_ =	sdelay $0x4  }
0x1c0: {  	v3 =	vadd.f32 v36, v3;
	v36 =	vmul.f32 v7, v9;
	v7 =	vld [tilespmem:$0x9740];
	_ =	sdelay $0x3  }
0x1c1: {  	v32 =	vld [tilespmem:$0x9270]  }
0x1c2: {  	[tilespmem:$0x1FAA0] =	vst v7;
	v7 =	vld [tilespmem:$0x1F180];
	_ =	sdelay $0x3  }
0x1c3: {  	[tilespmem:$0x1F190] =	vst v32  }
0x1c4: {  	v8 =	vmul.f32 v7, v8;
	v7 =	vld [tilespmem:$0x1F190];
	_ =	sdelay $0x4  }
0x1c5: {  	v7 =	vmul.f32 v7, v9;
	v9 =	vld [tilespmem:$0x8950];
	_ =	sdelay $0x1  }
0x1c6: {  	v10 =	vld.idx.msk [tilespmem:v15+s1+$0x0], $0xffff  }
0x1c7: {  	v32 =	vld [tilespmem:$0x92B0]  }
0x1c8: {  	v48 =	vld [tilespmem:$0x9290]  }
0x1c9: {  	[tilespmem:$0x1FAB0] =	vst v9;
	v9 =	vld [tilespmem:$0x1F1A0];
	_ =	sdelay $0x2  }
0x1ca: {  	[tilespmem:$0x1F210] =	vst v32;
	v32 =	vld [tilespmem:$0x92E0]  }
0x1cb: {  	v11 =	vld.idx.msk [tilespmem:v15+s20+$0x0], $0xffff;
	[tilespmem:$0x1F1D0] =	vst v48  }
0x1cc: {  	v39 =	vadd.f32 v36, v39;
	v36 =	vmul.f32 v9, v10;
	v9 =	vld [tilespmem:$0x1F1D0];
	_ =	sdelay $0x2  }
0x1cd: {  	[tilespmem:$0x1F270] =	vst v32;
	v32 =	vld [tilespmem:$0x9310];
	_ =	sdelay $0x1  }
0x1ce: {  	v5 =	vadd.f32 v40, v5;
	v40 =	vmul.f32 v9, v11;
	v9 =	vld [tilespmem:$0x9760]  }
0x1cf: {  	v47 =	vld [tilespmem:$0x8490]  }
0x1d0: {  	v0 =	vadd.f32 v8, v0;
	v8 =	vld [tilespmem:$0x8960]  }
0x1d1: {  	[tilespmem:$0x1F2D0] =	vst v32;
	v32 =	vld [tilespmem:$0x9340];
	_ =	sdelay $0x1  }
0x1d2: {  	[tilespmem:$0x1FAD0] =	vst v9;
	v9 =	vld [tilespmem:$0x1F1F0]  }
0x1d3: {  	[tilespmem:$0x1F1C0] =	vst v47  }
0x1d4: {  	[tilespmem:$0x1FAC0] =	vst v8;
	v8 =	vld [tilespmem:$0x1F1C0]  }
0x1d5: {  	[tilespmem:$0x1F330] =	vst v32;
	v32 =	vld [tilespmem:$0x9370];
	_ =	sdelay $0x1  }
0x1d6: {  	v4 =	vadd.f32 v36, v4;
	v36 =	vmul.f32 v9, v11;
	v9 =	vld [tilespmem:$0x8970];
	_ =	sdelay $0x1  }
0x1d7: {  	v1 =	vadd.f32 v7, v1;
	v7 =	vld [tilespmem:$0x1F1B0];
	v8 =	vmul.f32 v8, v10  }
0x1d8: {  	[tilespmem:$0x1F390] =	vst v32;
	v32 =	vld [tilespmem:$0x93A0]  }
0x1d9: {  	v3 =	vadd.f32 v8, v3;
	v8 =	vld [tilespmem:$0x1F200]  }
0x1da: {  	[tilespmem:$0x1FAE0] =	vst v9;
	v9 =	vld [tilespmem:$0x9770];
	_ =	sdelay $0x1  }
0x1db: {  	v47 =	vld.idx.msk [tilespmem:v18+s1+$0x0], $0xffff;
	v2 =	vadd.f32 v44, v2;
	v7 =	vmul.f32 v7, v11  }
0x1dc: {  	[tilespmem:$0x1F3F0] =	vst v32;
	v32 =	vld [tilespmem:$0x93D0]  }
0x1dd: {  	v2 =	vadd.f32 v7, v2;
	v7 =	vld [tilespmem:$0x1F1E0];
	v8 =	vmul.f32 v8, v10  }
0x1de: {  	[tilespmem:$0x1FAF0] =	vst v9;
	v9 =	vld [tilespmem:$0x1F210]  }
0x1df: {  	v0 =	vadd.f32 v8, v0;
	v8 =	vld [tilespmem:$0x1F220];
	_ =	sdelay $0x1  }
0x1e0: {  	v12 =	vld.idx.msk [tilespmem:v19+s1+$0x0], $0xffff  }
0x1e1: {  	[tilespmem:$0x1F450] =	vst v32;
	v32 =	vld [tilespmem:$0x9400];
	v7 =	vmul.f32 v7, v10  }
0x1e2: {  	v48 =	vld.idx.msk [tilespmem:v18+s20+$0x0], $0xffff;
	v9 =	vmul.f32 v9, v11;
	v11 =	vimm.s32 $0x1D  }
0x1e3: {  	v5 =	vadd.f32 v7, v5;
	v7 =	vadd.f32 v36, v39;
	v39 =	vmul.f32 v8, v47;
	v8 =	vld [tilespmem:$0x1F230]  }
0x1e4: {  	v13 =	vld.idx.msk [tilespmem:v19+s20+$0x0], $0xffff  }
0x1e5: {  	v14 =	vld.idx.msk [tilespmem:v20+s1+$0x0], $0xffff  }
0x1e6: {  	[tilespmem:$0x1F4B0] =	vst v32;
	v32 =	vld [tilespmem:$0x9430]  }
0x1e7: {  	v10 =	vld.idx.msk [tilespmem:v11+s1+$0x0], $0xffff  }
0x1e8: {  	v36 =	vmul.f32 v8, v48;
	v8 =	vld.idx.msk [tilespmem:v11+s20+$0x0], $0xffff  }
0x1e9: {  	v11 =	vld [tilespmem:$0x1F250]  }
0x1ea: {  	v15 =	vld.idx.msk [tilespmem:v20+s20+$0x0], $0xffff  }
0x1eb: {  	v19 =	vld.idx.msk [tilespmem:v21+s20+$0x0], $0xffff  }
0x1ec: {  	v20 =	vld.idx.msk [tilespmem:v22+s1+$0x0], $0xffff  }
0x1ed: {  	[tilespmem:$0x1F510] =	vst v32;
	v32 =	vld [tilespmem:$0x9460]  }
0x1ee: {  	v6 =	vadd.f32 v41, v6;
	v41 =	vmul.f32 v11, v48;
	v11 =	vld [tilespmem:$0x8980]  }
0x1ef: {  	v26 =	vld.idx.msk [tilespmem:v27+s1+$0x0], $0xffff  }
0x1f0: {  	v27 =	vld.idx.msk [tilespmem:v27+s20+$0x0], $0xffff  }
0x1f1: {  	v28 =	vld.idx.msk [tilespmem:v29+s1+$0x0], $0xffff  }
0x1f2: {  	[tilespmem:$0x1F570] =	vst v32;
	v32 =	vld [tilespmem:$0x9490]  }
0x1f3: {  	[tilespmem:$0x1FB00] =	vst v11;
	v11 =	vld [tilespmem:$0x1F260]  }
0x1f4: {  	v29 =	vld.idx.msk [tilespmem:v29+s20+$0x0], $0xffff  }
0x1f5: {  	v63 =	vld [tilespmem:$0x8870]  }
0x1f6: {  	v18 =	vld.idx.msk [tilespmem:v21+s1+$0x0], $0xffff  }
0x1f7: {  	[tilespmem:$0x1F5D0] =	vst v32;
	v32 =	vld.idx.msk [tilespmem:v30+s1+$0x0], $0xffff;
	v30 =	vimm.s32 $0x12  }
0x1f8: {  	v4 =	vadd.f32 v39, v4;
	v39 =	vmul.f32 v11, v47;
	v11 =	vld [tilespmem:$0x9780]  }
0x1f9: {  	v21 =	vld.idx.msk [tilespmem:v22+s20+$0x0], $0xffff  }
0x1fa: {  	v22 =	vld.idx.msk [tilespmem:v23+s1+$0x0], $0xffff  }
0x1fb: {  	v23 =	vld.idx.msk [tilespmem:v23+s20+$0x0], $0xffff  }
0x1fc: {  	v30 =	vld.idx.msk [tilespmem:v30+s20+$0x0], $0xffff  }
0x1fd: {  	[tilespmem:$0x1FB10] =	vst v11;
	v11 =	vld [tilespmem:$0x8990]  }
0x1fe: {  	v61 =	vld [tilespmem:$0x8860]  }
0x1ff: {  	v62 =	vld [tilespmem:$0x9660]  }
0x200: {  	v52 =	vld [tilespmem:$0x9680]  }
0x201: {  	v51 =	vld [tilespmem:$0x88B0]  }
0x202: {  	[tilespmem:$0x1FB20] =	vst v11;
	v11 =	vld [tilespmem:$0x1F280]  }
0x203: {  	v1 =	vadd.f32 v9, v1;
	v9 =	vld [tilespmem:$0x1F240]  }
0x204: {  	v50 =	vld [tilespmem:$0x88C0]  }
0x205: {  	v46 =	vld [tilespmem:$0x9700]  }
0x206: {  	v45 =	vld [tilespmem:$0x8930]  }
0x207: {  	v5 =	vadd.f32 v39, v5;
	v39 =	vmul.f32 v11, v47;
	v11 =	vld [tilespmem:$0x1F290]  }
0x208: {  	v49 =	vld [tilespmem:$0x8910];
	v9 =	vmul.f32 v9, v47  }
0x209: {  	v44 =	vld [tilespmem:$0x9750]  }
0x20a: {  	v3 =	vadd.f32 v9, v3;
	v9 =	vld [tilespmem:$0x1F270]  }
0x20b: {  	v47 =	vld [tilespmem:$0x9790]  }
0x20c: {  	v2 =	vadd.f32 v36, v2;
	v36 =	vmul.f32 v11, v48;
	v11 =	vld [tilespmem:$0x1F2B0];
	_ =	sdelay $0x2  }
0x20d: {  	v6 =	vadd.f32 v40, v6;
	_ =	sdelay $0x1  }
0x20e: {  	v6 =	vadd.f32 v41, v6;
	v41 =	vmul.f32 v11, v13;
	v11 =	vld [tilespmem:$0x1F2C0];
	_ =	sdelay $0x1  }
0x20f: {  	v9 =	vmul.f32 v9, v48;
	_ =	sdelay $0x1  }
0x210: {  	v7 =	vadd.f32 v9, v7;
	v9 =	vld [tilespmem:$0x1F2A0]  }
0x211: {  	v0 =	vadd.f32 v39, v0;
	v39 =	vmul.f32 v11, v12;
	v11 =	vld [tilespmem:$0x97A0];
	_ =	sdelay $0x4  }
0x212: {  	v9 =	vmul.f32 v9, v12;
	[tilespmem:$0x1FB30] =	vst v11;
	v11 =	vld [tilespmem:$0x89B0];
	_ =	sdelay $0x1  }
0x213: {  	v9 =	vadd.f32 v9, v4;
	v4 =	vld [tilespmem:$0x1F2D0];
	_ =	sdelay $0x2  }
0x214: {  	[tilespmem:$0x1FB40] =	vst v11;
	v11 =	vld [tilespmem:$0x1F2E0];
	_ =	sdelay $0x1  }
0x215: {  	v4 =	vmul.f32 v4, v13;
	_ =	sdelay $0x1  }
0x216: {  	v6 =	vadd.f32 v4, v6;
	v4 =	vld [tilespmem:$0x1F300]  }
0x217: {  	v3 =	vadd.f32 v39, v3;
	v39 =	vmul.f32 v11, v12;
	v11 =	vld [tilespmem:$0x1F2F0];
	_ =	sdelay $0x3  }
0x218: {  	v12 =	vmul.f32 v4, v12;
	v4 =	vld [tilespmem:$0x1F310]  }
0x219: {  	v40 =	vmul.f32 v11, v13;
	v11 =	vld [tilespmem:$0x97B0];
	_ =	sdelay $0x4  }
0x21a: {  	[tilespmem:$0x1FB50] =	vst v11;
	v11 =	vmul.f32 v4, v13;
	v13 =	vimm.s32 $0x1E  }
0x21b: {  	v39 =	vadd.f32 v39, v5;
	v5 =	vld [tilespmem:$0x1F320];
	_ =	sdelay $0x3  }
0x21c: {  	v4 =	vld.idx.msk [tilespmem:v13+s1+$0x0], $0xffff  }
0x21d: {  	v1 =	vadd.f32 v36, v1;
	v36 =	vmul.f32 v5, v14;
	v5 =	vld.idx.msk [tilespmem:v13+s20+$0x0], $0xffff  }
0x21e: {  	v13 =	vld [tilespmem:$0x1F350];
	_ =	sdelay $0x4  }
0x21f: {  	v7 =	vadd.f32 v40, v7;
	v40 =	vmul.f32 v13, v15;
	v13 =	vld [tilespmem:$0x97C0];
	_ =	sdelay $0x4  }
0x220: {  	[tilespmem:$0x1FB70] =	vst v13;
	v13 =	vld [tilespmem:$0x1F370];
	_ =	sdelay $0x3  }
0x221: {  	v1 =	vadd.f32 v11, v1;
	v11 =	vld [tilespmem:$0x1F330]  }
0x222: {  	v9 =	vadd.f32 v36, v9;
	v36 =	vmul.f32 v13, v15;
	v13 =	vld [tilespmem:$0x89D0];
	_ =	sdelay $0x3  }
0x223: {  	v0 =	vadd.f32 v12, v0;
	v12 =	vld [tilespmem:$0x89C0]  }
0x224: {  	v2 =	vadd.f32 v41, v2;
	v11 =	vmul.f32 v11, v15;
	[tilespmem:$0x1FB80] =	vst v13;
	v13 =	vld [tilespmem:$0x1F390];
	_ =	sdelay $0x1  }
0x225: {  	v2 =	vadd.f32 v11, v2;
	v11 =	vld [tilespmem:$0x1F360];
	_ =	sdelay $0x1  }
0x226: {  	[tilespmem:$0x1FB60] =	vst v12;
	v12 =	vld [tilespmem:$0x1F340]  }
0x227: {  	v13 =	vmul.f32 v13, v15;
	v15 =	vld [tilespmem:$0x97E0];
	_ =	sdelay $0x1  }
0x228: {  	v11 =	vmul.f32 v11, v14;
	_ =	sdelay $0x1  }
0x229: {  	v12 =	vmul.f32 v12, v14;
	v11 =	vadd.f32 v11, v39;
	v39 =	vld [tilespmem:$0x1F3C0]  }
0x22a: {  	[tilespmem:$0x1FB90] =	vst v15;
	v15 =	vld [tilespmem:$0x1F3D0]  }
0x22b: {  	v3 =	vadd.f32 v12, v3;
	v12 =	vld [tilespmem:$0x1F380];
	_ =	sdelay $0x1  }
0x22c: {  	v7 =	vadd.f32 v36, v7;
	v36 =	vld [tilespmem:$0x1F3A0];
	_ =	sdelay $0x1  }
0x22d: {  	v13 =	vadd.f32 v13, v1;
	v1 =	vmul.f32 v39, v18;
	v39 =	vmul.f32 v15, v19;
	v15 =	vld [tilespmem:$0x89F0]  }
0x22e: {  	v12 =	vmul.f32 v12, v14  }
0x22f: {  	v6 =	vadd.f32 v40, v6;
	v14 =	vld [tilespmem:$0x1F3B0]  }
0x230: {  	v12 =	vadd.f32 v12, v0;
	v0 =	vmul.f32 v36, v18;
	v36 =	vld [tilespmem:$0x1F3E0]  }
0x231: {  	v6 =	vadd.f32 v39, v6;
	v39 =	vld [tilespmem:$0x1F3F0]  }
0x232: {  	[tilespmem:$0x1FBA0] =	vst v15;
	v15 =	vld [tilespmem:$0x1F410];
	_ =	sdelay $0x1  }
0x233: {  	v14 =	vmul.f32 v14, v19;
	_ =	sdelay $0x1  }
0x234: {  	v2 =	vadd.f32 v14, v2;
	v14 =	vmul.f32 v36, v18  }
0x235: {  	v39 =	vmul.f32 v39, v19;
	v15 =	vmul.f32 v15, v19;
	v19 =	vld [tilespmem:$0x1F430]  }
0x236: {  	v11 =	vadd.f32 v14, v11;
	v14 =	vld [tilespmem:$0x1F400];
	_ =	sdelay $0x2  }
0x237: {  	v36 =	vld [tilespmem:$0x97F0]  }
0x238: {  	v7 =	vadd.f32 v39, v7;
	v39 =	vmul.f32 v19, v21;
	v19 =	vld [tilespmem:$0x8A00]  }
0x239: {  	v14 =	vmul.f32 v14, v18;
	v18 =	vld [tilespmem:$0x1F420];
	_ =	sdelay $0x2  }
0x23a: {  	v13 =	vadd.f32 v15, v13;
	v15 =	vld [tilespmem:$0x9800]  }
0x23b: {  	[tilespmem:$0x1FBC0] =	vst v19;
	v19 =	vld [tilespmem:$0x9810]  }
0x23c: {  	v9 =	vadd.f32 v0, v9;
	[tilespmem:$0x1FBB0] =	vst v36;
	v36 =	vimm.s32 $0x1F;
	v18 =	vmul.f32 v18, v20  }
0x23d: {  	v12 =	vadd.f32 v14, v12;
	v14 =	vld [tilespmem:$0x1F440]  }
0x23e: {  	v9 =	vadd.f32 v18, v9;
	v18 =	vld [tilespmem:$0x1F470]  }
0x23f: {  	[tilespmem:$0x1FBD0] =	vst v15;
	v15 =	vld [tilespmem:$0x1F450]  }
0x240: {  	[tilespmem:$0x1FBE0] =	vst v19;
	v19 =	vld [tilespmem:$0x1F490]  }
0x241: {  	v0 =	vld.idx.msk [tilespmem:v36+s1+$0x0], $0xffff  }
0x242: {  	v3 =	vadd.f32 v1, v3;
	v1 =	vld.idx.msk [tilespmem:v36+s20+$0x0], $0xffff;
	v14 =	vmul.f32 v14, v20  }
0x243: {  	v36 =	vld [tilespmem:$0x1F4E0];
	v18 =	vmul.f32 v18, v21  }
0x244: {  	v3 =	vadd.f32 v14, v3;
	v14 =	vld [tilespmem:$0x1F460];
	v15 =	vmul.f32 v15, v21  }
0x245: {  	v7 =	vadd.f32 v18, v7;
	v18 =	vld [tilespmem:$0x9820];
	v19 =	vmul.f32 v19, v21  }
0x246: {  	v6 =	vadd.f32 v15, v6;
	v15 =	vld [tilespmem:$0x1F480]  }
0x247: {  	v13 =	vadd.f32 v19, v13;
	v19 =	vld [tilespmem:$0x9830];
	_ =	sdelay $0x2  }
0x248: {  	[tilespmem:$0x1FC00] =	vst v18;
	v18 =	vld [tilespmem:$0x8A30]  }
0x249: {  	v14 =	vmul.f32 v14, v20;
	v15 =	vmul.f32 v15, v20;
	v20 =	vld [tilespmem:$0x8A20]  }
0x24a: {  	[tilespmem:$0x1FC20] =	vst v19;
	v19 =	vmul.f32 v36, v22;
	v36 =	vld [tilespmem:$0x1F4F0];
	_ =	sdelay $0x1  }
0x24b: {  	v11 =	vadd.f32 v14, v11;
	v14 =	vld [tilespmem:$0x1F4A0]  }
0x24c: {  	[tilespmem:$0x1FC10] =	vst v18;
	v18 =	vld [tilespmem:$0x1F4D0];
	_ =	sdelay $0x1  }
0x24d: {  	[tilespmem:$0x1FBF0] =	vst v20;
	v20 =	vmul.f32 v36, v23;
	v36 =	vld [tilespmem:$0x1F500];
	_ =	sdelay $0x1  }
0x24e: {  	v14 =	vmul.f32 v14, v22;
	v11 =	vadd.f32 v19, v11;
	v19 =	vld [tilespmem:$0x1F510]  }
0x24f: {  	v18 =	vmul.f32 v18, v23;
	v7 =	vadd.f32 v20, v7;
	v20 =	vld [tilespmem:$0x8A40]  }
0x250: {  	v9 =	vadd.f32 v14, v9;
	v14 =	vld [tilespmem:$0x1F4C0]  }
0x251: {  	v6 =	vadd.f32 v18, v6;
	v12 =	vadd.f32 v15, v12;
	v15 =	vld [tilespmem:$0x1F4B0];
	v18 =	vmul.f32 v36, v22  }
0x252: {  	v21 =	vimm.s32 $0x20  }
0x253: {  	v12 =	vadd.f32 v18, v12;
	v18 =	vld [tilespmem:$0x1F520]  }
0x254: {  	v19 =	vmul.f32 v19, v23;
	[tilespmem:$0x1FC30] =	vst v20;
	v20 =	vld [tilespmem:$0x1F530]  }
0x255: {  	v14 =	vmul.f32 v14, v22  }
0x256: {  	v2 =	vadd.f32 v39, v2;
	v15 =	vmul.f32 v15, v23;
	v13 =	vadd.f32 v19, v13;
	v19 =	vld [tilespmem:$0x1F540]  }
0x257: {  	v14 =	vadd.f32 v14, v3;
	v3 =	vld.idx.msk [tilespmem:v21+s20+$0x0], $0xffff  }
0x258: {  	v15 =	vadd.f32 v15, v2;
	v2 =	vld.idx.msk [tilespmem:v21+s1+$0x0], $0xffff;
	v18 =	vmul.f32 v18, v26  }
0x259: {  	v21 =	vld [tilespmem:$0x9840];
	v20 =	vmul.f32 v20, v27  }
0x25a: {  	v9 =	vadd.f32 v18, v9;
	v18 =	vld [tilespmem:$0x1F560]  }
0x25b: {  	v19 =	vmul.f32 v19, v26;
	v15 =	vadd.f32 v20, v15;
	v20 =	vld [tilespmem:$0x9850];
	_ =	sdelay $0x1  }
0x25c: {  	v14 =	vadd.f32 v19, v14;
	v19 =	vld [tilespmem:$0x1F570];
	_ =	sdelay $0x1  }
0x25d: {  	[tilespmem:$0x1FC40] =	vst v21;
	v21 =	vld [tilespmem:$0x1F550];
	v18 =	vmul.f32 v18, v26  }
0x25e: {  	[tilespmem:$0x1FC60] =	vst v20;
	v20 =	vld [tilespmem:$0x8A60]  }
0x25f: {  	v18 =	vadd.f32 v18, v11;
	v11 =	vld [tilespmem:$0x1F580]  }
0x260: {  	v19 =	vmul.f32 v19, v27;
	_ =	sdelay $0x1  }
0x261: {  	v7 =	vadd.f32 v19, v7;
	v19 =	vld [tilespmem:$0x1F5A0]  }
0x262: {  	v21 =	vmul.f32 v21, v27;
	[tilespmem:$0x1FC70] =	vst v20;
	v20 =	vld [tilespmem:$0x1F590]  }
0x263: {  	v11 =	vmul.f32 v11, v26  }
0x264: {  	v6 =	vadd.f32 v21, v6;
	v21 =	vld [tilespmem:$0x9860]  }
0x265: {  	v12 =	vadd.f32 v11, v12;
	v11 =	vld [tilespmem:$0x1F5C0]  }
0x266: {  	v19 =	vmul.f32 v19, v28  }
0x267: {  	v22 =	vld [tilespmem:$0x8A50];
	v20 =	vmul.f32 v20, v27  }
0x268: {  	v19 =	vadd.f32 v19, v9;
	v9 =	vld [tilespmem:$0x1F5D0]  }
0x269: {  	v13 =	vadd.f32 v20, v13;
	v20 =	vld [tilespmem:$0x9870]  }
0x26a: {  	[tilespmem:$0x1FC80] =	vst v21;
	v21 =	vld [tilespmem:$0x1F5B0];
	v11 =	vmul.f32 v11, v28;
	_ =	sdelay $0x1  }
0x26b: {  	v14 =	vadd.f32 v11, v14;
	v11 =	vld [tilespmem:$0x1F5E0];
	_ =	sdelay $0x1  }
0x26c: {  	[tilespmem:$0x1FCA0] =	vst v20;
	v20 =	vmul.f32 v9, v29  }
0x26d: {  	[tilespmem:$0x1FC50] =	vst v22;
	v22 =	vld [tilespmem:$0x8A70];
	v21 =	vmul.f32 v21, v29  }
0x26e: {  	v23 =	vimm.s32 $0x21;
	v6 =	vadd.f32 v20, v6;
	v20 =	vld [tilespmem:$0x1F600]  }
0x26f: {  	v15 =	vadd.f32 v21, v15;
	v21 =	vmul.f32 v11, v28;
	v11 =	vld [tilespmem:$0x1F5F0];
	_ =	sdelay $0x3  }
0x270: {  	v9 =	vld.idx.msk [tilespmem:v23+s1+$0x0], $0xffff  }
0x271: {  	[tilespmem:$0x1FC90] =	vst v22;
	v20 =	vmul.f32 v20, v28;
	v22 =	vmul.f32 v11, v29;
	v11 =	vld.idx.msk [tilespmem:v23+s20+$0x0], $0xffff  }
0x272: {  	v23 =	vld [tilespmem:$0x1F610]  }
0x273: {  	v12 =	vadd.f32 v20, v12;
	v20 =	vld [tilespmem:$0x1F630]  }
0x274: {  	v7 =	vadd.f32 v22, v7;
	v22 =	vld [tilespmem:$0x9880]  }
0x275: {  	v18 =	vadd.f32 v21, v18;
	v21 =	vld [tilespmem:$0x1F620];
	_ =	sdelay $0x2  }
0x276: {  	v20 =	vmul.f32 v20, v30  }
0x277: {  	v23 =	vmul.f32 v23, v29;
	[tilespmem:$0x1FCC0] =	vst v22;
	v22 =	vld [tilespmem:$0x8A90]  }
0x278: {  	v21 =	vmul.f32 v21, v32;
	v15 =	vadd.f32 v20, v15;
	v20 =	vld [tilespmem:$0x1F660]  }
0x279: {  	v13 =	vadd.f32 v23, v13;
	v23 =	vld [tilespmem:$0x9890]  }
0x27a: {  	v19 =	vadd.f32 v21, v19;
	v21 =	vld [tilespmem:$0x1F640];
	_ =	sdelay $0x2  }
0x27b: {  	[tilespmem:$0x1FCD0] =	vst v22;
	v22 =	vld [tilespmem:$0x1F650];
	v20 =	vmul.f32 v20, v32  }
0x27c: {  	[tilespmem:$0x1FCE0] =	vst v23;
	v23 =	vld [tilespmem:$0x1F670]  }
0x27d: {  	v21 =	vmul.f32 v21, v32;
	v20 =	vadd.f32 v20, v18;
	v18 =	vld [tilespmem:$0x1F690];
	_ =	sdelay $0x1  }
0x27e: {  	v14 =	vadd.f32 v21, v14;
	v21 =	vld [tilespmem:$0x1F680]  }
0x27f: {  	v22 =	vmul.f32 v22, v30  }
0x280: {  	v26 =	vld [tilespmem:$0x8A80];
	v23 =	vmul.f32 v23, v30  }
0x281: {  	v6 =	vadd.f32 v22, v6;
	v22 =	vld [tilespmem:$0x98A0];
	v18 =	vmul.f32 v18, v30  }
0x282: {  	v7 =	vadd.f32 v23, v7;
	v23 =	vld [tilespmem:$0x98B0]  }
0x283: {  	v21 =	vmul.f32 v21, v32;
	v13 =	vadd.f32 v18, v13;
	v18 =	vld [tilespmem:$0x1F6C0];
	_ =	sdelay $0x1  }
0x284: {  	v12 =	vadd.f32 v21, v12;
	v21 =	vld [tilespmem:$0x1F6A0]  }
0x285: {  	[tilespmem:$0x1FD00] =	vst v22;
	v22 =	vld [tilespmem:$0x8AB0]  }
0x286: {  	[tilespmem:$0x1FCB0] =	vst v26  }
0x287: {  	v26 =	vld [tilespmem:$0x8AA0];
	[tilespmem:$0x1FD20] =	vst v23;
	v23 =	vmul.f32 v18, v42  }
0x288: {  	v18 =	vld [tilespmem:$0x1F6D0]  }
0x289: {  	v27 =	vimm.s32 $0x22;
	v14 =	vadd.f32 v23, v14;
	v23 =	vld [tilespmem:$0x1F6F0]  }
0x28a: {  	v21 =	vmul.f32 v21, v42;
	[tilespmem:$0x1FD10] =	vst v22;
	v22 =	vld [tilespmem:$0x1F6B0];
	_ =	sdelay $0x1  }
0x28b: {  	v21 =	vadd.f32 v21, v19;
	v19 =	vld [tilespmem:$0x1F6E0]  }
0x28c: {  	[tilespmem:$0x1FCF0] =	vst v26;
	v26 =	vmul.f32 v18, v43  }
0x28d: {  	v18 =	vld.idx.msk [tilespmem:v27+s1+$0x0], $0xffff;
	v23 =	vmul.f32 v23, v43  }
0x28e: {  	v6 =	vadd.f32 v26, v6;
	v26 =	vld [tilespmem:$0x8AC0];
	v22 =	vmul.f32 v22, v43  }
0x28f: {  	v7 =	vadd.f32 v23, v7;
	v23 =	vld [tilespmem:$0x1F720]  }
0x290: {  	v15 =	vadd.f32 v22, v15;
	v22 =	vmul.f32 v19, v42;
	v19 =	vld.idx.msk [tilespmem:v27+s20+$0x0], $0xffff  }
0x291: {  	v27 =	vld [tilespmem:$0x1F730];
	_ =	sdelay $0x1  }
0x292: {  	v20 =	vadd.f32 v22, v20;
	v22 =	vld [tilespmem:$0x1F700]  }
0x293: {  	[tilespmem:$0x1FD30] =	vst v26;
	v26 =	vld [tilespmem:$0x1F710]  }
0x294: {  	v23 =	vmul.f32 v23, v35  }
0x295: {  	v27 =	vmul.f32 v27, v33  }
0x296: {  	v21 =	vadd.f32 v23, v21;
	v23 =	vld [tilespmem:$0x1F750]  }
0x297: {  	v22 =	vmul.f32 v22, v42;
	v15 =	vadd.f32 v27, v15;
	v27 =	vld [tilespmem:$0x98E0]  }
0x298: {  	v26 =	vmul.f32 v26, v43  }
0x299: {  	v12 =	vadd.f32 v22, v12;
	v22 =	vld [tilespmem:$0x1F740]  }
0x29a: {  	v13 =	vadd.f32 v26, v13;
	v26 =	vld [tilespmem:$0x98D0];
	_ =	sdelay $0x1  }
0x29b: {  	v23 =	vmul.f32 v23, v33;
	[tilespmem:$0x1FD60] =	vst v27;
	v27 =	vld [tilespmem:$0x1F790];
	_ =	sdelay $0x1  }
0x29c: {  	v6 =	vadd.f32 v23, v6;
	v23 =	vld [tilespmem:$0x1F780];
	v22 =	vmul.f32 v22, v35  }
0x29d: {  	[tilespmem:$0x1FD40] =	vst v26;
	v26 =	vld [tilespmem:$0x8AE0]  }
0x29e: {  	v14 =	vadd.f32 v22, v14;
	v22 =	vld [tilespmem:$0x1F760]  }
0x29f: {  	v27 =	vmul.f32 v27, v33;
	_ =	sdelay $0x1  }
0x2a0: {  	v28 =	vld [tilespmem:$0x8AF0];
	v23 =	vmul.f32 v23, v35;
	v13 =	vadd.f32 v27, v13;
	v27 =	vimm.s32 $0x23  }
0x2a1: {  	[tilespmem:$0x1FD50] =	vst v26;
	v26 =	vld [tilespmem:$0x1F770]  }
0x2a2: {  	v12 =	vadd.f32 v23, v12;
	v23 =	vld [tilespmem:$0x1F7B0];
	v22 =	vmul.f32 v22, v35;
	_ =	sdelay $0x1  }
0x2a3: {  	v20 =	vadd.f32 v22, v20;
	v22 =	vld [tilespmem:$0x1F7A0]  }
0x2a4: {  	v36 =	vld.idx.msk [tilespmem:v27+s1+$0x0], $0xffff  }
0x2a5: {  	[tilespmem:$0x1FD70] =	vst v28;
	v26 =	vmul.f32 v26, v33;
	v28 =	vld.idx.msk [tilespmem:v27+s20+$0x0], $0xffff  }
0x2a6: {  	v27 =	vld [tilespmem:$0x1F7F0];
	v23 =	vmul.f32 v23, v38  }
0x2a7: {  	v7 =	vadd.f32 v26, v7;
	v26 =	vld [tilespmem:$0x98F0]  }
0x2a8: {  	v15 =	vadd.f32 v23, v15;
	v23 =	vld [tilespmem:$0x1F7E0];
	_ =	sdelay $0x1  }
0x2a9: {  	v22 =	vmul.f32 v22, v53  }
0x2aa: {  	v29 =	vmul.f32 v27, v38;
	v27 =	vld [tilespmem:$0x8B00]  }
0x2ab: {  	v21 =	vadd.f32 v22, v21;
	v22 =	vld [tilespmem:$0x1F7C0]  }
0x2ac: {  	[tilespmem:$0x1FD80] =	vst v26;
	v26 =	vld [tilespmem:$0x1F7D0];
	v23 =	vmul.f32 v23, v53;
	_ =	sdelay $0x1  }
0x2ad: {  	v20 =	vadd.f32 v23, v20;
	v23 =	vld [tilespmem:$0x1F810]  }
0x2ae: {  	[tilespmem:$0x1FD90] =	vst v27;
	v27 =	vld [tilespmem:$0x9910]  }
0x2af: {  	v22 =	vmul.f32 v22, v53  }
0x2b0: {  	v26 =	vmul.f32 v26, v38  }
0x2b1: {  	v14 =	vadd.f32 v22, v14;
	v22 =	vld [tilespmem:$0x1F800]  }
0x2b2: {  	v6 =	vadd.f32 v26, v6;
	v26 =	vld [tilespmem:$0x9900]  }
0x2b3: {  	v23 =	vmul.f32 v23, v38;
	[tilespmem:$0x1FDB0] =	vst v27;
	v27 =	vld [tilespmem:$0x1F850];
	_ =	sdelay $0x1  }
0x2b4: {  	v13 =	vadd.f32 v23, v13;
	v23 =	vld [tilespmem:$0x1F840];
	_ =	sdelay $0x1  }
0x2b5: {  	v22 =	vmul.f32 v22, v53;
	[tilespmem:$0x1FDA0] =	vst v26;
	v26 =	vld [tilespmem:$0x1F830]  }
0x2b6: {  	v7 =	vadd.f32 v29, v7;
	v29 =	vmul.f32 v27, v59;
	v27 =	vld [tilespmem:$0x8B20]  }
0x2b7: {  	v12 =	vadd.f32 v22, v12;
	v22 =	vld [tilespmem:$0x1F820]  }
0x2b8: {  	v23 =	vmul.f32 v23, v58;
	_ =	sdelay $0x1  }
0x2b9: {  	v14 =	vadd.f32 v23, v14;
	v23 =	vld [tilespmem:$0x1F870]  }
0x2ba: {  	v26 =	vmul.f32 v26, v59;
	[tilespmem:$0x1FDC0] =	vst v27;
	v27 =	vld [tilespmem:$0x9930]  }
0x2bb: {  	v22 =	vmul.f32 v22, v58  }
0x2bc: {  	v15 =	vadd.f32 v26, v15;
	v26 =	vld [tilespmem:$0x9920]  }
0x2bd: {  	v21 =	vadd.f32 v22, v21;
	v22 =	vld [tilespmem:$0x1F860];
	_ =	sdelay $0x1  }
0x2be: {  	v23 =	vmul.f32 v23, v59;
	[tilespmem:$0x1FDF0] =	vst v27;
	v27 =	vld [tilespmem:$0x1F8B0];
	_ =	sdelay $0x1  }
0x2bf: {  	v7 =	vadd.f32 v23, v7;
	v23 =	vld [tilespmem:$0x1F8A0]  }
0x2c0: {  	[tilespmem:$0x1FDD0] =	vst v26;
	v26 =	vld [tilespmem:$0x8B30];
	v22 =	vmul.f32 v22, v58  }
0x2c1: {  	v6 =	vadd.f32 v29, v6  }
0x2c2: {  	v20 =	vadd.f32 v22, v20;
	v22 =	vld [tilespmem:$0x1F880];
	v29 =	vmul.f32 v27, v57;
	v27 =	vimm.s32 $0x24;
	_ =	sdelay $0x1  }
0x2c3: {  	v23 =	vmul.f32 v23, v56  }
0x2c4: {  	[tilespmem:$0x1FDE0] =	vst v26;
	v26 =	vld [tilespmem:$0x1F890]  }
0x2c5: {  	v21 =	vadd.f32 v23, v21;
	v23 =	vld [tilespmem:$0x1F8D0]  }
0x2c6: {  	v22 =	vmul.f32 v22, v58;
	v30 =	vld.idx.msk [tilespmem:v27+s1+$0x0], $0xffff  }
0x2c7: {  	v32 =	vld.idx.msk [tilespmem:v27+s20+$0x0], $0xffff  }
0x2c8: {  	v12 =	vadd.f32 v22, v12;
	v22 =	vld [tilespmem:$0x1F8C0]  }
0x2c9: {  	v27 =	vld [tilespmem:$0x9940];
	_ =	sdelay $0x1  }
0x2ca: {  	v26 =	vmul.f32 v26, v59;
	_ =	sdelay $0x1  }
0x2cb: {  	v13 =	vadd.f32 v26, v13;
	v26 =	vld [tilespmem:$0x8B40];
	v22 =	vmul.f32 v22, v56  }
0x2cc: {  	v23 =	vmul.f32 v23, v57;
	[tilespmem:$0x1FE10] =	vst v27;
	v27 =	vld [tilespmem:$0x1F910]  }
0x2cd: {  	v14 =	vadd.f32 v22, v14;
	v22 =	vld [tilespmem:$0x1F8E0]  }
0x2ce: {  	v6 =	vadd.f32 v23, v6;
	v23 =	vld [tilespmem:$0x1F900];
	_ =	sdelay $0x2  }
0x2cf: {  	[tilespmem:$0x1FE00] =	vst v26;
	v26 =	vld [tilespmem:$0x1F8F0]  }
0x2d0: {  	v15 =	vadd.f32 v29, v15;
	v29 =	vmul.f32 v27, v57;
	v27 =	vld [tilespmem:$0x8B50];
	v22 =	vmul.f32 v22, v56  }
0x2d1: {  	v23 =	vmul.f32 v23, v56  }
0x2d2: {  	v20 =	vadd.f32 v22, v20;
	v22 =	vld [tilespmem:$0x1F920]  }
0x2d3: {  	v12 =	vadd.f32 v23, v12;
	v23 =	vld [tilespmem:$0x1F930]  }
0x2d4: {  	v26 =	vmul.f32 v26, v57  }
0x2d5: {  	[tilespmem:$0x1FE20] =	vst v27;
	v27 =	vld [tilespmem:$0x9960]  }
0x2d6: {  	v7 =	vadd.f32 v26, v7;
	v26 =	vld [tilespmem:$0x9950]  }
0x2d7: {  	v22 =	vmul.f32 v22, v54  }
0x2d8: {  	v23 =	vmul.f32 v23, v55  }
0x2d9: {  	v21 =	vadd.f32 v22, v21;
	v22 =	vld [tilespmem:$0x1F940]  }
0x2da: {  	v15 =	vadd.f32 v23, v15;
	v23 =	vmul.f32 v61, v54;
	[tilespmem:$0x1FE50] =	vst v27;
	v27 =	vld [tilespmem:$0x8B70]  }
0x2db: {  	[tilespmem:$0x1FE30] =	vst v26;
	v26 =	vld [tilespmem:$0x8B60]  }
0x2dc: {  	v20 =	vadd.f32 v23, v20;
	v23 =	vld [tilespmem:$0x1F960];
	_ =	sdelay $0x1  }
0x2dd: {  	v22 =	vmul.f32 v22, v54  }
0x2de: {  	[tilespmem:$0x1FE60] =	vst v27;
	v27 =	vimm.s32 $0x25  }
0x2df: {  	[tilespmem:$0x1FE40] =	vst v26;
	v26 =	vld [tilespmem:$0x1F950];
	v14 =	vadd.f32 v22, v14;
	v22 =	vmul.f32 v63, v54  }
0x2e0: {  	v13 =	vadd.f32 v29, v13;
	v23 =	vmul.f32 v23, v55  }
0x2e1: {  	v12 =	vadd.f32 v22, v12;
	v22 =	vld [tilespmem:$0x1F970]  }
0x2e2: {  	v13 =	vadd.f32 v23, v13;
	v23 =	vld [tilespmem:$0x1F980]  }
0x2e3: {  	v33 =	vld.idx.msk [tilespmem:v27+s1+$0x0], $0xffff  }
0x2e4: {  	v26 =	vmul.f32 v26, v55;
	v35 =	vld.idx.msk [tilespmem:v27+s20+$0x0], $0xffff  }
0x2e5: {  	v27 =	vld [tilespmem:$0x1F990]  }
0x2e6: {  	v6 =	vadd.f32 v26, v6;
	v26 =	vld [tilespmem:$0x9970];
	v22 =	vmul.f32 v22, v37;
	_ =	sdelay $0x1  }
0x2e7: {  	v21 =	vadd.f32 v22, v21;
	v22 =	vld [tilespmem:$0x1F9A0]  }
0x2e8: {  	v29 =	vmul.f32 v62, v55  }
0x2e9: {  	v23 =	vmul.f32 v23, v37  }
0x2ea: {  	v7 =	vadd.f32 v29, v7;
	v29 =	vmul.f32 v27, v60;
	v27 =	vld [tilespmem:$0x8B80];
	[tilespmem:$0x1FE70] =	vst v26;
	v26 =	vmul.f32 v52, v60  }
0x2eb: {  	v14 =	vadd.f32 v23, v14;
	v23 =	vld [tilespmem:$0x1F9B0]  }
0x2ec: {  	v15 =	vadd.f32 v26, v15;
	v26 =	vld [tilespmem:$0x9980];
	v22 =	vmul.f32 v22, v37;
	_ =	sdelay $0x1  }
0x2ed: {  	v20 =	vadd.f32 v22, v20;
	v22 =	vmul.f32 v51, v37  }
0x2ee: {  	[tilespmem:$0x1FE80] =	vst v27;
	v27 =	vld [tilespmem:$0x1F9D0]  }
0x2ef: {  	v23 =	vmul.f32 v23, v60;
	v12 =	vadd.f32 v22, v12;
	v22 =	vld [tilespmem:$0x1F9E0]  }
0x2f0: {  	[tilespmem:$0x1FE90] =	vst v26;
	v26 =	vld [tilespmem:$0x8B90]  }
0x2f1: {  	v7 =	vadd.f32 v23, v7;
	v23 =	vmul.f32 v50, v31;
	_ =	sdelay $0x1  }
0x2f2: {  	v21 =	vadd.f32 v23, v21;
	v23 =	vld [tilespmem:$0x1F9F0]  }
0x2f3: {  	v6 =	vadd.f32 v29, v6;
	v29 =	vmul.f32 v27, v34;
	v27 =	vld [tilespmem:$0x8BA0];
	v22 =	vmul.f32 v22, v31  }
0x2f4: {  	[tilespmem:$0x1FEA0] =	vst v26;
	v26 =	vld [tilespmem:$0x1F9C0]  }
0x2f5: {  	v14 =	vadd.f32 v22, v14;
	v22 =	vld [tilespmem:$0x1FA00];
	_ =	sdelay $0x2  }
0x2f6: {  	v23 =	vmul.f32 v23, v34  }
0x2f7: {  	[tilespmem:$0x1FEB0] =	vst v27;
	v27 =	vld [tilespmem:$0x99B0];
	v26 =	vmul.f32 v26, v60  }
0x2f8: {  	v6 =	vadd.f32 v23, v6;
	v23 =	vld [tilespmem:$0x1FA20];
	v22 =	vmul.f32 v22, v31  }
0x2f9: {  	v13 =	vadd.f32 v26, v13;
	v26 =	vld [tilespmem:$0x99A0]  }
0x2fa: {  	v20 =	vadd.f32 v22, v20;
	v22 =	vld [tilespmem:$0x1FA40];
	_ =	sdelay $0x2  }
0x2fb: {  	[tilespmem:$0x1FEE0] =	vst v27;
	v27 =	vld [tilespmem:$0x1FA30];
	v23 =	vmul.f32 v23, v31  }
0x2fc: {  	v15 =	vadd.f32 v29, v15  }
0x2fd: {  	v12 =	vadd.f32 v23, v12;
	v23 =	vmul.f32 v46, v25;
	[tilespmem:$0x1FEC0] =	vst v26;
	v26 =	vld [tilespmem:$0x8BB0];
	v22 =	vmul.f32 v22, v24;
	_ =	sdelay $0x1  }
0x2fe: {  	v15 =	vadd.f32 v23, v15;
	v23 =	vld [tilespmem:$0x1FA60];
	v21 =	vadd.f32 v22, v21;
	v22 =	vmul.f32 v49, v24  }
0x2ff: {  	v29 =	vmul.f32 v27, v34;
	v27 =	vimm.s32 $0x26  }
0x300: {  	v14 =	vadd.f32 v22, v14;
	v22 =	vmul.f32 v45, v24  }
0x301: {  	[tilespmem:$0x1FED0] =	vst v26;
	v26 =	vld [tilespmem:$0x1FA10]  }
0x302: {  	v12 =	vadd.f32 v22, v12;
	v22 =	vld [tilespmem:$0x1FA90]  }
0x303: {  	v23 =	vmul.f32 v23, v24  }
0x304: {  	v31 =	vld.idx.msk [tilespmem:v27+s1+$0x0], $0xffff  }
0x305: {  	v20 =	vadd.f32 v23, v20;
	v23 =	vld [tilespmem:$0x1FA80]  }
0x306: {  	v24 =	vld [tilespmem:$0x99D0]  }
0x307: {  	v26 =	vmul.f32 v26, v34;
	v34 =	vld.idx.msk [tilespmem:v27+s20+$0x0], $0xffff;
	v22 =	vmul.f32 v22, v17  }
0x308: {  	v27 =	vld [tilespmem:$0x99C0]  }
0x309: {  	v21 =	vadd.f32 v22, v21;
	v22 =	vld [tilespmem:$0x1FAC0]  }
0x30a: {  	v13 =	vadd.f32 v29, v13;
	v23 =	vmul.f32 v23, v25;
	v7 =	vadd.f32 v26, v7;
	v26 =	vld [tilespmem:$0x8BC0];
	_ =	sdelay $0x1  }
0x30b: {  	v13 =	vadd.f32 v23, v13;
	v23 =	vld [tilespmem:$0x1FAB0]  }
0x30c: {  	[tilespmem:$0x1FF20] =	vst v24;
	v24 =	vld [tilespmem:$0x8BE0]  }
0x30d: {  	[tilespmem:$0x1FF00] =	vst v27;
	v27 =	vld [tilespmem:$0x1FA70];
	v22 =	vmul.f32 v22, v17  }
0x30e: {  	[tilespmem:$0x1FEF0] =	vst v26;
	v26 =	vld [tilespmem:$0x1FA50]  }
0x30f: {  	v20 =	vadd.f32 v22, v20;
	v22 =	vld [tilespmem:$0x1FAE0]  }
0x310: {  	v23 =	vmul.f32 v23, v17  }
0x311: {  	[tilespmem:$0x1FF30] =	vst v24;
	v24 =	vld [tilespmem:$0x1FAA0]  }
0x312: {  	v14 =	vadd.f32 v23, v14;
	v23 =	vld [tilespmem:$0x1FAD0]  }
0x313: {  	v29 =	vmul.f32 v27, v25;
	v26 =	vmul.f32 v26, v25;
	v25 =	vld [tilespmem:$0x99E0]  }
0x314: {  	v17 =	vmul.f32 v22, v17;
	v22 =	vld [tilespmem:$0x1FAF0];
	_ =	sdelay $0x3  }
0x315: {  	v24 =	vmul.f32 v24, v16;
	v23 =	vmul.f32 v23, v16  }
0x316: {  	[tilespmem:$0x1FF40] =	vst v25;
	v25 =	vmul.f32 v44, v16;
	v22 =	vmul.f32 v22, v16;
	v16 =	vld [tilespmem:$0x1FB00];
	_ =	sdelay $0x2  }
0x317: {  	v7 =	vadd.f32 v29, v7;
	_ =	sdelay $0x1  }
0x318: {  	v7 =	vadd.f32 v23, v7;
	v23 =	vmul.f32 v16, v10;
	v16 =	vld [tilespmem:$0x1FB10];
	_ =	sdelay $0x2  }
0x319: {  	v6 =	vadd.f32 v26, v6;
	_ =	sdelay $0x1  }
0x31a: {  	v6 =	vadd.f32 v25, v6;
	v25 =	vmul.f32 v16, v8;
	v16 =	vld [tilespmem:$0x8C00];
	_ =	sdelay $0x4  }
0x31b: {  	[tilespmem:$0x1FF70] =	vst v16;
	v16 =	vld [tilespmem:$0x1FB20];
	_ =	sdelay $0x4  }
0x31c: {  	v12 =	vadd.f32 v17, v12;
	v17 =	vmul.f32 v16, v10;
	v16 =	vld [tilespmem:$0x9A00];
	_ =	sdelay $0x4  }
0x31d: {  	[tilespmem:$0x1FF80] =	vst v16;
	v16 =	vld [tilespmem:$0x8C10];
	_ =	sdelay $0x4  }
0x31e: {  	[tilespmem:$0x1FF90] =	vst v16;
	v16 =	vld [tilespmem:$0x1FB30];
	_ =	sdelay $0x3  }
0x31f: {  	v48 =	vld [tilespmem:$0x89A0]  }
0x320: {  	v21 =	vadd.f32 v23, v21;
	v23 =	vmul.f32 v16, v8;
	v16 =	vld [tilespmem:$0x1FB40];
	_ =	sdelay $0x4  }
0x321: {  	v14 =	vadd.f32 v17, v14;
	v17 =	vmul.f32 v48, v10;
	v10 =	vmul.f32 v16, v10;
	v16 =	vld [tilespmem:$0x1FB50];
	_ =	sdelay $0x4  }
0x322: {  	v13 =	vadd.f32 v22, v13;
	v22 =	vmul.f32 v47, v8;
	v8 =	vmul.f32 v16, v8;
	v16 =	vld [tilespmem:$0x8C20];
	_ =	sdelay $0x4  }
0x323: {  	[tilespmem:$0x1FFA0] =	vst v16;
	v16 =	vld [tilespmem:$0x1FB60];
	_ =	sdelay $0x4  }
0x324: {  	v17 =	vadd.f32 v17, v20;
	v20 =	vmul.f32 v16, v4;
	v16 =	vld [tilespmem:$0x1FB80];
	_ =	sdelay $0x3  }
0x325: {  	v10 =	vadd.f32 v10, v12  }
0x326: {  	v12 =	vadd.f32 v8, v13;
	v13 =	vadd.f32 v20, v21;
	v20 =	vmul.f32 v16, v4;
	v16 =	vld [tilespmem:$0x9A30];
	_ =	sdelay $0x1  }
0x327: {  	v8 =	vld [tilespmem:$0x1FB70];
	_ =	sdelay $0x1  }
0x328: {  	v41 =	vld [tilespmem:$0x89E0]  }
0x329: {  	v15 =	vadd.f32 v24, v15;
	[tilespmem:$0x1FFB0] =	vst v16;
	v16 =	vld [tilespmem:$0x1FBA0];
	_ =	sdelay $0x1  }
0x32a: {  	v15 =	vadd.f32 v25, v15;
	v8 =	vmul.f32 v8, v5  }
0x32b: {  	v40 =	vld [tilespmem:$0x97D0]  }
0x32c: {  	v6 =	vadd.f32 v22, v6;
	v15 =	vadd.f32 v8, v15;
	v8 =	vld [tilespmem:$0x1FB90]  }
0x32d: {  	v22 =	vmul.f32 v41, v4;
	v14 =	vadd.f32 v20, v14;
	v20 =	vmul.f32 v16, v4;
	v4 =	vld [tilespmem:$0x1FBB0];
	_ =	sdelay $0x3  }
0x32e: {  	v21 =	vmul.f32 v40, v5  }
0x32f: {  	v7 =	vadd.f32 v23, v7;
	v23 =	vmul.f32 v8, v5;
	v5 =	vmul.f32 v4, v5;
	v4 =	vld [tilespmem:$0x1FBC0];
	_ =	sdelay $0x4  }
0x330: {  	v10 =	vadd.f32 v20, v10;
	v20 =	vmul.f32 v4, v0;
	v4 =	vld [tilespmem:$0x1FBD0];
	_ =	sdelay $0x4  }
0x331: {  	v6 =	vadd.f32 v21, v6;
	v21 =	vmul.f32 v4, v1;
	v4 =	vld [tilespmem:$0x1FBE0];
	_ =	sdelay $0x4  }
0x332: {  	v17 =	vadd.f32 v22, v17;
	v22 =	vmul.f32 v4, v1;
	v4 =	vld [tilespmem:$0x1FBF0];
	_ =	sdelay $0x2  }
0x333: {  	v39 =	vld [tilespmem:$0x8A10];
	_ =	sdelay $0x1  }
0x334: {  	v13 =	vadd.f32 v20, v13;
	v20 =	vmul.f32 v4, v0;
	v4 =	vld [tilespmem:$0x1FC00];
	_ =	sdelay $0x2  }
0x335: {  	v5 =	vadd.f32 v5, v12;
	v12 =	vmul.f32 v39, v0  }
0x336: {  	v42 =	vld [tilespmem:$0x98C0]  }
0x337: {  	v12 =	vadd.f32 v12, v14;
	v14 =	vmul.f32 v4, v1;
	v4 =	vld [tilespmem:$0x1FC10]  }
0x338: {  	v43 =	vld [tilespmem:$0x8AD0]  }
0x339: {  	v38 =	vld [tilespmem:$0x8B10]  }
0x33a: {  	v53 =	vld [tilespmem:$0x8C70]  }
0x33b: {  	v58 =	vld [tilespmem:$0x9A40]  }
0x33c: {  	v0 =	vmul.f32 v4, v0;
	v4 =	vld [tilespmem:$0x1FC20]  }
0x33d: {  	v59 =	vld [tilespmem:$0x8C40]  }
0x33e: {  	v62 =	vld [tilespmem:$0x9A10]  }
0x33f: {  	v57 =	vld [tilespmem:$0x8C50]  }
0x340: {  	v50 =	vld [tilespmem:$0x1FC70]  }
0x341: {  	v1 =	vmul.f32 v4, v1;
	v4 =	vld [tilespmem:$0x1FC30]  }
0x342: {  	v51 =	vld [tilespmem:$0x1FC80]  }
0x343: {  	v37 =	vld [tilespmem:$0x1FC90]  }
0x344: {  	v46 =	vld [tilespmem:$0x1FC50];
	v7 =	vadd.f32 v23, v7  }
0x345: {  	v45 =	vld [tilespmem:$0x1FCE0]  }
0x346: {  	v7 =	vadd.f32 v14, v7;
	v14 =	vmul.f32 v4, v2;
	v4 =	vld [tilespmem:$0x1FC40]  }
0x347: {  	v27 =	vld [tilespmem:$0x8BD0]  }
0x348: {  	v48 =	vld [tilespmem:$0x1FC60]  }
0x349: {  	v44 =	vld [tilespmem:$0x1FCD0]  }
0x34a: {  	v47 =	vmul.f32 v46, v2;
	v39 =	vld [tilespmem:$0x1FCA0]  }
0x34b: {  	v40 =	vld [tilespmem:$0x1FCB0];
	v15 =	vadd.f32 v21, v15;
	v17 =	vadd.f32 v20, v17;
	v20 =	vmul.f32 v4, v3  }
0x34c: {  	v41 =	vld [tilespmem:$0x1FCC0];
	v12 =	vadd.f32 v47, v12;
	v21 =	vmul.f32 v51, v3  }
0x34d: {  	v46 =	vld [tilespmem:$0x1FCF0];
	v13 =	vadd.f32 v14, v13;
	v14 =	vadd.f32 v20, v15;
	v15 =	vmul.f32 v48, v3  }
0x34e: {  	v6 =	vadd.f32 v22, v6;
	v20 =	vmul.f32 v50, v2;
	v2 =	vmul.f32 v37, v2;
	v37 =	vld [tilespmem:$0x1FD10]  }
0x34f: {  	v24 =	vld [tilespmem:$0x99F0];
	v10 =	vadd.f32 v0, v10;
	v5 =	vadd.f32 v1, v5;
	v3 =	vmul.f32 v39, v3  }
0x350: {  	v26 =	vld [tilespmem:$0x8BF0];
	v6 =	vadd.f32 v15, v6;
	v15 =	vadd.f32 v20, v17;
	v17 =	vmul.f32 v40, v9  }
0x351: {  	v47 =	vld [tilespmem:$0x1FD00];
	v2 =	vadd.f32 v2, v10;
	v3 =	vadd.f32 v3, v5;
	v5 =	vmul.f32 v41, v11  }
0x352: {  	v40 =	vld [tilespmem:$0x1FD30];
	v10 =	vadd.f32 v17, v13;
	v13 =	vmul.f32 v44, v9;
	v17 =	vmul.f32 v45, v11  }
0x353: {  	v5 =	vadd.f32 v5, v14;
	v14 =	vmul.f32 v46, v9;
	v9 =	vmul.f32 v37, v9;
	v37 =	vld [tilespmem:$0x1FD60]  }
0x354: {  	[tilespmem:$0x1FF60] =	vst v24;
	v24 =	vimm.s32 $0x27;
	v39 =	vld [tilespmem:$0x1FD20]  }
0x355: {  	v41 =	vld [tilespmem:$0x1FD40];
	v12 =	vadd.f32 v13, v12;
	v6 =	vadd.f32 v17, v6  }
0x356: {  	v13 =	vadd.f32 v14, v15;
	v15 =	vmul.f32 v42, v19;
	v17 =	vmul.f32 v43, v18;
	v43 =	vld [tilespmem:$0x1FD50]  }
0x357: {  	v14 =	vmul.f32 v40, v18;
	v40 =	vld [tilespmem:$0x1FD80]  }
0x358: {  	v5 =	vadd.f32 v15, v5;
	v15 =	vmul.f32 v37, v19;
	v37 =	vld [tilespmem:$0x1FDA0]  }
0x359: {  	[tilespmem:$0x1FF10] =	vst v27;
	v27 =	vld.idx.msk [tilespmem:v24+s1+$0x0], $0xffff  }
0x35a: {  	[tilespmem:$0x1FF50] =	vst v26;
	v26 =	vld.idx.msk [tilespmem:v24+s20+$0x0], $0xffff;
	v8 =	vimm.s32 $0x28;
	v7 =	vadd.f32 v21, v7;
	v20 =	vmul.f32 v47, v11  }
0x35b: {  	v11 =	vmul.f32 v39, v11;
	v39 =	vld [tilespmem:$0x1FD70];
	v10 =	vadd.f32 v14, v10;
	v14 =	vmul.f32 v43, v18  }
0x35c: {  	v0 =	vmul.f32 v38, v36;
	v38 =	vld [tilespmem:$0x1FDD0];
	v7 =	vadd.f32 v20, v7;
	v20 =	vmul.f32 v41, v19  }
0x35d: {  	v1 =	vadd.f32 v14, v13;
	v14 =	vmul.f32 v40, v19;
	v19 =	vmul.f32 v37, v28;
	v37 =	vld [tilespmem:$0x1FDC0]  }
0x35e: {  	v41 =	vld [tilespmem:$0x1FD90]  }
0x35f: {  	v25 =	vld.idx.msk [tilespmem:v8+s1+$0x0], $0xffff;
	v12 =	vadd.f32 v17, v12  }
0x360: {  	v13 =	vmul.f32 v39, v18;
	v39 =	vld [tilespmem:$0x1FDB0]  }
0x361: {  	v24 =	vld.idx.msk [tilespmem:v8+s20+$0x0], $0xffff;
	v8 =	vadd.f32 v0, v12;
	v0 =	vmul.f32 v38, v28  }
0x362: {  	v7 =	vadd.f32 v15, v7;
	v5 =	vadd.f32 v19, v5;
	v19 =	vmul.f32 v37, v36;
	v37 =	vld [tilespmem:$0x1FDE0]  }
0x363: {  	v56 =	vld [tilespmem:$0x9A50];
	v18 =	vmul.f32 v41, v36  }
0x364: {  	v9 =	vadd.f32 v9, v2;
	v7 =	vadd.f32 v0, v7;
	v0 =	vld [tilespmem:$0x1FE10]  }
0x365: {  	v61 =	vld [tilespmem:$0x8C30];
	v6 =	vadd.f32 v20, v6;
	v10 =	vadd.f32 v18, v10;
	v18 =	vmul.f32 v39, v28  }
0x366: {  	v63 =	vld [tilespmem:$0x9990]  }
0x367: {  	v9 =	vadd.f32 v13, v9;
	v6 =	vadd.f32 v18, v6;
	v18 =	vmul.f32 v37, v36;
	v37 =	vld [tilespmem:$0x1FE00]  }
0x368: {  	v54 =	vld [tilespmem:$0x8C60];
	v2 =	vimm.s32 $0x2B  }
0x369: {  	v4 =	vadd.f32 v18, v9;
	v9 =	vmul.f32 v0, v32;
	v0 =	vld [tilespmem:$0x1FE20]  }
0x36a: {  	v55 =	vld [tilespmem:$0x9A60]  }
0x36b: {  	v52 =	vld [tilespmem:$0x9A70]  }
0x36c: {  	v11 =	vadd.f32 v11, v3;
	v3 =	vadd.f32 v19, v1;
	v1 =	vld [tilespmem:$0x1FE30];
	v19 =	vmul.f32 v37, v30  }
0x36d: {  	v18 =	vld.idx.msk [tilespmem:v2+s1+$0x0], $0xffff  }
0x36e: {  	v49 =	vimm.s32 $0x29;
	v10 =	vadd.f32 v19, v10;
	v0 =	vmul.f32 v0, v30;
	v19 =	vld.idx.msk [tilespmem:v2+s20+$0x0], $0xffff  }
0x36f: {  	v2 =	vld [tilespmem:$0x1FE40]  }
0x370: {  	v8 =	vadd.f32 v0, v8;
	v0 =	vld [tilespmem:$0x1FE60]  }
0x371: {  	v60 =	vld [tilespmem:$0x9A20]  }
0x372: {  	v29 =	vld [tilespmem:$0x8D00]  }
0x373: {  	v23 =	vld.idx.msk [tilespmem:v49+s1+$0x0], $0xffff;
	v1 =	vmul.f32 v1, v32  }
0x374: {  	v5 =	vadd.f32 v9, v5;
	v9 =	vmul.f32 v2, v30;
	v2 =	vld [tilespmem:$0x1FE50]  }
0x375: {  	v1 =	vadd.f32 v1, v6;
	v6 =	vmul.f32 v0, v30;
	v0 =	vld [tilespmem:$0x1FE70]  }
0x376: {  	v51 =	vld [tilespmem:$0x8C80]  }
0x377: {  	v22 =	vld.idx.msk [tilespmem:v49+s20+$0x0], $0xffff  }
0x378: {  	v49 =	vld [tilespmem:$0x9A90]  }
0x379: {  	v36 =	vld [tilespmem:$0x1FDF0]  }
0x37a: {  	v2 =	vmul.f32 v2, v32;
	v30 =	vmul.f32 v0, v32;
	v32 =	vld [tilespmem:$0x1FE80]  }
0x37b: {  	v48 =	vld [tilespmem:$0x9A80]  }
0x37c: {  	v50 =	vld [tilespmem:$0x8C90]  }
0x37d: {  	v47 =	vld [tilespmem:$0x8CA0]  }
0x37e: {  	v11 =	vadd.f32 v14, v11;
	v28 =	vmul.f32 v36, v28;
	v0 =	vld [tilespmem:$0x1FEA0]  }
0x37f: {  	v2 =	vadd.f32 v2, v7;
	v7 =	vadd.f32 v6, v4;
	v6 =	vmul.f32 v32, v33;
	v32 =	vld [tilespmem:$0x1FE90]  }
0x380: {  	v46 =	vld [tilespmem:$0x9AA0]  }
0x381: {  	v28 =	vadd.f32 v28, v11;
	v4 =	vld [tilespmem:$0x1FEB0]  }
0x382: {  	v45 =	vld [tilespmem:$0x8CB0]  }
0x383: {  	v44 =	vld [tilespmem:$0x9AB0];
	v28 =	vadd.f32 v30, v28;
	v30 =	vmul.f32 v0, v33  }
0x384: {  	v42 =	vimm.s32 $0x2A;
	v17 =	vld [tilespmem:$0x8D10];
	v0 =	vmul.f32 v63, v35;
	v32 =	vmul.f32 v32, v35  }
0x385: {  	v20 =	vld [tilespmem:$0x9B00]  }
0x386: {  	v5 =	vadd.f32 v32, v5;
	v32 =	vmul.f32 v4, v33;
	v4 =	vadd.f32 v0, v1;
	v0 =	vld [tilespmem:$0x1FEC0]  }
0x387: {  	v38 =	vld [tilespmem:$0x9AE0]  }
0x388: {  	v12 =	vld [tilespmem:$0x8D40];
	v3 =	vadd.f32 v9, v3  }
0x389: {  	v16 =	vld.idx.msk [tilespmem:v42+s1+$0x0], $0xffff  }
0x38a: {  	v10 =	vadd.f32 v6, v10;
	v6 =	vadd.f32 v32, v3;
	v32 =	vld [tilespmem:$0x1FED0]  }
0x38b: {  	v21 =	vld.idx.msk [tilespmem:v42+s20+$0x0], $0xffff;
	v8 =	vadd.f32 v30, v8;
	v30 =	vmul.f32 v0, v35  }
0x38c: {  	v42 =	vld [tilespmem:$0x8CC0]  }
0x38d: {  	v0 =	vld [tilespmem:$0x1FEF0];
	v3 =	vadd.f32 v30, v2;
	v2 =	vimm.s32 $0x2C  }
0x38e: {  	v43 =	vld [tilespmem:$0x9AC0]  }
0x38f: {  	v32 =	vmul.f32 v32, v33;
	v33 =	vld [tilespmem:$0x1FEE0]  }
0x390: {  	v9 =	vld [tilespmem:$0x1FF10]  }
0x391: {  	v1 =	vld [tilespmem:$0x1FF00]  }
0x392: {  	v0 =	vmul.f32 v0, v31;
	v30 =	vld.idx.msk [tilespmem:v2+s1+$0x0], $0xffff  }
0x393: {  	v7 =	vadd.f32 v32, v7;
	v32 =	vld.idx.msk [tilespmem:v2+s20+$0x0], $0xffff  }
0x394: {  	v33 =	vmul.f32 v33, v35;
	v2 =	vadd.f32 v0, v10;
	v0 =	vld [tilespmem:$0x1FF20]  }
0x395: {  	v15 =	vld [tilespmem:$0x9B10]  }
0x396: {  	v41 =	vld [tilespmem:$0x8CD0];
	v28 =	vadd.f32 v33, v28;
	v33 =	vmul.f32 v9, v31  }
0x397: {  	v40 =	vld [tilespmem:$0x9AD0];
	v1 =	vmul.f32 v1, v34  }
0x398: {  	v8 =	vadd.f32 v33, v8;
	v33 =	vld [tilespmem:$0x1FF30]  }
0x399: {  	v14 =	vld [tilespmem:$0x9B20];
	v1 =	vadd.f32 v1, v5;
	v5 =	vmul.f32 v0, v34  }
0x39a: {  	v9 =	vld [tilespmem:$0x1FF60]  }
0x39b: {  	v4 =	vadd.f32 v5, v4;
	v5 =	vld [tilespmem:$0x1FF50]  }
0x39c: {  	v13 =	vld [tilespmem:$0x8D30]  }
0x39d: {  	v0 =	vld [tilespmem:$0x1FF40];
	v33 =	vmul.f32 v33, v31  }
0x39e: {  	v39 =	vld [tilespmem:$0x8CE0]  }
0x39f: {  	v6 =	vadd.f32 v33, v6;
	v33 =	vld [tilespmem:$0x1FF70]  }
0x3a0: {  	v5 =	vmul.f32 v5, v31;
	v31 =	vmul.f32 v9, v34;
	v9 =	vld [tilespmem:$0x1FF80]  }
0x3a1: {  	v36 =	vld [tilespmem:$0x8CF0]  }
0x3a2: {  	v37 =	vld [tilespmem:$0x9AF0];
	v0 =	vmul.f32 v0, v34  }
0x3a3: {  	v11 =	vld [tilespmem:$0x9B40]  }
0x3a4: {  	v63 =	vld [tilespmem:$0x8D20];
	v0 =	vadd.f32 v0, v3;
	v5 =	vadd.f32 v5, v7  }
0x3a5: {  	v7 =	vadd.f32 v31, v28;
	v3 =	vmul.f32 v33, v27;
	v28 =	vmul.f32 v9, v26;
	v9 =	vld [tilespmem:$0x1FFA0]  }
0x3a6: {  	v35 =	vld [tilespmem:$0x9B30]  }
0x3a7: {  	v2 =	vadd.f32 v3, v2;
	v3 =	vld [tilespmem:$0x1FF90]  }
0x3a8: {  	v10 =	vld [tilespmem:$0x9B60]  }
0x3a9: {  	v60 =	vmul.f32 v60, v26;
	v34 =	vld [tilespmem:$0x8D50]  }
0x3aa: {  	v62 =	vmul.f32 v62, v26;
	v31 =	vld [tilespmem:$0x8D60];
	v1 =	vadd.f32 v28, v1;
	v28 =	vmul.f32 v9, v27  }
0x3ab: {  	v58 =	vmul.f32 v58, v24;
	v0 =	vadd.f32 v60, v0;
	v60 =	vimm.s32 $0x2D;
	v33 =	vld [tilespmem:$0x9B50]  }
0x3ac: {  	v56 =	vmul.f32 v56, v24;
	v3 =	vmul.f32 v3, v27;
	v6 =	vadd.f32 v28, v6;
	v28 =	vld [tilespmem:$0x1FFB0]  }
0x3ad: {  	v48 =	vmul.f32 v48, v22;
	v46 =	vmul.f32 v46, v22;
	v9 =	vld [tilespmem:$0x8D70]  }
0x3ae: {  	v38 =	vmul.f32 v38, v21;
	v3 =	vadd.f32 v3, v8;
	v8 =	vmul.f32 v61, v27;
	v27 =	vld [tilespmem:$0x9B70]  }
0x3af: {  	v40 =	vmul.f32 v40, v21;
	v17 =	vmul.f32 v17, v18;
	v61 =	vld [tilespmem:$0x9BB0]  }
0x3b0: {  	v20 =	vmul.f32 v20, v19;
	v5 =	vadd.f32 v8, v5;
	v8 =	vmul.f32 v59, v25;
	v59 =	vld.idx.msk [tilespmem:v60+s20+$0x0], $0xffff  }
0x3b1: {  	v14 =	vmul.f32 v14, v19;
	v4 =	vadd.f32 v62, v4;
	v26 =	vmul.f32 v28, v26;
	v28 =	vld.idx.msk [tilespmem:v60+s1+$0x0], $0xffff  }
0x3b2: {  	v62 =	vimm.s32 $0x2E;
	v2 =	vadd.f32 v8, v2;
	v8 =	vmul.f32 v54, v25;
	v54 =	vld [tilespmem:$0x9B80]  }
0x3b3: {  	v4 =	vadd.f32 v56, v4;
	v60 =	vld [tilespmem:$0x8DB0];
	v7 =	vadd.f32 v26, v7;
	v26 =	vmul.f32 v57, v25  }
0x3b4: {  	v1 =	vadd.f32 v58, v1;
	v57 =	vld [tilespmem:$0x8D80];
	v6 =	vadd.f32 v8, v6;
	v8 =	vmul.f32 v53, v25  }
0x3b5: {  	v25 =	vld [tilespmem:$0x9B90];
	v3 =	vadd.f32 v26, v3;
	v26 =	vmul.f32 v55, v24;
	v24 =	vmul.f32 v52, v24  }
0x3b6: {  	v1 =	vadd.f32 v48, v1;
	v55 =	vld [tilespmem:$0x8D90];
	v5 =	vadd.f32 v8, v5;
	v8 =	vmul.f32 v50, v23  }
0x3b7: {  	v0 =	vadd.f32 v26, v0;
	v26 =	vmul.f32 v51, v23;
	v51 =	vld [tilespmem:$0x8DA0];
	v7 =	vadd.f32 v24, v7  }
0x3b8: {  	v24 =	vld [tilespmem:$0x9BA0];
	v3 =	vadd.f32 v8, v3;
	v8 =	vmul.f32 v47, v23;
	v23 =	vmul.f32 v45, v23  }
0x3b9: {  	v45 =	vld.idx.msk [tilespmem:v62+s20+$0x0], $0xffff;
	v2 =	vadd.f32 v26, v2;
	v26 =	vmul.f32 v49, v22;
	v22 =	vmul.f32 v44, v22  }
0x3ba: {  	v6 =	vadd.f32 v8, v6;
	v8 =	vmul.f32 v42, v16;
	v5 =	vadd.f32 v23, v5;
	v23 =	vld [tilespmem:$0x8DC0]  }
0x3bb: {  	v0 =	vadd.f32 v46, v0;
	v46 =	vld [tilespmem:$0x9BC0];
	v7 =	vadd.f32 v22, v7;
	v22 =	vmul.f32 v43, v21  }
0x3bc: {  	v49 =	vld [tilespmem:$0x8DD0];
	v4 =	vadd.f32 v26, v4;
	v2 =	vadd.f32 v8, v2;
	v8 =	vmul.f32 v41, v16  }
0x3bd: {  	v26 =	vld.idx.msk [tilespmem:v62+s1+$0x0], $0xffff;
	v0 =	vadd.f32 v38, v0;
	v21 =	vmul.f32 v37, v21;
	v1 =	vadd.f32 v22, v1  }
0x3be: {  	v22 =	vmul.f32 v39, v16;
	v3 =	vadd.f32 v8, v3;
	v8 =	vmul.f32 v36, v16;
	v16 =	vld [tilespmem:$0x9BD0]  }
0x3bf: {  	v15 =	vmul.f32 v15, v19;
	v50 =	vimm.s32 $0x2F;
	v7 =	vadd.f32 v21, v7;
	v21 =	vld [tilespmem:$0x8DF0]  }
0x3c0: {  	v12 =	vmul.f32 v12, v30;
	v11 =	vmul.f32 v11, v32;
	v0 =	vadd.f32 v14, v0;
	v14 =	vld [tilespmem:$0x8E00]  }
0x3c1: {  	v6 =	vadd.f32 v22, v6;
	v22 =	vld [tilespmem:$0x8DE0];
	v5 =	vadd.f32 v8, v5;
	v8 =	vmul.f32 v29, v18  }
0x3c2: {  	v10 =	vmul.f32 v10, v32;
	v9 =	vmul.f32 v9, v30;
	v4 =	vadd.f32 v40, v4;
	v29 =	vld [tilespmem:$0x9BE0]  }
0x3c3: {  	v1 =	vadd.f32 v20, v1;
	v20 =	vld [tilespmem:$0x9BF0];
	v2 =	vadd.f32 v8, v2;
	v8 =	vmul.f32 v63, v18  }
0x3c4: {  	v24 =	vmul.f32 v24, v59;
	v3 =	vadd.f32 v17, v3;
	v4 =	vadd.f32 v15, v4;
	v15 =	vld.idx.msk [tilespmem:v50+s1+$0x0], $0xffff  }
0x3c5: {  	v17 =	vld.idx.msk [tilespmem:v50+s20+$0x0], $0xffff;
	v0 =	vadd.f32 v10, v0;
	v6 =	vadd.f32 v8, v6;
	v8 =	vmul.f32 v13, v18  }
0x3c6: {  	v52 =	vimm.s32 $0x30;
	v25 =	vmul.f32 v25, v59;
	v10 =	vld [tilespmem:$0x9C20];
	v1 =	vadd.f32 v11, v1  }
0x3c7: {  	v0 =	vadd.f32 v24, v0;
	v24 =	vld [tilespmem:$0x8E40];
	v5 =	vadd.f32 v8, v5;
	v8 =	vmul.f32 v34, v30  }
0x3c8: {  	v11 =	vmul.f32 v33, v32;
	v16 =	vmul.f32 v16, v45;
	v2 =	vadd.f32 v12, v2;
	v12 =	vld [tilespmem:$0x8E10]  }
0x3c9: {  	v13 =	vmul.f32 v35, v19;
	v18 =	vld [tilespmem:$0x9C10];
	v3 =	vadd.f32 v8, v3;
	v8 =	vmul.f32 v31, v30  }
0x3ca: {  	v4 =	vadd.f32 v11, v4;
	v19 =	vld [tilespmem:$0x8E20];
	v5 =	vadd.f32 v9, v5;
	v9 =	vmul.f32 v54, v59  }
0x3cb: {  	v11 =	vmul.f32 v27, v32;
	v27 =	vld [tilespmem:$0x9C30];
	v6 =	vadd.f32 v8, v6;
	v8 =	vmul.f32 v57, v28  }
0x3cc: {  	v7 =	vadd.f32 v13, v7;
	v13 =	vld [tilespmem:$0x9C00];
	v1 =	vadd.f32 v9, v1;
	v9 =	vmul.f32 v51, v28  }
0x3cd: {  	v4 =	vadd.f32 v25, v4;
	v25 =	vld.idx.msk [tilespmem:v52+s20+$0x0], $0xffff;
	v2 =	vadd.f32 v8, v2;
	v8 =	vmul.f32 v55, v28  }
0x3ce: {  	v7 =	vadd.f32 v11, v7;
	v11 =	vld [tilespmem:$0x8E30];
	v6 =	vadd.f32 v9, v6;
	v9 =	vmul.f32 v61, v59  }
0x3cf: {  	v20 =	vmul.f32 v20, v45;
	v30 =	vld.idx.msk [tilespmem:v52+s1+$0x0], $0xffff;
	v3 =	vadd.f32 v8, v3;
	v8 =	vmul.f32 v60, v28  }
0x3d0: {  	v10 =	vmul.f32 v10, v17;
	v31 =	vld [tilespmem:$0x8E50];
	v7 =	vadd.f32 v9, v7;
	v9 =	vmul.f32 v49, v26  }
0x3d1: {  	v4 =	vadd.f32 v16, v4;
	v16 =	vld [tilespmem:$0x8E60];
	v5 =	vadd.f32 v8, v5;
	v8 =	vmul.f32 v23, v26  }
0x3d2: {  	v28 =	vld [tilespmem:$0x9C40];
	v23 =	vmul.f32 v46, v45;
	v3 =	vadd.f32 v9, v3;
	v9 =	vmul.f32 v29, v45  }
0x3d3: {  	v7 =	vadd.f32 v20, v7;
	v20 =	vld [tilespmem:$0x8EA0];
	v2 =	vadd.f32 v8, v2;
	v8 =	vmul.f32 v22, v26  }
0x3d4: {  	v13 =	vmul.f32 v13, v17;
	v22 =	vld [tilespmem:$0x9C50];
	v0 =	vadd.f32 v9, v0;
	v9 =	vmul.f32 v14, v15  }
0x3d5: {  	v1 =	vadd.f32 v23, v1;
	v14 =	vld [tilespmem:$0x8E70];
	v6 =	vadd.f32 v8, v6;
	v8 =	vmul.f32 v21, v26  }
0x3d6: {  	v26 =	vimm.s32 $0x31;
	v21 =	vld [tilespmem:$0x9C60];
	v2 =	vadd.f32 v9, v2;
	v9 =	vmul.f32 v18, v17  }
0x3d7: {  	v0 =	vadd.f32 v10, v0;
	v10 =	vld [tilespmem:$0x9C80];
	v5 =	vadd.f32 v8, v5;
	v8 =	vmul.f32 v12, v15  }
0x3d8: {  	v12 =	vld [tilespmem:$0x9C70];
	v4 =	vadd.f32 v9, v4;
	v9 =	vmul.f32 v11, v15;
	v11 =	vmul.f32 v27, v17  }
0x3d9: {  	v3 =	vadd.f32 v8, v3;
	v8 =	vmul.f32 v19, v15;
	v15 =	vld [tilespmem:$0x8E80]  }
0x3da: {  	v1 =	vadd.f32 v13, v1;
	v7 =	vadd.f32 v11, v7;
	v11 =	vld [tilespmem:$0x8E90]  }
0x3db: {  	v17 =	vmul.f32 v22, v25;
	v13 =	vld.idx.msk [tilespmem:v26+s1+$0x0], $0xffff;
	v6 =	vadd.f32 v8, v6;
	v8 =	vmul.f32 v24, v30  }
0x3dc: {  	v5 =	vadd.f32 v9, v5;
	v9 =	vmul.f32 v28, v25;
	v18 =	vld.idx.msk [tilespmem:v26+s20+$0x0], $0xffff  }
0x3dd: {  	v19 =	vld [tilespmem:$0x9C90];
	v4 =	vadd.f32 v17, v4;
	v2 =	vadd.f32 v8, v2;
	v8 =	vmul.f32 v31, v30  }
0x3de: {  	v17 =	vld [tilespmem:$0x1FFD0];
	v1 =	vadd.f32 v9, v1;
	v9 =	vmul.f32 v16, v30;
	v16 =	vmul.f32 v21, v25  }
0x3df: {  	v3 =	vadd.f32 v8, v3;
	v8 =	vmul.f32 v14, v30;
	v14 =	vld [tilespmem:$0x9CA0]  }
0x3e0: {  	v6 =	vadd.f32 v9, v6;
	v0 =	vadd.f32 v16, v0;
	v9 =	vmul.f32 v12, v25;
	v16 =	vld [tilespmem:$0x1FFC0]  }
0x3e1: {  	v12 =	vld [tilespmem:$0x8EB0];
	v10 =	vmul.f32 v10, v18;
	v5 =	vadd.f32 v8, v5;
	v8 =	vmul.f32 v15, v13  }
0x3e2: {  	v7 =	vadd.f32 v9, v7;
	v9 =	vmul.f32 v11, v13;
	v11 =	vmul.f32 v19, v18;
	v15 =	vld [tilespmem:$0x9CB0]  }
0x3e3: {  	v1 =	vadd.f32 v10, v1;
	v2 =	vadd.f32 v8, v2;
	v8 =	vmul.f32 v20, v13  }
0x3e4: {  	v3 =	vadd.f32 v9, v3;
	v4 =	vadd.f32 v11, v4;
	v10 =	vld [tilespmem:s8+$0x200];
	v9 =	vmul.f32 v14, v18  }
0x3e5: {  	v1 =	vmul.f32 v1, v17;
	v6 =	vadd.f32 v8, v6;
	v2 =	vmul.f32 v2, v16;
	v8 =	vld [tilespmem:s8+$0x210]  }
0x3e6: {  	v3 =	vmul.f32 v3, v16;
	v4 =	vmul.f32 v4, v17;
	v0 =	vadd.f32 v9, v0  }
0x3e7: {  	v9 =	vmul.f32 v12, v13;
	v11 =	vmul.f32 v15, v18;
	v1 =	vadd.f32 v1, v2  }
0x3e8: {  	v53 =	vadd.f32 v4, v3;
	v4 =	vld [tilespmem:s8+$0x220];
	v54 =	vmul.f32 v6, v16;
	v0 =	vmul.f32 v0, v17  }
0x3e9: {  	v5 =	vadd.f32 v9, v5;
	v6 =	vadd.f32 v11, v7;
	v1 =	vmul.f32 v10, v1  }
0x3ea: {  	v55 =	vld [tilespmem:s8+$0x230];
	v2 =	vmul.f32 v8, v53;
	v0 =	vadd.f32 v0, v54  }
0x3eb: {  	v5 =	vmul.f32 v5, v16;
	v6 =	vmul.f32 v6, v17;
	v1 =	vadd.f32 $0.0e+00, v1;
	_ =	sdelay $0x1  }
0x3ec: {  	v0 =	vmul.f32 v4, v0;
	v58 =	vadd.f32 v6, v5;
	v1 =	vadd.f32 v2, v1;
	_ =	sdelay $0x1  }
0x3ed: {  	v59 =	vmul.f32 v55, v58;
	v0 =	vadd.f32 v0, v1;
	_ =	sdelay $0x1  }
0x3ee: {  	v60 =	vld [tilespmem:$0x1FFE0];
	v0 =	vadd.f32 v59, v0;
	_ =	sdelay $0x1  }
0x3ef: {  	(xrf2) =	vadd.scan.msk.f32 $0xffff, v0;
	_ =	sdelay $0x4  }
0x3f0: {  	v63 =	vld [tilespmem:$0x1FFF0]  }
0x3f1: {  	v61 =	vld.idx.msk [tilespmem:v60+s26+$0x0], $0xffff  }
0x3f2: {  	v56 =	vimm.s32 $0x16;
	v38 =	vimm.s32 $0x15;
	v33 =	vimm.s32 $0x14  }
0x3f3: {  	v35 =	vimm.s32 $0x13;
	v57 =	vimm.s32 $0x17;
	v29 =	vimm.s32 $0x11  }
0x3f4: {  	v23 =	vimm.s32 $0xF;
	v27 =	vimm.s32 $0x10;
	v22 =	vimm.s32 $0xE  }
0x3f5: {  	p0 =	sne.s32 s28, $0x7F00;
	v21 =	vimm.s32 $0xD;
	v30 =	vimm.s32 $0x12;
	v19 =	vimm.s32 $0xB;
	v62, _, _ =	vpop (xrf2)  }
.Ltmp0:
0x3f6: {  	v20 =	vimm.s32 $0xC;
	v0 =	vadd.f32 v61, v63;
	v1 =	vbroadcast v62, $0xF;
	(pc) =	sbr.rel @p0 .LBB2_2-.Ltmp0, $4  }
0x3f7: {  	v14 =	vimm.s32 $0x8;
	v13 =	vimm.s32 $0x7;
	v12 =	vimm.s32 $0x6  }
0x3f8: {  	v18 =	vimm.s32 $0xA;
	v15 =	vimm.s32 $0x9;
	v0 =	vadd.f32 v1, v0  }
0x3f9: {  	v9 =	vimm.s32 $0x3;
	v11 =	vimm.s32 $0x5;
	v7 =	vimm.s32 $0x1  }
0x3fa: {  	s5 =	sadd.s32 $0x1, s5;
	s28 =	sadd.s32 $0x100, s28;
	v10 =	vimm.s32 $0x4;
	v8 =	vimm.s32 $0x2;
	v6 =	vimm.f32 $0.0e+00;
	[tilespmem:v60+s21+$0x0] =	vst.idx.msk $0x1, v0  }
0x3fb: {  	s22 =	sadd.s32 $0x1, s22  }
0x3fc: {  	p0 =	sne.s32 s22, s17  }
.Ltmp1:
0x3fd: {  	_ = 	snop;
	(pc) =	sbr.rel @p0 .LBB2_1-.Ltmp1, $4  }
0x3fe: {  	[hbm4b:s16+s4] =	stream.linear.scatter [tilespmem:s21], [sflag:$0x2], $0x80, $0x38;
	[tilespmem:$0x9F80] =	vst v63  }
0x3ff: {  	_ =	swait.ge [sflag:s18], $0x80  }
0x400: {  	[sflag:s18] =	ssyncset.done $0x0  }
0x401: {  	[sflag:s18] =	ssyncadd.s32 $0xFFFFFF80  }
0x402: {  	_ =	sfence.sel $0x180000  }
0x403: {  	[bflag:$0x0] =	sbarrier.arrive $0xFFFF  }
0x404: {  	_ =	strace $0x90000047  }
0x405: {  	s0 =	stileid.u32;
	[bflag:$0x2] =	sbarrier.arrive $0xFFFF  }
0x406: {  	p0 =	sne.s32 s0, $0x0;
	s0 =	rddreg [dreg:$0x8]  }
0x407: {  	s0 =	sadd.s32 @!p0 $0x100000, s0  }
0x408: {  	[sflag:s0] =	ssyncadd.tile.s32 @!p0 $0x1;
	_ =	shalt  }
.Lfunc_end2:
_tile_overlayer_lowered:
.L_overlay_start_2:
0x409: {  	(tag) =	ssettag $0x2  }
0x40a: {  	s0 =	rddreg [dreg:$0x0];
	s2 =	stileid.u32  }
0x40b: {  	s1 =	rddreg [dreg:$0x1];
	p0 =	sne.s32 s2, $0x0  }
0x40c: {  	s3 =	rddreg [dreg:$0x2];
	[bflag:$0x3] =	sbarrier.arrive $0xFFFF;
	s2 =	simm.s32 @!p0 $0x1C02  }
0x40d: {  	[timem:s3], [sflag:s2] =	dma.local @!p0 [hbm:s0], s1  }
0x40e: {  	s0 =	simm.s32 @!p0 $0x2  }
0x40f: {  	_ =	swait.ge @!p0 [sflag:s0], s1  }
0x410: {  	s1 =	ssub.s32 @!p0 $0x0, s1;
	[sflag:s0] =	ssyncset.done @!p0 $0x0  }
0x411: {  	[sflag:s0] =	ssyncadd.s32 @!p0 s1  }
0x412: {  	[bflag:$0x3] =	sbarrier.arrive $0xFFFF  }
0x413: {  	_ =	shalt  }

</sc_bundles>
